<compile_context>
chip_gen: v7x
topology: tpu7x:2x2x1
jax: 0.10.2.dev20260603
libtpu: 0.0.44.dev20260713+nightly
codegen_flags: <defaults>
</compile_context>

<pallas_src>
import functools

import jax
import jax.numpy as jnp
from jax import lax
from jax.experimental import pallas as pl
from jax.experimental.pallas import tpu as pltpu
from jax.experimental.pallas import tpu_sc as plsc

N_NODES = 50000
D = 128
SEQ = 9
OUT_CH = 128

NW = 32
CHUNK = 128
LEAD = 3
M_BLK = 400

GROUP_SIZES = (10000, 10000, 10000, 10000, 10000)


def _make_sc_body(cpw):
    def _sc_gather_body(x_hbm, idx_hbm, out_hbm, idx_v, b0, b1, b2, b3,
                        g0, g1, g2, g3, w0, w1, w2, w3):
        wid = lax.axis_index("s") * 2 + lax.axis_index("c")
        base_c = wid * cpw
        pltpu.sync_copy(idx_hbm.at[wid], idx_v)

        bufs, gsems, wsems = (b0, b1, b2, b3), (g0, g1, g2, g3), (w0, w1, w2, w3)

        def g_start(c, b):
            pltpu.async_copy(x_hbm.at[idx_v.at[c]], bufs[b], gsems[b])

        def g_wait(c, b):
            pltpu.make_async_copy(x_hbm.at[idx_v.at[c]], bufs[b], gsems[b]).wait()

        def out_slice(c):
            return out_hbm.at[pl.ds((base_c + c) * CHUNK, CHUNK)]

        def w_start(c, b):
            pltpu.async_copy(bufs[b], out_slice(c), wsems[b])

        def w_wait(c, b):
            pltpu.make_async_copy(bufs[b], out_slice(c), wsems[b]).wait()

        assert cpw > 8 and cpw % 2 == 0
        for b in range(4):
            g_start(b, b)
        g_wait(0, 0)
        w_start(0, 0)

        n_main = (cpw - 5) // 4 * 4

        def step(i, carry):
            c0 = 1 + i * 4
            for j in range(4):
                c = c0 + j
                b = (1 + j) % 4
                g_wait(c, b)
                w_start(c, b)
                wb = j % 4
                w_wait(c - 1, wb)
                g_start(c + 3, wb)
            return carry

        lax.fori_loop(0, n_main // 4, step, 0)

        for c in range(n_main + 1, cpw):
            b = c % 4
            g_wait(c, b)
            w_start(c, b)
            w_wait(c - 1, (c - 1) % 4)
            if c + 3 < cpw:
                g_start(c + 3, (c - 1) % 4)
        w_wait(cpw - 1, (cpw - 1) % 4)

    return _sc_gather_body


def _sc_gather(x, idx3d, cpw):
    mesh = plsc.VectorSubcoreMesh(core_axis_name="c", subcore_axis_name="s")
    k = functools.partial(
        pl.kernel,
        mesh=mesh,
        out_type=jax.ShapeDtypeStruct((NW * cpw * CHUNK, D), jnp.float32),
        scratch_types=[
            pltpu.VMEM((cpw, CHUNK), jnp.int32),
            pltpu.VMEM((CHUNK, D), jnp.float32),
            pltpu.VMEM((CHUNK, D), jnp.float32),
            pltpu.VMEM((CHUNK, D), jnp.float32),
            pltpu.VMEM((CHUNK, D), jnp.float32),
            pltpu.SemaphoreType.DMA,
            pltpu.SemaphoreType.DMA,
            pltpu.SemaphoreType.DMA,
            pltpu.SemaphoreType.DMA,
            pltpu.SemaphoreType.DMA,
            pltpu.SemaphoreType.DMA,
            pltpu.SemaphoreType.DMA,
            pltpu.SemaphoreType.DMA,
        ],
    )(_make_sc_body(cpw))
    return k(x, idx3d)


def _mm_body(*refs):
    g_refs, w_ref, b_ref = refs[:SEQ], refs[SEQ], refs[SEQ + 1]
    o_ref = refs[-1]
    acc = jnp.broadcast_to(b_ref[...], (M_BLK, OUT_CH))
    for s in range(SEQ):
        acc = acc + jnp.dot(g_refs[s][...], w_ref[s],
                            preferred_element_type=jnp.float32)
    o_ref[...] = acc


def _tc_matmul(gathered, w3, b2, nodes_g, base_blk, out_prev):
    n_mblks = nodes_g // M_BLK
    in_specs = [
        pl.BlockSpec((M_BLK, D),
                     functools.partial(lambda i, s, nb: (s * nb + i, 0), s=s, nb=n_mblks))
        for s in range(SEQ)
    ]
    in_specs.append(pl.BlockSpec((SEQ, D, OUT_CH), lambda i: (0, 0, 0)))
    in_specs.append(pl.BlockSpec((1, OUT_CH), lambda i: (0, 0)))
    args = [*([gathered] * SEQ), w3, b2]
    aliases = {}
    if out_prev is not None:
        in_specs.append(pl.BlockSpec(memory_space=pl.ANY))
        args.append(out_prev)
        aliases = {SEQ + 2: 0}
    return pl.pallas_call(
        _mm_body,
        grid=(n_mblks,),
        in_specs=in_specs,
        out_specs=pl.BlockSpec((M_BLK, OUT_CH),
                               functools.partial(lambda i, bb: (bb + i, 0), bb=base_blk)),
        out_shape=jax.ShapeDtypeStruct((N_NODES, OUT_CH), jnp.float32),
        input_output_aliases=aliases,
    )(*args)


def kernel(x, indices, W, b):
    w3 = W.reshape(SEQ, D, OUT_CH)
    b2 = b.reshape(1, OUT_CH)
    out = None
    node0 = 0
    for nodes_g in GROUP_SIZES:
        flat_g = nodes_g * SEQ
        cpw = -(-flat_g // (CHUNK * NW))
        flat_pad = NW * cpw * CHUNK
        idx_g = indices[node0:node0 + nodes_g].astype(jnp.int32).T.reshape(-1)
        idx_g = jnp.pad(idx_g, (0, flat_pad - flat_g)).reshape(NW, cpw, CHUNK)
        gathered = _sc_gather(x, idx_g, cpw)
        out = _tc_matmul(gathered, w3, b2, nodes_g, node0 // M_BLK, out)
        node0 += nodes_g
    return out

# --- scband reference (transcript-rebuilt; emitter-appended) ---
"""Pipeline reference for scband-vertex-spiral-net-18056042512450 (READ-ONLY COPY).

The authoritative reference and input builder live on the scoring server;
editing this copy changes nothing except your own understanding.
"""

import jax, jax.numpy as jnp
import numpy as np

N_NODES = 50000
D_FEAT = 128
SEQ_LEN = 9
OUT_CH = 128


def setup_inputs(seed: int = 0) -> dict:
    key = jax.random.key(seed)
    k1, k2, k3 = jax.random.split(key, 3)
    x = jax.random.normal(k1, (N_NODES, D_FEAT), dtype=jnp.float32)
    # spiral indices: for each vertex, seq_length neighbor vertex ids (vertex itself first in real meshes)
    indices = jax.random.randint(k2, (N_NODES, SEQ_LEN), 0, N_NODES)
    # SpiralConv learned params: Linear(in_channels * seq_length -> out_channels), xavier-uniform weight, zero bias
    fan_in = D_FEAT * SEQ_LEN
    limit = float(np.sqrt(6.0 / (fan_in + OUT_CH)))
    W = jax.random.uniform(k3, (fan_in, OUT_CH), dtype=jnp.float32, minval=-limit, maxval=limit)
    b = jnp.zeros((OUT_CH,), dtype=jnp.float32)
    return {"x": x, "indices": indices, "W": W, "b": b}


def reference(x, indices, W, b):
    # SpiralConv.forward for 2-D input:
    #   x = torch.index_select(x, 0, indices.view(-1)).view(n_nodes, -1)
    #   x = self.layer(x)
    n_nodes, seq_len = indices.shape
    gathered = jnp.take(x, indices.reshape(-1), axis=0)  # [n_nodes*seq_len, d]
    gathered = gathered.reshape(n_nodes, seq_len * x.shape[-1])  # [n_nodes, seq_len*d]
    out = gathered @ W + b  # nn.Linear
    return out

if __name__ == "__main__":
    import jax
    _d = setup_inputs()
    print(jax.jit(kernel)(*tuple(_d.values())))

</pallas_src>

<mosaic_0001>
#map = affine_map<(d0, d1) -> (0, 0)>
#map1 = affine_map<(d0, d1) -> (0, 0, 0)>
module attributes {stable_mosaic.version = 14 : i64} {
  func.func @_sc_gather_body(%arg0: i32, %arg1: i32, %arg2: memref<50000x128xf32, #tpu.memory_space<hbm>>, %arg3: memref<32x22x128xi32, #tpu.memory_space<hbm>>, %arg4: memref<90112x128xf32, #tpu.memory_space<hbm>>, %arg5: memref<22x128xi32, #tpu.memory_space<vmem>>, %arg6: memref<128x128xf32, #tpu.memory_space<vmem>>, %arg7: memref<128x128xf32, #tpu.memory_space<vmem>>, %arg8: memref<128x128xf32, #tpu.memory_space<vmem>>, %arg9: memref<128x128xf32, #tpu.memory_space<vmem>>, %arg10: memref<!tpu.dma_semaphore, #tpu.memory_space<semaphore_mem>>, %arg11: memref<!tpu.dma_semaphore, #tpu.memory_space<semaphore_mem>>, %arg12: memref<!tpu.dma_semaphore, #tpu.memory_space<semaphore_mem>>, %arg13: memref<!tpu.dma_semaphore, #tpu.memory_space<semaphore_mem>>, %arg14: memref<!tpu.dma_semaphore, #tpu.memory_space<semaphore_mem>>, %arg15: memref<!tpu.dma_semaphore, #tpu.memory_space<semaphore_mem>>, %arg16: memref<!tpu.dma_semaphore, #tpu.memory_space<semaphore_mem>>, %arg17: memref<!tpu.dma_semaphore, #tpu.memory_space<semaphore_mem>>) attributes {dimension_semantics = [#tpu.dimension_semantics<core_parallel>, #tpu.dimension_semantics<subcore_parallel>], iteration_bounds = array<i64: 2, 16>, scalar_prefetch = 0 : i64, scratch_operands = 13 : i64, tpu.core_type = #tpu.core_type<sc_vector_subcore>, window_params = [{transform_indices = #map}, {transform_indices = #map1}, {transform_indices = #map}]} {
    %mul3A = arith.constant 2 : i32
    %mul3A_0 = arith.muli %arg1, %mul3A : i32
    %add3A = arith.addi %mul3A_0, %arg0 : i32
    %mul3A_1 = arith.constant 22 : i32
    %mul3A_2 = arith.muli %add3A, %mul3A_1 : i32
    "tpu.region"() ({
      %run_scoped3A = tpu.sem_alloc : memref<!tpu.dma_semaphore, #tpu.memory_space<semaphore_mem>>
      %dma_start3A_186 = arith.constant 0 : i32
      %dma_start3A_187 = arith.constant 0 : i32
      %dma_start3A_188 = tpu.memref_slice %arg3[%add3A, %dma_start3A_186, %dma_start3A_187] : memref<32x22x128xi32, #tpu.memory_space<hbm>> -> memref<1x22x128xi32, #tpu.memory_space<hbm>>
      %dma_start3A_189 = tpu.memref_squeeze %dma_start3A_188 : memref<1x22x128xi32, #tpu.memory_space<hbm>> -> memref<22x128xi32, #tpu.memory_space<hbm>>
      %dma_start3A_190 = arith.constant 0 : i32
      %dma_start3A_191 = arith.constant 0 : i32
      %dma_start3A_192 = tpu.memref_slice %arg3[%add3A, %dma_start3A_190, %dma_start3A_191] : memref<32x22x128xi32, #tpu.memory_space<hbm>> -> memref<1x22x128xi32, #tpu.memory_space<hbm>>
      %dma_start3A_193 = tpu.memref_squeeze %dma_start3A_192 : memref<1x22x128xi32, #tpu.memory_space<hbm>> -> memref<22x128xi32, #tpu.memory_space<hbm>>
      tpu.enqueue_dma source(%dma_start3A_193 : memref<22x128xi32, #tpu.memory_space<hbm>>) target(%arg5 : memref<22x128xi32, #tpu.memory_space<vmem>>) target_semaphore(%run_scoped3A : memref<!tpu.dma_semaphore, #tpu.memory_space<semaphore_mem>>)
      %dma_wait3A_194 = arith.constant 0 : i32
      %dma_wait3A_195 = arith.constant 0 : i32
      %dma_wait3A_196 = tpu.memref_slice %arg3[%add3A, %dma_wait3A_194, %dma_wait3A_195] : memref<32x22x128xi32, #tpu.memory_space<hbm>> -> memref<1x22x128xi32, #tpu.memory_space<hbm>>
      %dma_wait3A_197 = tpu.memref_squeeze %dma_wait3A_196 : memref<1x22x128xi32, #tpu.memory_space<hbm>> -> memref<22x128xi32, #tpu.memory_space<hbm>>
      %dma_wait3A_198 = arith.constant 0 : i32
      %dma_wait3A_199 = arith.constant 0 : i32
      %dma_wait3A_200 = tpu.memref_slice %arg3[%add3A, %dma_wait3A_198, %dma_wait3A_199] : memref<32x22x128xi32, #tpu.memory_space<hbm>> -> memref<1x22x128xi32, #tpu.memory_space<hbm>>
      %dma_wait3A_201 = tpu.memref_squeeze %dma_wait3A_200 : memref<1x22x128xi32, #tpu.memory_space<hbm>> -> memref<22x128xi32, #tpu.memory_space<hbm>>
      tpu.wait_dma2 semaphore(%run_scoped3A : memref<!tpu.dma_semaphore, #tpu.memory_space<semaphore_mem>>) src(%dma_wait3A_201 : memref<22x128xi32, #tpu.memory_space<hbm>>) dst(%arg5 : memref<22x128xi32, #tpu.memory_space<vmem>>)
      tpu.yield
    }) : () -> ()
    %dma_start3A = arith.constant 0 : i32
    %dma_start3A_3 = arith.constant 0 : i32
    %dma_start3A_4 = tpu.memref_slice %arg5[%dma_start3A, %dma_start3A_3] : memref<22x128xi32, #tpu.memory_space<vmem>> -> memref<1x128xi32, #tpu.memory_space<vmem>>
    %dma_start3A_5 = tpu.memref_squeeze %dma_start3A_4 : memref<1x128xi32, #tpu.memory_space<vmem>> -> memref<128xi32, #tpu.memory_space<vmem>>
    %dma_start3A_6 = arith.constant 0 : i32
    %dma_start3A_7 = arith.constant 0 : i32
    %dma_start3A_8 = tpu.memref_slice %arg2[%dma_start3A_6, %dma_start3A_7] : memref<50000x128xf32, #tpu.memory_space<hbm>> -> memref<50000x128xf32, #tpu.memory_space<hbm>>
    tpu.enqueue_indirect_dma source(%dma_start3A_8 : memref<50000x128xf32, #tpu.memory_space<hbm>>) target(%arg6 : memref<128x128xf32, #tpu.memory_space<vmem>>) offsets(%dma_start3A_5 : memref<128xi32, #tpu.memory_space<vmem>>) semaphore(%arg10 : memref<!tpu.dma_semaphore, #tpu.memory_space<semaphore_mem>>)
    %dma_start3A_9 = arith.constant 1 : i32
    %dma_start3A_10 = arith.constant 0 : i32
    %dma_start3A_11 = tpu.memref_slice %arg5[%dma_start3A_9, %dma_start3A_10] : memref<22x128xi32, #tpu.memory_space<vmem>> -> memref<1x128xi32, #tpu.memory_space<vmem>>
    %dma_start3A_12 = tpu.memref_squeeze %dma_start3A_11 : memref<1x128xi32, #tpu.memory_space<vmem>> -> memref<128xi32, #tpu.memory_space<vmem>>
    %dma_start3A_13 = arith.constant 0 : i32
    %dma_start3A_14 = arith.constant 0 : i32
    %dma_start3A_15 = tpu.memref_slice %arg2[%dma_start3A_13, %dma_start3A_14] : memref<50000x128xf32, #tpu.memory_space<hbm>> -> memref<50000x128xf32, #tpu.memory_space<hbm>>
    tpu.enqueue_indirect_dma source(%dma_start3A_15 : memref<50000x128xf32, #tpu.memory_space<hbm>>) target(%arg7 : memref<128x128xf32, #tpu.memory_space<vmem>>) offsets(%dma_start3A_12 : memref<128xi32, #tpu.memory_space<vmem>>) semaphore(%arg11 : memref<!tpu.dma_semaphore, #tpu.memory_space<semaphore_mem>>)
    %dma_start3A_16 = arith.constant 2 : i32
    %dma_start3A_17 = arith.constant 0 : i32
    %dma_start3A_18 = tpu.memref_slice %arg5[%dma_start3A_16, %dma_start3A_17] : memref<22x128xi32, #tpu.memory_space<vmem>> -> memref<1x128xi32, #tpu.memory_space<vmem>>
    %dma_start3A_19 = tpu.memref_squeeze %dma_start3A_18 : memref<1x128xi32, #tpu.memory_space<vmem>> -> memref<128xi32, #tpu.memory_space<vmem>>
    %dma_start3A_20 = arith.constant 0 : i32
    %dma_start3A_21 = arith.constant 0 : i32
    %dma_start3A_22 = tpu.memref_slice %arg2[%dma_start3A_20, %dma_start3A_21] : memref<50000x128xf32, #tpu.memory_space<hbm>> -> memref<50000x128xf32, #tpu.memory_space<hbm>>
    tpu.enqueue_indirect_dma source(%dma_start3A_22 : memref<50000x128xf32, #tpu.memory_space<hbm>>) target(%arg8 : memref<128x128xf32, #tpu.memory_space<vmem>>) offsets(%dma_start3A_19 : memref<128xi32, #tpu.memory_space<vmem>>) semaphore(%arg12 : memref<!tpu.dma_semaphore, #tpu.memory_space<semaphore_mem>>)
    %dma_start3A_23 = arith.constant 3 : i32
    %dma_start3A_24 = arith.constant 0 : i32
    %dma_start3A_25 = tpu.memref_slice %arg5[%dma_start3A_23, %dma_start3A_24] : memref<22x128xi32, #tpu.memory_space<vmem>> -> memref<1x128xi32, #tpu.memory_space<vmem>>
    %dma_start3A_26 = tpu.memref_squeeze %dma_start3A_25 : memref<1x128xi32, #tpu.memory_space<vmem>> -> memref<128xi32, #tpu.memory_space<vmem>>
    %dma_start3A_27 = arith.constant 0 : i32
    %dma_start3A_28 = arith.constant 0 : i32
    %dma_start3A_29 = tpu.memref_slice %arg2[%dma_start3A_27, %dma_start3A_28] : memref<50000x128xf32, #tpu.memory_space<hbm>> -> memref<50000x128xf32, #tpu.memory_space<hbm>>
    tpu.enqueue_indirect_dma source(%dma_start3A_29 : memref<50000x128xf32, #tpu.memory_space<hbm>>) target(%arg9 : memref<128x128xf32, #tpu.memory_space<vmem>>) offsets(%dma_start3A_26 : memref<128xi32, #tpu.memory_space<vmem>>) semaphore(%arg13 : memref<!tpu.dma_semaphore, #tpu.memory_space<semaphore_mem>>)
    %dma_wait3A = arith.constant 0 : i32
    %dma_wait3A_30 = arith.constant 0 : i32
    %dma_wait3A_31 = tpu.memref_slice %arg5[%dma_wait3A, %dma_wait3A_30] : memref<22x128xi32, #tpu.memory_space<vmem>> -> memref<1x128xi32, #tpu.memory_space<vmem>>
    %dma_wait3A_32 = tpu.memref_squeeze %dma_wait3A_31 : memref<1x128xi32, #tpu.memory_space<vmem>> -> memref<128xi32, #tpu.memory_space<vmem>>
    %dma_wait3A_33 = arith.constant 0 : i32
    %dma_wait3A_34 = arith.constant 0 : i32
    %dma_wait3A_35 = tpu.memref_slice %arg2[%dma_wait3A_33, %dma_wait3A_34] : memref<50000x128xf32, #tpu.memory_space<hbm>> -> memref<50000x128xf32, #tpu.memory_space<hbm>>
    tpu.wait_indirect_dma semaphore(%arg10 : memref<!tpu.dma_semaphore, #tpu.memory_space<semaphore_mem>>) src(%dma_wait3A_35 : memref<50000x128xf32, #tpu.memory_space<hbm>>) dst(%arg6 : memref<128x128xf32, #tpu.memory_space<vmem>>)
    %add3A_36 = arith.constant 0 : i32
    %add3A_37 = arith.addi %mul3A_2, %add3A_36 : i32
    %mul3A_38 = arith.constant 128 : i32
    %mul3A_39 = arith.muli %add3A_37, %mul3A_38 : i32
    %dma_start3A_40 = arith.constant 0 : i32
    %dma_start3A_41 = tpu.memref_slice %arg4[%mul3A_39, %dma_start3A_40] : memref<90112x128xf32, #tpu.memory_space<hbm>> -> memref<128x128xf32, #tpu.memory_space<hbm>>
    %dma_start3A_42 = arith.constant 0 : i32
    %dma_start3A_43 = tpu.memref_slice %arg4[%mul3A_39, %dma_start3A_42] : memref<90112x128xf32, #tpu.memory_space<hbm>> -> memref<128x128xf32, #tpu.memory_space<hbm>>
    tpu.enqueue_dma source(%arg6 : memref<128x128xf32, #tpu.memory_space<vmem>>) target(%dma_start3A_43 : memref<128x128xf32, #tpu.memory_space<hbm>>) target_semaphore(%arg14 : memref<!tpu.dma_semaphore, #tpu.memory_space<semaphore_mem>>)
    %scan3A = arith.constant 0 : i32
    %scan3A_44 = arith.constant 0 : i32
    %scan3A_45 = arith.constant 4 : i32
    %scan3A_46 = arith.addi %scan3A_44, %scan3A_45 : i32
    %scan3A_47 = arith.constant 1 : i32
    scf.for %scan3A_186 = %scan3A_44 to %scan3A_46 step %scan3A_47  : i32 {
      %mul3A_187 = arith.constant 4 : i32
      %mul3A_188 = arith.muli %scan3A_186, %mul3A_187 : i32
      %add3A_189 = arith.constant 1 : i32
      %add3A_190 = arith.addi %add3A_189, %mul3A_188 : i32
      %add3A_191 = arith.constant 0 : i32
      %add3A_192 = arith.addi %add3A_190, %add3A_191 : i32
      %dma_wait3A_193 = arith.constant 0 : i32
      %dma_wait3A_194 = tpu.memref_slice %arg5[%add3A_192, %dma_wait3A_193] : memref<22x128xi32, #tpu.memory_space<vmem>> -> memref<1x128xi32, #tpu.memory_space<vmem>>
      %dma_wait3A_195 = tpu.memref_squeeze %dma_wait3A_194 : memref<1x128xi32, #tpu.memory_space<vmem>> -> memref<128xi32, #tpu.memory_space<vmem>>
      %dma_wait3A_196 = arith.constant 0 : i32
      %dma_wait3A_197 = arith.constant 0 : i32
      %dma_wait3A_198 = tpu.memref_slice %arg2[%dma_wait3A_196, %dma_wait3A_197] : memref<50000x128xf32, #tpu.memory_space<hbm>> -> memref<50000x128xf32, #tpu.memory_space<hbm>>
      tpu.wait_indirect_dma semaphore(%arg11 : memref<!tpu.dma_semaphore, #tpu.memory_space<semaphore_mem>>) src(%dma_wait3A_198 : memref<50000x128xf32, #tpu.memory_space<hbm>>) dst(%arg7 : memref<128x128xf32, #tpu.memory_space<vmem>>)
      %add3A_199 = arith.addi %mul3A_2, %add3A_192 : i32
      %mul3A_200 = arith.constant 128 : i32
      %mul3A_201 = arith.muli %add3A_199, %mul3A_200 : i32
      %dma_start3A_202 = arith.constant 0 : i32
      %dma_start3A_203 = tpu.memref_slice %arg4[%mul3A_201, %dma_start3A_202] : memref<90112x128xf32, #tpu.memory_space<hbm>> -> memref<128x128xf32, #tpu.memory_space<hbm>>
      %dma_start3A_204 = arith.constant 0 : i32
      %dma_start3A_205 = tpu.memref_slice %arg4[%mul3A_201, %dma_start3A_204] : memref<90112x128xf32, #tpu.memory_space<hbm>> -> memref<128x128xf32, #tpu.memory_space<hbm>>
      tpu.enqueue_dma source(%arg7 : memref<128x128xf32, #tpu.memory_space<vmem>>) target(%dma_start3A_205 : memref<128x128xf32, #tpu.memory_space<hbm>>) target_semaphore(%arg15 : memref<!tpu.dma_semaphore, #tpu.memory_space<semaphore_mem>>)
      %sub3A = arith.constant 1 : i32
      %sub3A_206 = arith.subi %add3A_192, %sub3A : i32
      %add3A_207 = arith.addi %mul3A_2, %sub3A_206 : i32
      %mul3A_208 = arith.constant 128 : i32
      %mul3A_209 = arith.muli %add3A_207, %mul3A_208 : i32
      %dma_wait3A_210 = arith.constant 0 : i32
      %dma_wait3A_211 = tpu.memref_slice %arg4[%mul3A_209, %dma_wait3A_210] : memref<90112x128xf32, #tpu.memory_space<hbm>> -> memref<128x128xf32, #tpu.memory_space<hbm>>
      %dma_wait3A_212 = arith.constant 0 : i32
      %dma_wait3A_213 = tpu.memref_slice %arg4[%mul3A_209, %dma_wait3A_212] : memref<90112x128xf32, #tpu.memory_space<hbm>> -> memref<128x128xf32, #tpu.memory_space<hbm>>
      tpu.wait_dma2 semaphore(%arg14 : memref<!tpu.dma_semaphore, #tpu.memory_space<semaphore_mem>>) src(%arg6 : memref<128x128xf32, #tpu.memory_space<vmem>>) dst(%dma_wait3A_213 : memref<128x128xf32, #tpu.memory_space<hbm>>)
      %add3A_214 = arith.constant 3 : i32
      %add3A_215 = arith.addi %add3A_192, %add3A_214 : i32
      %dma_start3A_216 = arith.constant 0 : i32
      %dma_start3A_217 = tpu.memref_slice %arg5[%add3A_215, %dma_start3A_216] : memref<22x128xi32, #tpu.memory_space<vmem>> -> memref<1x128xi32, #tpu.memory_space<vmem>>
      %dma_start3A_218 = tpu.memref_squeeze %dma_start3A_217 : memref<1x128xi32, #tpu.memory_space<vmem>> -> memref<128xi32, #tpu.memory_space<vmem>>
      %dma_start3A_219 = arith.constant 0 : i32
      %dma_start3A_220 = arith.constant 0 : i32
      %dma_start3A_221 = tpu.memref_slice %arg2[%dma_start3A_219, %dma_start3A_220] : memref<50000x128xf32, #tpu.memory_space<hbm>> -> memref<50000x128xf32, #tpu.memory_space<hbm>>
      tpu.enqueue_indirect_dma source(%dma_start3A_221 : memref<50000x128xf32, #tpu.memory_space<hbm>>) target(%arg6 : memref<128x128xf32, #tpu.memory_space<vmem>>) offsets(%dma_start3A_218 : memref<128xi32, #tpu.memory_space<vmem>>) semaphore(%arg10 : memref<!tpu.dma_semaphore, #tpu.memory_space<semaphore_mem>>)
      %add3A_222 = arith.constant 1 : i32
      %add3A_223 = arith.addi %add3A_190, %add3A_222 : i32
      %dma_wait3A_224 = arith.constant 0 : i32
      %dma_wait3A_225 = tpu.memref_slice %arg5[%add3A_223, %dma_wait3A_224] : memref<22x128xi32, #tpu.memory_space<vmem>> -> memref<1x128xi32, #tpu.memory_space<vmem>>
      %dma_wait3A_226 = tpu.memref_squeeze %dma_wait3A_225 : memref<1x128xi32, #tpu.memory_space<vmem>> -> memref<128xi32, #tpu.memory_space<vmem>>
      %dma_wait3A_227 = arith.constant 0 : i32
      %dma_wait3A_228 = arith.constant 0 : i32
      %dma_wait3A_229 = tpu.memref_slice %arg2[%dma_wait3A_227, %dma_wait3A_228] : memref<50000x128xf32, #tpu.memory_space<hbm>> -> memref<50000x128xf32, #tpu.memory_space<hbm>>
      tpu.wait_indirect_dma semaphore(%arg12 : memref<!tpu.dma_semaphore, #tpu.memory_space<semaphore_mem>>) src(%dma_wait3A_229 : memref<50000x128xf32, #tpu.memory_space<hbm>>) dst(%arg8 : memref<128x128xf32, #tpu.memory_space<vmem>>)
      %add3A_230 = arith.addi %mul3A_2, %add3A_223 : i32
      %mul3A_231 = arith.constant 128 : i32
      %mul3A_232 = arith.muli %add3A_230, %mul3A_231 : i32
      %dma_start3A_233 = arith.constant 0 : i32
      %dma_start3A_234 = tpu.memref_slice %arg4[%mul3A_232, %dma_start3A_233] : memref<90112x128xf32, #tpu.memory_space<hbm>> -> memref<128x128xf32, #tpu.memory_space<hbm>>
      %dma_start3A_235 = arith.constant 0 : i32
      %dma_start3A_236 = tpu.memref_slice %arg4[%mul3A_232, %dma_start3A_235] : memref<90112x128xf32, #tpu.memory_space<hbm>> -> memref<128x128xf32, #tpu.memory_space<hbm>>
      tpu.enqueue_dma source(%arg8 : memref<128x128xf32, #tpu.memory_space<vmem>>) target(%dma_start3A_236 : memref<128x128xf32, #tpu.memory_space<hbm>>) target_semaphore(%arg16 : memref<!tpu.dma_semaphore, #tpu.memory_space<semaphore_mem>>)
      %sub3A_237 = arith.constant 1 : i32
      %sub3A_238 = arith.subi %add3A_223, %sub3A_237 : i32
      %add3A_239 = arith.addi %mul3A_2, %sub3A_238 : i32
      %mul3A_240 = arith.constant 128 : i32
      %mul3A_241 = arith.muli %add3A_239, %mul3A_240 : i32
      %dma_wait3A_242 = arith.constant 0 : i32
      %dma_wait3A_243 = tpu.memref_slice %arg4[%mul3A_241, %dma_wait3A_242] : memref<90112x128xf32, #tpu.memory_space<hbm>> -> memref<128x128xf32, #tpu.memory_space<hbm>>
      %dma_wait3A_244 = arith.constant 0 : i32
      %dma_wait3A_245 = tpu.memref_slice %arg4[%mul3A_241, %dma_wait3A_244] : memref<90112x128xf32, #tpu.memory_space<hbm>> -> memref<128x128xf32, #tpu.memory_space<hbm>>
      tpu.wait_dma2 semaphore(%arg15 : memref<!tpu.dma_semaphore, #tpu.memory_space<semaphore_mem>>) src(%arg7 : memref<128x128xf32, #tpu.memory_space<vmem>>) dst(%dma_wait3A_245 : memref<128x128xf32, #tpu.memory_space<hbm>>)
      %add3A_246 = arith.constant 3 : i32
      %add3A_247 = arith.addi %add3A_223, %add3A_246 : i32
      %dma_start3A_248 = arith.constant 0 : i32
      %dma_start3A_249 = tpu.memref_slice %arg5[%add3A_247, %dma_start3A_248] : memref<22x128xi32, #tpu.memory_space<vmem>> -> memref<1x128xi32, #tpu.memory_space<vmem>>
      %dma_start3A_250 = tpu.memref_squeeze %dma_start3A_249 : memref<1x128xi32, #tpu.memory_space<vmem>> -> memref<128xi32, #tpu.memory_space<vmem>>
      %dma_start3A_251 = arith.constant 0 : i32
      %dma_start3A_252 = arith.constant 0 : i32
      %dma_start3A_253 = tpu.memref_slice %arg2[%dma_start3A_251, %dma_start3A_252] : memref<50000x128xf32, #tpu.memory_space<hbm>> -> memref<50000x128xf32, #tpu.memory_space<hbm>>
      tpu.enqueue_indirect_dma source(%dma_start3A_253 : memref<50000x128xf32, #tpu.memory_space<hbm>>) target(%arg7 : memref<128x128xf32, #tpu.memory_space<vmem>>) offsets(%dma_start3A_250 : memref<128xi32, #tpu.memory_space<vmem>>) semaphore(%arg11 : memref<!tpu.dma_semaphore, #tpu.memory_space<semaphore_mem>>)
      %add3A_254 = arith.constant 2 : i32
      %add3A_255 = arith.addi %add3A_190, %add3A_254 : i32
      %dma_wait3A_256 = arith.constant 0 : i32
      %dma_wait3A_257 = tpu.memref_slice %arg5[%add3A_255, %dma_wait3A_256] : memref<22x128xi32, #tpu.memory_space<vmem>> -> memref<1x128xi32, #tpu.memory_space<vmem>>
      %dma_wait3A_258 = tpu.memref_squeeze %dma_wait3A_257 : memref<1x128xi32, #tpu.memory_space<vmem>> -> memref<128xi32, #tpu.memory_space<vmem>>
      %dma_wait3A_259 = arith.constant 0 : i32
      %dma_wait3A_260 = arith.constant 0 : i32
      %dma_wait3A_261 = tpu.memref_slice %arg2[%dma_wait3A_259, %dma_wait3A_260] : memref<50000x128xf32, #tpu.memory_space<hbm>> -> memref<50000x128xf32, #tpu.memory_space<hbm>>
      tpu.wait_indirect_dma semaphore(%arg13 : memref<!tpu.dma_semaphore, #tpu.memory_space<semaphore_mem>>) src(%dma_wait3A_261 : memref<50000x128xf32, #tpu.memory_space<hbm>>) dst(%arg9 : memref<128x128xf32, #tpu.memory_space<vmem>>)
      %add3A_262 = arith.addi %mul3A_2, %add3A_255 : i32
      %mul3A_263 = arith.constant 128 : i32
      %mul3A_264 = arith.muli %add3A_262, %mul3A_263 : i32
      %dma_start3A_265 = arith.constant 0 : i32
      %dma_start3A_266 = tpu.memref_slice %arg4[%mul3A_264, %dma_start3A_265] : memref<90112x128xf32, #tpu.memory_space<hbm>> -> memref<128x128xf32, #tpu.memory_space<hbm>>
      %dma_start3A_267 = arith.constant 0 : i32
      %dma_start3A_268 = tpu.memref_slice %arg4[%mul3A_264, %dma_start3A_267] : memref<90112x128xf32, #tpu.memory_space<hbm>> -> memref<128x128xf32, #tpu.memory_space<hbm>>
      tpu.enqueue_dma source(%arg9 : memref<128x128xf32, #tpu.memory_space<vmem>>) target(%dma_start3A_268 : memref<128x128xf32, #tpu.memory_space<hbm>>) target_semaphore(%arg17 : memref<!tpu.dma_semaphore, #tpu.memory_space<semaphore_mem>>)
      %sub3A_269 = arith.constant 1 : i32
      %sub3A_270 = arith.subi %add3A_255, %sub3A_269 : i32
      %add3A_271 = arith.addi %mul3A_2, %sub3A_270 : i32
      %mul3A_272 = arith.constant 128 : i32
      %mul3A_273 = arith.muli %add3A_271, %mul3A_272 : i32
      %dma_wait3A_274 = arith.constant 0 : i32
      %dma_wait3A_275 = tpu.memref_slice %arg4[%mul3A_273, %dma_wait3A_274] : memref<90112x128xf32, #tpu.memory_space<hbm>> -> memref<128x128xf32, #tpu.memory_space<hbm>>
      %dma_wait3A_276 = arith.constant 0 : i32
      %dma_wait3A_277 = tpu.memref_slice %arg4[%mul3A_273, %dma_wait3A_276] : memref<90112x128xf32, #tpu.memory_space<hbm>> -> memref<128x128xf32, #tpu.memory_space<hbm>>
      tpu.wait_dma2 semaphore(%arg16 : memref<!tpu.dma_semaphore, #tpu.memory_space<semaphore_mem>>) src(%arg8 : memref<128x128xf32, #tpu.memory_space<vmem>>) dst(%dma_wait3A_277 : memref<128x128xf32, #tpu.memory_space<hbm>>)
      %add3A_278 = arith.constant 3 : i32
      %add3A_279 = arith.addi %add3A_255, %add3A_278 : i32
      %dma_start3A_280 = arith.constant 0 : i32
      %dma_start3A_281 = tpu.memref_slice %arg5[%add3A_279, %dma_start3A_280] : memref<22x128xi32, #tpu.memory_space<vmem>> -> memref<1x128xi32, #tpu.memory_space<vmem>>
      %dma_start3A_282 = tpu.memref_squeeze %dma_start3A_281 : memref<1x128xi32, #tpu.memory_space<vmem>> -> memref<128xi32, #tpu.memory_space<vmem>>
      %dma_start3A_283 = arith.constant 0 : i32
      %dma_start3A_284 = arith.constant 0 : i32
      %dma_start3A_285 = tpu.memref_slice %arg2[%dma_start3A_283, %dma_start3A_284] : memref<50000x128xf32, #tpu.memory_space<hbm>> -> memref<50000x128xf32, #tpu.memory_space<hbm>>
      tpu.enqueue_indirect_dma source(%dma_start3A_285 : memref<50000x128xf32, #tpu.memory_space<hbm>>) target(%arg8 : memref<128x128xf32, #tpu.memory_space<vmem>>) offsets(%dma_start3A_282 : memref<128xi32, #tpu.memory_space<vmem>>) semaphore(%arg12 : memref<!tpu.dma_semaphore, #tpu.memory_space<semaphore_mem>>)
      %add3A_286 = arith.constant 3 : i32
      %add3A_287 = arith.addi %add3A_190, %add3A_286 : i32
      %dma_wait3A_288 = arith.constant 0 : i32
      %dma_wait3A_289 = tpu.memref_slice %arg5[%add3A_287, %dma_wait3A_288] : memref<22x128xi32, #tpu.memory_space<vmem>> -> memref<1x128xi32, #tpu.memory_space<vmem>>
      %dma_wait3A_290 = tpu.memref_squeeze %dma_wait3A_289 : memref<1x128xi32, #tpu.memory_space<vmem>> -> memref<128xi32, #tpu.memory_space<vmem>>
      %dma_wait3A_291 = arith.constant 0 : i32
      %dma_wait3A_292 = arith.constant 0 : i32
      %dma_wait3A_293 = tpu.memref_slice %arg2[%dma_wait3A_291, %dma_wait3A_292] : memref<50000x128xf32, #tpu.memory_space<hbm>> -> memref<50000x128xf32, #tpu.memory_space<hbm>>
      tpu.wait_indirect_dma semaphore(%arg10 : memref<!tpu.dma_semaphore, #tpu.memory_space<semaphore_mem>>) src(%dma_wait3A_293 : memref<50000x128xf32, #tpu.memory_space<hbm>>) dst(%arg6 : memref<128x128xf32, #tpu.memory_space<vmem>>)
      %add3A_294 = arith.addi %mul3A_2, %add3A_287 : i32
      %mul3A_295 = arith.constant 128 : i32
      %mul3A_296 = arith.muli %add3A_294, %mul3A_295 : i32
      %dma_start3A_297 = arith.constant 0 : i32
      %dma_start3A_298 = tpu.memref_slice %arg4[%mul3A_296, %dma_start3A_297] : memref<90112x128xf32, #tpu.memory_space<hbm>> -> memref<128x128xf32, #tpu.memory_space<hbm>>
      %dma_start3A_299 = arith.constant 0 : i32
      %dma_start3A_300 = tpu.memref_slice %arg4[%mul3A_296, %dma_start3A_299] : memref<90112x128xf32, #tpu.memory_space<hbm>> -> memref<128x128xf32, #tpu.memory_space<hbm>>
      tpu.enqueue_dma source(%arg6 : memref<128x128xf32, #tpu.memory_space<vmem>>) target(%dma_start3A_300 : memref<128x128xf32, #tpu.memory_space<hbm>>) target_semaphore(%arg14 : memref<!tpu.dma_semaphore, #tpu.memory_space<semaphore_mem>>)
      %sub3A_301 = arith.constant 1 : i32
      %sub3A_302 = arith.subi %add3A_287, %sub3A_301 : i32
      %add3A_303 = arith.addi %mul3A_2, %sub3A_302 : i32
      %mul3A_304 = arith.constant 128 : i32
      %mul3A_305 = arith.muli %add3A_303, %mul3A_304 : i32
      %dma_wait3A_306 = arith.constant 0 : i32
      %dma_wait3A_307 = tpu.memref_slice %arg4[%mul3A_305, %dma_wait3A_306] : memref<90112x128xf32, #tpu.memory_space<hbm>> -> memref<128x128xf32, #tpu.memory_space<hbm>>
      %dma_wait3A_308 = arith.constant 0 : i32
      %dma_wait3A_309 = tpu.memref_slice %arg4[%mul3A_305, %dma_wait3A_308] : memref<90112x128xf32, #tpu.memory_space<hbm>> -> memref<128x128xf32, #tpu.memory_space<hbm>>
      tpu.wait_dma2 semaphore(%arg17 : memref<!tpu.dma_semaphore, #tpu.memory_space<semaphore_mem>>) src(%arg9 : memref<128x128xf32, #tpu.memory_space<vmem>>) dst(%dma_wait3A_309 : memref<128x128xf32, #tpu.memory_space<hbm>>)
      %add3A_310 = arith.constant 3 : i32
      %add3A_311 = arith.addi %add3A_287, %add3A_310 : i32
      %dma_start3A_312 = arith.constant 0 : i32
      %dma_start3A_313 = tpu.memref_slice %arg5[%add3A_311, %dma_start3A_312] : memref<22x128xi32, #tpu.memory_space<vmem>> -> memref<1x128xi32, #tpu.memory_space<vmem>>
      %dma_start3A_314 = tpu.memref_squeeze %dma_start3A_313 : memref<1x128xi32, #tpu.memory_space<vmem>> -> memref<128xi32, #tpu.memory_space<vmem>>
      %dma_start3A_315 = arith.constant 0 : i32
      %dma_start3A_316 = arith.constant 0 : i32
      %dma_start3A_317 = tpu.memref_slice %arg2[%dma_start3A_315, %dma_start3A_316] : memref<50000x128xf32, #tpu.memory_space<hbm>> -> memref<50000x128xf32, #tpu.memory_space<hbm>>
      tpu.enqueue_indirect_dma source(%dma_start3A_317 : memref<50000x128xf32, #tpu.memory_space<hbm>>) target(%arg9 : memref<128x128xf32, #tpu.memory_space<vmem>>) offsets(%dma_start3A_314 : memref<128xi32, #tpu.memory_space<vmem>>) semaphore(%arg13 : memref<!tpu.dma_semaphore, #tpu.memory_space<semaphore_mem>>)
    }
    %scan3A_48 = arith.constant 4 : i32
    %dma_wait3A_49 = arith.constant 17 : i32
    %dma_wait3A_50 = arith.constant 0 : i32
    %dma_wait3A_51 = tpu.memref_slice %arg5[%dma_wait3A_49, %dma_wait3A_50] : memref<22x128xi32, #tpu.memory_space<vmem>> -> memref<1x128xi32, #tpu.memory_space<vmem>>
    %dma_wait3A_52 = tpu.memref_squeeze %dma_wait3A_51 : memref<1x128xi32, #tpu.memory_space<vmem>> -> memref<128xi32, #tpu.memory_space<vmem>>
    %dma_wait3A_53 = arith.constant 0 : i32
    %dma_wait3A_54 = arith.constant 0 : i32
    %dma_wait3A_55 = tpu.memref_slice %arg2[%dma_wait3A_53, %dma_wait3A_54] : memref<50000x128xf32, #tpu.memory_space<hbm>> -> memref<50000x128xf32, #tpu.memory_space<hbm>>
    tpu.wait_indirect_dma semaphore(%arg11 : memref<!tpu.dma_semaphore, #tpu.memory_space<semaphore_mem>>) src(%dma_wait3A_55 : memref<50000x128xf32, #tpu.memory_space<hbm>>) dst(%arg7 : memref<128x128xf32, #tpu.memory_space<vmem>>)
    %add3A_56 = arith.constant 17 : i32
    %add3A_57 = arith.addi %mul3A_2, %add3A_56 : i32
    %mul3A_58 = arith.constant 128 : i32
    %mul3A_59 = arith.muli %add3A_57, %mul3A_58 : i32
    %dma_start3A_60 = arith.constant 0 : i32
    %dma_start3A_61 = tpu.memref_slice %arg4[%mul3A_59, %dma_start3A_60] : memref<90112x128xf32, #tpu.memory_space<hbm>> -> memref<128x128xf32, #tpu.memory_space<hbm>>
    %dma_start3A_62 = arith.constant 0 : i32
    %dma_start3A_63 = tpu.memref_slice %arg4[%mul3A_59, %dma_start3A_62] : memref<90112x128xf32, #tpu.memory_space<hbm>> -> memref<128x128xf32, #tpu.memory_space<hbm>>
    tpu.enqueue_dma source(%arg7 : memref<128x128xf32, #tpu.memory_space<vmem>>) target(%dma_start3A_63 : memref<128x128xf32, #tpu.memory_space<hbm>>) target_semaphore(%arg15 : memref<!tpu.dma_semaphore, #tpu.memory_space<semaphore_mem>>)
    %add3A_64 = arith.constant 16 : i32
    %add3A_65 = arith.addi %mul3A_2, %add3A_64 : i32
    %mul3A_66 = arith.constant 128 : i32
    %mul3A_67 = arith.muli %add3A_65, %mul3A_66 : i32
    %dma_wait3A_68 = arith.constant 0 : i32
    %dma_wait3A_69 = tpu.memref_slice %arg4[%mul3A_67, %dma_wait3A_68] : memref<90112x128xf32, #tpu.memory_space<hbm>> -> memref<128x128xf32, #tpu.memory_space<hbm>>
    %dma_wait3A_70 = arith.constant 0 : i32
    %dma_wait3A_71 = tpu.memref_slice %arg4[%mul3A_67, %dma_wait3A_70] : memref<90112x128xf32, #tpu.memory_space<hbm>> -> memref<128x128xf32, #tpu.memory_space<hbm>>
    tpu.wait_dma2 semaphore(%arg14 : memref<!tpu.dma_semaphore, #tpu.memory_space<semaphore_mem>>) src(%arg6 : memref<128x128xf32, #tpu.memory_space<vmem>>) dst(%dma_wait3A_71 : memref<128x128xf32, #tpu.memory_space<hbm>>)
    %dma_start3A_72 = arith.constant 20 : i32
    %dma_start3A_73 = arith.constant 0 : i32
    %dma_start3A_74 = tpu.memref_slice %arg5[%dma_start3A_72, %dma_start3A_73] : memref<22x128xi32, #tpu.memory_space<vmem>> -> memref<1x128xi32, #tpu.memory_space<vmem>>
    %dma_start3A_75 = tpu.memref_squeeze %dma_start3A_74 : memref<1x128xi32, #tpu.memory_space<vmem>> -> memref<128xi32, #tpu.memory_space<vmem>>
    %dma_start3A_76 = arith.constant 0 : i32
    %dma_start3A_77 = arith.constant 0 : i32
    %dma_start3A_78 = tpu.memref_slice %arg2[%dma_start3A_76, %dma_start3A_77] : memref<50000x128xf32, #tpu.memory_space<hbm>> -> memref<50000x128xf32, #tpu.memory_space<hbm>>
    tpu.enqueue_indirect_dma source(%dma_start3A_78 : memref<50000x128xf32, #tpu.memory_space<hbm>>) target(%arg6 : memref<128x128xf32, #tpu.memory_space<vmem>>) offsets(%dma_start3A_75 : memref<128xi32, #tpu.memory_space<vmem>>) semaphore(%arg10 : memref<!tpu.dma_semaphore, #tpu.memory_space<semaphore_mem>>)
    %dma_wait3A_79 = arith.constant 18 : i32
    %dma_wait3A_80 = arith.constant 0 : i32
    %dma_wait3A_81 = tpu.memref_slice %arg5[%dma_wait3A_79, %dma_wait3A_80] : memref<22x128xi32, #tpu.memory_space<vmem>> -> memref<1x128xi32, #tpu.memory_space<vmem>>
    %dma_wait3A_82 = tpu.memref_squeeze %dma_wait3A_81 : memref<1x128xi32, #tpu.memory_space<vmem>> -> memref<128xi32, #tpu.memory_space<vmem>>
    %dma_wait3A_83 = arith.constant 0 : i32
    %dma_wait3A_84 = arith.constant 0 : i32
    %dma_wait3A_85 = tpu.memref_slice %arg2[%dma_wait3A_83, %dma_wait3A_84] : memref<50000x128xf32, #tpu.memory_space<hbm>> -> memref<50000x128xf32, #tpu.memory_space<hbm>>
    tpu.wait_indirect_dma semaphore(%arg12 : memref<!tpu.dma_semaphore, #tpu.memory_space<semaphore_mem>>) src(%dma_wait3A_85 : memref<50000x128xf32, #tpu.memory_space<hbm>>) dst(%arg8 : memref<128x128xf32, #tpu.memory_space<vmem>>)
    %add3A_86 = arith.constant 18 : i32
    %add3A_87 = arith.addi %mul3A_2, %add3A_86 : i32
    %mul3A_88 = arith.constant 128 : i32
    %mul3A_89 = arith.muli %add3A_87, %mul3A_88 : i32
    %dma_start3A_90 = arith.constant 0 : i32
    %dma_start3A_91 = tpu.memref_slice %arg4[%mul3A_89, %dma_start3A_90] : memref<90112x128xf32, #tpu.memory_space<hbm>> -> memref<128x128xf32, #tpu.memory_space<hbm>>
    %dma_start3A_92 = arith.constant 0 : i32
    %dma_start3A_93 = tpu.memref_slice %arg4[%mul3A_89, %dma_start3A_92] : memref<90112x128xf32, #tpu.memory_space<hbm>> -> memref<128x128xf32, #tpu.memory_space<hbm>>
    tpu.enqueue_dma source(%arg8 : memref<128x128xf32, #tpu.memory_space<vmem>>) target(%dma_start3A_93 : memref<128x128xf32, #tpu.memory_space<hbm>>) target_semaphore(%arg16 : memref<!tpu.dma_semaphore, #tpu.memory_space<semaphore_mem>>)
    %add3A_94 = arith.constant 17 : i32
    %add3A_95 = arith.addi %mul3A_2, %add3A_94 : i32
    %mul3A_96 = arith.constant 128 : i32
    %mul3A_97 = arith.muli %add3A_95, %mul3A_96 : i32
    %dma_wait3A_98 = arith.constant 0 : i32
    %dma_wait3A_99 = tpu.memref_slice %arg4[%mul3A_97, %dma_wait3A_98] : memref<90112x128xf32, #tpu.memory_space<hbm>> -> memref<128x128xf32, #tpu.memory_space<hbm>>
    %dma_wait3A_100 = arith.constant 0 : i32
    %dma_wait3A_101 = tpu.memref_slice %arg4[%mul3A_97, %dma_wait3A_100] : memref<90112x128xf32, #tpu.memory_space<hbm>> -> memref<128x128xf32, #tpu.memory_space<hbm>>
    tpu.wait_dma2 semaphore(%arg15 : memref<!tpu.dma_semaphore, #tpu.memory_space<semaphore_mem>>) src(%arg7 : memref<128x128xf32, #tpu.memory_space<vmem>>) dst(%dma_wait3A_101 : memref<128x128xf32, #tpu.memory_space<hbm>>)
    %dma_start3A_102 = arith.constant 21 : i32
    %dma_start3A_103 = arith.constant 0 : i32
    %dma_start3A_104 = tpu.memref_slice %arg5[%dma_start3A_102, %dma_start3A_103] : memref<22x128xi32, #tpu.memory_space<vmem>> -> memref<1x128xi32, #tpu.memory_space<vmem>>
    %dma_start3A_105 = tpu.memref_squeeze %dma_start3A_104 : memref<1x128xi32, #tpu.memory_space<vmem>> -> memref<128xi32, #tpu.memory_space<vmem>>
    %dma_start3A_106 = arith.constant 0 : i32
    %dma_start3A_107 = arith.constant 0 : i32
    %dma_start3A_108 = tpu.memref_slice %arg2[%dma_start3A_106, %dma_start3A_107] : memref<50000x128xf32, #tpu.memory_space<hbm>> -> memref<50000x128xf32, #tpu.memory_space<hbm>>
    tpu.enqueue_indirect_dma source(%dma_start3A_108 : memref<50000x128xf32, #tpu.memory_space<hbm>>) target(%arg7 : memref<128x128xf32, #tpu.memory_space<vmem>>) offsets(%dma_start3A_105 : memref<128xi32, #tpu.memory_space<vmem>>) semaphore(%arg11 : memref<!tpu.dma_semaphore, #tpu.memory_space<semaphore_mem>>)
    %dma_wait3A_109 = arith.constant 19 : i32
    %dma_wait3A_110 = arith.constant 0 : i32
    %dma_wait3A_111 = tpu.memref_slice %arg5[%dma_wait3A_109, %dma_wait3A_110] : memref<22x128xi32, #tpu.memory_space<vmem>> -> memref<1x128xi32, #tpu.memory_space<vmem>>
    %dma_wait3A_112 = tpu.memref_squeeze %dma_wait3A_111 : memref<1x128xi32, #tpu.memory_space<vmem>> -> memref<128xi32, #tpu.memory_space<vmem>>
    %dma_wait3A_113 = arith.constant 0 : i32
    %dma_wait3A_114 = arith.constant 0 : i32
    %dma_wait3A_115 = tpu.memref_slice %arg2[%dma_wait3A_113, %dma_wait3A_114] : memref<50000x128xf32, #tpu.memory_space<hbm>> -> memref<50000x128xf32, #tpu.memory_space<hbm>>
    tpu.wait_indirect_dma semaphore(%arg13 : memref<!tpu.dma_semaphore, #tpu.memory_space<semaphore_mem>>) src(%dma_wait3A_115 : memref<50000x128xf32, #tpu.memory_space<hbm>>) dst(%arg9 : memref<128x128xf32, #tpu.memory_space<vmem>>)
    %add3A_116 = arith.constant 19 : i32
    %add3A_117 = arith.addi %mul3A_2, %add3A_116 : i32
    %mul3A_118 = arith.constant 128 : i32
    %mul3A_119 = arith.muli %add3A_117, %mul3A_118 : i32
    %dma_start3A_120 = arith.constant 0 : i32
    %dma_start3A_121 = tpu.memref_slice %arg4[%mul3A_119, %dma_start3A_120] : memref<90112x128xf32, #tpu.memory_space<hbm>> -> memref<128x128xf32, #tpu.memory_space<hbm>>
    %dma_start3A_122 = arith.constant 0 : i32
    %dma_start3A_123 = tpu.memref_slice %arg4[%mul3A_119, %dma_start3A_122] : memref<90112x128xf32, #tpu.memory_space<hbm>> -> memref<128x128xf32, #tpu.memory_space<hbm>>
    tpu.enqueue_dma source(%arg9 : memref<128x128xf32, #tpu.memory_space<vmem>>) target(%dma_start3A_123 : memref<128x128xf32, #tpu.memory_space<hbm>>) target_semaphore(%arg17 : memref<!tpu.dma_semaphore, #tpu.memory_space<semaphore_mem>>)
    %add3A_124 = arith.constant 18 : i32
    %add3A_125 = arith.addi %mul3A_2, %add3A_124 : i32
    %mul3A_126 = arith.constant 128 : i32
    %mul3A_127 = arith.muli %add3A_125, %mul3A_126 : i32
    %dma_wait3A_128 = arith.constant 0 : i32
    %dma_wait3A_129 = tpu.memref_slice %arg4[%mul3A_127, %dma_wait3A_128] : memref<90112x128xf32, #tpu.memory_space<hbm>> -> memref<128x128xf32, #tpu.memory_space<hbm>>
    %dma_wait3A_130 = arith.constant 0 : i32
    %dma_wait3A_131 = tpu.memref_slice %arg4[%mul3A_127, %dma_wait3A_130] : memref<90112x128xf32, #tpu.memory_space<hbm>> -> memref<128x128xf32, #tpu.memory_space<hbm>>
    tpu.wait_dma2 semaphore(%arg16 : memref<!tpu.dma_semaphore, #tpu.memory_space<semaphore_mem>>) src(%arg8 : memref<128x128xf32, #tpu.memory_space<vmem>>) dst(%dma_wait3A_131 : memref<128x128xf32, #tpu.memory_space<hbm>>)
    %dma_wait3A_132 = arith.constant 20 : i32
    %dma_wait3A_133 = arith.constant 0 : i32
    %dma_wait3A_134 = tpu.memref_slice %arg5[%dma_wait3A_132, %dma_wait3A_133] : memref<22x128xi32, #tpu.memory_space<vmem>> -> memref<1x128xi32, #tpu.memory_space<vmem>>
    %dma_wait3A_135 = tpu.memref_squeeze %dma_wait3A_134 : memref<1x128xi32, #tpu.memory_space<vmem>> -> memref<128xi32, #tpu.memory_space<vmem>>
    %dma_wait3A_136 = arith.constant 0 : i32
    %dma_wait3A_137 = arith.constant 0 : i32
    %dma_wait3A_138 = tpu.memref_slice %arg2[%dma_wait3A_136, %dma_wait3A_137] : memref<50000x128xf32, #tpu.memory_space<hbm>> -> memref<50000x128xf32, #tpu.memory_space<hbm>>
    tpu.wait_indirect_dma semaphore(%arg10 : memref<!tpu.dma_semaphore, #tpu.memory_space<semaphore_mem>>) src(%dma_wait3A_138 : memref<50000x128xf32, #tpu.memory_space<hbm>>) dst(%arg6 : memref<128x128xf32, #tpu.memory_space<vmem>>)
    %add3A_139 = arith.constant 20 : i32
    %add3A_140 = arith.addi %mul3A_2, %add3A_139 : i32
    %mul3A_141 = arith.constant 128 : i32
    %mul3A_142 = arith.muli %add3A_140, %mul3A_141 : i32
    %dma_start3A_143 = arith.constant 0 : i32
    %dma_start3A_144 = tpu.memref_slice %arg4[%mul3A_142, %dma_start3A_143] : memref<90112x128xf32, #tpu.memory_space<hbm>> -> memref<128x128xf32, #tpu.memory_space<hbm>>
    %dma_start3A_145 = arith.constant 0 : i32
    %dma_start3A_146 = tpu.memref_slice %arg4[%mul3A_142, %dma_start3A_145] : memref<90112x128xf32, #tpu.memory_space<hbm>> -> memref<128x128xf32, #tpu.memory_space<hbm>>
    tpu.enqueue_dma source(%arg6 : memref<128x128xf32, #tpu.memory_space<vmem>>) target(%dma_start3A_146 : memref<128x128xf32, #tpu.memory_space<hbm>>) target_semaphore(%arg14 : memref<!tpu.dma_semaphore, #tpu.memory_space<semaphore_mem>>)
    %add3A_147 = arith.constant 19 : i32
    %add3A_148 = arith.addi %mul3A_2, %add3A_147 : i32
    %mul3A_149 = arith.constant 128 : i32
    %mul3A_150 = arith.muli %add3A_148, %mul3A_149 : i32
    %dma_wait3A_151 = arith.constant 0 : i32
    %dma_wait3A_152 = tpu.memref_slice %arg4[%mul3A_150, %dma_wait3A_151] : memref<90112x128xf32, #tpu.memory_space<hbm>> -> memref<128x128xf32, #tpu.memory_space<hbm>>
    %dma_wait3A_153 = arith.constant 0 : i32
    %dma_wait3A_154 = tpu.memref_slice %arg4[%mul3A_150, %dma_wait3A_153] : memref<90112x128xf32, #tpu.memory_space<hbm>> -> memref<128x128xf32, #tpu.memory_space<hbm>>
    tpu.wait_dma2 semaphore(%arg17 : memref<!tpu.dma_semaphore, #tpu.memory_space<semaphore_mem>>) src(%arg9 : memref<128x128xf32, #tpu.memory_space<vmem>>) dst(%dma_wait3A_154 : memref<128x128xf32, #tpu.memory_space<hbm>>)
    %dma_wait3A_155 = arith.constant 21 : i32
    %dma_wait3A_156 = arith.constant 0 : i32
    %dma_wait3A_157 = tpu.memref_slice %arg5[%dma_wait3A_155, %dma_wait3A_156] : memref<22x128xi32, #tpu.memory_space<vmem>> -> memref<1x128xi32, #tpu.memory_space<vmem>>
    %dma_wait3A_158 = tpu.memref_squeeze %dma_wait3A_157 : memref<1x128xi32, #tpu.memory_space<vmem>> -> memref<128xi32, #tpu.memory_space<vmem>>
    %dma_wait3A_159 = arith.constant 0 : i32
    %dma_wait3A_160 = arith.constant 0 : i32
    %dma_wait3A_161 = tpu.memref_slice %arg2[%dma_wait3A_159, %dma_wait3A_160] : memref<50000x128xf32, #tpu.memory_space<hbm>> -> memref<50000x128xf32, #tpu.memory_space<hbm>>
    tpu.wait_indirect_dma semaphore(%arg11 : memref<!tpu.dma_semaphore, #tpu.memory_space<semaphore_mem>>) src(%dma_wait3A_161 : memref<50000x128xf32, #tpu.memory_space<hbm>>) dst(%arg7 : memref<128x128xf32, #tpu.memory_space<vmem>>)
    %add3A_162 = arith.constant 21 : i32
    %add3A_163 = arith.addi %mul3A_2, %add3A_162 : i32
    %mul3A_164 = arith.constant 128 : i32
    %mul3A_165 = arith.muli %add3A_163, %mul3A_164 : i32
    %dma_start3A_166 = arith.constant 0 : i32
    %dma_start3A_167 = tpu.memref_slice %arg4[%mul3A_165, %dma_start3A_166] : memref<90112x128xf32, #tpu.memory_space<hbm>> -> memref<128x128xf32, #tpu.memory_space<hbm>>
    %dma_start3A_168 = arith.constant 0 : i32
    %dma_start3A_169 = tpu.memref_slice %arg4[%mul3A_165, %dma_start3A_168] : memref<90112x128xf32, #tpu.memory_space<hbm>> -> memref<128x128xf32, #tpu.memory_space<hbm>>
    tpu.enqueue_dma source(%arg7 : memref<128x128xf32, #tpu.memory_space<vmem>>) target(%dma_start3A_169 : memref<128x128xf32, #tpu.memory_space<hbm>>) target_semaphore(%arg15 : memref<!tpu.dma_semaphore, #tpu.memory_space<semaphore_mem>>)
    %add3A_170 = arith.constant 20 : i32
    %add3A_171 = arith.addi %mul3A_2, %add3A_170 : i32
    %mul3A_172 = arith.constant 128 : i32
    %mul3A_173 = arith.muli %add3A_171, %mul3A_172 : i32
    %dma_wait3A_174 = arith.constant 0 : i32
    %dma_wait3A_175 = tpu.memref_slice %arg4[%mul3A_173, %dma_wait3A_174] : memref<90112x128xf32, #tpu.memory_space<hbm>> -> memref<128x128xf32, #tpu.memory_space<hbm>>
    %dma_wait3A_176 = arith.constant 0 : i32
    %dma_wait3A_177 = tpu.memref_slice %arg4[%mul3A_173, %dma_wait3A_176] : memref<90112x128xf32, #tpu.memory_space<hbm>> -> memref<128x128xf32, #tpu.memory_space<hbm>>
    tpu.wait_dma2 semaphore(%arg14 : memref<!tpu.dma_semaphore, #tpu.memory_space<semaphore_mem>>) src(%arg6 : memref<128x128xf32, #tpu.memory_space<vmem>>) dst(%dma_wait3A_177 : memref<128x128xf32, #tpu.memory_space<hbm>>)
    %add3A_178 = arith.constant 21 : i32
    %add3A_179 = arith.addi %mul3A_2, %add3A_178 : i32
    %mul3A_180 = arith.constant 128 : i32
    %mul3A_181 = arith.muli %add3A_179, %mul3A_180 : i32
    %dma_wait3A_182 = arith.constant 0 : i32
    %dma_wait3A_183 = tpu.memref_slice %arg4[%mul3A_181, %dma_wait3A_182] : memref<90112x128xf32, #tpu.memory_space<hbm>> -> memref<128x128xf32, #tpu.memory_space<hbm>>
    %dma_wait3A_184 = arith.constant 0 : i32
    %dma_wait3A_185 = tpu.memref_slice %arg4[%mul3A_181, %dma_wait3A_184] : memref<90112x128xf32, #tpu.memory_space<hbm>> -> memref<128x128xf32, #tpu.memory_space<hbm>>
    tpu.wait_dma2 semaphore(%arg15 : memref<!tpu.dma_semaphore, #tpu.memory_space<semaphore_mem>>) src(%arg7 : memref<128x128xf32, #tpu.memory_space<vmem>>) dst(%dma_wait3A_185 : memref<128x128xf32, #tpu.memory_space<hbm>>)
    return
  }
}

#map = affine_map<(d0, d1) -> (0, 0)>
#map1 = affine_map<(d0, d1) -> (0, 0, 0)>
module attributes {stable_mosaic.version = 14 : i64} {
  func.func @_sc_gather_body(%arg0: i32, %arg1: i32, %arg2: memref<50000x128xf32, #tpu.memory_space<hbm>>, %arg3: memref<32x22x128xi32, #tpu.memory_space<hbm>>, %arg4: memref<90112x128xf32, #tpu.memory_space<hbm>>, %arg5: memref<22x128xi32, #tpu.memory_space<vmem>>, %arg6: memref<128x128xf32, #tpu.memory_space<vmem>>, %arg7: memref<128x128xf32, #tpu.memory_space<vmem>>, %arg8: memref<128x128xf32, #tpu.memory_space<vmem>>, %arg9: memref<128x128xf32, #tpu.memory_space<vmem>>, %arg10: memref<!tpu.dma_semaphore, #tpu.memory_space<semaphore_mem>>, %arg11: memref<!tpu.dma_semaphore, #tpu.memory_space<semaphore_mem>>, %arg12: memref<!tpu.dma_semaphore, #tpu.memory_space<semaphore_mem>>, %arg13: memref<!tpu.dma_semaphore, #tpu.memory_space<semaphore_mem>>, %arg14: memref<!tpu.dma_semaphore, #tpu.memory_space<semaphore_mem>>, %arg15: memref<!tpu.dma_semaphore, #tpu.memory_space<semaphore_mem>>, %arg16: memref<!tpu.dma_semaphore, #tpu.memory_space<semaphore_mem>>, %arg17: memref<!tpu.dma_semaphore, #tpu.memory_space<semaphore_mem>>) attributes {dimension_semantics = [#tpu.dimension_semantics<core_parallel>, #tpu.dimension_semantics<subcore_parallel>], iteration_bounds = array<i64: 2, 16>, scalar_prefetch = 0 : i64, scratch_operands = 13 : i64, tpu.core_type = #tpu.core_type<sc_vector_subcore>, window_params = [{transform_indices = #map}, {transform_indices = #map1}, {transform_indices = #map}]} {
    %mul3A = arith.constant 2 : i32
    %mul3A_0 = arith.muli %arg1, %mul3A : i32
    %add3A = arith.addi %mul3A_0, %arg0 : i32
    %mul3A_1 = arith.constant 22 : i32
    %mul3A_2 = arith.muli %add3A, %mul3A_1 : i32
    "tpu.region"() ({
      %run_scoped3A = tpu.sem_alloc : memref<!tpu.dma_semaphore, #tpu.memory_space<semaphore_mem>>
      %dma_start3A_186 = arith.constant 0 : i32
      %dma_start3A_187 = arith.constant 0 : i32
      %dma_start3A_188 = tpu.memref_slice %arg3[%add3A, %dma_start3A_186, %dma_start3A_187] : memref<32x22x128xi32, #tpu.memory_space<hbm>> -> memref<1x22x128xi32, #tpu.memory_space<hbm>>
      %dma_start3A_189 = tpu.memref_squeeze %dma_start3A_188 : memref<1x22x128xi32, #tpu.memory_space<hbm>> -> memref<22x128xi32, #tpu.memory_space<hbm>>
      %dma_start3A_190 = arith.constant 0 : i32
      %dma_start3A_191 = arith.constant 0 : i32
      %dma_start3A_192 = tpu.memref_slice %arg3[%add3A, %dma_start3A_190, %dma_start3A_191] : memref<32x22x128xi32, #tpu.memory_space<hbm>> -> memref<1x22x128xi32, #tpu.memory_space<hbm>>
      %dma_start3A_193 = tpu.memref_squeeze %dma_start3A_192 : memref<1x22x128xi32, #tpu.memory_space<hbm>> -> memref<22x128xi32, #tpu.memory_space<hbm>>
      tpu.enqueue_dma source(%dma_start3A_193 : memref<22x128xi32, #tpu.memory_space<hbm>>) target(%arg5 : memref<22x128xi32, #tpu.memory_space<vmem>>) target_semaphore(%run_scoped3A : memref<!tpu.dma_semaphore, #tpu.memory_space<semaphore_mem>>)
      %dma_wait3A_194 = arith.constant 0 : i32
      %dma_wait3A_195 = arith.constant 0 : i32
      %dma_wait3A_196 = tpu.memref_slice %arg3[%add3A, %dma_wait3A_194, %dma_wait3A_195] : memref<32x22x128xi32, #tpu.memory_space<hbm>> -> memref<1x22x128xi32, #tpu.memory_space<hbm>>
      %dma_wait3A_197 = tpu.memref_squeeze %dma_wait3A_196 : memref<1x22x128xi32, #tpu.memory_space<hbm>> -> memref<22x128xi32, #tpu.memory_space<hbm>>
      %dma_wait3A_198 = arith.constant 0 : i32
      %dma_wait3A_199 = arith.constant 0 : i32
      %dma_wait3A_200 = tpu.memref_slice %arg3[%add3A, %dma_wait3A_198, %dma_wait3A_199] : memref<32x22x128xi32, #tpu.memory_space<hbm>> -> memref<1x22x128xi32, #tpu.memory_space<hbm>>
      %dma_wait3A_201 = tpu.memref_squeeze %dma_wait3A_200 : memref<1x22x128xi32, #tpu.memory_space<hbm>> -> memref<22x128xi32, #tpu.memory_space<hbm>>
      tpu.wait_dma2 semaphore(%run_scoped3A : memref<!tpu.dma_semaphore, #tpu.memory_space<semaphore_mem>>) src(%dma_wait3A_201 : memref<22x128xi32, #tpu.memory_space<hbm>>) dst(%arg5 : memref<22x128xi32, #tpu.memory_space<vmem>>)
      tpu.yield
    }) : () -> ()
    %dma_start3A = arith.constant 0 : i32
    %dma_start3A_3 = arith.constant 0 : i32
    %dma_start3A_4 = tpu.memref_slice %arg5[%dma_start3A, %dma_start3A_3] : memref<22x128xi32, #tpu.memory_space<vmem>> -> memref<1x128xi32, #tpu.memory_space<vmem>>
    %dma_start3A_5 = tpu.memref_squeeze %dma_start3A_4 : memref<1x128xi32, #tpu.memory_space<vmem>> -> memref<128xi32, #tpu.memory_space<vmem>>
    %dma_start3A_6 = arith.constant 0 : i32
    %dma_start3A_7 = arith.constant 0 : i32
    %dma_start3A_8 = tpu.memref_slice %arg2[%dma_start3A_6, %dma_start3A_7] : memref<50000x128xf32, #tpu.memory_space<hbm>> -> memref<50000x128xf32, #tpu.memory_space<hbm>>
    tpu.enqueue_indirect_dma source(%dma_start3A_8 : memref<50000x128xf32, #tpu.memory_space<hbm>>) target(%arg6 : memref<128x128xf32, #tpu.memory_space<vmem>>) offsets(%dma_start3A_5 : memref<128xi32, #tpu.memory_space<vmem>>) semaphore(%arg10 : memref<!tpu.dma_semaphore, #tpu.memory_space<semaphore_mem>>)
    %dma_start3A_9 = arith.constant 1 : i32
    %dma_start3A_10 = arith.constant 0 : i32
    %dma_start3A_11 = tpu.memref_slice %arg5[%dma_start3A_9, %dma_start3A_10] : memref<22x128xi32, #tpu.memory_space<vmem>> -> memref<1x128xi32, #tpu.memory_space<vmem>>
    %dma_start3A_12 = tpu.memref_squeeze %dma_start3A_11 : memref<1x128xi32, #tpu.memory_space<vmem>> -> memref<128xi32, #tpu.memory_space<vmem>>
    %dma_start3A_13 = arith.constant 0 : i32
    %dma_start3A_14 = arith.constant 0 : i32
    %dma_start3A_15 = tpu.memref_slice %arg2[%dma_start3A_13, %dma_start3A_14] : memref<50000x128xf32, #tpu.memory_space<hbm>> -> memref<50000x128xf32, #tpu.memory_space<hbm>>
    tpu.enqueue_indirect_dma source(%dma_start3A_15 : memref<50000x128xf32, #tpu.memory_space<hbm>>) target(%arg7 : memref<128x128xf32, #tpu.memory_space<vmem>>) offsets(%dma_start3A_12 : memref<128xi32, #tpu.memory_space<vmem>>) semaphore(%arg11 : memref<!tpu.dma_semaphore, #tpu.memory_space<semaphore_mem>>)
    %dma_start3A_16 = arith.constant 2 : i32
    %dma_start3A_17 = arith.constant 0 : i32
    %dma_start3A_18 = tpu.memref_slice %arg5[%dma_start3A_16, %dma_start3A_17] : memref<22x128xi32, #tpu.memory_space<vmem>> -> memref<1x128xi32, #tpu.memory_space<vmem>>
    %dma_start3A_19 = tpu.memref_squeeze %dma_start3A_18 : memref<1x128xi32, #tpu.memory_space<vmem>> -> memref<128xi32, #tpu.memory_space<vmem>>
    %dma_start3A_20 = arith.constant 0 : i32
    %dma_start3A_21 = arith.constant 0 : i32
    %dma_start3A_22 = tpu.memref_slice %arg2[%dma_start3A_20, %dma_start3A_21] : memref<50000x128xf32, #tpu.memory_space<hbm>> -> memref<50000x128xf32, #tpu.memory_space<hbm>>
    tpu.enqueue_indirect_dma source(%dma_start3A_22 : memref<50000x128xf32, #tpu.memory_space<hbm>>) target(%arg8 : memref<128x128xf32, #tpu.memory_space<vmem>>) offsets(%dma_start3A_19 : memref<128xi32, #tpu.memory_space<vmem>>) semaphore(%arg12 : memref<!tpu.dma_semaphore, #tpu.memory_space<semaphore_mem>>)
    %dma_start3A_23 = arith.constant 3 : i32
    %dma_start3A_24 = arith.constant 0 : i32
    %dma_start3A_25 = tpu.memref_slice %arg5[%dma_start3A_23, %dma_start3A_24] : memref<22x128xi32, #tpu.memory_space<vmem>> -> memref<1x128xi32, #tpu.memory_space<vmem>>
    %dma_start3A_26 = tpu.memref_squeeze %dma_start3A_25 : memref<1x128xi32, #tpu.memory_space<vmem>> -> memref<128xi32, #tpu.memory_space<vmem>>
    %dma_start3A_27 = arith.constant 0 : i32
    %dma_start3A_28 = arith.constant 0 : i32
    %dma_start3A_29 = tpu.memref_slice %arg2[%dma_start3A_27, %dma_start3A_28] : memref<50000x128xf32, #tpu.memory_space<hbm>> -> memref<50000x128xf32, #tpu.memory_space<hbm>>
    tpu.enqueue_indirect_dma source(%dma_start3A_29 : memref<50000x128xf32, #tpu.memory_space<hbm>>) target(%arg9 : memref<128x128xf32, #tpu.memory_space<vmem>>) offsets(%dma_start3A_26 : memref<128xi32, #tpu.memory_space<vmem>>) semaphore(%arg13 : memref<!tpu.dma_semaphore, #tpu.memory_space<semaphore_mem>>)
    %dma_wait3A = arith.constant 0 : i32
    %dma_wait3A_30 = arith.constant 0 : i32
    %dma_wait3A_31 = tpu.memref_slice %arg5[%dma_wait3A, %dma_wait3A_30] : memref<22x128xi32, #tpu.memory_space<vmem>> -> memref<1x128xi32, #tpu.memory_space<vmem>>
    %dma_wait3A_32 = tpu.memref_squeeze %dma_wait3A_31 : memref<1x128xi32, #tpu.memory_space<vmem>> -> memref<128xi32, #tpu.memory_space<vmem>>
    %dma_wait3A_33 = arith.constant 0 : i32
    %dma_wait3A_34 = arith.constant 0 : i32
    %dma_wait3A_35 = tpu.memref_slice %arg2[%dma_wait3A_33, %dma_wait3A_34] : memref<50000x128xf32, #tpu.memory_space<hbm>> -> memref<50000x128xf32, #tpu.memory_space<hbm>>
    tpu.wait_indirect_dma semaphore(%arg10 : memref<!tpu.dma_semaphore, #tpu.memory_space<semaphore_mem>>) src(%dma_wait3A_35 : memref<50000x128xf32, #tpu.memory_space<hbm>>) dst(%arg6 : memref<128x128xf32, #tpu.memory_space<vmem>>)
    %add3A_36 = arith.constant 0 : i32
    %add3A_37 = arith.addi %mul3A_2, %add3A_36 : i32
    %mul3A_38 = arith.constant 128 : i32
    %mul3A_39 = arith.muli %add3A_37, %mul3A_38 : i32
    %dma_start3A_40 = arith.constant 0 : i32
    %dma_start3A_41 = tpu.memref_slice %arg4[%mul3A_39, %dma_start3A_40] : memref<90112x128xf32, #tpu.memory_space<hbm>> -> memref<128x128xf32, #tpu.memory_space<hbm>>
    %dma_start3A_42 = arith.constant 0 : i32
    %dma_start3A_43 = tpu.memref_slice %arg4[%mul3A_39, %dma_start3A_42] : memref<90112x128xf32, #tpu.memory_space<hbm>> -> memref<128x128xf32, #tpu.memory_space<hbm>>
    tpu.enqueue_dma source(%arg6 : memref<128x128xf32, #tpu.memory_space<vmem>>) target(%dma_start3A_43 : memref<128x128xf32, #tpu.memory_space<hbm>>) target_semaphore(%arg14 : memref<!tpu.dma_semaphore, #tpu.memory_space<semaphore_mem>>)
    %scan3A = arith.constant 0 : i32
    %scan3A_44 = arith.constant 0 : i32
    %scan3A_45 = arith.constant 4 : i32
    %scan3A_46 = arith.addi %scan3A_44, %scan3A_45 : i32
    %scan3A_47 = arith.constant 1 : i32
    scf.for %scan3A_186 = %scan3A_44 to %scan3A_46 step %scan3A_47  : i32 {
      %mul3A_187 = arith.constant 4 : i32
      %mul3A_188 = arith.muli %scan3A_186, %mul3A_187 : i32
      %add3A_189 = arith.constant 1 : i32
      %add3A_190 = arith.addi %add3A_189, %mul3A_188 : i32
      %add3A_191 = arith.constant 0 : i32
      %add3A_192 = arith.addi %add3A_190, %add3A_191 : i32
      %dma_wait3A_193 = arith.constant 0 : i32
      %dma_wait3A_194 = tpu.memref_slice %arg5[%add3A_192, %dma_wait3A_193] : memref<22x128xi32, #tpu.memory_space<vmem>> -> memref<1x128xi32, #tpu.memory_space<vmem>>
      %dma_wait3A_195 = tpu.memref_squeeze %dma_wait3A_194 : memref<1x128xi32, #tpu.memory_space<vmem>> -> memref<128xi32, #tpu.memory_space<vmem>>
      %dma_wait3A_196 = arith.constant 0 : i32
      %dma_wait3A_197 = arith.constant 0 : i32
      %dma_wait3A_198 = tpu.memref_slice %arg2[%dma_wait3A_196, %dma_wait3A_197] : memref<50000x128xf32, #tpu.memory_space<hbm>> -> memref<50000x128xf32, #tpu.memory_space<hbm>>
      tpu.wait_indirect_dma semaphore(%arg11 : memref<!tpu.dma_semaphore, #tpu.memory_space<semaphore_mem>>) src(%dma_wait3A_198 : memref<50000x128xf32, #tpu.memory_space<hbm>>) dst(%arg7 : memref<128x128xf32, #tpu.memory_space<vmem>>)
      %add3A_199 = arith.addi %mul3A_2, %add3A_192 : i32
      %mul3A_200 = arith.constant 128 : i32
      %mul3A_201 = arith.muli %add3A_199, %mul3A_200 : i32
      %dma_start3A_202 = arith.constant 0 : i32
      %dma_start3A_203 = tpu.memref_slice %arg4[%mul3A_201, %dma_start3A_202] : memref<90112x128xf32, #tpu.memory_space<hbm>> -> memref<128x128xf32, #tpu.memory_space<hbm>>
      %dma_start3A_204 = arith.constant 0 : i32
      %dma_start3A_205 = tpu.memref_slice %arg4[%mul3A_201, %dma_start3A_204] : memref<90112x128xf32, #tpu.memory_space<hbm>> -> memref<128x128xf32, #tpu.memory_space<hbm>>
      tpu.enqueue_dma source(%arg7 : memref<128x128xf32, #tpu.memory_space<vmem>>) target(%dma_start3A_205 : memref<128x128xf32, #tpu.memory_space<hbm>>) target_semaphore(%arg15 : memref<!tpu.dma_semaphore, #tpu.memory_space<semaphore_mem>>)
      %sub3A = arith.constant 1 : i32
      %sub3A_206 = arith.subi %add3A_192, %sub3A : i32
      %add3A_207 = arith.addi %mul3A_2, %sub3A_206 : i32
      %mul3A_208 = arith.constant 128 : i32
      %mul3A_209 = arith.muli %add3A_207, %mul3A_208 : i32
      %dma_wait3A_210 = arith.constant 0 : i32
      %dma_wait3A_211 = tpu.memref_slice %arg4[%mul3A_209, %dma_wait3A_210] : memref<90112x128xf32, #tpu.memory_space<hbm>> -> memref<128x128xf32, #tpu.memory_space<hbm>>
      %dma_wait3A_212 = arith.constant 0 : i32
      %dma_wait3A_213 = tpu.memref_slice %arg4[%mul3A_209, %dma_wait3A_212] : memref<90112x128xf32, #tpu.memory_space<hbm>> -> memref<128x128xf32, #tpu.memory_space<hbm>>
      tpu.wait_dma2 semaphore(%arg14 : memref<!tpu.dma_semaphore, #tpu.memory_space<semaphore_mem>>) src(%arg6 : memref<128x128xf32, #tpu.memory_space<vmem>>) dst(%dma_wait3A_213 : memref<128x128xf32, #tpu.memory_space<hbm>>)
      %add3A_214 = arith.constant 3 : i32
      %add3A_215 = arith.addi %add3A_192, %add3A_214 : i32
      %dma_start3A_216 = arith.constant 0 : i32
      %dma_start3A_217 = tpu.memref_slice %arg5[%add3A_215, %dma_start3A_216] : memref<22x128xi32, #tpu.memory_space<vmem>> -> memref<1x128xi32, #tpu.memory_space<vmem>>
      %dma_start3A_218 = tpu.memref_squeeze %dma_start3A_217 : memref<1x128xi32, #tpu.memory_space<vmem>> -> memref<128xi32, #tpu.memory_space<vmem>>
      %dma_start3A_219 = arith.constant 0 : i32
      %dma_start3A_220 = arith.constant 0 : i32
      %dma_start3A_221 = tpu.memref_slice %arg2[%dma_start3A_219, %dma_start3A_220] : memref<50000x128xf32, #tpu.memory_space<hbm>> -> memref<50000x128xf32, #tpu.memory_space<hbm>>
      tpu.enqueue_indirect_dma source(%dma_start3A_221 : memref<50000x128xf32, #tpu.memory_space<hbm>>) target(%arg6 : memref<128x128xf32, #tpu.memory_space<vmem>>) offsets(%dma_start3A_218 : memref<128xi32, #tpu.memory_space<vmem>>) semaphore(%arg10 : memref<!tpu.dma_semaphore, #tpu.memory_space<semaphore_mem>>)
      %add3A_222 = arith.constant 1 : i32
      %add3A_223 = arith.addi %add3A_190, %add3A_222 : i32
      %dma_wait3A_224 = arith.constant 0 : i32
      %dma_wait3A_225 = tpu.memref_slice %arg5[%add3A_223, %dma_wait3A_224] : memref<22x128xi32, #tpu.memory_space<vmem>> -> memref<1x128xi32, #tpu.memory_space<vmem>>
      %dma_wait3A_226 = tpu.memref_squeeze %dma_wait3A_225 : memref<1x128xi32, #tpu.memory_space<vmem>> -> memref<128xi32, #tpu.memory_space<vmem>>
      %dma_wait3A_227 = arith.constant 0 : i32
      %dma_wait3A_228 = arith.constant 0 : i32
      %dma_wait3A_229 = tpu.memref_slice %arg2[%dma_wait3A_227, %dma_wait3A_228] : memref<50000x128xf32, #tpu.memory_space<hbm>> -> memref<50000x128xf32, #tpu.memory_space<hbm>>
      tpu.wait_indirect_dma semaphore(%arg12 : memref<!tpu.dma_semaphore, #tpu.memory_space<semaphore_mem>>) src(%dma_wait3A_229 : memref<50000x128xf32, #tpu.memory_space<hbm>>) dst(%arg8 : memref<128x128xf32, #tpu.memory_space<vmem>>)
      %add3A_230 = arith.addi %mul3A_2, %add3A_223 : i32
      %mul3A_231 = arith.constant 128 : i32
      %mul3A_232 = arith.muli %add3A_230, %mul3A_231 : i32
      %dma_start3A_233 = arith.constant 0 : i32
      %dma_start3A_234 = tpu.memref_slice %arg4[%mul3A_232, %dma_start3A_233] : memref<90112x128xf32, #tpu.memory_space<hbm>> -> memref<128x128xf32, #tpu.memory_space<hbm>>
      %dma_start3A_235 = arith.constant 0 : i32
      %dma_start3A_236 = tpu.memref_slice %arg4[%mul3A_232, %dma_start3A_235] : memref<90112x128xf32, #tpu.memory_space<hbm>> -> memref<128x128xf32, #tpu.memory_space<hbm>>
      tpu.enqueue_dma source(%arg8 : memref<128x128xf32, #tpu.memory_space<vmem>>) target(%dma_start3A_236 : memref<128x128xf32, #tpu.memory_space<hbm>>) target_semaphore(%arg16 : memref<!tpu.dma_semaphore, #tpu.memory_space<semaphore_mem>>)
      %sub3A_237 = arith.constant 1 : i32
      %sub3A_238 = arith.subi %add3A_223, %sub3A_237 : i32
      %add3A_239 = arith.addi %mul3A_2, %sub3A_238 : i32
      %mul3A_240 = arith.constant 128 : i32
      %mul3A_241 = arith.muli %add3A_239, %mul3A_240 : i32
      %dma_wait3A_242 = arith.constant 0 : i32
      %dma_wait3A_243 = tpu.memref_slice %arg4[%mul3A_241, %dma_wait3A_242] : memref<90112x128xf32, #tpu.memory_space<hbm>> -> memref<128x128xf32, #tpu.memory_space<hbm>>
      %dma_wait3A_244 = arith.constant 0 : i32
      %dma_wait3A_245 = tpu.memref_slice %arg4[%mul3A_241, %dma_wait3A_244] : memref<90112x128xf32, #tpu.memory_space<hbm>> -> memref<128x128xf32, #tpu.memory_space<hbm>>
      tpu.wait_dma2 semaphore(%arg15 : memref<!tpu.dma_semaphore, #tpu.memory_space<semaphore_mem>>) src(%arg7 : memref<128x128xf32, #tpu.memory_space<vmem>>) dst(%dma_wait3A_245 : memref<128x128xf32, #tpu.memory_space<hbm>>)
      %add3A_246 = arith.constant 3 : i32
      %add3A_247 = arith.addi %add3A_223, %add3A_246 : i32
      %dma_start3A_248 = arith.constant 0 : i32
      %dma_start3A_249 = tpu.memref_slice %arg5[%add3A_247, %dma_start3A_248] : memref<22x128xi32, #tpu.memory_space<vmem>> -> memref<1x128xi32, #tpu.memory_space<vmem>>
      %dma_start3A_250 = tpu.memref_squeeze %dma_start3A_249 : memref<1x128xi32, #tpu.memory_space<vmem>> -> memref<128xi32, #tpu.memory_space<vmem>>
      %dma_start3A_251 = arith.constant 0 : i32
      %dma_start3A_252 = arith.constant 0 : i32
      %dma_start3A_253 = tpu.memref_slice %arg2[%dma_start3A_251, %dma_start3A_252] : memref<50000x128xf32, #tpu.memory_space<hbm>> -> memref<50000x128xf32, #tpu.memory_space<hbm>>
      tpu.enqueue_indirect_dma source(%dma_start3A_253 : memref<50000x128xf32, #tpu.memory_space<hbm>>) target(%arg7 : memref<128x128xf32, #tpu.memory_space<vmem>>) offsets(%dma_start3A_250 : memref<128xi32, #tpu.memory_space<vmem>>) semaphore(%arg11 : memref<!tpu.dma_semaphore, #tpu.memory_space<semaphore_mem>>)
      %add3A_254 = arith.constant 2 : i32
      %add3A_255 = arith.addi %add3A_190, %add3A_254 : i32
      %dma_wait3A_256 = arith.constant 0 : i32
      %dma_wait3A_257 = tpu.memref_slice %arg5[%add3A_255, %dma_wait3A_256] : memref<22x128xi32, #tpu.memory_space<vmem>> -> memref<1x128xi32, #tpu.memory_space<vmem>>
      %dma_wait3A_258 = tpu.memref_squeeze %dma_wait3A_257 : memref<1x128xi32, #tpu.memory_space<vmem>> -> memref<128xi32, #tpu.memory_space<vmem>>
      %dma_wait3A_259 = arith.constant 0 : i32
      %dma_wait3A_260 = arith.constant 0 : i32
      %dma_wait3A_261 = tpu.memref_slice %arg2[%dma_wait3A_259, %dma_wait3A_260] : memref<50000x128xf32, #tpu.memory_space<hbm>> -> memref<50000x128xf32, #tpu.memory_space<hbm>>
      tpu.wait_indirect_dma semaphore(%arg13 : memref<!tpu.dma_semaphore, #tpu.memory_space<semaphore_mem>>) src(%dma_wait3A_261 : memref<50000x128xf32, #tpu.memory_space<hbm>>) dst(%arg9 : memref<128x128xf32, #tpu.memory_space<vmem>>)
      %add3A_262 = arith.addi %mul3A_2, %add3A_255 : i32
      %mul3A_263 = arith.constant 128 : i32
      %mul3A_264 = arith.muli %add3A_262, %mul3A_263 : i32
      %dma_start3A_265 = arith.constant 0 : i32
      %dma_start3A_266 = tpu.memref_slice %arg4[%mul3A_264, %dma_start3A_265] : memref<90112x128xf32, #tpu.memory_space<hbm>> -> memref<128x128xf32, #tpu.memory_space<hbm>>
      %dma_start3A_267 = arith.constant 0 : i32
      %dma_start3A_268 = tpu.memref_slice %arg4[%mul3A_264, %dma_start3A_267] : memref<90112x128xf32, #tpu.memory_space<hbm>> -> memref<128x128xf32, #tpu.memory_space<hbm>>
      tpu.enqueue_dma source(%arg9 : memref<128x128xf32, #tpu.memory_space<vmem>>) target(%dma_start3A_268 : memref<128x128xf32, #tpu.memory_space<hbm>>) target_semaphore(%arg17 : memref<!tpu.dma_semaphore, #tpu.memory_space<semaphore_mem>>)
      %sub3A_269 = arith.constant 1 : i32
      %sub3A_270 = arith.subi %add3A_255, %sub3A_269 : i32
      %add3A_271 = arith.addi %mul3A_2, %sub3A_270 : i32
      %mul3A_272 = arith.constant 128 : i32
      %mul3A_273 = arith.muli %add3A_271, %mul3A_272 : i32
      %dma_wait3A_274 = arith.constant 0 : i32
      %dma_wait3A_275 = tpu.memref_slice %arg4[%mul3A_273, %dma_wait3A_274] : memref<90112x128xf32, #tpu.memory_space<hbm>> -> memref<128x128xf32, #tpu.memory_space<hbm>>
      %dma_wait3A_276 = arith.constant 0 : i32
      %dma_wait3A_277 = tpu.memref_slice %arg4[%mul3A_273, %dma_wait3A_276] : memref<90112x128xf32, #tpu.memory_space<hbm>> -> memref<128x128xf32, #tpu.memory_space<hbm>>
      tpu.wait_dma2 semaphore(%arg16 : memref<!tpu.dma_semaphore, #tpu.memory_space<semaphore_mem>>) src(%arg8 : memref<128x128xf32, #tpu.memory_space<vmem>>) dst(%dma_wait3A_277 : memref<128x128xf32, #tpu.memory_space<hbm>>)
      %add3A_278 = arith.constant 3 : i32
      %add3A_279 = arith.addi %add3A_255, %add3A_278 : i32
      %dma_start3A_280 = arith.constant 0 : i32
      %dma_start3A_281 = tpu.memref_slice %arg5[%add3A_279, %dma_start3A_280] : memref<22x128xi32, #tpu.memory_space<vmem>> -> memref<1x128xi32, #tpu.memory_space<vmem>>
      %dma_start3A_282 = tpu.memref_squeeze %dma_start3A_281 : memref<1x128xi32, #tpu.memory_space<vmem>> -> memref<128xi32, #tpu.memory_space<vmem>>
      %dma_start3A_283 = arith.constant 0 : i32
      %dma_start3A_284 = arith.constant 0 : i32
      %dma_start3A_285 = tpu.memref_slice %arg2[%dma_start3A_283, %dma_start3A_284] : memref<50000x128xf32, #tpu.memory_space<hbm>> -> memref<50000x128xf32, #tpu.memory_space<hbm>>
      tpu.enqueue_indirect_dma source(%dma_start3A_285 : memref<50000x128xf32, #tpu.memory_space<hbm>>) target(%arg8 : memref<128x128xf32, #tpu.memory_space<vmem>>) offsets(%dma_start3A_282 : memref<128xi32, #tpu.memory_space<vmem>>) semaphore(%arg12 : memref<!tpu.dma_semaphore, #tpu.memory_space<semaphore_mem>>)
      %add3A_286 = arith.constant 3 : i32
      %add3A_287 = arith.addi %add3A_190, %add3A_286 : i32
      %dma_wait3A_288 = arith.constant 0 : i32
      %dma_wait3A_289 = tpu.memref_slice %arg5[%add3A_287, %dma_wait3A_288] : memref<22x128xi32, #tpu.memory_space<vmem>> -> memref<1x128xi32, #tpu.memory_space<vmem>>
      %dma_wait3A_290 = tpu.memref_squeeze %dma_wait3A_289 : memref<1x128xi32, #tpu.memory_space<vmem>> -> memref<128xi32, #tpu.memory_space<vmem>>
      %dma_wait3A_291 = arith.constant 0 : i32
      %dma_wait3A_292 = arith.constant 0 : i32
      %dma_wait3A_293 = tpu.memref_slice %arg2[%dma_wait3A_291, %dma_wait3A_292] : memref<50000x128xf32, #tpu.memory_space<hbm>> -> memref<50000x128xf32, #tpu.memory_space<hbm>>
      tpu.wait_indirect_dma semaphore(%arg10 : memref<!tpu.dma_semaphore, #tpu.memory_space<semaphore_mem>>) src(%dma_wait3A_293 : memref<50000x128xf32, #tpu.memory_space<hbm>>) dst(%arg6 : memref<128x128xf32, #tpu.memory_space<vmem>>)
      %add3A_294 = arith.addi %mul3A_2, %add3A_287 : i32
      %mul3A_295 = arith.constant 128 : i32
      %mul3A_296 = arith.muli %add3A_294, %mul3A_295 : i32
      %dma_start3A_297 = arith.constant 0 : i32
      %dma_start3A_298 = tpu.memref_slice %arg4[%mul3A_296, %dma_start3A_297] : memref<90112x128xf32, #tpu.memory_space<hbm>> -> memref<128x128xf32, #tpu.memory_space<hbm>>
      %dma_start3A_299 = arith.constant 0 : i32
      %dma_start3A_300 = tpu.memref_slice %arg4[%mul3A_296, %dma_start3A_299] : memref<90112x128xf32, #tpu.memory_space<hbm>> -> memref<128x128xf32, #tpu.memory_space<hbm>>
      tpu.enqueue_dma source(%arg6 : memref<128x128xf32, #tpu.memory_space<vmem>>) target(%dma_start3A_300 : memref<128x128xf32, #tpu.memory_space<hbm>>) target_semaphore(%arg14 : memref<!tpu.dma_semaphore, #tpu.memory_space<semaphore_mem>>)
      %sub3A_301 = arith.constant 1 : i32
      %sub3A_302 = arith.subi %add3A_287, %sub3A_301 : i32
      %add3A_303 = arith.addi %mul3A_2, %sub3A_302 : i32
      %mul3A_304 = arith.constant 128 : i32
      %mul3A_305 = arith.muli %add3A_303, %mul3A_304 : i32
      %dma_wait3A_306 = arith.constant 0 : i32
      %dma_wait3A_307 = tpu.memref_slice %arg4[%mul3A_305, %dma_wait3A_306] : memref<90112x128xf32, #tpu.memory_space<hbm>> -> memref<128x128xf32, #tpu.memory_space<hbm>>
      %dma_wait3A_308 = arith.constant 0 : i32
      %dma_wait3A_309 = tpu.memref_slice %arg4[%mul3A_305, %dma_wait3A_308] : memref<90112x128xf32, #tpu.memory_space<hbm>> -> memref<128x128xf32, #tpu.memory_space<hbm>>
      tpu.wait_dma2 semaphore(%arg17 : memref<!tpu.dma_semaphore, #tpu.memory_space<semaphore_mem>>) src(%arg9 : memref<128x128xf32, #tpu.memory_space<vmem>>) dst(%dma_wait3A_309 : memref<128x128xf32, #tpu.memory_space<hbm>>)
      %add3A_310 = arith.constant 3 : i32
      %add3A_311 = arith.addi %add3A_287, %add3A_310 : i32
      %dma_start3A_312 = arith.constant 0 : i32
      %dma_start3A_313 = tpu.memref_slice %arg5[%add3A_311, %dma_start3A_312] : memref<22x128xi32, #tpu.memory_space<vmem>> -> memref<1x128xi32, #tpu.memory_space<vmem>>
      %dma_start3A_314 = tpu.memref_squeeze %dma_start3A_313 : memref<1x128xi32, #tpu.memory_space<vmem>> -> memref<128xi32, #tpu.memory_space<vmem>>
      %dma_start3A_315 = arith.constant 0 : i32
      %dma_start3A_316 = arith.constant 0 : i32
      %dma_start3A_317 = tpu.memref_slice %arg2[%dma_start3A_315, %dma_start3A_316] : memref<50000x128xf32, #tpu.memory_space<hbm>> -> memref<50000x128xf32, #tpu.memory_space<hbm>>
      tpu.enqueue_indirect_dma source(%dma_start3A_317 : memref<50000x128xf32, #tpu.memory_space<hbm>>) target(%arg9 : memref<128x128xf32, #tpu.memory_space<vmem>>) offsets(%dma_start3A_314 : memref<128xi32, #tpu.memory_space<vmem>>) semaphore(%arg13 : memref<!tpu.dma_semaphore, #tpu.memory_space<semaphore_mem>>)
    }
    %scan3A_48 = arith.constant 4 : i32
    %dma_wait3A_49 = arith.constant 17 : i32
    %dma_wait3A_50 = arith.constant 0 : i32
    %dma_wait3A_51 = tpu.memref_slice %arg5[%dma_wait3A_49, %dma_wait3A_50] : memref<22x128xi32, #tpu.memory_space<vmem>> -> memref<1x128xi32, #tpu.memory_space<vmem>>
    %dma_wait3A_52 = tpu.memref_squeeze %dma_wait3A_51 : memref<1x128xi32, #tpu.memory_space<vmem>> -> memref<128xi32, #tpu.memory_space<vmem>>
    %dma_wait3A_53 = arith.constant 0 : i32
    %dma_wait3A_54 = arith.constant 0 : i32
    %dma_wait3A_55 = tpu.memref_slice %arg2[%dma_wait3A_53, %dma_wait3A_54] : memref<50000x128xf32, #tpu.memory_space<hbm>> -> memref<50000x128xf32, #tpu.memory_space<hbm>>
    tpu.wait_indirect_dma semaphore(%arg11 : memref<!tpu.dma_semaphore, #tpu.memory_space<semaphore_mem>>) src(%dma_wait3A_55 : memref<50000x128xf32, #tpu.memory_space<hbm>>) dst(%arg7 : memref<128x128xf32, #tpu.memory_space<vmem>>)
    %add3A_56 = arith.constant 17 : i32
    %add3A_57 = arith.addi %mul3A_2, %add3A_56 : i32
    %mul3A_58 = arith.constant 128 : i32
    %mul3A_59 = arith.muli %add3A_57, %mul3A_58 : i32
    %dma_start3A_60 = arith.constant 0 : i32
    %dma_start3A_61 = tpu.memref_slice %arg4[%mul3A_59, %dma_start3A_60] : memref<90112x128xf32, #tpu.memory_space<hbm>> -> memref<128x128xf32, #tpu.memory_space<hbm>>
    %dma_start3A_62 = arith.constant 0 : i32
    %dma_start3A_63 = tpu.memref_slice %arg4[%mul3A_59, %dma_start3A_62] : memref<90112x128xf32, #tpu.memory_space<hbm>> -> memref<128x128xf32, #tpu.memory_space<hbm>>
    tpu.enqueue_dma source(%arg7 : memref<128x128xf32, #tpu.memory_space<vmem>>) target(%dma_start3A_63 : memref<128x128xf32, #tpu.memory_space<hbm>>) target_semaphore(%arg15 : memref<!tpu.dma_semaphore, #tpu.memory_space<semaphore_mem>>)
    %add3A_64 = arith.constant 16 : i32
    %add3A_65 = arith.addi %mul3A_2, %add3A_64 : i32
    %mul3A_66 = arith.constant 128 : i32
    %mul3A_67 = arith.muli %add3A_65, %mul3A_66 : i32
    %dma_wait3A_68 = arith.constant 0 : i32
    %dma_wait3A_69 = tpu.memref_slice %arg4[%mul3A_67, %dma_wait3A_68] : memref<90112x128xf32, #tpu.memory_space<hbm>> -> memref<128x128xf32, #tpu.memory_space<hbm>>
    %dma_wait3A_70 = arith.constant 0 : i32
    %dma_wait3A_71 = tpu.memref_slice %arg4[%mul3A_67, %dma_wait3A_70] : memref<90112x128xf32, #tpu.memory_space<hbm>> -> memref<128x128xf32, #tpu.memory_space<hbm>>
    tpu.wait_dma2 semaphore(%arg14 : memref<!tpu.dma_semaphore, #tpu.memory_space<semaphore_mem>>) src(%arg6 : memref<128x128xf32, #tpu.memory_space<vmem>>) dst(%dma_wait3A_71 : memref<128x128xf32, #tpu.memory_space<hbm>>)
    %dma_start3A_72 = arith.constant 20 : i32
    %dma_start3A_73 = arith.constant 0 : i32
    %dma_start3A_74 = tpu.memref_slice %arg5[%dma_start3A_72, %dma_start3A_73] : memref<22x128xi32, #tpu.memory_space<vmem>> -> memref<1x128xi32, #tpu.memory_space<vmem>>
    %dma_start3A_75 = tpu.memref_squeeze %dma_start3A_74 : memref<1x128xi32, #tpu.memory_space<vmem>> -> memref<128xi32, #tpu.memory_space<vmem>>
    %dma_start3A_76 = arith.constant 0 : i32
    %dma_start3A_77 = arith.constant 0 : i32
    %dma_start3A_78 = tpu.memref_slice %arg2[%dma_start3A_76, %dma_start3A_77] : memref<50000x128xf32, #tpu.memory_space<hbm>> -> memref<50000x128xf32, #tpu.memory_space<hbm>>
    tpu.enqueue_indirect_dma source(%dma_start3A_78 : memref<50000x128xf32, #tpu.memory_space<hbm>>) target(%arg6 : memref<128x128xf32, #tpu.memory_space<vmem>>) offsets(%dma_start3A_75 : memref<128xi32, #tpu.memory_space<vmem>>) semaphore(%arg10 : memref<!tpu.dma_semaphore, #tpu.memory_space<semaphore_mem>>)
    %dma_wait3A_79 = arith.constant 18 : i32
    %dma_wait3A_80 = arith.constant 0 : i32
    %dma_wait3A_81 = tpu.memref_slice %arg5[%dma_wait3A_79, %dma_wait3A_80] : memref<22x128xi32, #tpu.memory_space<vmem>> -> memref<1x128xi32, #tpu.memory_space<vmem>>
    %dma_wait3A_82 = tpu.memref_squeeze %dma_wait3A_81 : memref<1x128xi32, #tpu.memory_space<vmem>> -> memref<128xi32, #tpu.memory_space<vmem>>
    %dma_wait3A_83 = arith.constant 0 : i32
    %dma_wait3A_84 = arith.constant 0 : i32
    %dma_wait3A_85 = tpu.memref_slice %arg2[%dma_wait3A_83, %dma_wait3A_84] : memref<50000x128xf32, #tpu.memory_space<hbm>> -> memref<50000x128xf32, #tpu.memory_space<hbm>>
    tpu.wait_indirect_dma semaphore(%arg12 : memref<!tpu.dma_semaphore, #tpu.memory_space<semaphore_mem>>) src(%dma_wait3A_85 : memref<50000x128xf32, #tpu.memory_space<hbm>>) dst(%arg8 : memref<128x128xf32, #tpu.memory_space<vmem>>)
    %add3A_86 = arith.constant 18 : i32
    %add3A_87 = arith.addi %mul3A_2, %add3A_86 : i32
    %mul3A_88 = arith.constant 128 : i32
    %mul3A_89 = arith.muli %add3A_87, %mul3A_88 : i32
    %dma_start3A_90 = arith.constant 0 : i32
    %dma_start3A_91 = tpu.memref_slice %arg4[%mul3A_89, %dma_start3A_90] : memref<90112x128xf32, #tpu.memory_space<hbm>> -> memref<128x128xf32, #tpu.memory_space<hbm>>
    %dma_start3A_92 = arith.constant 0 : i32
    %dma_start3A_93 = tpu.memref_slice %arg4[%mul3A_89, %dma_start3A_92] : memref<90112x128xf32, #tpu.memory_space<hbm>> -> memref<128x128xf32, #tpu.memory_space<hbm>>
    tpu.enqueue_dma source(%arg8 : memref<128x128xf32, #tpu.memory_space<vmem>>) target(%dma_start3A_93 : memref<128x128xf32, #tpu.memory_space<hbm>>) target_semaphore(%arg16 : memref<!tpu.dma_semaphore, #tpu.memory_space<semaphore_mem>>)
    %add3A_94 = arith.constant 17 : i32
    %add3A_95 = arith.addi %mul3A_2, %add3A_94 : i32
    %mul3A_96 = arith.constant 128 : i32
    %mul3A_97 = arith.muli %add3A_95, %mul3A_96 : i32
    %dma_wait3A_98 = arith.constant 0 : i32
    %dma_wait3A_99 = tpu.memref_slice %arg4[%mul3A_97, %dma_wait3A_98] : memref<90112x128xf32, #tpu.memory_space<hbm>> -> memref<128x128xf32, #tpu.memory_space<hbm>>
    %dma_wait3A_100 = arith.constant 0 : i32
    %dma_wait3A_101 = tpu.memref_slice %arg4[%mul3A_97, %dma_wait3A_100] : memref<90112x128xf32, #tpu.memory_space<hbm>> -> memref<128x128xf32, #tpu.memory_space<hbm>>
    tpu.wait_dma2 semaphore(%arg15 : memref<!tpu.dma_semaphore, #tpu.memory_space<semaphore_mem>>) src(%arg7 : memref<128x128xf32, #tpu.memory_space<vmem>>) dst(%dma_wait3A_101 : memref<128x128xf32, #tpu.memory_space<hbm>>)
    %dma_start3A_102 = arith.constant 21 : i32
    %dma_start3A_103 = arith.constant 0 : i32
    %dma_start3A_104 = tpu.memref_slice %arg5[%dma_start3A_102, %dma_start3A_103] : memref<22x128xi32, #tpu.memory_space<vmem>> -> memref<1x128xi32, #tpu.memory_space<vmem>>
    %dma_start3A_105 = tpu.memref_squeeze %dma_start3A_104 : memref<1x128xi32, #tpu.memory_space<vmem>> -> memref<128xi32, #tpu.memory_space<vmem>>
    %dma_start3A_106 = arith.constant 0 : i32
    %dma_start3A_107 = arith.constant 0 : i32
    %dma_start3A_108 = tpu.memref_slice %arg2[%dma_start3A_106, %dma_start3A_107] : memref<50000x128xf32, #tpu.memory_space<hbm>> -> memref<50000x128xf32, #tpu.memory_space<hbm>>
    tpu.enqueue_indirect_dma source(%dma_start3A_108 : memref<50000x128xf32, #tpu.memory_space<hbm>>) target(%arg7 : memref<128x128xf32, #tpu.memory_space<vmem>>) offsets(%dma_start3A_105 : memref<128xi32, #tpu.memory_space<vmem>>) semaphore(%arg11 : memref<!tpu.dma_semaphore, #tpu.memory_space<semaphore_mem>>)
    %dma_wait3A_109 = arith.constant 19 : i32
    %dma_wait3A_110 = arith.constant 0 : i32
    %dma_wait3A_111 = tpu.memref_slice %arg5[%dma_wait3A_109, %dma_wait3A_110] : memref<22x128xi32, #tpu.memory_space<vmem>> -> memref<1x128xi32, #tpu.memory_space<vmem>>
    %dma_wait3A_112 = tpu.memref_squeeze %dma_wait3A_111 : memref<1x128xi32, #tpu.memory_space<vmem>> -> memref<128xi32, #tpu.memory_space<vmem>>
    %dma_wait3A_113 = arith.constant 0 : i32
    %dma_wait3A_114 = arith.constant 0 : i32
    %dma_wait3A_115 = tpu.memref_slice %arg2[%dma_wait3A_113, %dma_wait3A_114] : memref<50000x128xf32, #tpu.memory_space<hbm>> -> memref<50000x128xf32, #tpu.memory_space<hbm>>
    tpu.wait_indirect_dma semaphore(%arg13 : memref<!tpu.dma_semaphore, #tpu.memory_space<semaphore_mem>>) src(%dma_wait3A_115 : memref<50000x128xf32, #tpu.memory_space<hbm>>) dst(%arg9 : memref<128x128xf32, #tpu.memory_space<vmem>>)
    %add3A_116 = arith.constant 19 : i32
    %add3A_117 = arith.addi %mul3A_2, %add3A_116 : i32
    %mul3A_118 = arith.constant 128 : i32
    %mul3A_119 = arith.muli %add3A_117, %mul3A_118 : i32
    %dma_start3A_120 = arith.constant 0 : i32
    %dma_start3A_121 = tpu.memref_slice %arg4[%mul3A_119, %dma_start3A_120] : memref<90112x128xf32, #tpu.memory_space<hbm>> -> memref<128x128xf32, #tpu.memory_space<hbm>>
    %dma_start3A_122 = arith.constant 0 : i32
    %dma_start3A_123 = tpu.memref_slice %arg4[%mul3A_119, %dma_start3A_122] : memref<90112x128xf32, #tpu.memory_space<hbm>> -> memref<128x128xf32, #tpu.memory_space<hbm>>
    tpu.enqueue_dma source(%arg9 : memref<128x128xf32, #tpu.memory_space<vmem>>) target(%dma_start3A_123 : memref<128x128xf32, #tpu.memory_space<hbm>>) target_semaphore(%arg17 : memref<!tpu.dma_semaphore, #tpu.memory_space<semaphore_mem>>)
    %add3A_124 = arith.constant 18 : i32
    %add3A_125 = arith.addi %mul3A_2, %add3A_124 : i32
    %mul3A_126 = arith.constant 128 : i32
    %mul3A_127 = arith.muli %add3A_125, %mul3A_126 : i32
    %dma_wait3A_128 = arith.constant 0 : i32
    %dma_wait3A_129 = tpu.memref_slice %arg4[%mul3A_127, %dma_wait3A_128] : memref<90112x128xf32, #tpu.memory_space<hbm>> -> memref<128x128xf32, #tpu.memory_space<hbm>>
    %dma_wait3A_130 = arith.constant 0 : i32
    %dma_wait3A_131 = tpu.memref_slice %arg4[%mul3A_127, %dma_wait3A_130] : memref<90112x128xf32, #tpu.memory_space<hbm>> -> memref<128x128xf32, #tpu.memory_space<hbm>>
    tpu.wait_dma2 semaphore(%arg16 : memref<!tpu.dma_semaphore, #tpu.memory_space<semaphore_mem>>) src(%arg8 : memref<128x128xf32, #tpu.memory_space<vmem>>) dst(%dma_wait3A_131 : memref<128x128xf32, #tpu.memory_space<hbm>>)
    %dma_wait3A_132 = arith.constant 20 : i32
    %dma_wait3A_133 = arith.constant 0 : i32
    %dma_wait3A_134 = tpu.memref_slice %arg5[%dma_wait3A_132, %dma_wait3A_133] : memref<22x128xi32, #tpu.memory_space<vmem>> -> memref<1x128xi32, #tpu.memory_space<vmem>>
    %dma_wait3A_135 = tpu.memref_squeeze %dma_wait3A_134 : memref<1x128xi32, #tpu.memory_space<vmem>> -> memref<128xi32, #tpu.memory_space<vmem>>
    %dma_wait3A_136 = arith.constant 0 : i32
    %dma_wait3A_137 = arith.constant 0 : i32
    %dma_wait3A_138 = tpu.memref_slice %arg2[%dma_wait3A_136, %dma_wait3A_137] : memref<50000x128xf32, #tpu.memory_space<hbm>> -> memref<50000x128xf32, #tpu.memory_space<hbm>>
    tpu.wait_indirect_dma semaphore(%arg10 : memref<!tpu.dma_semaphore, #tpu.memory_space<semaphore_mem>>) src(%dma_wait3A_138 : memref<50000x128xf32, #tpu.memory_space<hbm>>) dst(%arg6 : memref<128x128xf32, #tpu.memory_space<vmem>>)
    %add3A_139 = arith.constant 20 : i32
    %add3A_140 = arith.addi %mul3A_2, %add3A_139 : i32
    %mul3A_141 = arith.constant 128 : i32
    %mul3A_142 = arith.muli %add3A_140, %mul3A_141 : i32
    %dma_start3A_143 = arith.constant 0 : i32
    %dma_start3A_144 = tpu.memref_slice %arg4[%mul3A_142, %dma_start3A_143] : memref<90112x128xf32, #tpu.memory_space<hbm>> -> memref<128x128xf32, #tpu.memory_space<hbm>>
    %dma_start3A_145 = arith.constant 0 : i32
    %dma_start3A_146 = tpu.memref_slice %arg4[%mul3A_142, %dma_start3A_145] : memref<90112x128xf32, #tpu.memory_space<hbm>> -> memref<128x128xf32, #tpu.memory_space<hbm>>
    tpu.enqueue_dma source(%arg6 : memref<128x128xf32, #tpu.memory_space<vmem>>) target(%dma_start3A_146 : memref<128x128xf32, #tpu.memory_space<hbm>>) target_semaphore(%arg14 : memref<!tpu.dma_semaphore, #tpu.memory_space<semaphore_mem>>)
    %add3A_147 = arith.constant 19 : i32
    %add3A_148 = arith.addi %mul3A_2, %add3A_147 : i32
    %mul3A_149 = arith.constant 128 : i32
    %mul3A_150 = arith.muli %add3A_148, %mul3A_149 : i32
    %dma_wait3A_151 = arith.constant 0 : i32
    %dma_wait3A_152 = tpu.memref_slice %arg4[%mul3A_150, %dma_wait3A_151] : memref<90112x128xf32, #tpu.memory_space<hbm>> -> memref<128x128xf32, #tpu.memory_space<hbm>>
    %dma_wait3A_153 = arith.constant 0 : i32
    %dma_wait3A_154 = tpu.memref_slice %arg4[%mul3A_150, %dma_wait3A_153] : memref<90112x128xf32, #tpu.memory_space<hbm>> -> memref<128x128xf32, #tpu.memory_space<hbm>>
    tpu.wait_dma2 semaphore(%arg17 : memref<!tpu.dma_semaphore, #tpu.memory_space<semaphore_mem>>) src(%arg9 : memref<128x128xf32, #tpu.memory_space<vmem>>) dst(%dma_wait3A_154 : memref<128x128xf32, #tpu.memory_space<hbm>>)
    %dma_wait3A_155 = arith.constant 21 : i32
    %dma_wait3A_156 = arith.constant 0 : i32
    %dma_wait3A_157 = tpu.memref_slice %arg5[%dma_wait3A_155, %dma_wait3A_156] : memref<22x128xi32, #tpu.memory_space<vmem>> -> memref<1x128xi32, #tpu.memory_space<vmem>>
    %dma_wait3A_158 = tpu.memref_squeeze %dma_wait3A_157 : memref<1x128xi32, #tpu.memory_space<vmem>> -> memref<128xi32, #tpu.memory_space<vmem>>
    %dma_wait3A_159 = arith.constant 0 : i32
    %dma_wait3A_160 = arith.constant 0 : i32
    %dma_wait3A_161 = tpu.memref_slice %arg2[%dma_wait3A_159, %dma_wait3A_160] : memref<50000x128xf32, #tpu.memory_space<hbm>> -> memref<50000x128xf32, #tpu.memory_space<hbm>>
    tpu.wait_indirect_dma semaphore(%arg11 : memref<!tpu.dma_semaphore, #tpu.memory_space<semaphore_mem>>) src(%dma_wait3A_161 : memref<50000x128xf32, #tpu.memory_space<hbm>>) dst(%arg7 : memref<128x128xf32, #tpu.memory_space<vmem>>)
    %add3A_162 = arith.constant 21 : i32
    %add3A_163 = arith.addi %mul3A_2, %add3A_162 : i32
    %mul3A_164 = arith.constant 128 : i32
    %mul3A_165 = arith.muli %add3A_163, %mul3A_164 : i32
    %dma_start3A_166 = arith.constant 0 : i32
    %dma_start3A_167 = tpu.memref_slice %arg4[%mul3A_165, %dma_start3A_166] : memref<90112x128xf32, #tpu.memory_space<hbm>> -> memref<128x128xf32, #tpu.memory_space<hbm>>
    %dma_start3A_168 = arith.constant 0 : i32
    %dma_start3A_169 = tpu.memref_slice %arg4[%mul3A_165, %dma_start3A_168] : memref<90112x128xf32, #tpu.memory_space<hbm>> -> memref<128x128xf32, #tpu.memory_space<hbm>>
    tpu.enqueue_dma source(%arg7 : memref<128x128xf32, #tpu.memory_space<vmem>>) target(%dma_start3A_169 : memref<128x128xf32, #tpu.memory_space<hbm>>) target_semaphore(%arg15 : memref<!tpu.dma_semaphore, #tpu.memory_space<semaphore_mem>>)
    %add3A_170 = arith.constant 20 : i32
    %add3A_171 = arith.addi %mul3A_2, %add3A_170 : i32
    %mul3A_172 = arith.constant 128 : i32
    %mul3A_173 = arith.muli %add3A_171, %mul3A_172 : i32
    %dma_wait3A_174 = arith.constant 0 : i32
    %dma_wait3A_175 = tpu.memref_slice %arg4[%mul3A_173, %dma_wait3A_174] : memref<90112x128xf32, #tpu.memory_space<hbm>> -> memref<128x128xf32, #tpu.memory_space<hbm>>
    %dma_wait3A_176 = arith.constant 0 : i32
    %dma_wait3A_177 = tpu.memref_slice %arg4[%mul3A_173, %dma_wait3A_176] : memref<90112x128xf32, #tpu.memory_space<hbm>> -> memref<128x128xf32, #tpu.memory_space<hbm>>
    tpu.wait_dma2 semaphore(%arg14 : memref<!tpu.dma_semaphore, #tpu.memory_space<semaphore_mem>>) src(%arg6 : memref<128x128xf32, #tpu.memory_space<vmem>>) dst(%dma_wait3A_177 : memref<128x128xf32, #tpu.memory_space<hbm>>)
    %add3A_178 = arith.constant 21 : i32
    %add3A_179 = arith.addi %mul3A_2, %add3A_178 : i32
    %mul3A_180 = arith.constant 128 : i32
    %mul3A_181 = arith.muli %add3A_179, %mul3A_180 : i32
    %dma_wait3A_182 = arith.constant 0 : i32
    %dma_wait3A_183 = tpu.memref_slice %arg4[%mul3A_181, %dma_wait3A_182] : memref<90112x128xf32, #tpu.memory_space<hbm>> -> memref<128x128xf32, #tpu.memory_space<hbm>>
    %dma_wait3A_184 = arith.constant 0 : i32
    %dma_wait3A_185 = tpu.memref_slice %arg4[%mul3A_181, %dma_wait3A_184] : memref<90112x128xf32, #tpu.memory_space<hbm>> -> memref<128x128xf32, #tpu.memory_space<hbm>>
    tpu.wait_dma2 semaphore(%arg15 : memref<!tpu.dma_semaphore, #tpu.memory_space<semaphore_mem>>) src(%arg7 : memref<128x128xf32, #tpu.memory_space<vmem>>) dst(%dma_wait3A_185 : memref<128x128xf32, #tpu.memory_space<hbm>>)
    return
  }
}

#map = affine_map<(d0, d1) -> (0, 0)>
#map1 = affine_map<(d0, d1) -> (0, 0, 0)>
module attributes {stable_mosaic.version = 14 : i64} {
  func.func @_sc_gather_body(%arg0: i32, %arg1: i32, %arg2: memref<50000x128xf32, #tpu.memory_space<hbm>>, %arg3: memref<32x22x128xi32, #tpu.memory_space<hbm>>, %arg4: memref<90112x128xf32, #tpu.memory_space<hbm>>, %arg5: memref<22x128xi32, #tpu.memory_space<vmem>>, %arg6: memref<128x128xf32, #tpu.memory_space<vmem>>, %arg7: memref<128x128xf32, #tpu.memory_space<vmem>>, %arg8: memref<128x128xf32, #tpu.memory_space<vmem>>, %arg9: memref<128x128xf32, #tpu.memory_space<vmem>>, %arg10: memref<!tpu.dma_semaphore, #tpu.memory_space<semaphore_mem>>, %arg11: memref<!tpu.dma_semaphore, #tpu.memory_space<semaphore_mem>>, %arg12: memref<!tpu.dma_semaphore, #tpu.memory_space<semaphore_mem>>, %arg13: memref<!tpu.dma_semaphore, #tpu.memory_space<semaphore_mem>>, %arg14: memref<!tpu.dma_semaphore, #tpu.memory_space<semaphore_mem>>, %arg15: memref<!tpu.dma_semaphore, #tpu.memory_space<semaphore_mem>>, %arg16: memref<!tpu.dma_semaphore, #tpu.memory_space<semaphore_mem>>, %arg17: memref<!tpu.dma_semaphore, #tpu.memory_space<semaphore_mem>>) attributes {dimension_semantics = [#tpu.dimension_semantics<core_parallel>, #tpu.dimension_semantics<subcore_parallel>], iteration_bounds = array<i64: 2, 16>, scalar_prefetch = 0 : i64, scratch_operands = 13 : i64, tpu.core_type = #tpu.core_type<sc_vector_subcore>, window_params = [{transform_indices = #map}, {transform_indices = #map1}, {transform_indices = #map}]} {
    %mul3A = arith.constant 2 : i32
    %mul3A_0 = arith.muli %arg1, %mul3A : i32
    %add3A = arith.addi %mul3A_0, %arg0 : i32
    %mul3A_1 = arith.constant 22 : i32
    %mul3A_2 = arith.muli %add3A, %mul3A_1 : i32
    "tpu.region"() ({
      %run_scoped3A = tpu.sem_alloc : memref<!tpu.dma_semaphore, #tpu.memory_space<semaphore_mem>>
      %dma_start3A_186 = arith.constant 0 : i32
      %dma_start3A_187 = arith.constant 0 : i32
      %dma_start3A_188 = tpu.memref_slice %arg3[%add3A, %dma_start3A_186, %dma_start3A_187] : memref<32x22x128xi32, #tpu.memory_space<hbm>> -> memref<1x22x128xi32, #tpu.memory_space<hbm>>
      %dma_start3A_189 = tpu.memref_squeeze %dma_start3A_188 : memref<1x22x128xi32, #tpu.memory_space<hbm>> -> memref<22x128xi32, #tpu.memory_space<hbm>>
      %dma_start3A_190 = arith.constant 0 : i32
      %dma_start3A_191 = arith.constant 0 : i32
      %dma_start3A_192 = tpu.memref_slice %arg3[%add3A, %dma_start3A_190, %dma_start3A_191] : memref<32x22x128xi32, #tpu.memory_space<hbm>> -> memref<1x22x128xi32, #tpu.memory_space<hbm>>
      %dma_start3A_193 = tpu.memref_squeeze %dma_start3A_192 : memref<1x22x128xi32, #tpu.memory_space<hbm>> -> memref<22x128xi32, #tpu.memory_space<hbm>>
      tpu.enqueue_dma source(%dma_start3A_193 : memref<22x128xi32, #tpu.memory_space<hbm>>) target(%arg5 : memref<22x128xi32, #tpu.memory_space<vmem>>) target_semaphore(%run_scoped3A : memref<!tpu.dma_semaphore, #tpu.memory_space<semaphore_mem>>)
      %dma_wait3A_194 = arith.constant 0 : i32
      %dma_wait3A_195 = arith.constant 0 : i32
      %dma_wait3A_196 = tpu.memref_slice %arg3[%add3A, %dma_wait3A_194, %dma_wait3A_195] : memref<32x22x128xi32, #tpu.memory_space<hbm>> -> memref<1x22x128xi32, #tpu.memory_space<hbm>>
      %dma_wait3A_197 = tpu.memref_squeeze %dma_wait3A_196 : memref<1x22x128xi32, #tpu.memory_space<hbm>> -> memref<22x128xi32, #tpu.memory_space<hbm>>
      %dma_wait3A_198 = arith.constant 0 : i32
      %dma_wait3A_199 = arith.constant 0 : i32
      %dma_wait3A_200 = tpu.memref_slice %arg3[%add3A, %dma_wait3A_198, %dma_wait3A_199] : memref<32x22x128xi32, #tpu.memory_space<hbm>> -> memref<1x22x128xi32, #tpu.memory_space<hbm>>
      %dma_wait3A_201 = tpu.memref_squeeze %dma_wait3A_200 : memref<1x22x128xi32, #tpu.memory_space<hbm>> -> memref<22x128xi32, #tpu.memory_space<hbm>>
      tpu.wait_dma2 semaphore(%run_scoped3A : memref<!tpu.dma_semaphore, #tpu.memory_space<semaphore_mem>>) src(%dma_wait3A_201 : memref<22x128xi32, #tpu.memory_space<hbm>>) dst(%arg5 : memref<22x128xi32, #tpu.memory_space<vmem>>)
      tpu.yield
    }) : () -> ()
    %dma_start3A = arith.constant 0 : i32
    %dma_start3A_3 = arith.constant 0 : i32
    %dma_start3A_4 = tpu.memref_slice %arg5[%dma_start3A, %dma_start3A_3] : memref<22x128xi32, #tpu.memory_space<vmem>> -> memref<1x128xi32, #tpu.memory_space<vmem>>
    %dma_start3A_5 = tpu.memref_squeeze %dma_start3A_4 : memref<1x128xi32, #tpu.memory_space<vmem>> -> memref<128xi32, #tpu.memory_space<vmem>>
    %dma_start3A_6 = arith.constant 0 : i32
    %dma_start3A_7 = arith.constant 0 : i32
    %dma_start3A_8 = tpu.memref_slice %arg2[%dma_start3A_6, %dma_start3A_7] : memref<50000x128xf32, #tpu.memory_space<hbm>> -> memref<50000x128xf32, #tpu.memory_space<hbm>>
    tpu.enqueue_indirect_dma source(%dma_start3A_8 : memref<50000x128xf32, #tpu.memory_space<hbm>>) target(%arg6 : memref<128x128xf32, #tpu.memory_space<vmem>>) offsets(%dma_start3A_5 : memref<128xi32, #tpu.memory_space<vmem>>) semaphore(%arg10 : memref<!tpu.dma_semaphore, #tpu.memory_space<semaphore_mem>>)
    %dma_start3A_9 = arith.constant 1 : i32
    %dma_start3A_10 = arith.constant 0 : i32
    %dma_start3A_11 = tpu.memref_slice %arg5[%dma_start3A_9, %dma_start3A_10] : memref<22x128xi32, #tpu.memory_space<vmem>> -> memref<1x128xi32, #tpu.memory_space<vmem>>
    %dma_start3A_12 = tpu.memref_squeeze %dma_start3A_11 : memref<1x128xi32, #tpu.memory_space<vmem>> -> memref<128xi32, #tpu.memory_space<vmem>>
    %dma_start3A_13 = arith.constant 0 : i32
    %dma_start3A_14 = arith.constant 0 : i32
    %dma_start3A_15 = tpu.memref_slice %arg2[%dma_start3A_13, %dma_start3A_14] : memref<50000x128xf32, #tpu.memory_space<hbm>> -> memref<50000x128xf32, #tpu.memory_space<hbm>>
    tpu.enqueue_indirect_dma source(%dma_start3A_15 : memref<50000x128xf32, #tpu.memory_space<hbm>>) target(%arg7 : memref<128x128xf32, #tpu.memory_space<vmem>>) offsets(%dma_start3A_12 : memref<128xi32, #tpu.memory_space<vmem>>) semaphore(%arg11 : memref<!tpu.dma_semaphore, #tpu.memory_space<semaphore_mem>>)
    %dma_start3A_16 = arith.constant 2 : i32
    %dma_start3A_17 = arith.constant 0 : i32
    %dma_start3A_18 = tpu.memref_slice %arg5[%dma_start3A_16, %dma_start3A_17] : memref<22x128xi32, #tpu.memory_space<vmem>> -> memref<1x128xi32, #tpu.memory_space<vmem>>
    %dma_start3A_19 = tpu.memref_squeeze %dma_start3A_18 : memref<1x128xi32, #tpu.memory_space<vmem>> -> memref<128xi32, #tpu.memory_space<vmem>>
    %dma_start3A_20 = arith.constant 0 : i32
    %dma_start3A_21 = arith.constant 0 : i32
    %dma_start3A_22 = tpu.memref_slice %arg2[%dma_start3A_20, %dma_start3A_21] : memref<50000x128xf32, #tpu.memory_space<hbm>> -> memref<50000x128xf32, #tpu.memory_space<hbm>>
    tpu.enqueue_indirect_dma source(%dma_start3A_22 : memref<50000x128xf32, #tpu.memory_space<hbm>>) target(%arg8 : memref<128x128xf32, #tpu.memory_space<vmem>>) offsets(%dma_start3A_19 : memref<128xi32, #tpu.memory_space<vmem>>) semaphore(%arg12 : memref<!tpu.dma_semaphore, #tpu.memory_space<semaphore_mem>>)
    %dma_start3A_23 = arith.constant 3 : i32
    %dma_start3A_24 = arith.constant 0 : i32
    %dma_start3A_25 = tpu.memref_slice %arg5[%dma_start3A_23, %dma_start3A_24] : memref<22x128xi32, #tpu.memory_space<vmem>> -> memref<1x128xi32, #tpu.memory_space<vmem>>
    %dma_start3A_26 = tpu.memref_squeeze %dma_start3A_25 : memref<1x128xi32, #tpu.memory_space<vmem>> -> memref<128xi32, #tpu.memory_space<vmem>>
    %dma_start3A_27 = arith.constant 0 : i32
    %dma_start3A_28 = arith.constant 0 : i32
    %dma_start3A_29 = tpu.memref_slice %arg2[%dma_start3A_27, %dma_start3A_28] : memref<50000x128xf32, #tpu.memory_space<hbm>> -> memref<50000x128xf32, #tpu.memory_space<hbm>>
    tpu.enqueue_indirect_dma source(%dma_start3A_29 : memref<50000x128xf32, #tpu.memory_space<hbm>>) target(%arg9 : memref<128x128xf32, #tpu.memory_space<vmem>>) offsets(%dma_start3A_26 : memref<128xi32, #tpu.memory_space<vmem>>) semaphore(%arg13 : memref<!tpu.dma_semaphore, #tpu.memory_space<semaphore_mem>>)
    %dma_wait3A = arith.constant 0 : i32
    %dma_wait3A_30 = arith.constant 0 : i32
    %dma_wait3A_31 = tpu.memref_slice %arg5[%dma_wait3A, %dma_wait3A_30] : memref<22x128xi32, #tpu.memory_space<vmem>> -> memref<1x128xi32, #tpu.memory_space<vmem>>
    %dma_wait3A_32 = tpu.memref_squeeze %dma_wait3A_31 : memref<1x128xi32, #tpu.memory_space<vmem>> -> memref<128xi32, #tpu.memory_space<vmem>>
    %dma_wait3A_33 = arith.constant 0 : i32
    %dma_wait3A_34 = arith.constant 0 : i32
    %dma_wait3A_35 = tpu.memref_slice %arg2[%dma_wait3A_33, %dma_wait3A_34] : memref<50000x128xf32, #tpu.memory_space<hbm>> -> memref<50000x128xf32, #tpu.memory_space<hbm>>
    tpu.wait_indirect_dma semaphore(%arg10 : memref<!tpu.dma_semaphore, #tpu.memory_space<semaphore_mem>>) src(%dma_wait3A_35 : memref<50000x128xf32, #tpu.memory_space<hbm>>) dst(%arg6 : memref<128x128xf32, #tpu.memory_space<vmem>>)
    %add3A_36 = arith.constant 0 : i32
    %add3A_37 = arith.addi %mul3A_2, %add3A_36 : i32
    %mul3A_38 = arith.constant 128 : i32
    %mul3A_39 = arith.muli %add3A_37, %mul3A_38 : i32
    %dma_start3A_40 = arith.constant 0 : i32
    %dma_start3A_41 = tpu.memref_slice %arg4[%mul3A_39, %dma_start3A_40] : memref<90112x128xf32, #tpu.memory_space<hbm>> -> memref<128x128xf32, #tpu.memory_space<hbm>>
    %dma_start3A_42 = arith.constant 0 : i32
    %dma_start3A_43 = tpu.memref_slice %arg4[%mul3A_39, %dma_start3A_42] : memref<90112x128xf32, #tpu.memory_space<hbm>> -> memref<128x128xf32, #tpu.memory_space<hbm>>
    tpu.enqueue_dma source(%arg6 : memref<128x128xf32, #tpu.memory_space<vmem>>) target(%dma_start3A_43 : memref<128x128xf32, #tpu.memory_space<hbm>>) target_semaphore(%arg14 : memref<!tpu.dma_semaphore, #tpu.memory_space<semaphore_mem>>)
    %scan3A = arith.constant 0 : i32
    %scan3A_44 = arith.constant 0 : i32
    %scan3A_45 = arith.constant 4 : i32
    %scan3A_46 = arith.addi %scan3A_44, %scan3A_45 : i32
    %scan3A_47 = arith.constant 1 : i32
    scf.for %scan3A_186 = %scan3A_44 to %scan3A_46 step %scan3A_47  : i32 {
      %mul3A_187 = arith.constant 4 : i32
      %mul3A_188 = arith.muli %scan3A_186, %mul3A_187 : i32
      %add3A_189 = arith.constant 1 : i32
      %add3A_190 = arith.addi %add3A_189, %mul3A_188 : i32
      %add3A_191 = arith.constant 0 : i32
      %add3A_192 = arith.addi %add3A_190, %add3A_191 : i32
      %dma_wait3A_193 = arith.constant 0 : i32
      %dma_wait3A_194 = tpu.memref_slice %arg5[%add3A_192, %dma_wait3A_193] : memref<22x128xi32, #tpu.memory_space<vmem>> -> memref<1x128xi32, #tpu.memory_space<vmem>>
      %dma_wait3A_195 = tpu.memref_squeeze %dma_wait3A_194 : memref<1x128xi32, #tpu.memory_space<vmem>> -> memref<128xi32, #tpu.memory_space<vmem>>
      %dma_wait3A_196 = arith.constant 0 : i32
      %dma_wait3A_197 = arith.constant 0 : i32
      %dma_wait3A_198 = tpu.memref_slice %arg2[%dma_wait3A_196, %dma_wait3A_197] : memref<50000x128xf32, #tpu.memory_space<hbm>> -> memref<50000x128xf32, #tpu.memory_space<hbm>>
      tpu.wait_indirect_dma semaphore(%arg11 : memref<!tpu.dma_semaphore, #tpu.memory_space<semaphore_mem>>) src(%dma_wait3A_198 : memref<50000x128xf32, #tpu.memory_space<hbm>>) dst(%arg7 : memref<128x128xf32, #tpu.memory_space<vmem>>)
      %add3A_199 = arith.addi %mul3A_2, %add3A_192 : i32
      %mul3A_200 = arith.constant 128 : i32
      %mul3A_201 = arith.muli %add3A_199, %mul3A_200 : i32
      %dma_start3A_202 = arith.constant 0 : i32
      %dma_start3A_203 = tpu.memref_slice %arg4[%mul3A_201, %dma_start3A_202] : memref<90112x128xf32, #tpu.memory_space<hbm>> -> memref<128x128xf32, #tpu.memory_space<hbm>>
      %dma_start3A_204 = arith.constant 0 : i32
      %dma_start3A_205 = tpu.memref_slice %arg4[%mul3A_201, %dma_start3A_204] : memref<90112x128xf32, #tpu.memory_space<hbm>> -> memref<128x128xf32, #tpu.memory_space<hbm>>
      tpu.enqueue_dma source(%arg7 : memref<128x128xf32, #tpu.memory_space<vmem>>) target(%dma_start3A_205 : memref<128x128xf32, #tpu.memory_space<hbm>>) target_semaphore(%arg15 : memref<!tpu.dma_semaphore, #tpu.memory_space<semaphore_mem>>)
      %sub3A = arith.constant 1 : i32
      %sub3A_206 = arith.subi %add3A_192, %sub3A : i32
      %add3A_207 = arith.addi %mul3A_2, %sub3A_206 : i32
      %mul3A_208 = arith.constant 128 : i32
      %mul3A_209 = arith.muli %add3A_207, %mul3A_208 : i32
      %dma_wait3A_210 = arith.constant 0 : i32
      %dma_wait3A_211 = tpu.memref_slice %arg4[%mul3A_209, %dma_wait3A_210] : memref<90112x128xf32, #tpu.memory_space<hbm>> -> memref<128x128xf32, #tpu.memory_space<hbm>>
      %dma_wait3A_212 = arith.constant 0 : i32
      %dma_wait3A_213 = tpu.memref_slice %arg4[%mul3A_209, %dma_wait3A_212] : memref<90112x128xf32, #tpu.memory_space<hbm>> -> memref<128x128xf32, #tpu.memory_space<hbm>>
      tpu.wait_dma2 semaphore(%arg14 : memref<!tpu.dma_semaphore, #tpu.memory_space<semaphore_mem>>) src(%arg6 : memref<128x128xf32, #tpu.memory_space<vmem>>) dst(%dma_wait3A_213 : memref<128x128xf32, #tpu.memory_space<hbm>>)
      %add3A_214 = arith.constant 3 : i32
      %add3A_215 = arith.addi %add3A_192, %add3A_214 : i32
      %dma_start3A_216 = arith.constant 0 : i32
      %dma_start3A_217 = tpu.memref_slice %arg5[%add3A_215, %dma_start3A_216] : memref<22x128xi32, #tpu.memory_space<vmem>> -> memref<1x128xi32, #tpu.memory_space<vmem>>
      %dma_start3A_218 = tpu.memref_squeeze %dma_start3A_217 : memref<1x128xi32, #tpu.memory_space<vmem>> -> memref<128xi32, #tpu.memory_space<vmem>>
      %dma_start3A_219 = arith.constant 0 : i32
      %dma_start3A_220 = arith.constant 0 : i32
      %dma_start3A_221 = tpu.memref_slice %arg2[%dma_start3A_219, %dma_start3A_220] : memref<50000x128xf32, #tpu.memory_space<hbm>> -> memref<50000x128xf32, #tpu.memory_space<hbm>>
      tpu.enqueue_indirect_dma source(%dma_start3A_221 : memref<50000x128xf32, #tpu.memory_space<hbm>>) target(%arg6 : memref<128x128xf32, #tpu.memory_space<vmem>>) offsets(%dma_start3A_218 : memref<128xi32, #tpu.memory_space<vmem>>) semaphore(%arg10 : memref<!tpu.dma_semaphore, #tpu.memory_space<semaphore_mem>>)
      %add3A_222 = arith.constant 1 : i32
      %add3A_223 = arith.addi %add3A_190, %add3A_222 : i32
      %dma_wait3A_224 = arith.constant 0 : i32
      %dma_wait3A_225 = tpu.memref_slice %arg5[%add3A_223, %dma_wait3A_224] : memref<22x128xi32, #tpu.memory_space<vmem>> -> memref<1x128xi32, #tpu.memory_space<vmem>>
      %dma_wait3A_226 = tpu.memref_squeeze %dma_wait3A_225 : memref<1x128xi32, #tpu.memory_space<vmem>> -> memref<128xi32, #tpu.memory_space<vmem>>
      %dma_wait3A_227 = arith.constant 0 : i32
      %dma_wait3A_228 = arith.constant 0 : i32
      %dma_wait3A_229 = tpu.memref_slice %arg2[%dma_wait3A_227, %dma_wait3A_228] : memref<50000x128xf32, #tpu.memory_space<hbm>> -> memref<50000x128xf32, #tpu.memory_space<hbm>>
      tpu.wait_indirect_dma semaphore(%arg12 : memref<!tpu.dma_semaphore, #tpu.memory_space<semaphore_mem>>) src(%dma_wait3A_229 : memref<50000x128xf32, #tpu.memory_space<hbm>>) dst(%arg8 : memref<128x128xf32, #tpu.memory_space<vmem>>)
      %add3A_230 = arith.addi %mul3A_2, %add3A_223 : i32
      %mul3A_231 = arith.constant 128 : i32
      %mul3A_232 = arith.muli %add3A_230, %mul3A_231 : i32
      %dma_start3A_233 = arith.constant 0 : i32
      %dma_start3A_234 = tpu.memref_slice %arg4[%mul3A_232, %dma_start3A_233] : memref<90112x128xf32, #tpu.memory_space<hbm>> -> memref<128x128xf32, #tpu.memory_space<hbm>>
      %dma_start3A_235 = arith.constant 0 : i32
      %dma_start3A_236 = tpu.memref_slice %arg4[%mul3A_232, %dma_start3A_235] : memref<90112x128xf32, #tpu.memory_space<hbm>> -> memref<128x128xf32, #tpu.memory_space<hbm>>
      tpu.enqueue_dma source(%arg8 : memref<128x128xf32, #tpu.memory_space<vmem>>) target(%dma_start3A_236 : memref<128x128xf32, #tpu.memory_space<hbm>>) target_semaphore(%arg16 : memref<!tpu.dma_semaphore, #tpu.memory_space<semaphore_mem>>)
      %sub3A_237 = arith.constant 1 : i32
      %sub3A_238 = arith.subi %add3A_223, %sub3A_237 : i32
      %add3A_239 = arith.addi %mul3A_2, %sub3A_238 : i32
      %mul3A_240 = arith.constant 128 : i32
      %mul3A_241 = arith.muli %add3A_239, %mul3A_240 : i32
      %dma_wait3A_242 = arith.constant 0 : i32
      %dma_wait3A_243 = tpu.memref_slice %arg4[%mul3A_241, %dma_wait3A_242] : memref<90112x128xf32, #tpu.memory_space<hbm>> -> memref<128x128xf32, #tpu.memory_space<hbm>>
      %dma_wait3A_244 = arith.constant 0 : i32
      %dma_wait3A_245 = tpu.memref_slice %arg4[%mul3A_241, %dma_wait3A_244] : memref<90112x128xf32, #tpu.memory_space<hbm>> -> memref<128x128xf32, #tpu.memory_space<hbm>>
      tpu.wait_dma2 semaphore(%arg15 : memref<!tpu.dma_semaphore, #tpu.memory_space<semaphore_mem>>) src(%arg7 : memref<128x128xf32, #tpu.memory_space<vmem>>) dst(%dma_wait3A_245 : memref<128x128xf32, #tpu.memory_space<hbm>>)
      %add3A_246 = arith.constant 3 : i32
      %add3A_247 = arith.addi %add3A_223, %add3A_246 : i32
      %dma_start3A_248 = arith.constant 0 : i32
      %dma_start3A_249 = tpu.memref_slice %arg5[%add3A_247, %dma_start3A_248] : memref<22x128xi32, #tpu.memory_space<vmem>> -> memref<1x128xi32, #tpu.memory_space<vmem>>
      %dma_start3A_250 = tpu.memref_squeeze %dma_start3A_249 : memref<1x128xi32, #tpu.memory_space<vmem>> -> memref<128xi32, #tpu.memory_space<vmem>>
      %dma_start3A_251 = arith.constant 0 : i32
      %dma_start3A_252 = arith.constant 0 : i32
      %dma_start3A_253 = tpu.memref_slice %arg2[%dma_start3A_251, %dma_start3A_252] : memref<50000x128xf32, #tpu.memory_space<hbm>> -> memref<50000x128xf32, #tpu.memory_space<hbm>>
      tpu.enqueue_indirect_dma source(%dma_start3A_253 : memref<50000x128xf32, #tpu.memory_space<hbm>>) target(%arg7 : memref<128x128xf32, #tpu.memory_space<vmem>>) offsets(%dma_start3A_250 : memref<128xi32, #tpu.memory_space<vmem>>) semaphore(%arg11 : memref<!tpu.dma_semaphore, #tpu.memory_space<semaphore_mem>>)
      %add3A_254 = arith.constant 2 : i32
      %add3A_255 = arith.addi %add3A_190, %add3A_254 : i32
      %dma_wait3A_256 = arith.constant 0 : i32
      %dma_wait3A_257 = tpu.memref_slice %arg5[%add3A_255, %dma_wait3A_256] : memref<22x128xi32, #tpu.memory_space<vmem>> -> memref<1x128xi32, #tpu.memory_space<vmem>>
      %dma_wait3A_258 = tpu.memref_squeeze %dma_wait3A_257 : memref<1x128xi32, #tpu.memory_space<vmem>> -> memref<128xi32, #tpu.memory_space<vmem>>
      %dma_wait3A_259 = arith.constant 0 : i32
      %dma_wait3A_260 = arith.constant 0 : i32
      %dma_wait3A_261 = tpu.memref_slice %arg2[%dma_wait3A_259, %dma_wait3A_260] : memref<50000x128xf32, #tpu.memory_space<hbm>> -> memref<50000x128xf32, #tpu.memory_space<hbm>>
      tpu.wait_indirect_dma semaphore(%arg13 : memref<!tpu.dma_semaphore, #tpu.memory_space<semaphore_mem>>) src(%dma_wait3A_261 : memref<50000x128xf32, #tpu.memory_space<hbm>>) dst(%arg9 : memref<128x128xf32, #tpu.memory_space<vmem>>)
      %add3A_262 = arith.addi %mul3A_2, %add3A_255 : i32
      %mul3A_263 = arith.constant 128 : i32
      %mul3A_264 = arith.muli %add3A_262, %mul3A_263 : i32
      %dma_start3A_265 = arith.constant 0 : i32
      %dma_start3A_266 = tpu.memref_slice %arg4[%mul3A_264, %dma_start3A_265] : memref<90112x128xf32, #tpu.memory_space<hbm>> -> memref<128x128xf32, #tpu.memory_space<hbm>>
      %dma_start3A_267 = arith.constant 0 : i32
      %dma_start3A_268 = tpu.memref_slice %arg4[%mul3A_264, %dma_start3A_267] : memref<90112x128xf32, #tpu.memory_space<hbm>> -> memref<128x128xf32, #tpu.memory_space<hbm>>
      tpu.enqueue_dma source(%arg9 : memref<128x128xf32, #tpu.memory_space<vmem>>) target(%dma_start3A_268 : memref<128x128xf32, #tpu.memory_space<hbm>>) target_semaphore(%arg17 : memref<!tpu.dma_semaphore, #tpu.memory_space<semaphore_mem>>)
      %sub3A_269 = arith.constant 1 : i32
      %sub3A_270 = arith.subi %add3A_255, %sub3A_269 : i32
      %add3A_271 = arith.addi %mul3A_2, %sub3A_270 : i32
      %mul3A_272 = arith.constant 128 : i32
      %mul3A_273 = arith.muli %add3A_271, %mul3A_272 : i32
      %dma_wait3A_274 = arith.constant 0 : i32
      %dma_wait3A_275 = tpu.memref_slice %arg4[%mul3A_273, %dma_wait3A_274] : memref<90112x128xf32, #tpu.memory_space<hbm>> -> memref<128x128xf32, #tpu.memory_space<hbm>>
      %dma_wait3A_276 = arith.constant 0 : i32
      %dma_wait3A_277 = tpu.memref_slice %arg4[%mul3A_273, %dma_wait3A_276] : memref<90112x128xf32, #tpu.memory_space<hbm>> -> memref<128x128xf32, #tpu.memory_space<hbm>>
      tpu.wait_dma2 semaphore(%arg16 : memref<!tpu.dma_semaphore, #tpu.memory_space<semaphore_mem>>) src(%arg8 : memref<128x128xf32, #tpu.memory_space<vmem>>) dst(%dma_wait3A_277 : memref<128x128xf32, #tpu.memory_space<hbm>>)
      %add3A_278 = arith.constant 3 : i32
      %add3A_279 = arith.addi %add3A_255, %add3A_278 : i32
      %dma_start3A_280 = arith.constant 0 : i32
      %dma_start3A_281 = tpu.memref_slice %arg5[%add3A_279, %dma_start3A_280] : memref<22x128xi32, #tpu.memory_space<vmem>> -> memref<1x128xi32, #tpu.memory_space<vmem>>
      %dma_start3A_282 = tpu.memref_squeeze %dma_start3A_281 : memref<1x128xi32, #tpu.memory_space<vmem>> -> memref<128xi32, #tpu.memory_space<vmem>>
      %dma_start3A_283 = arith.constant 0 : i32
      %dma_start3A_284 = arith.constant 0 : i32
      %dma_start3A_285 = tpu.memref_slice %arg2[%dma_start3A_283, %dma_start3A_284] : memref<50000x128xf32, #tpu.memory_space<hbm>> -> memref<50000x128xf32, #tpu.memory_space<hbm>>
      tpu.enqueue_indirect_dma source(%dma_start3A_285 : memref<50000x128xf32, #tpu.memory_space<hbm>>) target(%arg8 : memref<128x128xf32, #tpu.memory_space<vmem>>) offsets(%dma_start3A_282 : memref<128xi32, #tpu.memory_space<vmem>>) semaphore(%arg12 : memref<!tpu.dma_semaphore, #tpu.memory_space<semaphore_mem>>)
      %add3A_286 = arith.constant 3 : i32
      %add3A_287 = arith.addi %add3A_190, %add3A_286 : i32
      %dma_wait3A_288 = arith.constant 0 : i32
      %dma_wait3A_289 = tpu.memref_slice %arg5[%add3A_287, %dma_wait3A_288] : memref<22x128xi32, #tpu.memory_space<vmem>> -> memref<1x128xi32, #tpu.memory_space<vmem>>
      %dma_wait3A_290 = tpu.memref_squeeze %dma_wait3A_289 : memref<1x128xi32, #tpu.memory_space<vmem>> -> memref<128xi32, #tpu.memory_space<vmem>>
      %dma_wait3A_291 = arith.constant 0 : i32
      %dma_wait3A_292 = arith.constant 0 : i32
      %dma_wait3A_293 = tpu.memref_slice %arg2[%dma_wait3A_291, %dma_wait3A_292] : memref<50000x128xf32, #tpu.memory_space<hbm>> -> memref<50000x128xf32, #tpu.memory_space<hbm>>
      tpu.wait_indirect_dma semaphore(%arg10 : memref<!tpu.dma_semaphore, #tpu.memory_space<semaphore_mem>>) src(%dma_wait3A_293 : memref<50000x128xf32, #tpu.memory_space<hbm>>) dst(%arg6 : memref<128x128xf32, #tpu.memory_space<vmem>>)
      %add3A_294 = arith.addi %mul3A_2, %add3A_287 : i32
      %mul3A_295 = arith.constant 128 : i32
      %mul3A_296 = arith.muli %add3A_294, %mul3A_295 : i32
      %dma_start3A_297 = arith.constant 0 : i32
      %dma_start3A_298 = tpu.memref_slice %arg4[%mul3A_296, %dma_start3A_297] : memref<90112x128xf32, #tpu.memory_space<hbm>> -> memref<128x128xf32, #tpu.memory_space<hbm>>
      %dma_start3A_299 = arith.constant 0 : i32
      %dma_start3A_300 = tpu.memref_slice %arg4[%mul3A_296, %dma_start3A_299] : memref<90112x128xf32, #tpu.memory_space<hbm>> -> memref<128x128xf32, #tpu.memory_space<hbm>>
      tpu.enqueue_dma source(%arg6 : memref<128x128xf32, #tpu.memory_space<vmem>>) target(%dma_start3A_300 : memref<128x128xf32, #tpu.memory_space<hbm>>) target_semaphore(%arg14 : memref<!tpu.dma_semaphore, #tpu.memory_space<semaphore_mem>>)
      %sub3A_301 = arith.constant 1 : i32
      %sub3A_302 = arith.subi %add3A_287, %sub3A_301 : i32
      %add3A_303 = arith.addi %mul3A_2, %sub3A_302 : i32
      %mul3A_304 = arith.constant 128 : i32
      %mul3A_305 = arith.muli %add3A_303, %mul3A_304 : i32
      %dma_wait3A_306 = arith.constant 0 : i32
      %dma_wait3A_307 = tpu.memref_slice %arg4[%mul3A_305, %dma_wait3A_306] : memref<90112x128xf32, #tpu.memory_space<hbm>> -> memref<128x128xf32, #tpu.memory_space<hbm>>
      %dma_wait3A_308 = arith.constant 0 : i32
      %dma_wait3A_309 = tpu.memref_slice %arg4[%mul3A_305, %dma_wait3A_308] : memref<90112x128xf32, #tpu.memory_space<hbm>> -> memref<128x128xf32, #tpu.memory_space<hbm>>
      tpu.wait_dma2 semaphore(%arg17 : memref<!tpu.dma_semaphore, #tpu.memory_space<semaphore_mem>>) src(%arg9 : memref<128x128xf32, #tpu.memory_space<vmem>>) dst(%dma_wait3A_309 : memref<128x128xf32, #tpu.memory_space<hbm>>)
      %add3A_310 = arith.constant 3 : i32
      %add3A_311 = arith.addi %add3A_287, %add3A_310 : i32
      %dma_start3A_312 = arith.constant 0 : i32
      %dma_start3A_313 = tpu.memref_slice %arg5[%add3A_311, %dma_start3A_312] : memref<22x128xi32, #tpu.memory_space<vmem>> -> memref<1x128xi32, #tpu.memory_space<vmem>>
      %dma_start3A_314 = tpu.memref_squeeze %dma_start3A_313 : memref<1x128xi32, #tpu.memory_space<vmem>> -> memref<128xi32, #tpu.memory_space<vmem>>
      %dma_start3A_315 = arith.constant 0 : i32
      %dma_start3A_316 = arith.constant 0 : i32
      %dma_start3A_317 = tpu.memref_slice %arg2[%dma_start3A_315, %dma_start3A_316] : memref<50000x128xf32, #tpu.memory_space<hbm>> -> memref<50000x128xf32, #tpu.memory_space<hbm>>
      tpu.enqueue_indirect_dma source(%dma_start3A_317 : memref<50000x128xf32, #tpu.memory_space<hbm>>) target(%arg9 : memref<128x128xf32, #tpu.memory_space<vmem>>) offsets(%dma_start3A_314 : memref<128xi32, #tpu.memory_space<vmem>>) semaphore(%arg13 : memref<!tpu.dma_semaphore, #tpu.memory_space<semaphore_mem>>)
    }
    %scan3A_48 = arith.constant 4 : i32
    %dma_wait3A_49 = arith.constant 17 : i32
    %dma_wait3A_50 = arith.constant 0 : i32
    %dma_wait3A_51 = tpu.memref_slice %arg5[%dma_wait3A_49, %dma_wait3A_50] : memref<22x128xi32, #tpu.memory_space<vmem>> -> memref<1x128xi32, #tpu.memory_space<vmem>>
    %dma_wait3A_52 = tpu.memref_squeeze %dma_wait3A_51 : memref<1x128xi32, #tpu.memory_space<vmem>> -> memref<128xi32, #tpu.memory_space<vmem>>
    %dma_wait3A_53 = arith.constant 0 : i32
    %dma_wait3A_54 = arith.constant 0 : i32
    %dma_wait3A_55 = tpu.memref_slice %arg2[%dma_wait3A_53, %dma_wait3A_54] : memref<50000x128xf32, #tpu.memory_space<hbm>> -> memref<50000x128xf32, #tpu.memory_space<hbm>>
    tpu.wait_indirect_dma semaphore(%arg11 : memref<!tpu.dma_semaphore, #tpu.memory_space<semaphore_mem>>) src(%dma_wait3A_55 : memref<50000x128xf32, #tpu.memory_space<hbm>>) dst(%arg7 : memref<128x128xf32, #tpu.memory_space<vmem>>)
    %add3A_56 = arith.constant 17 : i32
    %add3A_57 = arith.addi %mul3A_2, %add3A_56 : i32
    %mul3A_58 = arith.constant 128 : i32
    %mul3A_59 = arith.muli %add3A_57, %mul3A_58 : i32
    %dma_start3A_60 = arith.constant 0 : i32
    %dma_start3A_61 = tpu.memref_slice %arg4[%mul3A_59, %dma_start3A_60] : memref<90112x128xf32, #tpu.memory_space<hbm>> -> memref<128x128xf32, #tpu.memory_space<hbm>>
    %dma_start3A_62 = arith.constant 0 : i32
    %dma_start3A_63 = tpu.memref_slice %arg4[%mul3A_59, %dma_start3A_62] : memref<90112x128xf32, #tpu.memory_space<hbm>> -> memref<128x128xf32, #tpu.memory_space<hbm>>
    tpu.enqueue_dma source(%arg7 : memref<128x128xf32, #tpu.memory_space<vmem>>) target(%dma_start3A_63 : memref<128x128xf32, #tpu.memory_space<hbm>>) target_semaphore(%arg15 : memref<!tpu.dma_semaphore, #tpu.memory_space<semaphore_mem>>)
    %add3A_64 = arith.constant 16 : i32
    %add3A_65 = arith.addi %mul3A_2, %add3A_64 : i32
    %mul3A_66 = arith.constant 128 : i32
    %mul3A_67 = arith.muli %add3A_65, %mul3A_66 : i32
    %dma_wait3A_68 = arith.constant 0 : i32
    %dma_wait3A_69 = tpu.memref_slice %arg4[%mul3A_67, %dma_wait3A_68] : memref<90112x128xf32, #tpu.memory_space<hbm>> -> memref<128x128xf32, #tpu.memory_space<hbm>>
    %dma_wait3A_70 = arith.constant 0 : i32
    %dma_wait3A_71 = tpu.memref_slice %arg4[%mul3A_67, %dma_wait3A_70] : memref<90112x128xf32, #tpu.memory_space<hbm>> -> memref<128x128xf32, #tpu.memory_space<hbm>>
    tpu.wait_dma2 semaphore(%arg14 : memref<!tpu.dma_semaphore, #tpu.memory_space<semaphore_mem>>) src(%arg6 : memref<128x128xf32, #tpu.memory_space<vmem>>) dst(%dma_wait3A_71 : memref<128x128xf32, #tpu.memory_space<hbm>>)
    %dma_start3A_72 = arith.constant 20 : i32
    %dma_start3A_73 = arith.constant 0 : i32
    %dma_start3A_74 = tpu.memref_slice %arg5[%dma_start3A_72, %dma_start3A_73] : memref<22x128xi32, #tpu.memory_space<vmem>> -> memref<1x128xi32, #tpu.memory_space<vmem>>
    %dma_start3A_75 = tpu.memref_squeeze %dma_start3A_74 : memref<1x128xi32, #tpu.memory_space<vmem>> -> memref<128xi32, #tpu.memory_space<vmem>>
    %dma_start3A_76 = arith.constant 0 : i32
    %dma_start3A_77 = arith.constant 0 : i32
    %dma_start3A_78 = tpu.memref_slice %arg2[%dma_start3A_76, %dma_start3A_77] : memref<50000x128xf32, #tpu.memory_space<hbm>> -> memref<50000x128xf32, #tpu.memory_space<hbm>>
    tpu.enqueue_indirect_dma source(%dma_start3A_78 : memref<50000x128xf32, #tpu.memory_space<hbm>>) target(%arg6 : memref<128x128xf32, #tpu.memory_space<vmem>>) offsets(%dma_start3A_75 : memref<128xi32, #tpu.memory_space<vmem>>) semaphore(%arg10 : memref<!tpu.dma_semaphore, #tpu.memory_space<semaphore_mem>>)
    %dma_wait3A_79 = arith.constant 18 : i32
    %dma_wait3A_80 = arith.constant 0 : i32
    %dma_wait3A_81 = tpu.memref_slice %arg5[%dma_wait3A_79, %dma_wait3A_80] : memref<22x128xi32, #tpu.memory_space<vmem>> -> memref<1x128xi32, #tpu.memory_space<vmem>>
    %dma_wait3A_82 = tpu.memref_squeeze %dma_wait3A_81 : memref<1x128xi32, #tpu.memory_space<vmem>> -> memref<128xi32, #tpu.memory_space<vmem>>
    %dma_wait3A_83 = arith.constant 0 : i32
    %dma_wait3A_84 = arith.constant 0 : i32
    %dma_wait3A_85 = tpu.memref_slice %arg2[%dma_wait3A_83, %dma_wait3A_84] : memref<50000x128xf32, #tpu.memory_space<hbm>> -> memref<50000x128xf32, #tpu.memory_space<hbm>>
    tpu.wait_indirect_dma semaphore(%arg12 : memref<!tpu.dma_semaphore, #tpu.memory_space<semaphore_mem>>) src(%dma_wait3A_85 : memref<50000x128xf32, #tpu.memory_space<hbm>>) dst(%arg8 : memref<128x128xf32, #tpu.memory_space<vmem>>)
    %add3A_86 = arith.constant 18 : i32
    %add3A_87 = arith.addi %mul3A_2, %add3A_86 : i32
    %mul3A_88 = arith.constant 128 : i32
    %mul3A_89 = arith.muli %add3A_87, %mul3A_88 : i32
    %dma_start3A_90 = arith.constant 0 : i32
    %dma_start3A_91 = tpu.memref_slice %arg4[%mul3A_89, %dma_start3A_90] : memref<90112x128xf32, #tpu.memory_space<hbm>> -> memref<128x128xf32, #tpu.memory_space<hbm>>
    %dma_start3A_92 = arith.constant 0 : i32
    %dma_start3A_93 = tpu.memref_slice %arg4[%mul3A_89, %dma_start3A_92] : memref<90112x128xf32, #tpu.memory_space<hbm>> -> memref<128x128xf32, #tpu.memory_space<hbm>>
    tpu.enqueue_dma source(%arg8 : memref<128x128xf32, #tpu.memory_space<vmem>>) target(%dma_start3A_93 : memref<128x128xf32, #tpu.memory_space<hbm>>) target_semaphore(%arg16 : memref<!tpu.dma_semaphore, #tpu.memory_space<semaphore_mem>>)
    %add3A_94 = arith.constant 17 : i32
    %add3A_95 = arith.addi %mul3A_2, %add3A_94 : i32
    %mul3A_96 = arith.constant 128 : i32
    %mul3A_97 = arith.muli %add3A_95, %mul3A_96 : i32
    %dma_wait3A_98 = arith.constant 0 : i32
    %dma_wait3A_99 = tpu.memref_slice %arg4[%mul3A_97, %dma_wait3A_98] : memref<90112x128xf32, #tpu.memory_space<hbm>> -> memref<128x128xf32, #tpu.memory_space<hbm>>
    %dma_wait3A_100 = arith.constant 0 : i32
    %dma_wait3A_101 = tpu.memref_slice %arg4[%mul3A_97, %dma_wait3A_100] : memref<90112x128xf32, #tpu.memory_space<hbm>> -> memref<128x128xf32, #tpu.memory_space<hbm>>
    tpu.wait_dma2 semaphore(%arg15 : memref<!tpu.dma_semaphore, #tpu.memory_space<semaphore_mem>>) src(%arg7 : memref<128x128xf32, #tpu.memory_space<vmem>>) dst(%dma_wait3A_101 : memref<128x128xf32, #tpu.memory_space<hbm>>)
    %dma_start3A_102 = arith.constant 21 : i32
    %dma_start3A_103 = arith.constant 0 : i32
    %dma_start3A_104 = tpu.memref_slice %arg5[%dma_start3A_102, %dma_start3A_103] : memref<22x128xi32, #tpu.memory_space<vmem>> -> memref<1x128xi32, #tpu.memory_space<vmem>>
    %dma_start3A_105 = tpu.memref_squeeze %dma_start3A_104 : memref<1x128xi32, #tpu.memory_space<vmem>> -> memref<128xi32, #tpu.memory_space<vmem>>
    %dma_start3A_106 = arith.constant 0 : i32
    %dma_start3A_107 = arith.constant 0 : i32
    %dma_start3A_108 = tpu.memref_slice %arg2[%dma_start3A_106, %dma_start3A_107] : memref<50000x128xf32, #tpu.memory_space<hbm>> -> memref<50000x128xf32, #tpu.memory_space<hbm>>
    tpu.enqueue_indirect_dma source(%dma_start3A_108 : memref<50000x128xf32, #tpu.memory_space<hbm>>) target(%arg7 : memref<128x128xf32, #tpu.memory_space<vmem>>) offsets(%dma_start3A_105 : memref<128xi32, #tpu.memory_space<vmem>>) semaphore(%arg11 : memref<!tpu.dma_semaphore, #tpu.memory_space<semaphore_mem>>)
    %dma_wait3A_109 = arith.constant 19 : i32
    %dma_wait3A_110 = arith.constant 0 : i32
    %dma_wait3A_111 = tpu.memref_slice %arg5[%dma_wait3A_109, %dma_wait3A_110] : memref<22x128xi32, #tpu.memory_space<vmem>> -> memref<1x128xi32, #tpu.memory_space<vmem>>
    %dma_wait3A_112 = tpu.memref_squeeze %dma_wait3A_111 : memref<1x128xi32, #tpu.memory_space<vmem>> -> memref<128xi32, #tpu.memory_space<vmem>>
    %dma_wait3A_113 = arith.constant 0 : i32
    %dma_wait3A_114 = arith.constant 0 : i32
    %dma_wait3A_115 = tpu.memref_slice %arg2[%dma_wait3A_113, %dma_wait3A_114] : memref<50000x128xf32, #tpu.memory_space<hbm>> -> memref<50000x128xf32, #tpu.memory_space<hbm>>
    tpu.wait_indirect_dma semaphore(%arg13 : memref<!tpu.dma_semaphore, #tpu.memory_space<semaphore_mem>>) src(%dma_wait3A_115 : memref<50000x128xf32, #tpu.memory_space<hbm>>) dst(%arg9 : memref<128x128xf32, #tpu.memory_space<vmem>>)
    %add3A_116 = arith.constant 19 : i32
    %add3A_117 = arith.addi %mul3A_2, %add3A_116 : i32
    %mul3A_118 = arith.constant 128 : i32
    %mul3A_119 = arith.muli %add3A_117, %mul3A_118 : i32
    %dma_start3A_120 = arith.constant 0 : i32
    %dma_start3A_121 = tpu.memref_slice %arg4[%mul3A_119, %dma_start3A_120] : memref<90112x128xf32, #tpu.memory_space<hbm>> -> memref<128x128xf32, #tpu.memory_space<hbm>>
    %dma_start3A_122 = arith.constant 0 : i32
    %dma_start3A_123 = tpu.memref_slice %arg4[%mul3A_119, %dma_start3A_122] : memref<90112x128xf32, #tpu.memory_space<hbm>> -> memref<128x128xf32, #tpu.memory_space<hbm>>
    tpu.enqueue_dma source(%arg9 : memref<128x128xf32, #tpu.memory_space<vmem>>) target(%dma_start3A_123 : memref<128x128xf32, #tpu.memory_space<hbm>>) target_semaphore(%arg17 : memref<!tpu.dma_semaphore, #tpu.memory_space<semaphore_mem>>)
    %add3A_124 = arith.constant 18 : i32
    %add3A_125 = arith.addi %mul3A_2, %add3A_124 : i32
    %mul3A_126 = arith.constant 128 : i32
    %mul3A_127 = arith.muli %add3A_125, %mul3A_126 : i32
    %dma_wait3A_128 = arith.constant 0 : i32
    %dma_wait3A_129 = tpu.memref_slice %arg4[%mul3A_127, %dma_wait3A_128] : memref<90112x128xf32, #tpu.memory_space<hbm>> -> memref<128x128xf32, #tpu.memory_space<hbm>>
    %dma_wait3A_130 = arith.constant 0 : i32
    %dma_wait3A_131 = tpu.memref_slice %arg4[%mul3A_127, %dma_wait3A_130] : memref<90112x128xf32, #tpu.memory_space<hbm>> -> memref<128x128xf32, #tpu.memory_space<hbm>>
    tpu.wait_dma2 semaphore(%arg16 : memref<!tpu.dma_semaphore, #tpu.memory_space<semaphore_mem>>) src(%arg8 : memref<128x128xf32, #tpu.memory_space<vmem>>) dst(%dma_wait3A_131 : memref<128x128xf32, #tpu.memory_space<hbm>>)
    %dma_wait3A_132 = arith.constant 20 : i32
    %dma_wait3A_133 = arith.constant 0 : i32
    %dma_wait3A_134 = tpu.memref_slice %arg5[%dma_wait3A_132, %dma_wait3A_133] : memref<22x128xi32, #tpu.memory_space<vmem>> -> memref<1x128xi32, #tpu.memory_space<vmem>>
    %dma_wait3A_135 = tpu.memref_squeeze %dma_wait3A_134 : memref<1x128xi32, #tpu.memory_space<vmem>> -> memref<128xi32, #tpu.memory_space<vmem>>
    %dma_wait3A_136 = arith.constant 0 : i32
    %dma_wait3A_137 = arith.constant 0 : i32
    %dma_wait3A_138 = tpu.memref_slice %arg2[%dma_wait3A_136, %dma_wait3A_137] : memref<50000x128xf32, #tpu.memory_space<hbm>> -> memref<50000x128xf32, #tpu.memory_space<hbm>>
    tpu.wait_indirect_dma semaphore(%arg10 : memref<!tpu.dma_semaphore, #tpu.memory_space<semaphore_mem>>) src(%dma_wait3A_138 : memref<50000x128xf32, #tpu.memory_space<hbm>>) dst(%arg6 : memref<128x128xf32, #tpu.memory_space<vmem>>)
    %add3A_139 = arith.constant 20 : i32
    %add3A_140 = arith.addi %mul3A_2, %add3A_139 : i32
    %mul3A_141 = arith.constant 128 : i32
    %mul3A_142 = arith.muli %add3A_140, %mul3A_141 : i32
    %dma_start3A_143 = arith.constant 0 : i32
    %dma_start3A_144 = tpu.memref_slice %arg4[%mul3A_142, %dma_start3A_143] : memref<90112x128xf32, #tpu.memory_space<hbm>> -> memref<128x128xf32, #tpu.memory_space<hbm>>
    %dma_start3A_145 = arith.constant 0 : i32
    %dma_start3A_146 = tpu.memref_slice %arg4[%mul3A_142, %dma_start3A_145] : memref<90112x128xf32, #tpu.memory_space<hbm>> -> memref<128x128xf32, #tpu.memory_space<hbm>>
    tpu.enqueue_dma source(%arg6 : memref<128x128xf32, #tpu.memory_space<vmem>>) target(%dma_start3A_146 : memref<128x128xf32, #tpu.memory_space<hbm>>) target_semaphore(%arg14 : memref<!tpu.dma_semaphore, #tpu.memory_space<semaphore_mem>>)
    %add3A_147 = arith.constant 19 : i32
    %add3A_148 = arith.addi %mul3A_2, %add3A_147 : i32
    %mul3A_149 = arith.constant 128 : i32
    %mul3A_150 = arith.muli %add3A_148, %mul3A_149 : i32
    %dma_wait3A_151 = arith.constant 0 : i32
    %dma_wait3A_152 = tpu.memref_slice %arg4[%mul3A_150, %dma_wait3A_151] : memref<90112x128xf32, #tpu.memory_space<hbm>> -> memref<128x128xf32, #tpu.memory_space<hbm>>
    %dma_wait3A_153 = arith.constant 0 : i32
    %dma_wait3A_154 = tpu.memref_slice %arg4[%mul3A_150, %dma_wait3A_153] : memref<90112x128xf32, #tpu.memory_space<hbm>> -> memref<128x128xf32, #tpu.memory_space<hbm>>
    tpu.wait_dma2 semaphore(%arg17 : memref<!tpu.dma_semaphore, #tpu.memory_space<semaphore_mem>>) src(%arg9 : memref<128x128xf32, #tpu.memory_space<vmem>>) dst(%dma_wait3A_154 : memref<128x128xf32, #tpu.memory_space<hbm>>)
    %dma_wait3A_155 = arith.constant 21 : i32
    %dma_wait3A_156 = arith.constant 0 : i32
    %dma_wait3A_157 = tpu.memref_slice %arg5[%dma_wait3A_155, %dma_wait3A_156] : memref<22x128xi32, #tpu.memory_space<vmem>> -> memref<1x128xi32, #tpu.memory_space<vmem>>
    %dma_wait3A_158 = tpu.memref_squeeze %dma_wait3A_157 : memref<1x128xi32, #tpu.memory_space<vmem>> -> memref<128xi32, #tpu.memory_space<vmem>>
    %dma_wait3A_159 = arith.constant 0 : i32
    %dma_wait3A_160 = arith.constant 0 : i32
    %dma_wait3A_161 = tpu.memref_slice %arg2[%dma_wait3A_159, %dma_wait3A_160] : memref<50000x128xf32, #tpu.memory_space<hbm>> -> memref<50000x128xf32, #tpu.memory_space<hbm>>
    tpu.wait_indirect_dma semaphore(%arg11 : memref<!tpu.dma_semaphore, #tpu.memory_space<semaphore_mem>>) src(%dma_wait3A_161 : memref<50000x128xf32, #tpu.memory_space<hbm>>) dst(%arg7 : memref<128x128xf32, #tpu.memory_space<vmem>>)
    %add3A_162 = arith.constant 21 : i32
    %add3A_163 = arith.addi %mul3A_2, %add3A_162 : i32
    %mul3A_164 = arith.constant 128 : i32
    %mul3A_165 = arith.muli %add3A_163, %mul3A_164 : i32
    %dma_start3A_166 = arith.constant 0 : i32
    %dma_start3A_167 = tpu.memref_slice %arg4[%mul3A_165, %dma_start3A_166] : memref<90112x128xf32, #tpu.memory_space<hbm>> -> memref<128x128xf32, #tpu.memory_space<hbm>>
    %dma_start3A_168 = arith.constant 0 : i32
    %dma_start3A_169 = tpu.memref_slice %arg4[%mul3A_165, %dma_start3A_168] : memref<90112x128xf32, #tpu.memory_space<hbm>> -> memref<128x128xf32, #tpu.memory_space<hbm>>
    tpu.enqueue_dma source(%arg7 : memref<128x128xf32, #tpu.memory_space<vmem>>) target(%dma_start3A_169 : memref<128x128xf32, #tpu.memory_space<hbm>>) target_semaphore(%arg15 : memref<!tpu.dma_semaphore, #tpu.memory_space<semaphore_mem>>)
    %add3A_170 = arith.constant 20 : i32
    %add3A_171 = arith.addi %mul3A_2, %add3A_170 : i32
    %mul3A_172 = arith.constant 128 : i32
    %mul3A_173 = arith.muli %add3A_171, %mul3A_172 : i32
    %dma_wait3A_174 = arith.constant 0 : i32
    %dma_wait3A_175 = tpu.memref_slice %arg4[%mul3A_173, %dma_wait3A_174] : memref<90112x128xf32, #tpu.memory_space<hbm>> -> memref<128x128xf32, #tpu.memory_space<hbm>>
    %dma_wait3A_176 = arith.constant 0 : i32
    %dma_wait3A_177 = tpu.memref_slice %arg4[%mul3A_173, %dma_wait3A_176] : memref<90112x128xf32, #tpu.memory_space<hbm>> -> memref<128x128xf32, #tpu.memory_space<hbm>>
    tpu.wait_dma2 semaphore(%arg14 : memref<!tpu.dma_semaphore, #tpu.memory_space<semaphore_mem>>) src(%arg6 : memref<128x128xf32, #tpu.memory_space<vmem>>) dst(%dma_wait3A_177 : memref<128x128xf32, #tpu.memory_space<hbm>>)
    %add3A_178 = arith.constant 21 : i32
    %add3A_179 = arith.addi %mul3A_2, %add3A_178 : i32
    %mul3A_180 = arith.constant 128 : i32
    %mul3A_181 = arith.muli %add3A_179, %mul3A_180 : i32
    %dma_wait3A_182 = arith.constant 0 : i32
    %dma_wait3A_183 = tpu.memref_slice %arg4[%mul3A_181, %dma_wait3A_182] : memref<90112x128xf32, #tpu.memory_space<hbm>> -> memref<128x128xf32, #tpu.memory_space<hbm>>
    %dma_wait3A_184 = arith.constant 0 : i32
    %dma_wait3A_185 = tpu.memref_slice %arg4[%mul3A_181, %dma_wait3A_184] : memref<90112x128xf32, #tpu.memory_space<hbm>> -> memref<128x128xf32, #tpu.memory_space<hbm>>
    tpu.wait_dma2 semaphore(%arg15 : memref<!tpu.dma_semaphore, #tpu.memory_space<semaphore_mem>>) src(%arg7 : memref<128x128xf32, #tpu.memory_space<vmem>>) dst(%dma_wait3A_185 : memref<128x128xf32, #tpu.memory_space<hbm>>)
    return
  }
}

#map = affine_map<(d0, d1) -> (0, 0)>
#map1 = affine_map<(d0, d1) -> (0, 0, 0)>
module attributes {stable_mosaic.version = 14 : i64} {
  func.func @_sc_gather_body(%arg0: i32, %arg1: i32, %arg2: memref<50000x128xf32, #tpu.memory_space<hbm>>, %arg3: memref<32x22x128xi32, #tpu.memory_space<hbm>>, %arg4: memref<90112x128xf32, #tpu.memory_space<hbm>>, %arg5: memref<22x128xi32, #tpu.memory_space<vmem>>, %arg6: memref<128x128xf32, #tpu.memory_space<vmem>>, %arg7: memref<128x128xf32, #tpu.memory_space<vmem>>, %arg8: memref<128x128xf32, #tpu.memory_space<vmem>>, %arg9: memref<128x128xf32, #tpu.memory_space<vmem>>, %arg10: memref<!tpu.dma_semaphore, #tpu.memory_space<semaphore_mem>>, %arg11: memref<!tpu.dma_semaphore, #tpu.memory_space<semaphore_mem>>, %arg12: memref<!tpu.dma_semaphore, #tpu.memory_space<semaphore_mem>>, %arg13: memref<!tpu.dma_semaphore, #tpu.memory_space<semaphore_mem>>, %arg14: memref<!tpu.dma_semaphore, #tpu.memory_space<semaphore_mem>>, %arg15: memref<!tpu.dma_semaphore, #tpu.memory_space<semaphore_mem>>, %arg16: memref<!tpu.dma_semaphore, #tpu.memory_space<semaphore_mem>>, %arg17: memref<!tpu.dma_semaphore, #tpu.memory_space<semaphore_mem>>) attributes {dimension_semantics = [#tpu.dimension_semantics<core_parallel>, #tpu.dimension_semantics<subcore_parallel>], iteration_bounds = array<i64: 2, 16>, scalar_prefetch = 0 : i64, scratch_operands = 13 : i64, tpu.core_type = #tpu.core_type<sc_vector_subcore>, window_params = [{transform_indices = #map}, {transform_indices = #map1}, {transform_indices = #map}]} {
    %mul3A = arith.constant 2 : i32
    %mul3A_0 = arith.muli %arg1, %mul3A : i32
    %add3A = arith.addi %mul3A_0, %arg0 : i32
    %mul3A_1 = arith.constant 22 : i32
    %mul3A_2 = arith.muli %add3A, %mul3A_1 : i32
    "tpu.region"() ({
      %run_scoped3A = tpu.sem_alloc : memref<!tpu.dma_semaphore, #tpu.memory_space<semaphore_mem>>
      %dma_start3A_186 = arith.constant 0 : i32
      %dma_start3A_187 = arith.constant 0 : i32
      %dma_start3A_188 = tpu.memref_slice %arg3[%add3A, %dma_start3A_186, %dma_start3A_187] : memref<32x22x128xi32, #tpu.memory_space<hbm>> -> memref<1x22x128xi32, #tpu.memory_space<hbm>>
      %dma_start3A_189 = tpu.memref_squeeze %dma_start3A_188 : memref<1x22x128xi32, #tpu.memory_space<hbm>> -> memref<22x128xi32, #tpu.memory_space<hbm>>
      %dma_start3A_190 = arith.constant 0 : i32
      %dma_start3A_191 = arith.constant 0 : i32
      %dma_start3A_192 = tpu.memref_slice %arg3[%add3A, %dma_start3A_190, %dma_start3A_191] : memref<32x22x128xi32, #tpu.memory_space<hbm>> -> memref<1x22x128xi32, #tpu.memory_space<hbm>>
      %dma_start3A_193 = tpu.memref_squeeze %dma_start3A_192 : memref<1x22x128xi32, #tpu.memory_space<hbm>> -> memref<22x128xi32, #tpu.memory_space<hbm>>
      tpu.enqueue_dma source(%dma_start3A_193 : memref<22x128xi32, #tpu.memory_space<hbm>>) target(%arg5 : memref<22x128xi32, #tpu.memory_space<vmem>>) target_semaphore(%run_scoped3A : memref<!tpu.dma_semaphore, #tpu.memory_space<semaphore_mem>>)
      %dma_wait3A_194 = arith.constant 0 : i32
      %dma_wait3A_195 = arith.constant 0 : i32
      %dma_wait3A_196 = tpu.memref_slice %arg3[%add3A, %dma_wait3A_194, %dma_wait3A_195] : memref<32x22x128xi32, #tpu.memory_space<hbm>> -> memref<1x22x128xi32, #tpu.memory_space<hbm>>
      %dma_wait3A_197 = tpu.memref_squeeze %dma_wait3A_196 : memref<1x22x128xi32, #tpu.memory_space<hbm>> -> memref<22x128xi32, #tpu.memory_space<hbm>>
      %dma_wait3A_198 = arith.constant 0 : i32
      %dma_wait3A_199 = arith.constant 0 : i32
      %dma_wait3A_200 = tpu.memref_slice %arg3[%add3A, %dma_wait3A_198, %dma_wait3A_199] : memref<32x22x128xi32, #tpu.memory_space<hbm>> -> memref<1x22x128xi32, #tpu.memory_space<hbm>>
      %dma_wait3A_201 = tpu.memref_squeeze %dma_wait3A_200 : memref<1x22x128xi32, #tpu.memory_space<hbm>> -> memref<22x128xi32, #tpu.memory_space<hbm>>
      tpu.wait_dma2 semaphore(%run_scoped3A : memref<!tpu.dma_semaphore, #tpu.memory_space<semaphore_mem>>) src(%dma_wait3A_201 : memref<22x128xi32, #tpu.memory_space<hbm>>) dst(%arg5 : memref<22x128xi32, #tpu.memory_space<vmem>>)
      tpu.yield
    }) : () -> ()
    %dma_start3A = arith.constant 0 : i32
    %dma_start3A_3 = arith.constant 0 : i32
    %dma_start3A_4 = tpu.memref_slice %arg5[%dma_start3A, %dma_start3A_3] : memref<22x128xi32, #tpu.memory_space<vmem>> -> memref<1x128xi32, #tpu.memory_space<vmem>>
    %dma_start3A_5 = tpu.memref_squeeze %dma_start3A_4 : memref<1x128xi32, #tpu.memory_space<vmem>> -> memref<128xi32, #tpu.memory_space<vmem>>
    %dma_start3A_6 = arith.constant 0 : i32
    %dma_start3A_7 = arith.constant 0 : i32
    %dma_start3A_8 = tpu.memref_slice %arg2[%dma_start3A_6, %dma_start3A_7] : memref<50000x128xf32, #tpu.memory_space<hbm>> -> memref<50000x128xf32, #tpu.memory_space<hbm>>
    tpu.enqueue_indirect_dma source(%dma_start3A_8 : memref<50000x128xf32, #tpu.memory_space<hbm>>) target(%arg6 : memref<128x128xf32, #tpu.memory_space<vmem>>) offsets(%dma_start3A_5 : memref<128xi32, #tpu.memory_space<vmem>>) semaphore(%arg10 : memref<!tpu.dma_semaphore, #tpu.memory_space<semaphore_mem>>)
    %dma_start3A_9 = arith.constant 1 : i32
    %dma_start3A_10 = arith.constant 0 : i32
    %dma_start3A_11 = tpu.memref_slice %arg5[%dma_start3A_9, %dma_start3A_10] : memref<22x128xi32, #tpu.memory_space<vmem>> -> memref<1x128xi32, #tpu.memory_space<vmem>>
    %dma_start3A_12 = tpu.memref_squeeze %dma_start3A_11 : memref<1x128xi32, #tpu.memory_space<vmem>> -> memref<128xi32, #tpu.memory_space<vmem>>
    %dma_start3A_13 = arith.constant 0 : i32
    %dma_start3A_14 = arith.constant 0 : i32
    %dma_start3A_15 = tpu.memref_slice %arg2[%dma_start3A_13, %dma_start3A_14] : memref<50000x128xf32, #tpu.memory_space<hbm>> -> memref<50000x128xf32, #tpu.memory_space<hbm>>
    tpu.enqueue_indirect_dma source(%dma_start3A_15 : memref<50000x128xf32, #tpu.memory_space<hbm>>) target(%arg7 : memref<128x128xf32, #tpu.memory_space<vmem>>) offsets(%dma_start3A_12 : memref<128xi32, #tpu.memory_space<vmem>>) semaphore(%arg11 : memref<!tpu.dma_semaphore, #tpu.memory_space<semaphore_mem>>)
    %dma_start3A_16 = arith.constant 2 : i32
    %dma_start3A_17 = arith.constant 0 : i32
    %dma_start3A_18 = tpu.memref_slice %arg5[%dma_start3A_16, %dma_start3A_17] : memref<22x128xi32, #tpu.memory_space<vmem>> -> memref<1x128xi32, #tpu.memory_space<vmem>>
    %dma_start3A_19 = tpu.memref_squeeze %dma_start3A_18 : memref<1x128xi32, #tpu.memory_space<vmem>> -> memref<128xi32, #tpu.memory_space<vmem>>
    %dma_start3A_20 = arith.constant 0 : i32
    %dma_start3A_21 = arith.constant 0 : i32
    %dma_start3A_22 = tpu.memref_slice %arg2[%dma_start3A_20, %dma_start3A_21] : memref<50000x128xf32, #tpu.memory_space<hbm>> -> memref<50000x128xf32, #tpu.memory_space<hbm>>
    tpu.enqueue_indirect_dma source(%dma_start3A_22 : memref<50000x128xf32, #tpu.memory_space<hbm>>) target(%arg8 : memref<128x128xf32, #tpu.memory_space<vmem>>) offsets(%dma_start3A_19 : memref<128xi32, #tpu.memory_space<vmem>>) semaphore(%arg12 : memref<!tpu.dma_semaphore, #tpu.memory_space<semaphore_mem>>)
    %dma_start3A_23 = arith.constant 3 : i32
    %dma_start3A_24 = arith.constant 0 : i32
    %dma_start3A_25 = tpu.memref_slice %arg5[%dma_start3A_23, %dma_start3A_24] : memref<22x128xi32, #tpu.memory_space<vmem>> -> memref<1x128xi32, #tpu.memory_space<vmem>>
    %dma_start3A_26 = tpu.memref_squeeze %dma_start3A_25 : memref<1x128xi32, #tpu.memory_space<vmem>> -> memref<128xi32, #tpu.memory_space<vmem>>
    %dma_start3A_27 = arith.constant 0 : i32
    %dma_start3A_28 = arith.constant 0 : i32
    %dma_start3A_29 = tpu.memref_slice %arg2[%dma_start3A_27, %dma_start3A_28] : memref<50000x128xf32, #tpu.memory_space<hbm>> -> memref<50000x128xf32, #tpu.memory_space<hbm>>
    tpu.enqueue_indirect_dma source(%dma_start3A_29 : memref<50000x128xf32, #tpu.memory_space<hbm>>) target(%arg9 : memref<128x128xf32, #tpu.memory_space<vmem>>) offsets(%dma_start3A_26 : memref<128xi32, #tpu.memory_space<vmem>>) semaphore(%arg13 : memref<!tpu.dma_semaphore, #tpu.memory_space<semaphore_mem>>)
    %dma_wait3A = arith.constant 0 : i32
    %dma_wait3A_30 = arith.constant 0 : i32
    %dma_wait3A_31 = tpu.memref_slice %arg5[%dma_wait3A, %dma_wait3A_30] : memref<22x128xi32, #tpu.memory_space<vmem>> -> memref<1x128xi32, #tpu.memory_space<vmem>>
    %dma_wait3A_32 = tpu.memref_squeeze %dma_wait3A_31 : memref<1x128xi32, #tpu.memory_space<vmem>> -> memref<128xi32, #tpu.memory_space<vmem>>
    %dma_wait3A_33 = arith.constant 0 : i32
    %dma_wait3A_34 = arith.constant 0 : i32
    %dma_wait3A_35 = tpu.memref_slice %arg2[%dma_wait3A_33, %dma_wait3A_34] : memref<50000x128xf32, #tpu.memory_space<hbm>> -> memref<50000x128xf32, #tpu.memory_space<hbm>>
    tpu.wait_indirect_dma semaphore(%arg10 : memref<!tpu.dma_semaphore, #tpu.memory_space<semaphore_mem>>) src(%dma_wait3A_35 : memref<50000x128xf32, #tpu.memory_space<hbm>>) dst(%arg6 : memref<128x128xf32, #tpu.memory_space<vmem>>)
    %add3A_36 = arith.constant 0 : i32
    %add3A_37 = arith.addi %mul3A_2, %add3A_36 : i32
    %mul3A_38 = arith.constant 128 : i32
    %mul3A_39 = arith.muli %add3A_37, %mul3A_38 : i32
    %dma_start3A_40 = arith.constant 0 : i32
    %dma_start3A_41 = tpu.memref_slice %arg4[%mul3A_39, %dma_start3A_40] : memref<90112x128xf32, #tpu.memory_space<hbm>> -> memref<128x128xf32, #tpu.memory_space<hbm>>
    %dma_start3A_42 = arith.constant 0 : i32
    %dma_start3A_43 = tpu.memref_slice %arg4[%mul3A_39, %dma_start3A_42] : memref<90112x128xf32, #tpu.memory_space<hbm>> -> memref<128x128xf32, #tpu.memory_space<hbm>>
    tpu.enqueue_dma source(%arg6 : memref<128x128xf32, #tpu.memory_space<vmem>>) target(%dma_start3A_43 : memref<128x128xf32, #tpu.memory_space<hbm>>) target_semaphore(%arg14 : memref<!tpu.dma_semaphore, #tpu.memory_space<semaphore_mem>>)
    %scan3A = arith.constant 0 : i32
    %scan3A_44 = arith.constant 0 : i32
    %scan3A_45 = arith.constant 4 : i32
    %scan3A_46 = arith.addi %scan3A_44, %scan3A_45 : i32
    %scan3A_47 = arith.constant 1 : i32
    scf.for %scan3A_186 = %scan3A_44 to %scan3A_46 step %scan3A_47  : i32 {
      %mul3A_187 = arith.constant 4 : i32
      %mul3A_188 = arith.muli %scan3A_186, %mul3A_187 : i32
      %add3A_189 = arith.constant 1 : i32
      %add3A_190 = arith.addi %add3A_189, %mul3A_188 : i32
      %add3A_191 = arith.constant 0 : i32
      %add3A_192 = arith.addi %add3A_190, %add3A_191 : i32
      %dma_wait3A_193 = arith.constant 0 : i32
      %dma_wait3A_194 = tpu.memref_slice %arg5[%add3A_192, %dma_wait3A_193] : memref<22x128xi32, #tpu.memory_space<vmem>> -> memref<1x128xi32, #tpu.memory_space<vmem>>
      %dma_wait3A_195 = tpu.memref_squeeze %dma_wait3A_194 : memref<1x128xi32, #tpu.memory_space<vmem>> -> memref<128xi32, #tpu.memory_space<vmem>>
      %dma_wait3A_196 = arith.constant 0 : i32
      %dma_wait3A_197 = arith.constant 0 : i32
      %dma_wait3A_198 = tpu.memref_slice %arg2[%dma_wait3A_196, %dma_wait3A_197] : memref<50000x128xf32, #tpu.memory_space<hbm>> -> memref<50000x128xf32, #tpu.memory_space<hbm>>
      tpu.wait_indirect_dma semaphore(%arg11 : memref<!tpu.dma_semaphore, #tpu.memory_space<semaphore_mem>>) src(%dma_wait3A_198 : memref<50000x128xf32, #tpu.memory_space<hbm>>) dst(%arg7 : memref<128x128xf32, #tpu.memory_space<vmem>>)
      %add3A_199 = arith.addi %mul3A_2, %add3A_192 : i32
      %mul3A_200 = arith.constant 128 : i32
      %mul3A_201 = arith.muli %add3A_199, %mul3A_200 : i32
      %dma_start3A_202 = arith.constant 0 : i32
      %dma_start3A_203 = tpu.memref_slice %arg4[%mul3A_201, %dma_start3A_202] : memref<90112x128xf32, #tpu.memory_space<hbm>> -> memref<128x128xf32, #tpu.memory_space<hbm>>
      %dma_start3A_204 = arith.constant 0 : i32
      %dma_start3A_205 = tpu.memref_slice %arg4[%mul3A_201, %dma_start3A_204] : memref<90112x128xf32, #tpu.memory_space<hbm>> -> memref<128x128xf32, #tpu.memory_space<hbm>>
      tpu.enqueue_dma source(%arg7 : memref<128x128xf32, #tpu.memory_space<vmem>>) target(%dma_start3A_205 : memref<128x128xf32, #tpu.memory_space<hbm>>) target_semaphore(%arg15 : memref<!tpu.dma_semaphore, #tpu.memory_space<semaphore_mem>>)
      %sub3A = arith.constant 1 : i32
      %sub3A_206 = arith.subi %add3A_192, %sub3A : i32
      %add3A_207 = arith.addi %mul3A_2, %sub3A_206 : i32
      %mul3A_208 = arith.constant 128 : i32
      %mul3A_209 = arith.muli %add3A_207, %mul3A_208 : i32
      %dma_wait3A_210 = arith.constant 0 : i32
      %dma_wait3A_211 = tpu.memref_slice %arg4[%mul3A_209, %dma_wait3A_210] : memref<90112x128xf32, #tpu.memory_space<hbm>> -> memref<128x128xf32, #tpu.memory_space<hbm>>
      %dma_wait3A_212 = arith.constant 0 : i32
      %dma_wait3A_213 = tpu.memref_slice %arg4[%mul3A_209, %dma_wait3A_212] : memref<90112x128xf32, #tpu.memory_space<hbm>> -> memref<128x128xf32, #tpu.memory_space<hbm>>
      tpu.wait_dma2 semaphore(%arg14 : memref<!tpu.dma_semaphore, #tpu.memory_space<semaphore_mem>>) src(%arg6 : memref<128x128xf32, #tpu.memory_space<vmem>>) dst(%dma_wait3A_213 : memref<128x128xf32, #tpu.memory_space<hbm>>)
      %add3A_214 = arith.constant 3 : i32
      %add3A_215 = arith.addi %add3A_192, %add3A_214 : i32
      %dma_start3A_216 = arith.constant 0 : i32
      %dma_start3A_217 = tpu.memref_slice %arg5[%add3A_215, %dma_start3A_216] : memref<22x128xi32, #tpu.memory_space<vmem>> -> memref<1x128xi32, #tpu.memory_space<vmem>>
      %dma_start3A_218 = tpu.memref_squeeze %dma_start3A_217 : memref<1x128xi32, #tpu.memory_space<vmem>> -> memref<128xi32, #tpu.memory_space<vmem>>
      %dma_start3A_219 = arith.constant 0 : i32
      %dma_start3A_220 = arith.constant 0 : i32
      %dma_start3A_221 = tpu.memref_slice %arg2[%dma_start3A_219, %dma_start3A_220] : memref<50000x128xf32, #tpu.memory_space<hbm>> -> memref<50000x128xf32, #tpu.memory_space<hbm>>
      tpu.enqueue_indirect_dma source(%dma_start3A_221 : memref<50000x128xf32, #tpu.memory_space<hbm>>) target(%arg6 : memref<128x128xf32, #tpu.memory_space<vmem>>) offsets(%dma_start3A_218 : memref<128xi32, #tpu.memory_space<vmem>>) semaphore(%arg10 : memref<!tpu.dma_semaphore, #tpu.memory_space<semaphore_mem>>)
      %add3A_222 = arith.constant 1 : i32
      %add3A_223 = arith.addi %add3A_190, %add3A_222 : i32
      %dma_wait3A_224 = arith.constant 0 : i32
      %dma_wait3A_225 = tpu.memref_slice %arg5[%add3A_223, %dma_wait3A_224] : memref<22x128xi32, #tpu.memory_space<vmem>> -> memref<1x128xi32, #tpu.memory_space<vmem>>
      %dma_wait3A_226 = tpu.memref_squeeze %dma_wait3A_225 : memref<1x128xi32, #tpu.memory_space<vmem>> -> memref<128xi32, #tpu.memory_space<vmem>>
      %dma_wait3A_227 = arith.constant 0 : i32
      %dma_wait3A_228 = arith.constant 0 : i32
      %dma_wait3A_229 = tpu.memref_slice %arg2[%dma_wait3A_227, %dma_wait3A_228] : memref<50000x128xf32, #tpu.memory_space<hbm>> -> memref<50000x128xf32, #tpu.memory_space<hbm>>
      tpu.wait_indirect_dma semaphore(%arg12 : memref<!tpu.dma_semaphore, #tpu.memory_space<semaphore_mem>>) src(%dma_wait3A_229 : memref<50000x128xf32, #tpu.memory_space<hbm>>) dst(%arg8 : memref<128x128xf32, #tpu.memory_space<vmem>>)
      %add3A_230 = arith.addi %mul3A_2, %add3A_223 : i32
      %mul3A_231 = arith.constant 128 : i32
      %mul3A_232 = arith.muli %add3A_230, %mul3A_231 : i32
      %dma_start3A_233 = arith.constant 0 : i32
      %dma_start3A_234 = tpu.memref_slice %arg4[%mul3A_232, %dma_start3A_233] : memref<90112x128xf32, #tpu.memory_space<hbm>> -> memref<128x128xf32, #tpu.memory_space<hbm>>
      %dma_start3A_235 = arith.constant 0 : i32
      %dma_start3A_236 = tpu.memref_slice %arg4[%mul3A_232, %dma_start3A_235] : memref<90112x128xf32, #tpu.memory_space<hbm>> -> memref<128x128xf32, #tpu.memory_space<hbm>>
      tpu.enqueue_dma source(%arg8 : memref<128x128xf32, #tpu.memory_space<vmem>>) target(%dma_start3A_236 : memref<128x128xf32, #tpu.memory_space<hbm>>) target_semaphore(%arg16 : memref<!tpu.dma_semaphore, #tpu.memory_space<semaphore_mem>>)
      %sub3A_237 = arith.constant 1 : i32
      %sub3A_238 = arith.subi %add3A_223, %sub3A_237 : i32
      %add3A_239 = arith.addi %mul3A_2, %sub3A_238 : i32
      %mul3A_240 = arith.constant 128 : i32
      %mul3A_241 = arith.muli %add3A_239, %mul3A_240 : i32
      %dma_wait3A_242 = arith.constant 0 : i32
      %dma_wait3A_243 = tpu.memref_slice %arg4[%mul3A_241, %dma_wait3A_242] : memref<90112x128xf32, #tpu.memory_space<hbm>> -> memref<128x128xf32, #tpu.memory_space<hbm>>
      %dma_wait3A_244 = arith.constant 0 : i32
      %dma_wait3A_245 = tpu.memref_slice %arg4[%mul3A_241, %dma_wait3A_244] : memref<90112x128xf32, #tpu.memory_space<hbm>> -> memref<128x128xf32, #tpu.memory_space<hbm>>
      tpu.wait_dma2 semaphore(%arg15 : memref<!tpu.dma_semaphore, #tpu.memory_space<semaphore_mem>>) src(%arg7 : memref<128x128xf32, #tpu.memory_space<vmem>>) dst(%dma_wait3A_245 : memref<128x128xf32, #tpu.memory_space<hbm>>)
      %add3A_246 = arith.constant 3 : i32
      %add3A_247 = arith.addi %add3A_223, %add3A_246 : i32
      %dma_start3A_248 = arith.constant 0 : i32
      %dma_start3A_249 = tpu.memref_slice %arg5[%add3A_247, %dma_start3A_248] : memref<22x128xi32, #tpu.memory_space<vmem>> -> memref<1x128xi32, #tpu.memory_space<vmem>>
      %dma_start3A_250 = tpu.memref_squeeze %dma_start3A_249 : memref<1x128xi32, #tpu.memory_space<vmem>> -> memref<128xi32, #tpu.memory_space<vmem>>
      %dma_start3A_251 = arith.constant 0 : i32
      %dma_start3A_252 = arith.constant 0 : i32
      %dma_start3A_253 = tpu.memref_slice %arg2[%dma_start3A_251, %dma_start3A_252] : memref<50000x128xf32, #tpu.memory_space<hbm>> -> memref<50000x128xf32, #tpu.memory_space<hbm>>
      tpu.enqueue_indirect_dma source(%dma_start3A_253 : memref<50000x128xf32, #tpu.memory_space<hbm>>) target(%arg7 : memref<128x128xf32, #tpu.memory_space<vmem>>) offsets(%dma_start3A_250 : memref<128xi32, #tpu.memory_space<vmem>>) semaphore(%arg11 : memref<!tpu.dma_semaphore, #tpu.memory_space<semaphore_mem>>)
      %add3A_254 = arith.constant 2 : i32
      %add3A_255 = arith.addi %add3A_190, %add3A_254 : i32
      %dma_wait3A_256 = arith.constant 0 : i32
      %dma_wait3A_257 = tpu.memref_slice %arg5[%add3A_255, %dma_wait3A_256] : memref<22x128xi32, #tpu.memory_space<vmem>> -> memref<1x128xi32, #tpu.memory_space<vmem>>
      %dma_wait3A_258 = tpu.memref_squeeze %dma_wait3A_257 : memref<1x128xi32, #tpu.memory_space<vmem>> -> memref<128xi32, #tpu.memory_space<vmem>>
      %dma_wait3A_259 = arith.constant 0 : i32
      %dma_wait3A_260 = arith.constant 0 : i32
      %dma_wait3A_261 = tpu.memref_slice %arg2[%dma_wait3A_259, %dma_wait3A_260] : memref<50000x128xf32, #tpu.memory_space<hbm>> -> memref<50000x128xf32, #tpu.memory_space<hbm>>
      tpu.wait_indirect_dma semaphore(%arg13 : memref<!tpu.dma_semaphore, #tpu.memory_space<semaphore_mem>>) src(%dma_wait3A_261 : memref<50000x128xf32, #tpu.memory_space<hbm>>) dst(%arg9 : memref<128x128xf32, #tpu.memory_space<vmem>>)
      %add3A_262 = arith.addi %mul3A_2, %add3A_255 : i32
      %mul3A_263 = arith.constant 128 : i32
      %mul3A_264 = arith.muli %add3A_262, %mul3A_263 : i32
      %dma_start3A_265 = arith.constant 0 : i32
      %dma_start3A_266 = tpu.memref_slice %arg4[%mul3A_264, %dma_start3A_265] : memref<90112x128xf32, #tpu.memory_space<hbm>> -> memref<128x128xf32, #tpu.memory_space<hbm>>
      %dma_start3A_267 = arith.constant 0 : i32
      %dma_start3A_268 = tpu.memref_slice %arg4[%mul3A_264, %dma_start3A_267] : memref<90112x128xf32, #tpu.memory_space<hbm>> -> memref<128x128xf32, #tpu.memory_space<hbm>>
      tpu.enqueue_dma source(%arg9 : memref<128x128xf32, #tpu.memory_space<vmem>>) target(%dma_start3A_268 : memref<128x128xf32, #tpu.memory_space<hbm>>) target_semaphore(%arg17 : memref<!tpu.dma_semaphore, #tpu.memory_space<semaphore_mem>>)
      %sub3A_269 = arith.constant 1 : i32
      %sub3A_270 = arith.subi %add3A_255, %sub3A_269 : i32
      %add3A_271 = arith.addi %mul3A_2, %sub3A_270 : i32
      %mul3A_272 = arith.constant 128 : i32
      %mul3A_273 = arith.muli %add3A_271, %mul3A_272 : i32
      %dma_wait3A_274 = arith.constant 0 : i32
      %dma_wait3A_275 = tpu.memref_slice %arg4[%mul3A_273, %dma_wait3A_274] : memref<90112x128xf32, #tpu.memory_space<hbm>> -> memref<128x128xf32, #tpu.memory_space<hbm>>
      %dma_wait3A_276 = arith.constant 0 : i32
      %dma_wait3A_277 = tpu.memref_slice %arg4[%mul3A_273, %dma_wait3A_276] : memref<90112x128xf32, #tpu.memory_space<hbm>> -> memref<128x128xf32, #tpu.memory_space<hbm>>
      tpu.wait_dma2 semaphore(%arg16 : memref<!tpu.dma_semaphore, #tpu.memory_space<semaphore_mem>>) src(%arg8 : memref<128x128xf32, #tpu.memory_space<vmem>>) dst(%dma_wait3A_277 : memref<128x128xf32, #tpu.memory_space<hbm>>)
      %add3A_278 = arith.constant 3 : i32
      %add3A_279 = arith.addi %add3A_255, %add3A_278 : i32
      %dma_start3A_280 = arith.constant 0 : i32
      %dma_start3A_281 = tpu.memref_slice %arg5[%add3A_279, %dma_start3A_280] : memref<22x128xi32, #tpu.memory_space<vmem>> -> memref<1x128xi32, #tpu.memory_space<vmem>>
      %dma_start3A_282 = tpu.memref_squeeze %dma_start3A_281 : memref<1x128xi32, #tpu.memory_space<vmem>> -> memref<128xi32, #tpu.memory_space<vmem>>
      %dma_start3A_283 = arith.constant 0 : i32
      %dma_start3A_284 = arith.constant 0 : i32
      %dma_start3A_285 = tpu.memref_slice %arg2[%dma_start3A_283, %dma_start3A_284] : memref<50000x128xf32, #tpu.memory_space<hbm>> -> memref<50000x128xf32, #tpu.memory_space<hbm>>
      tpu.enqueue_indirect_dma source(%dma_start3A_285 : memref<50000x128xf32, #tpu.memory_space<hbm>>) target(%arg8 : memref<128x128xf32, #tpu.memory_space<vmem>>) offsets(%dma_start3A_282 : memref<128xi32, #tpu.memory_space<vmem>>) semaphore(%arg12 : memref<!tpu.dma_semaphore, #tpu.memory_space<semaphore_mem>>)
      %add3A_286 = arith.constant 3 : i32
      %add3A_287 = arith.addi %add3A_190, %add3A_286 : i32
      %dma_wait3A_288 = arith.constant 0 : i32
      %dma_wait3A_289 = tpu.memref_slice %arg5[%add3A_287, %dma_wait3A_288] : memref<22x128xi32, #tpu.memory_space<vmem>> -> memref<1x128xi32, #tpu.memory_space<vmem>>
      %dma_wait3A_290 = tpu.memref_squeeze %dma_wait3A_289 : memref<1x128xi32, #tpu.memory_space<vmem>> -> memref<128xi32, #tpu.memory_space<vmem>>
      %dma_wait3A_291 = arith.constant 0 : i32
      %dma_wait3A_292 = arith.constant 0 : i32
      %dma_wait3A_293 = tpu.memref_slice %arg2[%dma_wait3A_291, %dma_wait3A_292] : memref<50000x128xf32, #tpu.memory_space<hbm>> -> memref<50000x128xf32, #tpu.memory_space<hbm>>
      tpu.wait_indirect_dma semaphore(%arg10 : memref<!tpu.dma_semaphore, #tpu.memory_space<semaphore_mem>>) src(%dma_wait3A_293 : memref<50000x128xf32, #tpu.memory_space<hbm>>) dst(%arg6 : memref<128x128xf32, #tpu.memory_space<vmem>>)
      %add3A_294 = arith.addi %mul3A_2, %add3A_287 : i32
      %mul3A_295 = arith.constant 128 : i32
      %mul3A_296 = arith.muli %add3A_294, %mul3A_295 : i32
      %dma_start3A_297 = arith.constant 0 : i32
      %dma_start3A_298 = tpu.memref_slice %arg4[%mul3A_296, %dma_start3A_297] : memref<90112x128xf32, #tpu.memory_space<hbm>> -> memref<128x128xf32, #tpu.memory_space<hbm>>
      %dma_start3A_299 = arith.constant 0 : i32
      %dma_start3A_300 = tpu.memref_slice %arg4[%mul3A_296, %dma_start3A_299] : memref<90112x128xf32, #tpu.memory_space<hbm>> -> memref<128x128xf32, #tpu.memory_space<hbm>>
      tpu.enqueue_dma source(%arg6 : memref<128x128xf32, #tpu.memory_space<vmem>>) target(%dma_start3A_300 : memref<128x128xf32, #tpu.memory_space<hbm>>) target_semaphore(%arg14 : memref<!tpu.dma_semaphore, #tpu.memory_space<semaphore_mem>>)
      %sub3A_301 = arith.constant 1 : i32
      %sub3A_302 = arith.subi %add3A_287, %sub3A_301 : i32
      %add3A_303 = arith.addi %mul3A_2, %sub3A_302 : i32
      %mul3A_304 = arith.constant 128 : i32
      %mul3A_305 = arith.muli %add3A_303, %mul3A_304 : i32
      %dma_wait3A_306 = arith.constant 0 : i32
      %dma_wait3A_307 = tpu.memref_slice %arg4[%mul3A_305, %dma_wait3A_306] : memref<90112x128xf32, #tpu.memory_space<hbm>> -> memref<128x128xf32, #tpu.memory_space<hbm>>
      %dma_wait3A_308 = arith.constant 0 : i32
      %dma_wait3A_309 = tpu.memref_slice %arg4[%mul3A_305, %dma_wait3A_308] : memref<90112x128xf32, #tpu.memory_space<hbm>> -> memref<128x128xf32, #tpu.memory_space<hbm>>
      tpu.wait_dma2 semaphore(%arg17 : memref<!tpu.dma_semaphore, #tpu.memory_space<semaphore_mem>>) src(%arg9 : memref<128x128xf32, #tpu.memory_space<vmem>>) dst(%dma_wait3A_309 : memref<128x128xf32, #tpu.memory_space<hbm>>)
      %add3A_310 = arith.constant 3 : i32
      %add3A_311 = arith.addi %add3A_287, %add3A_310 : i32
      %dma_start3A_312 = arith.constant 0 : i32
      %dma_start3A_313 = tpu.memref_slice %arg5[%add3A_311, %dma_start3A_312] : memref<22x128xi32, #tpu.memory_space<vmem>> -> memref<1x128xi32, #tpu.memory_space<vmem>>
      %dma_start3A_314 = tpu.memref_squeeze %dma_start3A_313 : memref<1x128xi32, #tpu.memory_space<vmem>> -> memref<128xi32, #tpu.memory_space<vmem>>
      %dma_start3A_315 = arith.constant 0 : i32
      %dma_start3A_316 = arith.constant 0 : i32
      %dma_start3A_317 = tpu.memref_slice %arg2[%dma_start3A_315, %dma_start3A_316] : memref<50000x128xf32, #tpu.memory_space<hbm>> -> memref<50000x128xf32, #tpu.memory_space<hbm>>
      tpu.enqueue_indirect_dma source(%dma_start3A_317 : memref<50000x128xf32, #tpu.memory_space<hbm>>) target(%arg9 : memref<128x128xf32, #tpu.memory_space<vmem>>) offsets(%dma_start3A_314 : memref<128xi32, #tpu.memory_space<vmem>>) semaphore(%arg13 : memref<!tpu.dma_semaphore, #tpu.memory_space<semaphore_mem>>)
    }
    %scan3A_48 = arith.constant 4 : i32
    %dma_wait3A_49 = arith.constant 17 : i32
    %dma_wait3A_50 = arith.constant 0 : i32
    %dma_wait3A_51 = tpu.memref_slice %arg5[%dma_wait3A_49, %dma_wait3A_50] : memref<22x128xi32, #tpu.memory_space<vmem>> -> memref<1x128xi32, #tpu.memory_space<vmem>>
    %dma_wait3A_52 = tpu.memref_squeeze %dma_wait3A_51 : memref<1x128xi32, #tpu.memory_space<vmem>> -> memref<128xi32, #tpu.memory_space<vmem>>
    %dma_wait3A_53 = arith.constant 0 : i32
    %dma_wait3A_54 = arith.constant 0 : i32
    %dma_wait3A_55 = tpu.memref_slice %arg2[%dma_wait3A_53, %dma_wait3A_54] : memref<50000x128xf32, #tpu.memory_space<hbm>> -> memref<50000x128xf32, #tpu.memory_space<hbm>>
    tpu.wait_indirect_dma semaphore(%arg11 : memref<!tpu.dma_semaphore, #tpu.memory_space<semaphore_mem>>) src(%dma_wait3A_55 : memref<50000x128xf32, #tpu.memory_space<hbm>>) dst(%arg7 : memref<128x128xf32, #tpu.memory_space<vmem>>)
    %add3A_56 = arith.constant 17 : i32
    %add3A_57 = arith.addi %mul3A_2, %add3A_56 : i32
    %mul3A_58 = arith.constant 128 : i32
    %mul3A_59 = arith.muli %add3A_57, %mul3A_58 : i32
    %dma_start3A_60 = arith.constant 0 : i32
    %dma_start3A_61 = tpu.memref_slice %arg4[%mul3A_59, %dma_start3A_60] : memref<90112x128xf32, #tpu.memory_space<hbm>> -> memref<128x128xf32, #tpu.memory_space<hbm>>
    %dma_start3A_62 = arith.constant 0 : i32
    %dma_start3A_63 = tpu.memref_slice %arg4[%mul3A_59, %dma_start3A_62] : memref<90112x128xf32, #tpu.memory_space<hbm>> -> memref<128x128xf32, #tpu.memory_space<hbm>>
    tpu.enqueue_dma source(%arg7 : memref<128x128xf32, #tpu.memory_space<vmem>>) target(%dma_start3A_63 : memref<128x128xf32, #tpu.memory_space<hbm>>) target_semaphore(%arg15 : memref<!tpu.dma_semaphore, #tpu.memory_space<semaphore_mem>>)
    %add3A_64 = arith.constant 16 : i32
    %add3A_65 = arith.addi %mul3A_2, %add3A_64 : i32
    %mul3A_66 = arith.constant 128 : i32
    %mul3A_67 = arith.muli %add3A_65, %mul3A_66 : i32
    %dma_wait3A_68 = arith.constant 0 : i32
    %dma_wait3A_69 = tpu.memref_slice %arg4[%mul3A_67, %dma_wait3A_68] : memref<90112x128xf32, #tpu.memory_space<hbm>> -> memref<128x128xf32, #tpu.memory_space<hbm>>
    %dma_wait3A_70 = arith.constant 0 : i32
    %dma_wait3A_71 = tpu.memref_slice %arg4[%mul3A_67, %dma_wait3A_70] : memref<90112x128xf32, #tpu.memory_space<hbm>> -> memref<128x128xf32, #tpu.memory_space<hbm>>
    tpu.wait_dma2 semaphore(%arg14 : memref<!tpu.dma_semaphore, #tpu.memory_space<semaphore_mem>>) src(%arg6 : memref<128x128xf32, #tpu.memory_space<vmem>>) dst(%dma_wait3A_71 : memref<128x128xf32, #tpu.memory_space<hbm>>)
    %dma_start3A_72 = arith.constant 20 : i32
    %dma_start3A_73 = arith.constant 0 : i32
    %dma_start3A_74 = tpu.memref_slice %arg5[%dma_start3A_72, %dma_start3A_73] : memref<22x128xi32, #tpu.memory_space<vmem>> -> memref<1x128xi32, #tpu.memory_space<vmem>>
    %dma_start3A_75 = tpu.memref_squeeze %dma_start3A_74 : memref<1x128xi32, #tpu.memory_space<vmem>> -> memref<128xi32, #tpu.memory_space<vmem>>
    %dma_start3A_76 = arith.constant 0 : i32
    %dma_start3A_77 = arith.constant 0 : i32
    %dma_start3A_78 = tpu.memref_slice %arg2[%dma_start3A_76, %dma_start3A_77] : memref<50000x128xf32, #tpu.memory_space<hbm>> -> memref<50000x128xf32, #tpu.memory_space<hbm>>
    tpu.enqueue_indirect_dma source(%dma_start3A_78 : memref<50000x128xf32, #tpu.memory_space<hbm>>) target(%arg6 : memref<128x128xf32, #tpu.memory_space<vmem>>) offsets(%dma_start3A_75 : memref<128xi32, #tpu.memory_space<vmem>>) semaphore(%arg10 : memref<!tpu.dma_semaphore, #tpu.memory_space<semaphore_mem>>)
    %dma_wait3A_79 = arith.constant 18 : i32
    %dma_wait3A_80 = arith.constant 0 : i32
    %dma_wait3A_81 = tpu.memref_slice %arg5[%dma_wait3A_79, %dma_wait3A_80] : memref<22x128xi32, #tpu.memory_space<vmem>> -> memref<1x128xi32, #tpu.memory_space<vmem>>
    %dma_wait3A_82 = tpu.memref_squeeze %dma_wait3A_81 : memref<1x128xi32, #tpu.memory_space<vmem>> -> memref<128xi32, #tpu.memory_space<vmem>>
    %dma_wait3A_83 = arith.constant 0 : i32
    %dma_wait3A_84 = arith.constant 0 : i32
    %dma_wait3A_85 = tpu.memref_slice %arg2[%dma_wait3A_83, %dma_wait3A_84] : memref<50000x128xf32, #tpu.memory_space<hbm>> -> memref<50000x128xf32, #tpu.memory_space<hbm>>
    tpu.wait_indirect_dma semaphore(%arg12 : memref<!tpu.dma_semaphore, #tpu.memory_space<semaphore_mem>>) src(%dma_wait3A_85 : memref<50000x128xf32, #tpu.memory_space<hbm>>) dst(%arg8 : memref<128x128xf32, #tpu.memory_space<vmem>>)
    %add3A_86 = arith.constant 18 : i32
    %add3A_87 = arith.addi %mul3A_2, %add3A_86 : i32
    %mul3A_88 = arith.constant 128 : i32
    %mul3A_89 = arith.muli %add3A_87, %mul3A_88 : i32
    %dma_start3A_90 = arith.constant 0 : i32
    %dma_start3A_91 = tpu.memref_slice %arg4[%mul3A_89, %dma_start3A_90] : memref<90112x128xf32, #tpu.memory_space<hbm>> -> memref<128x128xf32, #tpu.memory_space<hbm>>
    %dma_start3A_92 = arith.constant 0 : i32
    %dma_start3A_93 = tpu.memref_slice %arg4[%mul3A_89, %dma_start3A_92] : memref<90112x128xf32, #tpu.memory_space<hbm>> -> memref<128x128xf32, #tpu.memory_space<hbm>>
    tpu.enqueue_dma source(%arg8 : memref<128x128xf32, #tpu.memory_space<vmem>>) target(%dma_start3A_93 : memref<128x128xf32, #tpu.memory_space<hbm>>) target_semaphore(%arg16 : memref<!tpu.dma_semaphore, #tpu.memory_space<semaphore_mem>>)
    %add3A_94 = arith.constant 17 : i32
    %add3A_95 = arith.addi %mul3A_2, %add3A_94 : i32
    %mul3A_96 = arith.constant 128 : i32
    %mul3A_97 = arith.muli %add3A_95, %mul3A_96 : i32
    %dma_wait3A_98 = arith.constant 0 : i32
    %dma_wait3A_99 = tpu.memref_slice %arg4[%mul3A_97, %dma_wait3A_98] : memref<90112x128xf32, #tpu.memory_space<hbm>> -> memref<128x128xf32, #tpu.memory_space<hbm>>
    %dma_wait3A_100 = arith.constant 0 : i32
    %dma_wait3A_101 = tpu.memref_slice %arg4[%mul3A_97, %dma_wait3A_100] : memref<90112x128xf32, #tpu.memory_space<hbm>> -> memref<128x128xf32, #tpu.memory_space<hbm>>
    tpu.wait_dma2 semaphore(%arg15 : memref<!tpu.dma_semaphore, #tpu.memory_space<semaphore_mem>>) src(%arg7 : memref<128x128xf32, #tpu.memory_space<vmem>>) dst(%dma_wait3A_101 : memref<128x128xf32, #tpu.memory_space<hbm>>)
    %dma_start3A_102 = arith.constant 21 : i32
    %dma_start3A_103 = arith.constant 0 : i32
    %dma_start3A_104 = tpu.memref_slice %arg5[%dma_start3A_102, %dma_start3A_103] : memref<22x128xi32, #tpu.memory_space<vmem>> -> memref<1x128xi32, #tpu.memory_space<vmem>>
    %dma_start3A_105 = tpu.memref_squeeze %dma_start3A_104 : memref<1x128xi32, #tpu.memory_space<vmem>> -> memref<128xi32, #tpu.memory_space<vmem>>
    %dma_start3A_106 = arith.constant 0 : i32
    %dma_start3A_107 = arith.constant 0 : i32
    %dma_start3A_108 = tpu.memref_slice %arg2[%dma_start3A_106, %dma_start3A_107] : memref<50000x128xf32, #tpu.memory_space<hbm>> -> memref<50000x128xf32, #tpu.memory_space<hbm>>
    tpu.enqueue_indirect_dma source(%dma_start3A_108 : memref<50000x128xf32, #tpu.memory_space<hbm>>) target(%arg7 : memref<128x128xf32, #tpu.memory_space<vmem>>) offsets(%dma_start3A_105 : memref<128xi32, #tpu.memory_space<vmem>>) semaphore(%arg11 : memref<!tpu.dma_semaphore, #tpu.memory_space<semaphore_mem>>)
    %dma_wait3A_109 = arith.constant 19 : i32
    %dma_wait3A_110 = arith.constant 0 : i32
    %dma_wait3A_111 = tpu.memref_slice %arg5[%dma_wait3A_109, %dma_wait3A_110] : memref<22x128xi32, #tpu.memory_space<vmem>> -> memref<1x128xi32, #tpu.memory_space<vmem>>
    %dma_wait3A_112 = tpu.memref_squeeze %dma_wait3A_111 : memref<1x128xi32, #tpu.memory_space<vmem>> -> memref<128xi32, #tpu.memory_space<vmem>>
    %dma_wait3A_113 = arith.constant 0 : i32
    %dma_wait3A_114 = arith.constant 0 : i32
    %dma_wait3A_115 = tpu.memref_slice %arg2[%dma_wait3A_113, %dma_wait3A_114] : memref<50000x128xf32, #tpu.memory_space<hbm>> -> memref<50000x128xf32, #tpu.memory_space<hbm>>
    tpu.wait_indirect_dma semaphore(%arg13 : memref<!tpu.dma_semaphore, #tpu.memory_space<semaphore_mem>>) src(%dma_wait3A_115 : memref<50000x128xf32, #tpu.memory_space<hbm>>) dst(%arg9 : memref<128x128xf32, #tpu.memory_space<vmem>>)
    %add3A_116 = arith.constant 19 : i32
    %add3A_117 = arith.addi %mul3A_2, %add3A_116 : i32
    %mul3A_118 = arith.constant 128 : i32
    %mul3A_119 = arith.muli %add3A_117, %mul3A_118 : i32
    %dma_start3A_120 = arith.constant 0 : i32
    %dma_start3A_121 = tpu.memref_slice %arg4[%mul3A_119, %dma_start3A_120] : memref<90112x128xf32, #tpu.memory_space<hbm>> -> memref<128x128xf32, #tpu.memory_space<hbm>>
    %dma_start3A_122 = arith.constant 0 : i32
    %dma_start3A_123 = tpu.memref_slice %arg4[%mul3A_119, %dma_start3A_122] : memref<90112x128xf32, #tpu.memory_space<hbm>> -> memref<128x128xf32, #tpu.memory_space<hbm>>
    tpu.enqueue_dma source(%arg9 : memref<128x128xf32, #tpu.memory_space<vmem>>) target(%dma_start3A_123 : memref<128x128xf32, #tpu.memory_space<hbm>>) target_semaphore(%arg17 : memref<!tpu.dma_semaphore, #tpu.memory_space<semaphore_mem>>)
    %add3A_124 = arith.constant 18 : i32
    %add3A_125 = arith.addi %mul3A_2, %add3A_124 : i32
    %mul3A_126 = arith.constant 128 : i32
    %mul3A_127 = arith.muli %add3A_125, %mul3A_126 : i32
    %dma_wait3A_128 = arith.constant 0 : i32
    %dma_wait3A_129 = tpu.memref_slice %arg4[%mul3A_127, %dma_wait3A_128] : memref<90112x128xf32, #tpu.memory_space<hbm>> -> memref<128x128xf32, #tpu.memory_space<hbm>>
    %dma_wait3A_130 = arith.constant 0 : i32
    %dma_wait3A_131 = tpu.memref_slice %arg4[%mul3A_127, %dma_wait3A_130] : memref<90112x128xf32, #tpu.memory_space<hbm>> -> memref<128x128xf32, #tpu.memory_space<hbm>>
    tpu.wait_dma2 semaphore(%arg16 : memref<!tpu.dma_semaphore, #tpu.memory_space<semaphore_mem>>) src(%arg8 : memref<128x128xf32, #tpu.memory_space<vmem>>) dst(%dma_wait3A_131 : memref<128x128xf32, #tpu.memory_space<hbm>>)
    %dma_wait3A_132 = arith.constant 20 : i32
    %dma_wait3A_133 = arith.constant 0 : i32
    %dma_wait3A_134 = tpu.memref_slice %arg5[%dma_wait3A_132, %dma_wait3A_133] : memref<22x128xi32, #tpu.memory_space<vmem>> -> memref<1x128xi32, #tpu.memory_space<vmem>>
    %dma_wait3A_135 = tpu.memref_squeeze %dma_wait3A_134 : memref<1x128xi32, #tpu.memory_space<vmem>> -> memref<128xi32, #tpu.memory_space<vmem>>
    %dma_wait3A_136 = arith.constant 0 : i32
    %dma_wait3A_137 = arith.constant 0 : i32
    %dma_wait3A_138 = tpu.memref_slice %arg2[%dma_wait3A_136, %dma_wait3A_137] : memref<50000x128xf32, #tpu.memory_space<hbm>> -> memref<50000x128xf32, #tpu.memory_space<hbm>>
    tpu.wait_indirect_dma semaphore(%arg10 : memref<!tpu.dma_semaphore, #tpu.memory_space<semaphore_mem>>) src(%dma_wait3A_138 : memref<50000x128xf32, #tpu.memory_space<hbm>>) dst(%arg6 : memref<128x128xf32, #tpu.memory_space<vmem>>)
    %add3A_139 = arith.constant 20 : i32
    %add3A_140 = arith.addi %mul3A_2, %add3A_139 : i32
    %mul3A_141 = arith.constant 128 : i32
    %mul3A_142 = arith.muli %add3A_140, %mul3A_141 : i32
    %dma_start3A_143 = arith.constant 0 : i32
    %dma_start3A_144 = tpu.memref_slice %arg4[%mul3A_142, %dma_start3A_143] : memref<90112x128xf32, #tpu.memory_space<hbm>> -> memref<128x128xf32, #tpu.memory_space<hbm>>
    %dma_start3A_145 = arith.constant 0 : i32
    %dma_start3A_146 = tpu.memref_slice %arg4[%mul3A_142, %dma_start3A_145] : memref<90112x128xf32, #tpu.memory_space<hbm>> -> memref<128x128xf32, #tpu.memory_space<hbm>>
    tpu.enqueue_dma source(%arg6 : memref<128x128xf32, #tpu.memory_space<vmem>>) target(%dma_start3A_146 : memref<128x128xf32, #tpu.memory_space<hbm>>) target_semaphore(%arg14 : memref<!tpu.dma_semaphore, #tpu.memory_space<semaphore_mem>>)
    %add3A_147 = arith.constant 19 : i32
    %add3A_148 = arith.addi %mul3A_2, %add3A_147 : i32
    %mul3A_149 = arith.constant 128 : i32
    %mul3A_150 = arith.muli %add3A_148, %mul3A_149 : i32
    %dma_wait3A_151 = arith.constant 0 : i32
    %dma_wait3A_152 = tpu.memref_slice %arg4[%mul3A_150, %dma_wait3A_151] : memref<90112x128xf32, #tpu.memory_space<hbm>> -> memref<128x128xf32, #tpu.memory_space<hbm>>
    %dma_wait3A_153 = arith.constant 0 : i32
    %dma_wait3A_154 = tpu.memref_slice %arg4[%mul3A_150, %dma_wait3A_153] : memref<90112x128xf32, #tpu.memory_space<hbm>> -> memref<128x128xf32, #tpu.memory_space<hbm>>
    tpu.wait_dma2 semaphore(%arg17 : memref<!tpu.dma_semaphore, #tpu.memory_space<semaphore_mem>>) src(%arg9 : memref<128x128xf32, #tpu.memory_space<vmem>>) dst(%dma_wait3A_154 : memref<128x128xf32, #tpu.memory_space<hbm>>)
    %dma_wait3A_155 = arith.constant 21 : i32
    %dma_wait3A_156 = arith.constant 0 : i32
    %dma_wait3A_157 = tpu.memref_slice %arg5[%dma_wait3A_155, %dma_wait3A_156] : memref<22x128xi32, #tpu.memory_space<vmem>> -> memref<1x128xi32, #tpu.memory_space<vmem>>
    %dma_wait3A_158 = tpu.memref_squeeze %dma_wait3A_157 : memref<1x128xi32, #tpu.memory_space<vmem>> -> memref<128xi32, #tpu.memory_space<vmem>>
    %dma_wait3A_159 = arith.constant 0 : i32
    %dma_wait3A_160 = arith.constant 0 : i32
    %dma_wait3A_161 = tpu.memref_slice %arg2[%dma_wait3A_159, %dma_wait3A_160] : memref<50000x128xf32, #tpu.memory_space<hbm>> -> memref<50000x128xf32, #tpu.memory_space<hbm>>
    tpu.wait_indirect_dma semaphore(%arg11 : memref<!tpu.dma_semaphore, #tpu.memory_space<semaphore_mem>>) src(%dma_wait3A_161 : memref<50000x128xf32, #tpu.memory_space<hbm>>) dst(%arg7 : memref<128x128xf32, #tpu.memory_space<vmem>>)
    %add3A_162 = arith.constant 21 : i32
    %add3A_163 = arith.addi %mul3A_2, %add3A_162 : i32
    %mul3A_164 = arith.constant 128 : i32
    %mul3A_165 = arith.muli %add3A_163, %mul3A_164 : i32
    %dma_start3A_166 = arith.constant 0 : i32
    %dma_start3A_167 = tpu.memref_slice %arg4[%mul3A_165, %dma_start3A_166] : memref<90112x128xf32, #tpu.memory_space<hbm>> -> memref<128x128xf32, #tpu.memory_space<hbm>>
    %dma_start3A_168 = arith.constant 0 : i32
    %dma_start3A_169 = tpu.memref_slice %arg4[%mul3A_165, %dma_start3A_168] : memref<90112x128xf32, #tpu.memory_space<hbm>> -> memref<128x128xf32, #tpu.memory_space<hbm>>
    tpu.enqueue_dma source(%arg7 : memref<128x128xf32, #tpu.memory_space<vmem>>) target(%dma_start3A_169 : memref<128x128xf32, #tpu.memory_space<hbm>>) target_semaphore(%arg15 : memref<!tpu.dma_semaphore, #tpu.memory_space<semaphore_mem>>)
    %add3A_170 = arith.constant 20 : i32
    %add3A_171 = arith.addi %mul3A_2, %add3A_170 : i32
    %mul3A_172 = arith.constant 128 : i32
    %mul3A_173 = arith.muli %add3A_171, %mul3A_172 : i32
    %dma_wait3A_174 = arith.constant 0 : i32
    %dma_wait3A_175 = tpu.memref_slice %arg4[%mul3A_173, %dma_wait3A_174] : memref<90112x128xf32, #tpu.memory_space<hbm>> -> memref<128x128xf32, #tpu.memory_space<hbm>>
    %dma_wait3A_176 = arith.constant 0 : i32
    %dma_wait3A_177 = tpu.memref_slice %arg4[%mul3A_173, %dma_wait3A_176] : memref<90112x128xf32, #tpu.memory_space<hbm>> -> memref<128x128xf32, #tpu.memory_space<hbm>>
    tpu.wait_dma2 semaphore(%arg14 : memref<!tpu.dma_semaphore, #tpu.memory_space<semaphore_mem>>) src(%arg6 : memref<128x128xf32, #tpu.memory_space<vmem>>) dst(%dma_wait3A_177 : memref<128x128xf32, #tpu.memory_space<hbm>>)
    %add3A_178 = arith.constant 21 : i32
    %add3A_179 = arith.addi %mul3A_2, %add3A_178 : i32
    %mul3A_180 = arith.constant 128 : i32
    %mul3A_181 = arith.muli %add3A_179, %mul3A_180 : i32
    %dma_wait3A_182 = arith.constant 0 : i32
    %dma_wait3A_183 = tpu.memref_slice %arg4[%mul3A_181, %dma_wait3A_182] : memref<90112x128xf32, #tpu.memory_space<hbm>> -> memref<128x128xf32, #tpu.memory_space<hbm>>
    %dma_wait3A_184 = arith.constant 0 : i32
    %dma_wait3A_185 = tpu.memref_slice %arg4[%mul3A_181, %dma_wait3A_184] : memref<90112x128xf32, #tpu.memory_space<hbm>> -> memref<128x128xf32, #tpu.memory_space<hbm>>
    tpu.wait_dma2 semaphore(%arg15 : memref<!tpu.dma_semaphore, #tpu.memory_space<semaphore_mem>>) src(%arg7 : memref<128x128xf32, #tpu.memory_space<vmem>>) dst(%dma_wait3A_185 : memref<128x128xf32, #tpu.memory_space<hbm>>)
    return
  }
}

#map = affine_map<(d0, d1) -> (0, 0)>
#map1 = affine_map<(d0, d1) -> (0, 0, 0)>
module attributes {stable_mosaic.version = 14 : i64} {
  func.func @_sc_gather_body(%arg0: i32, %arg1: i32, %arg2: memref<50000x128xf32, #tpu.memory_space<hbm>>, %arg3: memref<32x22x128xi32, #tpu.memory_space<hbm>>, %arg4: memref<90112x128xf32, #tpu.memory_space<hbm>>, %arg5: memref<22x128xi32, #tpu.memory_space<vmem>>, %arg6: memref<128x128xf32, #tpu.memory_space<vmem>>, %arg7: memref<128x128xf32, #tpu.memory_space<vmem>>, %arg8: memref<128x128xf32, #tpu.memory_space<vmem>>, %arg9: memref<128x128xf32, #tpu.memory_space<vmem>>, %arg10: memref<!tpu.dma_semaphore, #tpu.memory_space<semaphore_mem>>, %arg11: memref<!tpu.dma_semaphore, #tpu.memory_space<semaphore_mem>>, %arg12: memref<!tpu.dma_semaphore, #tpu.memory_space<semaphore_mem>>, %arg13: memref<!tpu.dma_semaphore, #tpu.memory_space<semaphore_mem>>, %arg14: memref<!tpu.dma_semaphore, #tpu.memory_space<semaphore_mem>>, %arg15: memref<!tpu.dma_semaphore, #tpu.memory_space<semaphore_mem>>, %arg16: memref<!tpu.dma_semaphore, #tpu.memory_space<semaphore_mem>>, %arg17: memref<!tpu.dma_semaphore, #tpu.memory_space<semaphore_mem>>) attributes {dimension_semantics = [#tpu.dimension_semantics<core_parallel>, #tpu.dimension_semantics<subcore_parallel>], iteration_bounds = array<i64: 2, 16>, scalar_prefetch = 0 : i64, scratch_operands = 13 : i64, tpu.core_type = #tpu.core_type<sc_vector_subcore>, window_params = [{transform_indices = #map}, {transform_indices = #map1}, {transform_indices = #map}]} {
    %mul3A = arith.constant 2 : i32
    %mul3A_0 = arith.muli %arg1, %mul3A : i32
    %add3A = arith.addi %mul3A_0, %arg0 : i32
    %mul3A_1 = arith.constant 22 : i32
    %mul3A_2 = arith.muli %add3A, %mul3A_1 : i32
    "tpu.region"() ({
      %run_scoped3A = tpu.sem_alloc : memref<!tpu.dma_semaphore, #tpu.memory_space<semaphore_mem>>
      %dma_start3A_186 = arith.constant 0 : i32
      %dma_start3A_187 = arith.constant 0 : i32
      %dma_start3A_188 = tpu.memref_slice %arg3[%add3A, %dma_start3A_186, %dma_start3A_187] : memref<32x22x128xi32, #tpu.memory_space<hbm>> -> memref<1x22x128xi32, #tpu.memory_space<hbm>>
      %dma_start3A_189 = tpu.memref_squeeze %dma_start3A_188 : memref<1x22x128xi32, #tpu.memory_space<hbm>> -> memref<22x128xi32, #tpu.memory_space<hbm>>
      %dma_start3A_190 = arith.constant 0 : i32
      %dma_start3A_191 = arith.constant 0 : i32
      %dma_start3A_192 = tpu.memref_slice %arg3[%add3A, %dma_start3A_190, %dma_start3A_191] : memref<32x22x128xi32, #tpu.memory_space<hbm>> -> memref<1x22x128xi32, #tpu.memory_space<hbm>>
      %dma_start3A_193 = tpu.memref_squeeze %dma_start3A_192 : memref<1x22x128xi32, #tpu.memory_space<hbm>> -> memref<22x128xi32, #tpu.memory_space<hbm>>
      tpu.enqueue_dma source(%dma_start3A_193 : memref<22x128xi32, #tpu.memory_space<hbm>>) target(%arg5 : memref<22x128xi32, #tpu.memory_space<vmem>>) target_semaphore(%run_scoped3A : memref<!tpu.dma_semaphore, #tpu.memory_space<semaphore_mem>>)
      %dma_wait3A_194 = arith.constant 0 : i32
      %dma_wait3A_195 = arith.constant 0 : i32
      %dma_wait3A_196 = tpu.memref_slice %arg3[%add3A, %dma_wait3A_194, %dma_wait3A_195] : memref<32x22x128xi32, #tpu.memory_space<hbm>> -> memref<1x22x128xi32, #tpu.memory_space<hbm>>
      %dma_wait3A_197 = tpu.memref_squeeze %dma_wait3A_196 : memref<1x22x128xi32, #tpu.memory_space<hbm>> -> memref<22x128xi32, #tpu.memory_space<hbm>>
      %dma_wait3A_198 = arith.constant 0 : i32
      %dma_wait3A_199 = arith.constant 0 : i32
      %dma_wait3A_200 = tpu.memref_slice %arg3[%add3A, %dma_wait3A_198, %dma_wait3A_199] : memref<32x22x128xi32, #tpu.memory_space<hbm>> -> memref<1x22x128xi32, #tpu.memory_space<hbm>>
      %dma_wait3A_201 = tpu.memref_squeeze %dma_wait3A_200 : memref<1x22x128xi32, #tpu.memory_space<hbm>> -> memref<22x128xi32, #tpu.memory_space<hbm>>
      tpu.wait_dma2 semaphore(%run_scoped3A : memref<!tpu.dma_semaphore, #tpu.memory_space<semaphore_mem>>) src(%dma_wait3A_201 : memref<22x128xi32, #tpu.memory_space<hbm>>) dst(%arg5 : memref<22x128xi32, #tpu.memory_space<vmem>>)
      tpu.yield
    }) : () -> ()
    %dma_start3A = arith.constant 0 : i32
    %dma_start3A_3 = arith.constant 0 : i32
    %dma_start3A_4 = tpu.memref_slice %arg5[%dma_start3A, %dma_start3A_3] : memref<22x128xi32, #tpu.memory_space<vmem>> -> memref<1x128xi32, #tpu.memory_space<vmem>>
    %dma_start3A_5 = tpu.memref_squeeze %dma_start3A_4 : memref<1x128xi32, #tpu.memory_space<vmem>> -> memref<128xi32, #tpu.memory_space<vmem>>
    %dma_start3A_6 = arith.constant 0 : i32
    %dma_start3A_7 = arith.constant 0 : i32
    %dma_start3A_8 = tpu.memref_slice %arg2[%dma_start3A_6, %dma_start3A_7] : memref<50000x128xf32, #tpu.memory_space<hbm>> -> memref<50000x128xf32, #tpu.memory_space<hbm>>
    tpu.enqueue_indirect_dma source(%dma_start3A_8 : memref<50000x128xf32, #tpu.memory_space<hbm>>) target(%arg6 : memref<128x128xf32, #tpu.memory_space<vmem>>) offsets(%dma_start3A_5 : memref<128xi32, #tpu.memory_space<vmem>>) semaphore(%arg10 : memref<!tpu.dma_semaphore, #tpu.memory_space<semaphore_mem>>)
    %dma_start3A_9 = arith.constant 1 : i32
    %dma_start3A_10 = arith.constant 0 : i32
    %dma_start3A_11 = tpu.memref_slice %arg5[%dma_start3A_9, %dma_start3A_10] : memref<22x128xi32, #tpu.memory_space<vmem>> -> memref<1x128xi32, #tpu.memory_space<vmem>>
    %dma_start3A_12 = tpu.memref_squeeze %dma_start3A_11 : memref<1x128xi32, #tpu.memory_space<vmem>> -> memref<128xi32, #tpu.memory_space<vmem>>
    %dma_start3A_13 = arith.constant 0 : i32
    %dma_start3A_14 = arith.constant 0 : i32
    %dma_start3A_15 = tpu.memref_slice %arg2[%dma_start3A_13, %dma_start3A_14] : memref<50000x128xf32, #tpu.memory_space<hbm>> -> memref<50000x128xf32, #tpu.memory_space<hbm>>
    tpu.enqueue_indirect_dma source(%dma_start3A_15 : memref<50000x128xf32, #tpu.memory_space<hbm>>) target(%arg7 : memref<128x128xf32, #tpu.memory_space<vmem>>) offsets(%dma_start3A_12 : memref<128xi32, #tpu.memory_space<vmem>>) semaphore(%arg11 : memref<!tpu.dma_semaphore, #tpu.memory_space<semaphore_mem>>)
    %dma_start3A_16 = arith.constant 2 : i32
    %dma_start3A_17 = arith.constant 0 : i32
    %dma_start3A_18 = tpu.memref_slice %arg5[%dma_start3A_16, %dma_start3A_17] : memref<22x128xi32, #tpu.memory_space<vmem>> -> memref<1x128xi32, #tpu.memory_space<vmem>>
    %dma_start3A_19 = tpu.memref_squeeze %dma_start3A_18 : memref<1x128xi32, #tpu.memory_space<vmem>> -> memref<128xi32, #tpu.memory_space<vmem>>
    %dma_start3A_20 = arith.constant 0 : i32
    %dma_start3A_21 = arith.constant 0 : i32
    %dma_start3A_22 = tpu.memref_slice %arg2[%dma_start3A_20, %dma_start3A_21] : memref<50000x128xf32, #tpu.memory_space<hbm>> -> memref<50000x128xf32, #tpu.memory_space<hbm>>
    tpu.enqueue_indirect_dma source(%dma_start3A_22 : memref<50000x128xf32, #tpu.memory_space<hbm>>) target(%arg8 : memref<128x128xf32, #tpu.memory_space<vmem>>) offsets(%dma_start3A_19 : memref<128xi32, #tpu.memory_space<vmem>>) semaphore(%arg12 : memref<!tpu.dma_semaphore, #tpu.memory_space<semaphore_mem>>)
    %dma_start3A_23 = arith.constant 3 : i32
    %dma_start3A_24 = arith.constant 0 : i32
    %dma_start3A_25 = tpu.memref_slice %arg5[%dma_start3A_23, %dma_start3A_24] : memref<22x128xi32, #tpu.memory_space<vmem>> -> memref<1x128xi32, #tpu.memory_space<vmem>>
    %dma_start3A_26 = tpu.memref_squeeze %dma_start3A_25 : memref<1x128xi32, #tpu.memory_space<vmem>> -> memref<128xi32, #tpu.memory_space<vmem>>
    %dma_start3A_27 = arith.constant 0 : i32
    %dma_start3A_28 = arith.constant 0 : i32
    %dma_start3A_29 = tpu.memref_slice %arg2[%dma_start3A_27, %dma_start3A_28] : memref<50000x128xf32, #tpu.memory_space<hbm>> -> memref<50000x128xf32, #tpu.memory_space<hbm>>
    tpu.enqueue_indirect_dma source(%dma_start3A_29 : memref<50000x128xf32, #tpu.memory_space<hbm>>) target(%arg9 : memref<128x128xf32, #tpu.memory_space<vmem>>) offsets(%dma_start3A_26 : memref<128xi32, #tpu.memory_space<vmem>>) semaphore(%arg13 : memref<!tpu.dma_semaphore, #tpu.memory_space<semaphore_mem>>)
    %dma_wait3A = arith.constant 0 : i32
    %dma_wait3A_30 = arith.constant 0 : i32
    %dma_wait3A_31 = tpu.memref_slice %arg5[%dma_wait3A, %dma_wait3A_30] : memref<22x128xi32, #tpu.memory_space<vmem>> -> memref<1x128xi32, #tpu.memory_space<vmem>>
    %dma_wait3A_32 = tpu.memref_squeeze %dma_wait3A_31 : memref<1x128xi32, #tpu.memory_space<vmem>> -> memref<128xi32, #tpu.memory_space<vmem>>
    %dma_wait3A_33 = arith.constant 0 : i32
    %dma_wait3A_34 = arith.constant 0 : i32
    %dma_wait3A_35 = tpu.memref_slice %arg2[%dma_wait3A_33, %dma_wait3A_34] : memref<50000x128xf32, #tpu.memory_space<hbm>> -> memref<50000x128xf32, #tpu.memory_space<hbm>>
    tpu.wait_indirect_dma semaphore(%arg10 : memref<!tpu.dma_semaphore, #tpu.memory_space<semaphore_mem>>) src(%dma_wait3A_35 : memref<50000x128xf32, #tpu.memory_space<hbm>>) dst(%arg6 : memref<128x128xf32, #tpu.memory_space<vmem>>)
    %add3A_36 = arith.constant 0 : i32
    %add3A_37 = arith.addi %mul3A_2, %add3A_36 : i32
    %mul3A_38 = arith.constant 128 : i32
    %mul3A_39 = arith.muli %add3A_37, %mul3A_38 : i32
    %dma_start3A_40 = arith.constant 0 : i32
    %dma_start3A_41 = tpu.memref_slice %arg4[%mul3A_39, %dma_start3A_40] : memref<90112x128xf32, #tpu.memory_space<hbm>> -> memref<128x128xf32, #tpu.memory_space<hbm>>
    %dma_start3A_42 = arith.constant 0 : i32
    %dma_start3A_43 = tpu.memref_slice %arg4[%mul3A_39, %dma_start3A_42] : memref<90112x128xf32, #tpu.memory_space<hbm>> -> memref<128x128xf32, #tpu.memory_space<hbm>>
    tpu.enqueue_dma source(%arg6 : memref<128x128xf32, #tpu.memory_space<vmem>>) target(%dma_start3A_43 : memref<128x128xf32, #tpu.memory_space<hbm>>) target_semaphore(%arg14 : memref<!tpu.dma_semaphore, #tpu.memory_space<semaphore_mem>>)
    %scan3A = arith.constant 0 : i32
    %scan3A_44 = arith.constant 0 : i32
    %scan3A_45 = arith.constant 4 : i32
    %scan3A_46 = arith.addi %scan3A_44, %scan3A_45 : i32
    %scan3A_47 = arith.constant 1 : i32
    scf.for %scan3A_186 = %scan3A_44 to %scan3A_46 step %scan3A_47  : i32 {
      %mul3A_187 = arith.constant 4 : i32
      %mul3A_188 = arith.muli %scan3A_186, %mul3A_187 : i32
      %add3A_189 = arith.constant 1 : i32
      %add3A_190 = arith.addi %add3A_189, %mul3A_188 : i32
      %add3A_191 = arith.constant 0 : i32
      %add3A_192 = arith.addi %add3A_190, %add3A_191 : i32
      %dma_wait3A_193 = arith.constant 0 : i32
      %dma_wait3A_194 = tpu.memref_slice %arg5[%add3A_192, %dma_wait3A_193] : memref<22x128xi32, #tpu.memory_space<vmem>> -> memref<1x128xi32, #tpu.memory_space<vmem>>
      %dma_wait3A_195 = tpu.memref_squeeze %dma_wait3A_194 : memref<1x128xi32, #tpu.memory_space<vmem>> -> memref<128xi32, #tpu.memory_space<vmem>>
      %dma_wait3A_196 = arith.constant 0 : i32
      %dma_wait3A_197 = arith.constant 0 : i32
      %dma_wait3A_198 = tpu.memref_slice %arg2[%dma_wait3A_196, %dma_wait3A_197] : memref<50000x128xf32, #tpu.memory_space<hbm>> -> memref<50000x128xf32, #tpu.memory_space<hbm>>
      tpu.wait_indirect_dma semaphore(%arg11 : memref<!tpu.dma_semaphore, #tpu.memory_space<semaphore_mem>>) src(%dma_wait3A_198 : memref<50000x128xf32, #tpu.memory_space<hbm>>) dst(%arg7 : memref<128x128xf32, #tpu.memory_space<vmem>>)
      %add3A_199 = arith.addi %mul3A_2, %add3A_192 : i32
      %mul3A_200 = arith.constant 128 : i32
      %mul3A_201 = arith.muli %add3A_199, %mul3A_200 : i32
      %dma_start3A_202 = arith.constant 0 : i32
      %dma_start3A_203 = tpu.memref_slice %arg4[%mul3A_201, %dma_start3A_202] : memref<90112x128xf32, #tpu.memory_space<hbm>> -> memref<128x128xf32, #tpu.memory_space<hbm>>
      %dma_start3A_204 = arith.constant 0 : i32
      %dma_start3A_205 = tpu.memref_slice %arg4[%mul3A_201, %dma_start3A_204] : memref<90112x128xf32, #tpu.memory_space<hbm>> -> memref<128x128xf32, #tpu.memory_space<hbm>>
      tpu.enqueue_dma source(%arg7 : memref<128x128xf32, #tpu.memory_space<vmem>>) target(%dma_start3A_205 : memref<128x128xf32, #tpu.memory_space<hbm>>) target_semaphore(%arg15 : memref<!tpu.dma_semaphore, #tpu.memory_space<semaphore_mem>>)
      %sub3A = arith.constant 1 : i32
      %sub3A_206 = arith.subi %add3A_192, %sub3A : i32
      %add3A_207 = arith.addi %mul3A_2, %sub3A_206 : i32
      %mul3A_208 = arith.constant 128 : i32
      %mul3A_209 = arith.muli %add3A_207, %mul3A_208 : i32
      %dma_wait3A_210 = arith.constant 0 : i32
      %dma_wait3A_211 = tpu.memref_slice %arg4[%mul3A_209, %dma_wait3A_210] : memref<90112x128xf32, #tpu.memory_space<hbm>> -> memref<128x128xf32, #tpu.memory_space<hbm>>
      %dma_wait3A_212 = arith.constant 0 : i32
      %dma_wait3A_213 = tpu.memref_slice %arg4[%mul3A_209, %dma_wait3A_212] : memref<90112x128xf32, #tpu.memory_space<hbm>> -> memref<128x128xf32, #tpu.memory_space<hbm>>
      tpu.wait_dma2 semaphore(%arg14 : memref<!tpu.dma_semaphore, #tpu.memory_space<semaphore_mem>>) src(%arg6 : memref<128x128xf32, #tpu.memory_space<vmem>>) dst(%dma_wait3A_213 : memref<128x128xf32, #tpu.memory_space<hbm>>)
      %add3A_214 = arith.constant 3 : i32
      %add3A_215 = arith.addi %add3A_192, %add3A_214 : i32
      %dma_start3A_216 = arith.constant 0 : i32
      %dma_start3A_217 = tpu.memref_slice %arg5[%add3A_215, %dma_start3A_216] : memref<22x128xi32, #tpu.memory_space<vmem>> -> memref<1x128xi32, #tpu.memory_space<vmem>>
      %dma_start3A_218 = tpu.memref_squeeze %dma_start3A_217 : memref<1x128xi32, #tpu.memory_space<vmem>> -> memref<128xi32, #tpu.memory_space<vmem>>
      %dma_start3A_219 = arith.constant 0 : i32
      %dma_start3A_220 = arith.constant 0 : i32
      %dma_start3A_221 = tpu.memref_slice %arg2[%dma_start3A_219, %dma_start3A_220] : memref<50000x128xf32, #tpu.memory_space<hbm>> -> memref<50000x128xf32, #tpu.memory_space<hbm>>
      tpu.enqueue_indirect_dma source(%dma_start3A_221 : memref<50000x128xf32, #tpu.memory_space<hbm>>) target(%arg6 : memref<128x128xf32, #tpu.memory_space<vmem>>) offsets(%dma_start3A_218 : memref<128xi32, #tpu.memory_space<vmem>>) semaphore(%arg10 : memref<!tpu.dma_semaphore, #tpu.memory_space<semaphore_mem>>)
      %add3A_222 = arith.constant 1 : i32
      %add3A_223 = arith.addi %add3A_190, %add3A_222 : i32
      %dma_wait3A_224 = arith.constant 0 : i32
      %dma_wait3A_225 = tpu.memref_slice %arg5[%add3A_223, %dma_wait3A_224] : memref<22x128xi32, #tpu.memory_space<vmem>> -> memref<1x128xi32, #tpu.memory_space<vmem>>
      %dma_wait3A_226 = tpu.memref_squeeze %dma_wait3A_225 : memref<1x128xi32, #tpu.memory_space<vmem>> -> memref<128xi32, #tpu.memory_space<vmem>>
      %dma_wait3A_227 = arith.constant 0 : i32
      %dma_wait3A_228 = arith.constant 0 : i32
      %dma_wait3A_229 = tpu.memref_slice %arg2[%dma_wait3A_227, %dma_wait3A_228] : memref<50000x128xf32, #tpu.memory_space<hbm>> -> memref<50000x128xf32, #tpu.memory_space<hbm>>
      tpu.wait_indirect_dma semaphore(%arg12 : memref<!tpu.dma_semaphore, #tpu.memory_space<semaphore_mem>>) src(%dma_wait3A_229 : memref<50000x128xf32, #tpu.memory_space<hbm>>) dst(%arg8 : memref<128x128xf32, #tpu.memory_space<vmem>>)
      %add3A_230 = arith.addi %mul3A_2, %add3A_223 : i32
      %mul3A_231 = arith.constant 128 : i32
      %mul3A_232 = arith.muli %add3A_230, %mul3A_231 : i32
      %dma_start3A_233 = arith.constant 0 : i32
      %dma_start3A_234 = tpu.memref_slice %arg4[%mul3A_232, %dma_start3A_233] : memref<90112x128xf32, #tpu.memory_space<hbm>> -> memref<128x128xf32, #tpu.memory_space<hbm>>
      %dma_start3A_235 = arith.constant 0 : i32
      %dma_start3A_236 = tpu.memref_slice %arg4[%mul3A_232, %dma_start3A_235] : memref<90112x128xf32, #tpu.memory_space<hbm>> -> memref<128x128xf32, #tpu.memory_space<hbm>>
      tpu.enqueue_dma source(%arg8 : memref<128x128xf32, #tpu.memory_space<vmem>>) target(%dma_start3A_236 : memref<128x128xf32, #tpu.memory_space<hbm>>) target_semaphore(%arg16 : memref<!tpu.dma_semaphore, #tpu.memory_space<semaphore_mem>>)
      %sub3A_237 = arith.constant 1 : i32
      %sub3A_238 = arith.subi %add3A_223, %sub3A_237 : i32
      %add3A_239 = arith.addi %mul3A_2, %sub3A_238 : i32
      %mul3A_240 = arith.constant 128 : i32
      %mul3A_241 = arith.muli %add3A_239, %mul3A_240 : i32
      %dma_wait3A_242 = arith.constant 0 : i32
      %dma_wait3A_243 = tpu.memref_slice %arg4[%mul3A_241, %dma_wait3A_242] : memref<90112x128xf32, #tpu.memory_space<hbm>> -> memref<128x128xf32, #tpu.memory_space<hbm>>
      %dma_wait3A_244 = arith.constant 0 : i32
      %dma_wait3A_245 = tpu.memref_slice %arg4[%mul3A_241, %dma_wait3A_244] : memref<90112x128xf32, #tpu.memory_space<hbm>> -> memref<128x128xf32, #tpu.memory_space<hbm>>
      tpu.wait_dma2 semaphore(%arg15 : memref<!tpu.dma_semaphore, #tpu.memory_space<semaphore_mem>>) src(%arg7 : memref<128x128xf32, #tpu.memory_space<vmem>>) dst(%dma_wait3A_245 : memref<128x128xf32, #tpu.memory_space<hbm>>)
      %add3A_246 = arith.constant 3 : i32
      %add3A_247 = arith.addi %add3A_223, %add3A_246 : i32
      %dma_start3A_248 = arith.constant 0 : i32
      %dma_start3A_249 = tpu.memref_slice %arg5[%add3A_247, %dma_start3A_248] : memref<22x128xi32, #tpu.memory_space<vmem>> -> memref<1x128xi32, #tpu.memory_space<vmem>>
      %dma_start3A_250 = tpu.memref_squeeze %dma_start3A_249 : memref<1x128xi32, #tpu.memory_space<vmem>> -> memref<128xi32, #tpu.memory_space<vmem>>
      %dma_start3A_251 = arith.constant 0 : i32
      %dma_start3A_252 = arith.constant 0 : i32
      %dma_start3A_253 = tpu.memref_slice %arg2[%dma_start3A_251, %dma_start3A_252] : memref<50000x128xf32, #tpu.memory_space<hbm>> -> memref<50000x128xf32, #tpu.memory_space<hbm>>
      tpu.enqueue_indirect_dma source(%dma_start3A_253 : memref<50000x128xf32, #tpu.memory_space<hbm>>) target(%arg7 : memref<128x128xf32, #tpu.memory_space<vmem>>) offsets(%dma_start3A_250 : memref<128xi32, #tpu.memory_space<vmem>>) semaphore(%arg11 : memref<!tpu.dma_semaphore, #tpu.memory_space<semaphore_mem>>)
      %add3A_254 = arith.constant 2 : i32
      %add3A_255 = arith.addi %add3A_190, %add3A_254 : i32
      %dma_wait3A_256 = arith.constant 0 : i32
      %dma_wait3A_257 = tpu.memref_slice %arg5[%add3A_255, %dma_wait3A_256] : memref<22x128xi32, #tpu.memory_space<vmem>> -> memref<1x128xi32, #tpu.memory_space<vmem>>
      %dma_wait3A_258 = tpu.memref_squeeze %dma_wait3A_257 : memref<1x128xi32, #tpu.memory_space<vmem>> -> memref<128xi32, #tpu.memory_space<vmem>>
      %dma_wait3A_259 = arith.constant 0 : i32
      %dma_wait3A_260 = arith.constant 0 : i32
      %dma_wait3A_261 = tpu.memref_slice %arg2[%dma_wait3A_259, %dma_wait3A_260] : memref<50000x128xf32, #tpu.memory_space<hbm>> -> memref<50000x128xf32, #tpu.memory_space<hbm>>
      tpu.wait_indirect_dma semaphore(%arg13 : memref<!tpu.dma_semaphore, #tpu.memory_space<semaphore_mem>>) src(%dma_wait3A_261 : memref<50000x128xf32, #tpu.memory_space<hbm>>) dst(%arg9 : memref<128x128xf32, #tpu.memory_space<vmem>>)
      %add3A_262 = arith.addi %mul3A_2, %add3A_255 : i32
      %mul3A_263 = arith.constant 128 : i32
      %mul3A_264 = arith.muli %add3A_262, %mul3A_263 : i32
      %dma_start3A_265 = arith.constant 0 : i32
      %dma_start3A_266 = tpu.memref_slice %arg4[%mul3A_264, %dma_start3A_265] : memref<90112x128xf32, #tpu.memory_space<hbm>> -> memref<128x128xf32, #tpu.memory_space<hbm>>
      %dma_start3A_267 = arith.constant 0 : i32
      %dma_start3A_268 = tpu.memref_slice %arg4[%mul3A_264, %dma_start3A_267] : memref<90112x128xf32, #tpu.memory_space<hbm>> -> memref<128x128xf32, #tpu.memory_space<hbm>>
      tpu.enqueue_dma source(%arg9 : memref<128x128xf32, #tpu.memory_space<vmem>>) target(%dma_start3A_268 : memref<128x128xf32, #tpu.memory_space<hbm>>) target_semaphore(%arg17 : memref<!tpu.dma_semaphore, #tpu.memory_space<semaphore_mem>>)
      %sub3A_269 = arith.constant 1 : i32
      %sub3A_270 = arith.subi %add3A_255, %sub3A_269 : i32
      %add3A_271 = arith.addi %mul3A_2, %sub3A_270 : i32
      %mul3A_272 = arith.constant 128 : i32
      %mul3A_273 = arith.muli %add3A_271, %mul3A_272 : i32
      %dma_wait3A_274 = arith.constant 0 : i32
      %dma_wait3A_275 = tpu.memref_slice %arg4[%mul3A_273, %dma_wait3A_274] : memref<90112x128xf32, #tpu.memory_space<hbm>> -> memref<128x128xf32, #tpu.memory_space<hbm>>
      %dma_wait3A_276 = arith.constant 0 : i32
      %dma_wait3A_277 = tpu.memref_slice %arg4[%mul3A_273, %dma_wait3A_276] : memref<90112x128xf32, #tpu.memory_space<hbm>> -> memref<128x128xf32, #tpu.memory_space<hbm>>
      tpu.wait_dma2 semaphore(%arg16 : memref<!tpu.dma_semaphore, #tpu.memory_space<semaphore_mem>>) src(%arg8 : memref<128x128xf32, #tpu.memory_space<vmem>>) dst(%dma_wait3A_277 : memref<128x128xf32, #tpu.memory_space<hbm>>)
      %add3A_278 = arith.constant 3 : i32
      %add3A_279 = arith.addi %add3A_255, %add3A_278 : i32
      %dma_start3A_280 = arith.constant 0 : i32
      %dma_start3A_281 = tpu.memref_slice %arg5[%add3A_279, %dma_start3A_280] : memref<22x128xi32, #tpu.memory_space<vmem>> -> memref<1x128xi32, #tpu.memory_space<vmem>>
      %dma_start3A_282 = tpu.memref_squeeze %dma_start3A_281 : memref<1x128xi32, #tpu.memory_space<vmem>> -> memref<128xi32, #tpu.memory_space<vmem>>
      %dma_start3A_283 = arith.constant 0 : i32
      %dma_start3A_284 = arith.constant 0 : i32
      %dma_start3A_285 = tpu.memref_slice %arg2[%dma_start3A_283, %dma_start3A_284] : memref<50000x128xf32, #tpu.memory_space<hbm>> -> memref<50000x128xf32, #tpu.memory_space<hbm>>
      tpu.enqueue_indirect_dma source(%dma_start3A_285 : memref<50000x128xf32, #tpu.memory_space<hbm>>) target(%arg8 : memref<128x128xf32, #tpu.memory_space<vmem>>) offsets(%dma_start3A_282 : memref<128xi32, #tpu.memory_space<vmem>>) semaphore(%arg12 : memref<!tpu.dma_semaphore, #tpu.memory_space<semaphore_mem>>)
      %add3A_286 = arith.constant 3 : i32
      %add3A_287 = arith.addi %add3A_190, %add3A_286 : i32
      %dma_wait3A_288 = arith.constant 0 : i32
      %dma_wait3A_289 = tpu.memref_slice %arg5[%add3A_287, %dma_wait3A_288] : memref<22x128xi32, #tpu.memory_space<vmem>> -> memref<1x128xi32, #tpu.memory_space<vmem>>
      %dma_wait3A_290 = tpu.memref_squeeze %dma_wait3A_289 : memref<1x128xi32, #tpu.memory_space<vmem>> -> memref<128xi32, #tpu.memory_space<vmem>>
      %dma_wait3A_291 = arith.constant 0 : i32
      %dma_wait3A_292 = arith.constant 0 : i32
      %dma_wait3A_293 = tpu.memref_slice %arg2[%dma_wait3A_291, %dma_wait3A_292] : memref<50000x128xf32, #tpu.memory_space<hbm>> -> memref<50000x128xf32, #tpu.memory_space<hbm>>
      tpu.wait_indirect_dma semaphore(%arg10 : memref<!tpu.dma_semaphore, #tpu.memory_space<semaphore_mem>>) src(%dma_wait3A_293 : memref<50000x128xf32, #tpu.memory_space<hbm>>) dst(%arg6 : memref<128x128xf32, #tpu.memory_space<vmem>>)
      %add3A_294 = arith.addi %mul3A_2, %add3A_287 : i32
      %mul3A_295 = arith.constant 128 : i32
      %mul3A_296 = arith.muli %add3A_294, %mul3A_295 : i32
      %dma_start3A_297 = arith.constant 0 : i32
      %dma_start3A_298 = tpu.memref_slice %arg4[%mul3A_296, %dma_start3A_297] : memref<90112x128xf32, #tpu.memory_space<hbm>> -> memref<128x128xf32, #tpu.memory_space<hbm>>
      %dma_start3A_299 = arith.constant 0 : i32
      %dma_start3A_300 = tpu.memref_slice %arg4[%mul3A_296, %dma_start3A_299] : memref<90112x128xf32, #tpu.memory_space<hbm>> -> memref<128x128xf32, #tpu.memory_space<hbm>>
      tpu.enqueue_dma source(%arg6 : memref<128x128xf32, #tpu.memory_space<vmem>>) target(%dma_start3A_300 : memref<128x128xf32, #tpu.memory_space<hbm>>) target_semaphore(%arg14 : memref<!tpu.dma_semaphore, #tpu.memory_space<semaphore_mem>>)
      %sub3A_301 = arith.constant 1 : i32
      %sub3A_302 = arith.subi %add3A_287, %sub3A_301 : i32
      %add3A_303 = arith.addi %mul3A_2, %sub3A_302 : i32
      %mul3A_304 = arith.constant 128 : i32
      %mul3A_305 = arith.muli %add3A_303, %mul3A_304 : i32
      %dma_wait3A_306 = arith.constant 0 : i32
      %dma_wait3A_307 = tpu.memref_slice %arg4[%mul3A_305, %dma_wait3A_306] : memref<90112x128xf32, #tpu.memory_space<hbm>> -> memref<128x128xf32, #tpu.memory_space<hbm>>
      %dma_wait3A_308 = arith.constant 0 : i32
      %dma_wait3A_309 = tpu.memref_slice %arg4[%mul3A_305, %dma_wait3A_308] : memref<90112x128xf32, #tpu.memory_space<hbm>> -> memref<128x128xf32, #tpu.memory_space<hbm>>
      tpu.wait_dma2 semaphore(%arg17 : memref<!tpu.dma_semaphore, #tpu.memory_space<semaphore_mem>>) src(%arg9 : memref<128x128xf32, #tpu.memory_space<vmem>>) dst(%dma_wait3A_309 : memref<128x128xf32, #tpu.memory_space<hbm>>)
      %add3A_310 = arith.constant 3 : i32
      %add3A_311 = arith.addi %add3A_287, %add3A_310 : i32
      %dma_start3A_312 = arith.constant 0 : i32
      %dma_start3A_313 = tpu.memref_slice %arg5[%add3A_311, %dma_start3A_312] : memref<22x128xi32, #tpu.memory_space<vmem>> -> memref<1x128xi32, #tpu.memory_space<vmem>>
      %dma_start3A_314 = tpu.memref_squeeze %dma_start3A_313 : memref<1x128xi32, #tpu.memory_space<vmem>> -> memref<128xi32, #tpu.memory_space<vmem>>
      %dma_start3A_315 = arith.constant 0 : i32
      %dma_start3A_316 = arith.constant 0 : i32
      %dma_start3A_317 = tpu.memref_slice %arg2[%dma_start3A_315, %dma_start3A_316] : memref<50000x128xf32, #tpu.memory_space<hbm>> -> memref<50000x128xf32, #tpu.memory_space<hbm>>
      tpu.enqueue_indirect_dma source(%dma_start3A_317 : memref<50000x128xf32, #tpu.memory_space<hbm>>) target(%arg9 : memref<128x128xf32, #tpu.memory_space<vmem>>) offsets(%dma_start3A_314 : memref<128xi32, #tpu.memory_space<vmem>>) semaphore(%arg13 : memref<!tpu.dma_semaphore, #tpu.memory_space<semaphore_mem>>)
    }
    %scan3A_48 = arith.constant 4 : i32
    %dma_wait3A_49 = arith.constant 17 : i32
    %dma_wait3A_50 = arith.constant 0 : i32
    %dma_wait3A_51 = tpu.memref_slice %arg5[%dma_wait3A_49, %dma_wait3A_50] : memref<22x128xi32, #tpu.memory_space<vmem>> -> memref<1x128xi32, #tpu.memory_space<vmem>>
    %dma_wait3A_52 = tpu.memref_squeeze %dma_wait3A_51 : memref<1x128xi32, #tpu.memory_space<vmem>> -> memref<128xi32, #tpu.memory_space<vmem>>
    %dma_wait3A_53 = arith.constant 0 : i32
    %dma_wait3A_54 = arith.constant 0 : i32
    %dma_wait3A_55 = tpu.memref_slice %arg2[%dma_wait3A_53, %dma_wait3A_54] : memref<50000x128xf32, #tpu.memory_space<hbm>> -> memref<50000x128xf32, #tpu.memory_space<hbm>>
    tpu.wait_indirect_dma semaphore(%arg11 : memref<!tpu.dma_semaphore, #tpu.memory_space<semaphore_mem>>) src(%dma_wait3A_55 : memref<50000x128xf32, #tpu.memory_space<hbm>>) dst(%arg7 : memref<128x128xf32, #tpu.memory_space<vmem>>)
    %add3A_56 = arith.constant 17 : i32
    %add3A_57 = arith.addi %mul3A_2, %add3A_56 : i32
    %mul3A_58 = arith.constant 128 : i32
    %mul3A_59 = arith.muli %add3A_57, %mul3A_58 : i32
    %dma_start3A_60 = arith.constant 0 : i32
    %dma_start3A_61 = tpu.memref_slice %arg4[%mul3A_59, %dma_start3A_60] : memref<90112x128xf32, #tpu.memory_space<hbm>> -> memref<128x128xf32, #tpu.memory_space<hbm>>
    %dma_start3A_62 = arith.constant 0 : i32
    %dma_start3A_63 = tpu.memref_slice %arg4[%mul3A_59, %dma_start3A_62] : memref<90112x128xf32, #tpu.memory_space<hbm>> -> memref<128x128xf32, #tpu.memory_space<hbm>>
    tpu.enqueue_dma source(%arg7 : memref<128x128xf32, #tpu.memory_space<vmem>>) target(%dma_start3A_63 : memref<128x128xf32, #tpu.memory_space<hbm>>) target_semaphore(%arg15 : memref<!tpu.dma_semaphore, #tpu.memory_space<semaphore_mem>>)
    %add3A_64 = arith.constant 16 : i32
    %add3A_65 = arith.addi %mul3A_2, %add3A_64 : i32
    %mul3A_66 = arith.constant 128 : i32
    %mul3A_67 = arith.muli %add3A_65, %mul3A_66 : i32
    %dma_wait3A_68 = arith.constant 0 : i32
    %dma_wait3A_69 = tpu.memref_slice %arg4[%mul3A_67, %dma_wait3A_68] : memref<90112x128xf32, #tpu.memory_space<hbm>> -> memref<128x128xf32, #tpu.memory_space<hbm>>
    %dma_wait3A_70 = arith.constant 0 : i32
    %dma_wait3A_71 = tpu.memref_slice %arg4[%mul3A_67, %dma_wait3A_70] : memref<90112x128xf32, #tpu.memory_space<hbm>> -> memref<128x128xf32, #tpu.memory_space<hbm>>
    tpu.wait_dma2 semaphore(%arg14 : memref<!tpu.dma_semaphore, #tpu.memory_space<semaphore_mem>>) src(%arg6 : memref<128x128xf32, #tpu.memory_space<vmem>>) dst(%dma_wait3A_71 : memref<128x128xf32, #tpu.memory_space<hbm>>)
    %dma_start3A_72 = arith.constant 20 : i32
    %dma_start3A_73 = arith.constant 0 : i32
    %dma_start3A_74 = tpu.memref_slice %arg5[%dma_start3A_72, %dma_start3A_73] : memref<22x128xi32, #tpu.memory_space<vmem>> -> memref<1x128xi32, #tpu.memory_space<vmem>>
    %dma_start3A_75 = tpu.memref_squeeze %dma_start3A_74 : memref<1x128xi32, #tpu.memory_space<vmem>> -> memref<128xi32, #tpu.memory_space<vmem>>
    %dma_start3A_76 = arith.constant 0 : i32
    %dma_start3A_77 = arith.constant 0 : i32
    %dma_start3A_78 = tpu.memref_slice %arg2[%dma_start3A_76, %dma_start3A_77] : memref<50000x128xf32, #tpu.memory_space<hbm>> -> memref<50000x128xf32, #tpu.memory_space<hbm>>
    tpu.enqueue_indirect_dma source(%dma_start3A_78 : memref<50000x128xf32, #tpu.memory_space<hbm>>) target(%arg6 : memref<128x128xf32, #tpu.memory_space<vmem>>) offsets(%dma_start3A_75 : memref<128xi32, #tpu.memory_space<vmem>>) semaphore(%arg10 : memref<!tpu.dma_semaphore, #tpu.memory_space<semaphore_mem>>)
    %dma_wait3A_79 = arith.constant 18 : i32
    %dma_wait3A_80 = arith.constant 0 : i32
    %dma_wait3A_81 = tpu.memref_slice %arg5[%dma_wait3A_79, %dma_wait3A_80] : memref<22x128xi32, #tpu.memory_space<vmem>> -> memref<1x128xi32, #tpu.memory_space<vmem>>
    %dma_wait3A_82 = tpu.memref_squeeze %dma_wait3A_81 : memref<1x128xi32, #tpu.memory_space<vmem>> -> memref<128xi32, #tpu.memory_space<vmem>>
    %dma_wait3A_83 = arith.constant 0 : i32
    %dma_wait3A_84 = arith.constant 0 : i32
    %dma_wait3A_85 = tpu.memref_slice %arg2[%dma_wait3A_83, %dma_wait3A_84] : memref<50000x128xf32, #tpu.memory_space<hbm>> -> memref<50000x128xf32, #tpu.memory_space<hbm>>
    tpu.wait_indirect_dma semaphore(%arg12 : memref<!tpu.dma_semaphore, #tpu.memory_space<semaphore_mem>>) src(%dma_wait3A_85 : memref<50000x128xf32, #tpu.memory_space<hbm>>) dst(%arg8 : memref<128x128xf32, #tpu.memory_space<vmem>>)
    %add3A_86 = arith.constant 18 : i32
    %add3A_87 = arith.addi %mul3A_2, %add3A_86 : i32
    %mul3A_88 = arith.constant 128 : i32
    %mul3A_89 = arith.muli %add3A_87, %mul3A_88 : i32
    %dma_start3A_90 = arith.constant 0 : i32
    %dma_start3A_91 = tpu.memref_slice %arg4[%mul3A_89, %dma_start3A_90] : memref<90112x128xf32, #tpu.memory_space<hbm>> -> memref<128x128xf32, #tpu.memory_space<hbm>>
    %dma_start3A_92 = arith.constant 0 : i32
    %dma_start3A_93 = tpu.memref_slice %arg4[%mul3A_89, %dma_start3A_92] : memref<90112x128xf32, #tpu.memory_space<hbm>> -> memref<128x128xf32, #tpu.memory_space<hbm>>
    tpu.enqueue_dma source(%arg8 : memref<128x128xf32, #tpu.memory_space<vmem>>) target(%dma_start3A_93 : memref<128x128xf32, #tpu.memory_space<hbm>>) target_semaphore(%arg16 : memref<!tpu.dma_semaphore, #tpu.memory_space<semaphore_mem>>)
    %add3A_94 = arith.constant 17 : i32
    %add3A_95 = arith.addi %mul3A_2, %add3A_94 : i32
    %mul3A_96 = arith.constant 128 : i32
    %mul3A_97 = arith.muli %add3A_95, %mul3A_96 : i32
    %dma_wait3A_98 = arith.constant 0 : i32
    %dma_wait3A_99 = tpu.memref_slice %arg4[%mul3A_97, %dma_wait3A_98] : memref<90112x128xf32, #tpu.memory_space<hbm>> -> memref<128x128xf32, #tpu.memory_space<hbm>>
    %dma_wait3A_100 = arith.constant 0 : i32
    %dma_wait3A_101 = tpu.memref_slice %arg4[%mul3A_97, %dma_wait3A_100] : memref<90112x128xf32, #tpu.memory_space<hbm>> -> memref<128x128xf32, #tpu.memory_space<hbm>>
    tpu.wait_dma2 semaphore(%arg15 : memref<!tpu.dma_semaphore, #tpu.memory_space<semaphore_mem>>) src(%arg7 : memref<128x128xf32, #tpu.memory_space<vmem>>) dst(%dma_wait3A_101 : memref<128x128xf32, #tpu.memory_space<hbm>>)
    %dma_start3A_102 = arith.constant 21 : i32
    %dma_start3A_103 = arith.constant 0 : i32
    %dma_start3A_104 = tpu.memref_slice %arg5[%dma_start3A_102, %dma_start3A_103] : memref<22x128xi32, #tpu.memory_space<vmem>> -> memref<1x128xi32, #tpu.memory_space<vmem>>
    %dma_start3A_105 = tpu.memref_squeeze %dma_start3A_104 : memref<1x128xi32, #tpu.memory_space<vmem>> -> memref<128xi32, #tpu.memory_space<vmem>>
    %dma_start3A_106 = arith.constant 0 : i32
    %dma_start3A_107 = arith.constant 0 : i32
    %dma_start3A_108 = tpu.memref_slice %arg2[%dma_start3A_106, %dma_start3A_107] : memref<50000x128xf32, #tpu.memory_space<hbm>> -> memref<50000x128xf32, #tpu.memory_space<hbm>>
    tpu.enqueue_indirect_dma source(%dma_start3A_108 : memref<50000x128xf32, #tpu.memory_space<hbm>>) target(%arg7 : memref<128x128xf32, #tpu.memory_space<vmem>>) offsets(%dma_start3A_105 : memref<128xi32, #tpu.memory_space<vmem>>) semaphore(%arg11 : memref<!tpu.dma_semaphore, #tpu.memory_space<semaphore_mem>>)
    %dma_wait3A_109 = arith.constant 19 : i32
    %dma_wait3A_110 = arith.constant 0 : i32
    %dma_wait3A_111 = tpu.memref_slice %arg5[%dma_wait3A_109, %dma_wait3A_110] : memref<22x128xi32, #tpu.memory_space<vmem>> -> memref<1x128xi32, #tpu.memory_space<vmem>>
    %dma_wait3A_112 = tpu.memref_squeeze %dma_wait3A_111 : memref<1x128xi32, #tpu.memory_space<vmem>> -> memref<128xi32, #tpu.memory_space<vmem>>
    %dma_wait3A_113 = arith.constant 0 : i32
    %dma_wait3A_114 = arith.constant 0 : i32
    %dma_wait3A_115 = tpu.memref_slice %arg2[%dma_wait3A_113, %dma_wait3A_114] : memref<50000x128xf32, #tpu.memory_space<hbm>> -> memref<50000x128xf32, #tpu.memory_space<hbm>>
    tpu.wait_indirect_dma semaphore(%arg13 : memref<!tpu.dma_semaphore, #tpu.memory_space<semaphore_mem>>) src(%dma_wait3A_115 : memref<50000x128xf32, #tpu.memory_space<hbm>>) dst(%arg9 : memref<128x128xf32, #tpu.memory_space<vmem>>)
    %add3A_116 = arith.constant 19 : i32
    %add3A_117 = arith.addi %mul3A_2, %add3A_116 : i32
    %mul3A_118 = arith.constant 128 : i32
    %mul3A_119 = arith.muli %add3A_117, %mul3A_118 : i32
    %dma_start3A_120 = arith.constant 0 : i32
    %dma_start3A_121 = tpu.memref_slice %arg4[%mul3A_119, %dma_start3A_120] : memref<90112x128xf32, #tpu.memory_space<hbm>> -> memref<128x128xf32, #tpu.memory_space<hbm>>
    %dma_start3A_122 = arith.constant 0 : i32
    %dma_start3A_123 = tpu.memref_slice %arg4[%mul3A_119, %dma_start3A_122] : memref<90112x128xf32, #tpu.memory_space<hbm>> -> memref<128x128xf32, #tpu.memory_space<hbm>>
    tpu.enqueue_dma source(%arg9 : memref<128x128xf32, #tpu.memory_space<vmem>>) target(%dma_start3A_123 : memref<128x128xf32, #tpu.memory_space<hbm>>) target_semaphore(%arg17 : memref<!tpu.dma_semaphore, #tpu.memory_space<semaphore_mem>>)
    %add3A_124 = arith.constant 18 : i32
    %add3A_125 = arith.addi %mul3A_2, %add3A_124 : i32
    %mul3A_126 = arith.constant 128 : i32
    %mul3A_127 = arith.muli %add3A_125, %mul3A_126 : i32
    %dma_wait3A_128 = arith.constant 0 : i32
    %dma_wait3A_129 = tpu.memref_slice %arg4[%mul3A_127, %dma_wait3A_128] : memref<90112x128xf32, #tpu.memory_space<hbm>> -> memref<128x128xf32, #tpu.memory_space<hbm>>
    %dma_wait3A_130 = arith.constant 0 : i32
    %dma_wait3A_131 = tpu.memref_slice %arg4[%mul3A_127, %dma_wait3A_130] : memref<90112x128xf32, #tpu.memory_space<hbm>> -> memref<128x128xf32, #tpu.memory_space<hbm>>
    tpu.wait_dma2 semaphore(%arg16 : memref<!tpu.dma_semaphore, #tpu.memory_space<semaphore_mem>>) src(%arg8 : memref<128x128xf32, #tpu.memory_space<vmem>>) dst(%dma_wait3A_131 : memref<128x128xf32, #tpu.memory_space<hbm>>)
    %dma_wait3A_132 = arith.constant 20 : i32
    %dma_wait3A_133 = arith.constant 0 : i32
    %dma_wait3A_134 = tpu.memref_slice %arg5[%dma_wait3A_132, %dma_wait3A_133] : memref<22x128xi32, #tpu.memory_space<vmem>> -> memref<1x128xi32, #tpu.memory_space<vmem>>
    %dma_wait3A_135 = tpu.memref_squeeze %dma_wait3A_134 : memref<1x128xi32, #tpu.memory_space<vmem>> -> memref<128xi32, #tpu.memory_space<vmem>>
    %dma_wait3A_136 = arith.constant 0 : i32
    %dma_wait3A_137 = arith.constant 0 : i32
    %dma_wait3A_138 = tpu.memref_slice %arg2[%dma_wait3A_136, %dma_wait3A_137] : memref<50000x128xf32, #tpu.memory_space<hbm>> -> memref<50000x128xf32, #tpu.memory_space<hbm>>
    tpu.wait_indirect_dma semaphore(%arg10 : memref<!tpu.dma_semaphore, #tpu.memory_space<semaphore_mem>>) src(%dma_wait3A_138 : memref<50000x128xf32, #tpu.memory_space<hbm>>) dst(%arg6 : memref<128x128xf32, #tpu.memory_space<vmem>>)
    %add3A_139 = arith.constant 20 : i32
    %add3A_140 = arith.addi %mul3A_2, %add3A_139 : i32
    %mul3A_141 = arith.constant 128 : i32
    %mul3A_142 = arith.muli %add3A_140, %mul3A_141 : i32
    %dma_start3A_143 = arith.constant 0 : i32
    %dma_start3A_144 = tpu.memref_slice %arg4[%mul3A_142, %dma_start3A_143] : memref<90112x128xf32, #tpu.memory_space<hbm>> -> memref<128x128xf32, #tpu.memory_space<hbm>>
    %dma_start3A_145 = arith.constant 0 : i32
    %dma_start3A_146 = tpu.memref_slice %arg4[%mul3A_142, %dma_start3A_145] : memref<90112x128xf32, #tpu.memory_space<hbm>> -> memref<128x128xf32, #tpu.memory_space<hbm>>
    tpu.enqueue_dma source(%arg6 : memref<128x128xf32, #tpu.memory_space<vmem>>) target(%dma_start3A_146 : memref<128x128xf32, #tpu.memory_space<hbm>>) target_semaphore(%arg14 : memref<!tpu.dma_semaphore, #tpu.memory_space<semaphore_mem>>)
    %add3A_147 = arith.constant 19 : i32
    %add3A_148 = arith.addi %mul3A_2, %add3A_147 : i32
    %mul3A_149 = arith.constant 128 : i32
    %mul3A_150 = arith.muli %add3A_148, %mul3A_149 : i32
    %dma_wait3A_151 = arith.constant 0 : i32
    %dma_wait3A_152 = tpu.memref_slice %arg4[%mul3A_150, %dma_wait3A_151] : memref<90112x128xf32, #tpu.memory_space<hbm>> -> memref<128x128xf32, #tpu.memory_space<hbm>>
    %dma_wait3A_153 = arith.constant 0 : i32
    %dma_wait3A_154 = tpu.memref_slice %arg4[%mul3A_150, %dma_wait3A_153] : memref<90112x128xf32, #tpu.memory_space<hbm>> -> memref<128x128xf32, #tpu.memory_space<hbm>>
    tpu.wait_dma2 semaphore(%arg17 : memref<!tpu.dma_semaphore, #tpu.memory_space<semaphore_mem>>) src(%arg9 : memref<128x128xf32, #tpu.memory_space<vmem>>) dst(%dma_wait3A_154 : memref<128x128xf32, #tpu.memory_space<hbm>>)
    %dma_wait3A_155 = arith.constant 21 : i32
    %dma_wait3A_156 = arith.constant 0 : i32
    %dma_wait3A_157 = tpu.memref_slice %arg5[%dma_wait3A_155, %dma_wait3A_156] : memref<22x128xi32, #tpu.memory_space<vmem>> -> memref<1x128xi32, #tpu.memory_space<vmem>>
    %dma_wait3A_158 = tpu.memref_squeeze %dma_wait3A_157 : memref<1x128xi32, #tpu.memory_space<vmem>> -> memref<128xi32, #tpu.memory_space<vmem>>
    %dma_wait3A_159 = arith.constant 0 : i32
    %dma_wait3A_160 = arith.constant 0 : i32
    %dma_wait3A_161 = tpu.memref_slice %arg2[%dma_wait3A_159, %dma_wait3A_160] : memref<50000x128xf32, #tpu.memory_space<hbm>> -> memref<50000x128xf32, #tpu.memory_space<hbm>>
    tpu.wait_indirect_dma semaphore(%arg11 : memref<!tpu.dma_semaphore, #tpu.memory_space<semaphore_mem>>) src(%dma_wait3A_161 : memref<50000x128xf32, #tpu.memory_space<hbm>>) dst(%arg7 : memref<128x128xf32, #tpu.memory_space<vmem>>)
    %add3A_162 = arith.constant 21 : i32
    %add3A_163 = arith.addi %mul3A_2, %add3A_162 : i32
    %mul3A_164 = arith.constant 128 : i32
    %mul3A_165 = arith.muli %add3A_163, %mul3A_164 : i32
    %dma_start3A_166 = arith.constant 0 : i32
    %dma_start3A_167 = tpu.memref_slice %arg4[%mul3A_165, %dma_start3A_166] : memref<90112x128xf32, #tpu.memory_space<hbm>> -> memref<128x128xf32, #tpu.memory_space<hbm>>
    %dma_start3A_168 = arith.constant 0 : i32
    %dma_start3A_169 = tpu.memref_slice %arg4[%mul3A_165, %dma_start3A_168] : memref<90112x128xf32, #tpu.memory_space<hbm>> -> memref<128x128xf32, #tpu.memory_space<hbm>>
    tpu.enqueue_dma source(%arg7 : memref<128x128xf32, #tpu.memory_space<vmem>>) target(%dma_start3A_169 : memref<128x128xf32, #tpu.memory_space<hbm>>) target_semaphore(%arg15 : memref<!tpu.dma_semaphore, #tpu.memory_space<semaphore_mem>>)
    %add3A_170 = arith.constant 20 : i32
    %add3A_171 = arith.addi %mul3A_2, %add3A_170 : i32
    %mul3A_172 = arith.constant 128 : i32
    %mul3A_173 = arith.muli %add3A_171, %mul3A_172 : i32
    %dma_wait3A_174 = arith.constant 0 : i32
    %dma_wait3A_175 = tpu.memref_slice %arg4[%mul3A_173, %dma_wait3A_174] : memref<90112x128xf32, #tpu.memory_space<hbm>> -> memref<128x128xf32, #tpu.memory_space<hbm>>
    %dma_wait3A_176 = arith.constant 0 : i32
    %dma_wait3A_177 = tpu.memref_slice %arg4[%mul3A_173, %dma_wait3A_176] : memref<90112x128xf32, #tpu.memory_space<hbm>> -> memref<128x128xf32, #tpu.memory_space<hbm>>
    tpu.wait_dma2 semaphore(%arg14 : memref<!tpu.dma_semaphore, #tpu.memory_space<semaphore_mem>>) src(%arg6 : memref<128x128xf32, #tpu.memory_space<vmem>>) dst(%dma_wait3A_177 : memref<128x128xf32, #tpu.memory_space<hbm>>)
    %add3A_178 = arith.constant 21 : i32
    %add3A_179 = arith.addi %mul3A_2, %add3A_178 : i32
    %mul3A_180 = arith.constant 128 : i32
    %mul3A_181 = arith.muli %add3A_179, %mul3A_180 : i32
    %dma_wait3A_182 = arith.constant 0 : i32
    %dma_wait3A_183 = tpu.memref_slice %arg4[%mul3A_181, %dma_wait3A_182] : memref<90112x128xf32, #tpu.memory_space<hbm>> -> memref<128x128xf32, #tpu.memory_space<hbm>>
    %dma_wait3A_184 = arith.constant 0 : i32
    %dma_wait3A_185 = tpu.memref_slice %arg4[%mul3A_181, %dma_wait3A_184] : memref<90112x128xf32, #tpu.memory_space<hbm>> -> memref<128x128xf32, #tpu.memory_space<hbm>>
    tpu.wait_dma2 semaphore(%arg15 : memref<!tpu.dma_semaphore, #tpu.memory_space<semaphore_mem>>) src(%arg7 : memref<128x128xf32, #tpu.memory_space<vmem>>) dst(%dma_wait3A_185 : memref<128x128xf32, #tpu.memory_space<hbm>>)
    return
  }
}

module attributes {stable_mosaic.version = 14 : i64} {
  func.func @_mm_body(%arg0: i32, %arg1: memref<400x128xf32, #tpu.memory_space<vmem>>, %arg2: memref<400x128xf32, #tpu.memory_space<vmem>>, %arg3: memref<400x128xf32, #tpu.memory_space<vmem>>, %arg4: memref<400x128xf32, #tpu.memory_space<vmem>>, %arg5: memref<400x128xf32, #tpu.memory_space<vmem>>, %arg6: memref<400x128xf32, #tpu.memory_space<vmem>>, %arg7: memref<400x128xf32, #tpu.memory_space<vmem>>, %arg8: memref<400x128xf32, #tpu.memory_space<vmem>>, %arg9: memref<400x128xf32, #tpu.memory_space<vmem>>, %arg10: memref<9x128x128xf32, #tpu.memory_space<vmem>>, %arg11: memref<1x128xf32, #tpu.memory_space<vmem>>, %arg12: memref<400x128xf32, #tpu.memory_space<vmem>>) attributes {dimension_semantics = [#tpu.dimension_semantics<arbitrary>], iteration_bounds = array<i64: 25>, scalar_prefetch = 0 : i64, scratch_operands = 0 : i64, tpu.core_type = #tpu.core_type<tc>, window_params = [{transform_indices = @transform_0, window_bounds = array<i64: 400, 128>}, {transform_indices = @transform_1, window_bounds = array<i64: 400, 128>}, {transform_indices = @transform_2, window_bounds = array<i64: 400, 128>}, {transform_indices = @transform_3, window_bounds = array<i64: 400, 128>}, {transform_indices = @transform_4, window_bounds = array<i64: 400, 128>}, {transform_indices = @transform_5, window_bounds = array<i64: 400, 128>}, {transform_indices = @transform_6, window_bounds = array<i64: 400, 128>}, {transform_indices = @transform_7, window_bounds = array<i64: 400, 128>}, {transform_indices = @transform_8, window_bounds = array<i64: 400, 128>}, {pipeline_mode = #tpu.pipeline_mode<synchronous>, transform_indices = @transform_9, window_bounds = array<i64: 9, 128, 128>}, {pipeline_mode = #tpu.pipeline_mode<synchronous>, transform_indices = @transform_10, window_bounds = array<i64: 1, 128>}, {transform_indices = @transform_11, window_bounds = array<i64: 400, 128>}]} {
    %get3A = arith.constant 0 : index
    %get3A_0 = arith.constant 0 : index
    %get3A_1 = vector.load %arg11[%get3A, %get3A_0] : memref<1x128xf32, #tpu.memory_space<vmem>>, vector<1x128xf32>
    %broadcast_in_dim3A = vector.shape_cast %get3A_1 : vector<1x128xf32> to vector<1x128xf32>
    %broadcast_in_dim3A_2 = vector.broadcast %broadcast_in_dim3A : vector<1x128xf32> to vector<400x128xf32>
    %get3A_3 = arith.constant 0 : index
    %get3A_4 = arith.constant 0 : index
    %get3A_5 = vector.load %arg1[%get3A_3, %get3A_4] : memref<400x128xf32, #tpu.memory_space<vmem>>, vector<400x128xf32>
    %get3A_6 = arith.constant 0 : index
    %get3A_7 = arith.constant 0 : index
    %get3A_8 = arith.constant 0 : index
    %get3A_9 = vector.load %arg10[%get3A_6, %get3A_7, %get3A_8] : memref<9x128x128xf32, #tpu.memory_space<vmem>>, vector<1x128x128xf32>
    %get3A_10 = vector.shape_cast %get3A_9 : vector<1x128x128xf32> to vector<128x128xf32>
    %dot_general3A = arith.constant dense<0.000000e+00> : vector<400x128xf32>
    %dot_general3A_11 = tpu.matmul %get3A_5, %get3A_10, %dot_general3A {dimension_numbers = #tpu.dot_dimension_numbers<[1], [0], [0], [1], [0, 0, 1, 1], [], []>, transpose_lhs_hint = false} : vector<400x128xf32>, vector<128x128xf32>, vector<400x128xf32> -> vector<400x128xf32>
    %add3A = arith.addf %broadcast_in_dim3A_2, %dot_general3A_11 : vector<400x128xf32>
    %get3A_12 = arith.constant 0 : index
    %get3A_13 = arith.constant 0 : index
    %get3A_14 = vector.load %arg2[%get3A_12, %get3A_13] : memref<400x128xf32, #tpu.memory_space<vmem>>, vector<400x128xf32>
    %get3A_15 = arith.constant 1 : index
    %get3A_16 = arith.constant 0 : index
    %get3A_17 = arith.constant 0 : index
    %get3A_18 = vector.load %arg10[%get3A_15, %get3A_16, %get3A_17] : memref<9x128x128xf32, #tpu.memory_space<vmem>>, vector<1x128x128xf32>
    %get3A_19 = vector.shape_cast %get3A_18 : vector<1x128x128xf32> to vector<128x128xf32>
    %dot_general3A_20 = arith.constant dense<0.000000e+00> : vector<400x128xf32>
    %dot_general3A_21 = tpu.matmul %get3A_14, %get3A_19, %dot_general3A_20 {dimension_numbers = #tpu.dot_dimension_numbers<[1], [0], [0], [1], [0, 0, 1, 1], [], []>, transpose_lhs_hint = false} : vector<400x128xf32>, vector<128x128xf32>, vector<400x128xf32> -> vector<400x128xf32>
    %add3A_22 = arith.addf %add3A, %dot_general3A_21 : vector<400x128xf32>
    %get3A_23 = arith.constant 0 : index
    %get3A_24 = arith.constant 0 : index
    %get3A_25 = vector.load %arg3[%get3A_23, %get3A_24] : memref<400x128xf32, #tpu.memory_space<vmem>>, vector<400x128xf32>
    %get3A_26 = arith.constant 2 : index
    %get3A_27 = arith.constant 0 : index
    %get3A_28 = arith.constant 0 : index
    %get3A_29 = vector.load %arg10[%get3A_26, %get3A_27, %get3A_28] : memref<9x128x128xf32, #tpu.memory_space<vmem>>, vector<1x128x128xf32>
    %get3A_30 = vector.shape_cast %get3A_29 : vector<1x128x128xf32> to vector<128x128xf32>
    %dot_general3A_31 = arith.constant dense<0.000000e+00> : vector<400x128xf32>
    %dot_general3A_32 = tpu.matmul %get3A_25, %get3A_30, %dot_general3A_31 {dimension_numbers = #tpu.dot_dimension_numbers<[1], [0], [0], [1], [0, 0, 1, 1], [], []>, transpose_lhs_hint = false} : vector<400x128xf32>, vector<128x128xf32>, vector<400x128xf32> -> vector<400x128xf32>
    %add3A_33 = arith.addf %add3A_22, %dot_general3A_32 : vector<400x128xf32>
    %get3A_34 = arith.constant 0 : index
    %get3A_35 = arith.constant 0 : index
    %get3A_36 = vector.load %arg4[%get3A_34, %get3A_35] : memref<400x128xf32, #tpu.memory_space<vmem>>, vector<400x128xf32>
    %get3A_37 = arith.constant 3 : index
    %get3A_38 = arith.constant 0 : index
    %get3A_39 = arith.constant 0 : index
    %get3A_40 = vector.load %arg10[%get3A_37, %get3A_38, %get3A_39] : memref<9x128x128xf32, #tpu.memory_space<vmem>>, vector<1x128x128xf32>
    %get3A_41 = vector.shape_cast %get3A_40 : vector<1x128x128xf32> to vector<128x128xf32>
    %dot_general3A_42 = arith.constant dense<0.000000e+00> : vector<400x128xf32>
    %dot_general3A_43 = tpu.matmul %get3A_36, %get3A_41, %dot_general3A_42 {dimension_numbers = #tpu.dot_dimension_numbers<[1], [0], [0], [1], [0, 0, 1, 1], [], []>, transpose_lhs_hint = false} : vector<400x128xf32>, vector<128x128xf32>, vector<400x128xf32> -> vector<400x128xf32>
    %add3A_44 = arith.addf %add3A_33, %dot_general3A_43 : vector<400x128xf32>
    %get3A_45 = arith.constant 0 : index
    %get3A_46 = arith.constant 0 : index
    %get3A_47 = vector.load %arg5[%get3A_45, %get3A_46] : memref<400x128xf32, #tpu.memory_space<vmem>>, vector<400x128xf32>
    %get3A_48 = arith.constant 4 : index
    %get3A_49 = arith.constant 0 : index
    %get3A_50 = arith.constant 0 : index
    %get3A_51 = vector.load %arg10[%get3A_48, %get3A_49, %get3A_50] : memref<9x128x128xf32, #tpu.memory_space<vmem>>, vector<1x128x128xf32>
    %get3A_52 = vector.shape_cast %get3A_51 : vector<1x128x128xf32> to vector<128x128xf32>
    %dot_general3A_53 = arith.constant dense<0.000000e+00> : vector<400x128xf32>
    %dot_general3A_54 = tpu.matmul %get3A_47, %get3A_52, %dot_general3A_53 {dimension_numbers = #tpu.dot_dimension_numbers<[1], [0], [0], [1], [0, 0, 1, 1], [], []>, transpose_lhs_hint = false} : vector<400x128xf32>, vector<128x128xf32>, vector<400x128xf32> -> vector<400x128xf32>
    %add3A_55 = arith.addf %add3A_44, %dot_general3A_54 : vector<400x128xf32>
    %get3A_56 = arith.constant 0 : index
    %get3A_57 = arith.constant 0 : index
    %get3A_58 = vector.load %arg6[%get3A_56, %get3A_57] : memref<400x128xf32, #tpu.memory_space<vmem>>, vector<400x128xf32>
    %get3A_59 = arith.constant 5 : index
    %get3A_60 = arith.constant 0 : index
    %get3A_61 = arith.constant 0 : index
    %get3A_62 = vector.load %arg10[%get3A_59, %get3A_60, %get3A_61] : memref<9x128x128xf32, #tpu.memory_space<vmem>>, vector<1x128x128xf32>
    %get3A_63 = vector.shape_cast %get3A_62 : vector<1x128x128xf32> to vector<128x128xf32>
    %dot_general3A_64 = arith.constant dense<0.000000e+00> : vector<400x128xf32>
    %dot_general3A_65 = tpu.matmul %get3A_58, %get3A_63, %dot_general3A_64 {dimension_numbers = #tpu.dot_dimension_numbers<[1], [0], [0], [1], [0, 0, 1, 1], [], []>, transpose_lhs_hint = false} : vector<400x128xf32>, vector<128x128xf32>, vector<400x128xf32> -> vector<400x128xf32>
    %add3A_66 = arith.addf %add3A_55, %dot_general3A_65 : vector<400x128xf32>
    %get3A_67 = arith.constant 0 : index
    %get3A_68 = arith.constant 0 : index
    %get3A_69 = vector.load %arg7[%get3A_67, %get3A_68] : memref<400x128xf32, #tpu.memory_space<vmem>>, vector<400x128xf32>
    %get3A_70 = arith.constant 6 : index
    %get3A_71 = arith.constant 0 : index
    %get3A_72 = arith.constant 0 : index
    %get3A_73 = vector.load %arg10[%get3A_70, %get3A_71, %get3A_72] : memref<9x128x128xf32, #tpu.memory_space<vmem>>, vector<1x128x128xf32>
    %get3A_74 = vector.shape_cast %get3A_73 : vector<1x128x128xf32> to vector<128x128xf32>
    %dot_general3A_75 = arith.constant dense<0.000000e+00> : vector<400x128xf32>
    %dot_general3A_76 = tpu.matmul %get3A_69, %get3A_74, %dot_general3A_75 {dimension_numbers = #tpu.dot_dimension_numbers<[1], [0], [0], [1], [0, 0, 1, 1], [], []>, transpose_lhs_hint = false} : vector<400x128xf32>, vector<128x128xf32>, vector<400x128xf32> -> vector<400x128xf32>
    %add3A_77 = arith.addf %add3A_66, %dot_general3A_76 : vector<400x128xf32>
    %get3A_78 = arith.constant 0 : index
    %get3A_79 = arith.constant 0 : index
    %get3A_80 = vector.load %arg8[%get3A_78, %get3A_79] : memref<400x128xf32, #tpu.memory_space<vmem>>, vector<400x128xf32>
    %get3A_81 = arith.constant 7 : index
    %get3A_82 = arith.constant 0 : index
    %get3A_83 = arith.constant 0 : index
    %get3A_84 = vector.load %arg10[%get3A_81, %get3A_82, %get3A_83] : memref<9x128x128xf32, #tpu.memory_space<vmem>>, vector<1x128x128xf32>
    %get3A_85 = vector.shape_cast %get3A_84 : vector<1x128x128xf32> to vector<128x128xf32>
    %dot_general3A_86 = arith.constant dense<0.000000e+00> : vector<400x128xf32>
    %dot_general3A_87 = tpu.matmul %get3A_80, %get3A_85, %dot_general3A_86 {dimension_numbers = #tpu.dot_dimension_numbers<[1], [0], [0], [1], [0, 0, 1, 1], [], []>, transpose_lhs_hint = false} : vector<400x128xf32>, vector<128x128xf32>, vector<400x128xf32> -> vector<400x128xf32>
    %add3A_88 = arith.addf %add3A_77, %dot_general3A_87 : vector<400x128xf32>
    %get3A_89 = arith.constant 0 : index
    %get3A_90 = arith.constant 0 : index
    %get3A_91 = vector.load %arg9[%get3A_89, %get3A_90] : memref<400x128xf32, #tpu.memory_space<vmem>>, vector<400x128xf32>
    %get3A_92 = arith.constant 8 : index
    %get3A_93 = arith.constant 0 : index
    %get3A_94 = arith.constant 0 : index
    %get3A_95 = vector.load %arg10[%get3A_92, %get3A_93, %get3A_94] : memref<9x128x128xf32, #tpu.memory_space<vmem>>, vector<1x128x128xf32>
    %get3A_96 = vector.shape_cast %get3A_95 : vector<1x128x128xf32> to vector<128x128xf32>
    %dot_general3A_97 = arith.constant dense<0.000000e+00> : vector<400x128xf32>
    %dot_general3A_98 = tpu.matmul %get3A_91, %get3A_96, %dot_general3A_97 {dimension_numbers = #tpu.dot_dimension_numbers<[1], [0], [0], [1], [0, 0, 1, 1], [], []>, transpose_lhs_hint = false} : vector<400x128xf32>, vector<128x128xf32>, vector<400x128xf32> -> vector<400x128xf32>
    %add3A_99 = arith.addf %add3A_88, %dot_general3A_98 : vector<400x128xf32>
    %swap3A = arith.constant 0 : index
    %swap3A_100 = arith.constant 0 : index
    %swap3A_101 = vector.load %arg12[%swap3A, %swap3A_100] : memref<400x128xf32, #tpu.memory_space<vmem>>, vector<400x128xf32>
    tpu.vector_store %arg12[%swap3A, %swap3A_100], %add3A_99 {strides = array<i32>} : memref<400x128xf32, #tpu.memory_space<vmem>>, vector<400x128xf32>,
    return
  }
  func.func @transform_0(%arg0: i32) -> (i32, i32) {
    %add3A = arith.constant 0 : i32
    %add3A_0 = arith.addi %add3A, %arg0 : i32
    %c0_i32 = arith.constant 0 : i32
    %c0_i32_1 = arith.constant 0 : i32
    return %add3A_0, %c0_i32 : i32, i32
  }
  func.func @transform_1(%arg0: i32) -> (i32, i32) {
    %add3A = arith.constant 25 : i32
    %add3A_0 = arith.addi %add3A, %arg0 : i32
    %c0_i32 = arith.constant 0 : i32
    %c0_i32_1 = arith.constant 0 : i32
    return %add3A_0, %c0_i32 : i32, i32
  }
  func.func @transform_2(%arg0: i32) -> (i32, i32) {
    %add3A = arith.constant 50 : i32
    %add3A_0 = arith.addi %add3A, %arg0 : i32
    %c0_i32 = arith.constant 0 : i32
    %c0_i32_1 = arith.constant 0 : i32
    return %add3A_0, %c0_i32 : i32, i32
  }
  func.func @transform_3(%arg0: i32) -> (i32, i32) {
    %add3A = arith.constant 75 : i32
    %add3A_0 = arith.addi %add3A, %arg0 : i32
    %c0_i32 = arith.constant 0 : i32
    %c0_i32_1 = arith.constant 0 : i32
    return %add3A_0, %c0_i32 : i32, i32
  }
  func.func @transform_4(%arg0: i32) -> (i32, i32) {
    %add3A = arith.constant 100 : i32
    %add3A_0 = arith.addi %add3A, %arg0 : i32
    %c0_i32 = arith.constant 0 : i32
    %c0_i32_1 = arith.constant 0 : i32
    return %add3A_0, %c0_i32 : i32, i32
  }
  func.func @transform_5(%arg0: i32) -> (i32, i32) {
    %add3A = arith.constant 125 : i32
    %add3A_0 = arith.addi %add3A, %arg0 : i32
    %c0_i32 = arith.constant 0 : i32
    %c0_i32_1 = arith.constant 0 : i32
    return %add3A_0, %c0_i32 : i32, i32
  }
  func.func @transform_6(%arg0: i32) -> (i32, i32) {
    %add3A = arith.constant 150 : i32
    %add3A_0 = arith.addi %add3A, %arg0 : i32
    %c0_i32 = arith.constant 0 : i32
    %c0_i32_1 = arith.constant 0 : i32
    return %add3A_0, %c0_i32 : i32, i32
  }
  func.func @transform_7(%arg0: i32) -> (i32, i32) {
    %add3A = arith.constant 175 : i32
    %add3A_0 = arith.addi %add3A, %arg0 : i32
    %c0_i32 = arith.constant 0 : i32
    %c0_i32_1 = arith.constant 0 : i32
    return %add3A_0, %c0_i32 : i32, i32
  }
  func.func @transform_8(%arg0: i32) -> (i32, i32) {
    %add3A = arith.constant 200 : i32
    %add3A_0 = arith.addi %add3A, %arg0 : i32
    %c0_i32 = arith.constant 0 : i32
    %c0_i32_1 = arith.constant 0 : i32
    return %add3A_0, %c0_i32 : i32, i32
  }
  func.func @transform_9(%arg0: i32) -> (i32, i32, i32) {
    %c0_i32 = arith.constant 0 : i32
    %c0_i32_0 = arith.constant 0 : i32
    %c0_i32_1 = arith.constant 0 : i32
    %c0_i32_2 = arith.constant 0 : i32
    return %c0_i32, %c0_i32_0, %c0_i32_1 : i32, i32, i32
  }
  func.func @transform_10(%arg0: i32) -> (i32, i32) {
    %c0_i32 = arith.constant 0 : i32
    %c0_i32_0 = arith.constant 0 : i32
    %c0_i32_1 = arith.constant 0 : i32
    return %c0_i32, %c0_i32_0 : i32, i32
  }
  func.func @transform_11(%arg0: i32) -> (i32, i32) {
    %add3A = arith.constant 0 : i32
    %add3A_0 = arith.addi %add3A, %arg0 : i32
    %c0_i32 = arith.constant 0 : i32
    %c0_i32_1 = arith.constant 0 : i32
    return %add3A_0, %c0_i32 : i32, i32
  }
}

module attributes {stable_mosaic.version = 14 : i64} {
  func.func @_mm_body(%arg0: i32, %arg1: memref<400x128xf32, #tpu.memory_space<vmem>>, %arg2: memref<400x128xf32, #tpu.memory_space<vmem>>, %arg3: memref<400x128xf32, #tpu.memory_space<vmem>>, %arg4: memref<400x128xf32, #tpu.memory_space<vmem>>, %arg5: memref<400x128xf32, #tpu.memory_space<vmem>>, %arg6: memref<400x128xf32, #tpu.memory_space<vmem>>, %arg7: memref<400x128xf32, #tpu.memory_space<vmem>>, %arg8: memref<400x128xf32, #tpu.memory_space<vmem>>, %arg9: memref<400x128xf32, #tpu.memory_space<vmem>>, %arg10: memref<9x128x128xf32, #tpu.memory_space<vmem>>, %arg11: memref<1x128xf32, #tpu.memory_space<vmem>>, %arg12: memref<50000x128xf32, #tpu.memory_space<any>>, %arg13: memref<400x128xf32, #tpu.memory_space<vmem>>) attributes {dimension_semantics = [#tpu.dimension_semantics<arbitrary>], iteration_bounds = array<i64: 25>, scalar_prefetch = 0 : i64, scratch_operands = 0 : i64, tpu.core_type = #tpu.core_type<tc>, window_params = [{transform_indices = @transform_0, window_bounds = array<i64: 400, 128>}, {transform_indices = @transform_1, window_bounds = array<i64: 400, 128>}, {transform_indices = @transform_2, window_bounds = array<i64: 400, 128>}, {transform_indices = @transform_3, window_bounds = array<i64: 400, 128>}, {transform_indices = @transform_4, window_bounds = array<i64: 400, 128>}, {transform_indices = @transform_5, window_bounds = array<i64: 400, 128>}, {transform_indices = @transform_6, window_bounds = array<i64: 400, 128>}, {transform_indices = @transform_7, window_bounds = array<i64: 400, 128>}, {transform_indices = @transform_8, window_bounds = array<i64: 400, 128>}, {pipeline_mode = #tpu.pipeline_mode<synchronous>, transform_indices = @transform_9, window_bounds = array<i64: 9, 128, 128>}, {pipeline_mode = #tpu.pipeline_mode<synchronous>, transform_indices = @transform_10, window_bounds = array<i64: 1, 128>}, {}, {transform_indices = @transform_12, window_bounds = array<i64: 400, 128>}]} {
    %get3A = arith.constant 0 : index
    %get3A_0 = arith.constant 0 : index
    %get3A_1 = vector.load %arg11[%get3A, %get3A_0] : memref<1x128xf32, #tpu.memory_space<vmem>>, vector<1x128xf32>
    %broadcast_in_dim3A = vector.shape_cast %get3A_1 : vector<1x128xf32> to vector<1x128xf32>
    %broadcast_in_dim3A_2 = vector.broadcast %broadcast_in_dim3A : vector<1x128xf32> to vector<400x128xf32>
    %get3A_3 = arith.constant 0 : index
    %get3A_4 = arith.constant 0 : index
    %get3A_5 = vector.load %arg1[%get3A_3, %get3A_4] : memref<400x128xf32, #tpu.memory_space<vmem>>, vector<400x128xf32>
    %get3A_6 = arith.constant 0 : index
    %get3A_7 = arith.constant 0 : index
    %get3A_8 = arith.constant 0 : index
    %get3A_9 = vector.load %arg10[%get3A_6, %get3A_7, %get3A_8] : memref<9x128x128xf32, #tpu.memory_space<vmem>>, vector<1x128x128xf32>
    %get3A_10 = vector.shape_cast %get3A_9 : vector<1x128x128xf32> to vector<128x128xf32>
    %dot_general3A = arith.constant dense<0.000000e+00> : vector<400x128xf32>
    %dot_general3A_11 = tpu.matmul %get3A_5, %get3A_10, %dot_general3A {dimension_numbers = #tpu.dot_dimension_numbers<[1], [0], [0], [1], [0, 0, 1, 1], [], []>, transpose_lhs_hint = false} : vector<400x128xf32>, vector<128x128xf32>, vector<400x128xf32> -> vector<400x128xf32>
    %add3A = arith.addf %broadcast_in_dim3A_2, %dot_general3A_11 : vector<400x128xf32>
    %get3A_12 = arith.constant 0 : index
    %get3A_13 = arith.constant 0 : index
    %get3A_14 = vector.load %arg2[%get3A_12, %get3A_13] : memref<400x128xf32, #tpu.memory_space<vmem>>, vector<400x128xf32>
    %get3A_15 = arith.constant 1 : index
    %get3A_16 = arith.constant 0 : index
    %get3A_17 = arith.constant 0 : index
    %get3A_18 = vector.load %arg10[%get3A_15, %get3A_16, %get3A_17] : memref<9x128x128xf32, #tpu.memory_space<vmem>>, vector<1x128x128xf32>
    %get3A_19 = vector.shape_cast %get3A_18 : vector<1x128x128xf32> to vector<128x128xf32>
    %dot_general3A_20 = arith.constant dense<0.000000e+00> : vector<400x128xf32>
    %dot_general3A_21 = tpu.matmul %get3A_14, %get3A_19, %dot_general3A_20 {dimension_numbers = #tpu.dot_dimension_numbers<[1], [0], [0], [1], [0, 0, 1, 1], [], []>, transpose_lhs_hint = false} : vector<400x128xf32>, vector<128x128xf32>, vector<400x128xf32> -> vector<400x128xf32>
    %add3A_22 = arith.addf %add3A, %dot_general3A_21 : vector<400x128xf32>
    %get3A_23 = arith.constant 0 : index
    %get3A_24 = arith.constant 0 : index
    %get3A_25 = vector.load %arg3[%get3A_23, %get3A_24] : memref<400x128xf32, #tpu.memory_space<vmem>>, vector<400x128xf32>
    %get3A_26 = arith.constant 2 : index
    %get3A_27 = arith.constant 0 : index
    %get3A_28 = arith.constant 0 : index
    %get3A_29 = vector.load %arg10[%get3A_26, %get3A_27, %get3A_28] : memref<9x128x128xf32, #tpu.memory_space<vmem>>, vector<1x128x128xf32>
    %get3A_30 = vector.shape_cast %get3A_29 : vector<1x128x128xf32> to vector<128x128xf32>
    %dot_general3A_31 = arith.constant dense<0.000000e+00> : vector<400x128xf32>
    %dot_general3A_32 = tpu.matmul %get3A_25, %get3A_30, %dot_general3A_31 {dimension_numbers = #tpu.dot_dimension_numbers<[1], [0], [0], [1], [0, 0, 1, 1], [], []>, transpose_lhs_hint = false} : vector<400x128xf32>, vector<128x128xf32>, vector<400x128xf32> -> vector<400x128xf32>
    %add3A_33 = arith.addf %add3A_22, %dot_general3A_32 : vector<400x128xf32>
    %get3A_34 = arith.constant 0 : index
    %get3A_35 = arith.constant 0 : index
    %get3A_36 = vector.load %arg4[%get3A_34, %get3A_35] : memref<400x128xf32, #tpu.memory_space<vmem>>, vector<400x128xf32>
    %get3A_37 = arith.constant 3 : index
    %get3A_38 = arith.constant 0 : index
    %get3A_39 = arith.constant 0 : index
    %get3A_40 = vector.load %arg10[%get3A_37, %get3A_38, %get3A_39] : memref<9x128x128xf32, #tpu.memory_space<vmem>>, vector<1x128x128xf32>
    %get3A_41 = vector.shape_cast %get3A_40 : vector<1x128x128xf32> to vector<128x128xf32>
    %dot_general3A_42 = arith.constant dense<0.000000e+00> : vector<400x128xf32>
    %dot_general3A_43 = tpu.matmul %get3A_36, %get3A_41, %dot_general3A_42 {dimension_numbers = #tpu.dot_dimension_numbers<[1], [0], [0], [1], [0, 0, 1, 1], [], []>, transpose_lhs_hint = false} : vector<400x128xf32>, vector<128x128xf32>, vector<400x128xf32> -> vector<400x128xf32>
    %add3A_44 = arith.addf %add3A_33, %dot_general3A_43 : vector<400x128xf32>
    %get3A_45 = arith.constant 0 : index
    %get3A_46 = arith.constant 0 : index
    %get3A_47 = vector.load %arg5[%get3A_45, %get3A_46] : memref<400x128xf32, #tpu.memory_space<vmem>>, vector<400x128xf32>
    %get3A_48 = arith.constant 4 : index
    %get3A_49 = arith.constant 0 : index
    %get3A_50 = arith.constant 0 : index
    %get3A_51 = vector.load %arg10[%get3A_48, %get3A_49, %get3A_50] : memref<9x128x128xf32, #tpu.memory_space<vmem>>, vector<1x128x128xf32>
    %get3A_52 = vector.shape_cast %get3A_51 : vector<1x128x128xf32> to vector<128x128xf32>
    %dot_general3A_53 = arith.constant dense<0.000000e+00> : vector<400x128xf32>
    %dot_general3A_54 = tpu.matmul %get3A_47, %get3A_52, %dot_general3A_53 {dimension_numbers = #tpu.dot_dimension_numbers<[1], [0], [0], [1], [0, 0, 1, 1], [], []>, transpose_lhs_hint = false} : vector<400x128xf32>, vector<128x128xf32>, vector<400x128xf32> -> vector<400x128xf32>
    %add3A_55 = arith.addf %add3A_44, %dot_general3A_54 : vector<400x128xf32>
    %get3A_56 = arith.constant 0 : index
    %get3A_57 = arith.constant 0 : index
    %get3A_58 = vector.load %arg6[%get3A_56, %get3A_57] : memref<400x128xf32, #tpu.memory_space<vmem>>, vector<400x128xf32>
    %get3A_59 = arith.constant 5 : index
    %get3A_60 = arith.constant 0 : index
    %get3A_61 = arith.constant 0 : index
    %get3A_62 = vector.load %arg10[%get3A_59, %get3A_60, %get3A_61] : memref<9x128x128xf32, #tpu.memory_space<vmem>>, vector<1x128x128xf32>
    %get3A_63 = vector.shape_cast %get3A_62 : vector<1x128x128xf32> to vector<128x128xf32>
    %dot_general3A_64 = arith.constant dense<0.000000e+00> : vector<400x128xf32>
    %dot_general3A_65 = tpu.matmul %get3A_58, %get3A_63, %dot_general3A_64 {dimension_numbers = #tpu.dot_dimension_numbers<[1], [0], [0], [1], [0, 0, 1, 1], [], []>, transpose_lhs_hint = false} : vector<400x128xf32>, vector<128x128xf32>, vector<400x128xf32> -> vector<400x128xf32>
    %add3A_66 = arith.addf %add3A_55, %dot_general3A_65 : vector<400x128xf32>
    %get3A_67 = arith.constant 0 : index
    %get3A_68 = arith.constant 0 : index
    %get3A_69 = vector.load %arg7[%get3A_67, %get3A_68] : memref<400x128xf32, #tpu.memory_space<vmem>>, vector<400x128xf32>
    %get3A_70 = arith.constant 6 : index
    %get3A_71 = arith.constant 0 : index
    %get3A_72 = arith.constant 0 : index
    %get3A_73 = vector.load %arg10[%get3A_70, %get3A_71, %get3A_72] : memref<9x128x128xf32, #tpu.memory_space<vmem>>, vector<1x128x128xf32>
    %get3A_74 = vector.shape_cast %get3A_73 : vector<1x128x128xf32> to vector<128x128xf32>
    %dot_general3A_75 = arith.constant dense<0.000000e+00> : vector<400x128xf32>
    %dot_general3A_76 = tpu.matmul %get3A_69, %get3A_74, %dot_general3A_75 {dimension_numbers = #tpu.dot_dimension_numbers<[1], [0], [0], [1], [0, 0, 1, 1], [], []>, transpose_lhs_hint = false} : vector<400x128xf32>, vector<128x128xf32>, vector<400x128xf32> -> vector<400x128xf32>
    %add3A_77 = arith.addf %add3A_66, %dot_general3A_76 : vector<400x128xf32>
    %get3A_78 = arith.constant 0 : index
    %get3A_79 = arith.constant 0 : index
    %get3A_80 = vector.load %arg8[%get3A_78, %get3A_79] : memref<400x128xf32, #tpu.memory_space<vmem>>, vector<400x128xf32>
    %get3A_81 = arith.constant 7 : index
    %get3A_82 = arith.constant 0 : index
    %get3A_83 = arith.constant 0 : index
    %get3A_84 = vector.load %arg10[%get3A_81, %get3A_82, %get3A_83] : memref<9x128x128xf32, #tpu.memory_space<vmem>>, vector<1x128x128xf32>
    %get3A_85 = vector.shape_cast %get3A_84 : vector<1x128x128xf32> to vector<128x128xf32>
    %dot_general3A_86 = arith.constant dense<0.000000e+00> : vector<400x128xf32>
    %dot_general3A_87 = tpu.matmul %get3A_80, %get3A_85, %dot_general3A_86 {dimension_numbers = #tpu.dot_dimension_numbers<[1], [0], [0], [1], [0, 0, 1, 1], [], []>, transpose_lhs_hint = false} : vector<400x128xf32>, vector<128x128xf32>, vector<400x128xf32> -> vector<400x128xf32>
    %add3A_88 = arith.addf %add3A_77, %dot_general3A_87 : vector<400x128xf32>
    %get3A_89 = arith.constant 0 : index
    %get3A_90 = arith.constant 0 : index
    %get3A_91 = vector.load %arg9[%get3A_89, %get3A_90] : memref<400x128xf32, #tpu.memory_space<vmem>>, vector<400x128xf32>
    %get3A_92 = arith.constant 8 : index
    %get3A_93 = arith.constant 0 : index
    %get3A_94 = arith.constant 0 : index
    %get3A_95 = vector.load %arg10[%get3A_92, %get3A_93, %get3A_94] : memref<9x128x128xf32, #tpu.memory_space<vmem>>, vector<1x128x128xf32>
    %get3A_96 = vector.shape_cast %get3A_95 : vector<1x128x128xf32> to vector<128x128xf32>
    %dot_general3A_97 = arith.constant dense<0.000000e+00> : vector<400x128xf32>
    %dot_general3A_98 = tpu.matmul %get3A_91, %get3A_96, %dot_general3A_97 {dimension_numbers = #tpu.dot_dimension_numbers<[1], [0], [0], [1], [0, 0, 1, 1], [], []>, transpose_lhs_hint = false} : vector<400x128xf32>, vector<128x128xf32>, vector<400x128xf32> -> vector<400x128xf32>
    %add3A_99 = arith.addf %add3A_88, %dot_general3A_98 : vector<400x128xf32>
    %swap3A = arith.constant 0 : index
    %swap3A_100 = arith.constant 0 : index
    %swap3A_101 = vector.load %arg13[%swap3A, %swap3A_100] : memref<400x128xf32, #tpu.memory_space<vmem>>, vector<400x128xf32>
    tpu.vector_store %arg13[%swap3A, %swap3A_100], %add3A_99 {strides = array<i32>} : memref<400x128xf32, #tpu.memory_space<vmem>>, vector<400x128xf32>,
    return
  }
  func.func @transform_0(%arg0: i32) -> (i32, i32) {
    %add3A = arith.constant 0 : i32
    %add3A_0 = arith.addi %add3A, %arg0 : i32
    %c0_i32 = arith.constant 0 : i32
    %c0_i32_1 = arith.constant 0 : i32
    return %add3A_0, %c0_i32 : i32, i32
  }
  func.func @transform_1(%arg0: i32) -> (i32, i32) {
    %add3A = arith.constant 25 : i32
    %add3A_0 = arith.addi %add3A, %arg0 : i32
    %c0_i32 = arith.constant 0 : i32
    %c0_i32_1 = arith.constant 0 : i32
    return %add3A_0, %c0_i32 : i32, i32
  }
  func.func @transform_2(%arg0: i32) -> (i32, i32) {
    %add3A = arith.constant 50 : i32
    %add3A_0 = arith.addi %add3A, %arg0 : i32
    %c0_i32 = arith.constant 0 : i32
    %c0_i32_1 = arith.constant 0 : i32
    return %add3A_0, %c0_i32 : i32, i32
  }
  func.func @transform_3(%arg0: i32) -> (i32, i32) {
    %add3A = arith.constant 75 : i32
    %add3A_0 = arith.addi %add3A, %arg0 : i32
    %c0_i32 = arith.constant 0 : i32
    %c0_i32_1 = arith.constant 0 : i32
    return %add3A_0, %c0_i32 : i32, i32
  }
  func.func @transform_4(%arg0: i32) -> (i32, i32) {
    %add3A = arith.constant 100 : i32
    %add3A_0 = arith.addi %add3A, %arg0 : i32
    %c0_i32 = arith.constant 0 : i32
    %c0_i32_1 = arith.constant 0 : i32
    return %add3A_0, %c0_i32 : i32, i32
  }
  func.func @transform_5(%arg0: i32) -> (i32, i32) {
    %add3A = arith.constant 125 : i32
    %add3A_0 = arith.addi %add3A, %arg0 : i32
    %c0_i32 = arith.constant 0 : i32
    %c0_i32_1 = arith.constant 0 : i32
    return %add3A_0, %c0_i32 : i32, i32
  }
  func.func @transform_6(%arg0: i32) -> (i32, i32) {
    %add3A = arith.constant 150 : i32
    %add3A_0 = arith.addi %add3A, %arg0 : i32
    %c0_i32 = arith.constant 0 : i32
    %c0_i32_1 = arith.constant 0 : i32
    return %add3A_0, %c0_i32 : i32, i32
  }
  func.func @transform_7(%arg0: i32) -> (i32, i32) {
    %add3A = arith.constant 175 : i32
    %add3A_0 = arith.addi %add3A, %arg0 : i32
    %c0_i32 = arith.constant 0 : i32
    %c0_i32_1 = arith.constant 0 : i32
    return %add3A_0, %c0_i32 : i32, i32
  }
  func.func @transform_8(%arg0: i32) -> (i32, i32) {
    %add3A = arith.constant 200 : i32
    %add3A_0 = arith.addi %add3A, %arg0 : i32
    %c0_i32 = arith.constant 0 : i32
    %c0_i32_1 = arith.constant 0 : i32
    return %add3A_0, %c0_i32 : i32, i32
  }
  func.func @transform_9(%arg0: i32) -> (i32, i32, i32) {
    %c0_i32 = arith.constant 0 : i32
    %c0_i32_0 = arith.constant 0 : i32
    %c0_i32_1 = arith.constant 0 : i32
    %c0_i32_2 = arith.constant 0 : i32
    return %c0_i32, %c0_i32_0, %c0_i32_1 : i32, i32, i32
  }
  func.func @transform_10(%arg0: i32) -> (i32, i32) {
    %c0_i32 = arith.constant 0 : i32
    %c0_i32_0 = arith.constant 0 : i32
    %c0_i32_1 = arith.constant 0 : i32
    return %c0_i32, %c0_i32_0 : i32, i32
  }
  func.func @transform_12(%arg0: i32) -> (i32, i32) {
    %add3A = arith.constant 25 : i32
    %add3A_0 = arith.addi %add3A, %arg0 : i32
    %c0_i32 = arith.constant 0 : i32
    %c0_i32_1 = arith.constant 0 : i32
    return %add3A_0, %c0_i32 : i32, i32
  }
}

module attributes {stable_mosaic.version = 14 : i64} {
  func.func @_mm_body(%arg0: i32, %arg1: memref<400x128xf32, #tpu.memory_space<vmem>>, %arg2: memref<400x128xf32, #tpu.memory_space<vmem>>, %arg3: memref<400x128xf32, #tpu.memory_space<vmem>>, %arg4: memref<400x128xf32, #tpu.memory_space<vmem>>, %arg5: memref<400x128xf32, #tpu.memory_space<vmem>>, %arg6: memref<400x128xf32, #tpu.memory_space<vmem>>, %arg7: memref<400x128xf32, #tpu.memory_space<vmem>>, %arg8: memref<400x128xf32, #tpu.memory_space<vmem>>, %arg9: memref<400x128xf32, #tpu.memory_space<vmem>>, %arg10: memref<9x128x128xf32, #tpu.memory_space<vmem>>, %arg11: memref<1x128xf32, #tpu.memory_space<vmem>>, %arg12: memref<50000x128xf32, #tpu.memory_space<any>>, %arg13: memref<400x128xf32, #tpu.memory_space<vmem>>) attributes {dimension_semantics = [#tpu.dimension_semantics<arbitrary>], iteration_bounds = array<i64: 25>, scalar_prefetch = 0 : i64, scratch_operands = 0 : i64, tpu.core_type = #tpu.core_type<tc>, window_params = [{transform_indices = @transform_0, window_bounds = array<i64: 400, 128>}, {transform_indices = @transform_1, window_bounds = array<i64: 400, 128>}, {transform_indices = @transform_2, window_bounds = array<i64: 400, 128>}, {transform_indices = @transform_3, window_bounds = array<i64: 400, 128>}, {transform_indices = @transform_4, window_bounds = array<i64: 400, 128>}, {transform_indices = @transform_5, window_bounds = array<i64: 400, 128>}, {transform_indices = @transform_6, window_bounds = array<i64: 400, 128>}, {transform_indices = @transform_7, window_bounds = array<i64: 400, 128>}, {transform_indices = @transform_8, window_bounds = array<i64: 400, 128>}, {pipeline_mode = #tpu.pipeline_mode<synchronous>, transform_indices = @transform_9, window_bounds = array<i64: 9, 128, 128>}, {pipeline_mode = #tpu.pipeline_mode<synchronous>, transform_indices = @transform_10, window_bounds = array<i64: 1, 128>}, {}, {transform_indices = @transform_12, window_bounds = array<i64: 400, 128>}]} {
    %get3A = arith.constant 0 : index
    %get3A_0 = arith.constant 0 : index
    %get3A_1 = vector.load %arg11[%get3A, %get3A_0] : memref<1x128xf32, #tpu.memory_space<vmem>>, vector<1x128xf32>
    %broadcast_in_dim3A = vector.shape_cast %get3A_1 : vector<1x128xf32> to vector<1x128xf32>
    %broadcast_in_dim3A_2 = vector.broadcast %broadcast_in_dim3A : vector<1x128xf32> to vector<400x128xf32>
    %get3A_3 = arith.constant 0 : index
    %get3A_4 = arith.constant 0 : index
    %get3A_5 = vector.load %arg1[%get3A_3, %get3A_4] : memref<400x128xf32, #tpu.memory_space<vmem>>, vector<400x128xf32>
    %get3A_6 = arith.constant 0 : index
    %get3A_7 = arith.constant 0 : index
    %get3A_8 = arith.constant 0 : index
    %get3A_9 = vector.load %arg10[%get3A_6, %get3A_7, %get3A_8] : memref<9x128x128xf32, #tpu.memory_space<vmem>>, vector<1x128x128xf32>
    %get3A_10 = vector.shape_cast %get3A_9 : vector<1x128x128xf32> to vector<128x128xf32>
    %dot_general3A = arith.constant dense<0.000000e+00> : vector<400x128xf32>
    %dot_general3A_11 = tpu.matmul %get3A_5, %get3A_10, %dot_general3A {dimension_numbers = #tpu.dot_dimension_numbers<[1], [0], [0], [1], [0, 0, 1, 1], [], []>, transpose_lhs_hint = false} : vector<400x128xf32>, vector<128x128xf32>, vector<400x128xf32> -> vector<400x128xf32>
    %add3A = arith.addf %broadcast_in_dim3A_2, %dot_general3A_11 : vector<400x128xf32>
    %get3A_12 = arith.constant 0 : index
    %get3A_13 = arith.constant 0 : index
    %get3A_14 = vector.load %arg2[%get3A_12, %get3A_13] : memref<400x128xf32, #tpu.memory_space<vmem>>, vector<400x128xf32>
    %get3A_15 = arith.constant 1 : index
    %get3A_16 = arith.constant 0 : index
    %get3A_17 = arith.constant 0 : index
    %get3A_18 = vector.load %arg10[%get3A_15, %get3A_16, %get3A_17] : memref<9x128x128xf32, #tpu.memory_space<vmem>>, vector<1x128x128xf32>
    %get3A_19 = vector.shape_cast %get3A_18 : vector<1x128x128xf32> to vector<128x128xf32>
    %dot_general3A_20 = arith.constant dense<0.000000e+00> : vector<400x128xf32>
    %dot_general3A_21 = tpu.matmul %get3A_14, %get3A_19, %dot_general3A_20 {dimension_numbers = #tpu.dot_dimension_numbers<[1], [0], [0], [1], [0, 0, 1, 1], [], []>, transpose_lhs_hint = false} : vector<400x128xf32>, vector<128x128xf32>, vector<400x128xf32> -> vector<400x128xf32>
    %add3A_22 = arith.addf %add3A, %dot_general3A_21 : vector<400x128xf32>
    %get3A_23 = arith.constant 0 : index
    %get3A_24 = arith.constant 0 : index
    %get3A_25 = vector.load %arg3[%get3A_23, %get3A_24] : memref<400x128xf32, #tpu.memory_space<vmem>>, vector<400x128xf32>
    %get3A_26 = arith.constant 2 : index
    %get3A_27 = arith.constant 0 : index
    %get3A_28 = arith.constant 0 : index
    %get3A_29 = vector.load %arg10[%get3A_26, %get3A_27, %get3A_28] : memref<9x128x128xf32, #tpu.memory_space<vmem>>, vector<1x128x128xf32>
    %get3A_30 = vector.shape_cast %get3A_29 : vector<1x128x128xf32> to vector<128x128xf32>
    %dot_general3A_31 = arith.constant dense<0.000000e+00> : vector<400x128xf32>
    %dot_general3A_32 = tpu.matmul %get3A_25, %get3A_30, %dot_general3A_31 {dimension_numbers = #tpu.dot_dimension_numbers<[1], [0], [0], [1], [0, 0, 1, 1], [], []>, transpose_lhs_hint = false} : vector<400x128xf32>, vector<128x128xf32>, vector<400x128xf32> -> vector<400x128xf32>
    %add3A_33 = arith.addf %add3A_22, %dot_general3A_32 : vector<400x128xf32>
    %get3A_34 = arith.constant 0 : index
    %get3A_35 = arith.constant 0 : index
    %get3A_36 = vector.load %arg4[%get3A_34, %get3A_35] : memref<400x128xf32, #tpu.memory_space<vmem>>, vector<400x128xf32>
    %get3A_37 = arith.constant 3 : index
    %get3A_38 = arith.constant 0 : index
    %get3A_39 = arith.constant 0 : index
    %get3A_40 = vector.load %arg10[%get3A_37, %get3A_38, %get3A_39] : memref<9x128x128xf32, #tpu.memory_space<vmem>>, vector<1x128x128xf32>
    %get3A_41 = vector.shape_cast %get3A_40 : vector<1x128x128xf32> to vector<128x128xf32>
    %dot_general3A_42 = arith.constant dense<0.000000e+00> : vector<400x128xf32>
    %dot_general3A_43 = tpu.matmul %get3A_36, %get3A_41, %dot_general3A_42 {dimension_numbers = #tpu.dot_dimension_numbers<[1], [0], [0], [1], [0, 0, 1, 1], [], []>, transpose_lhs_hint = false} : vector<400x128xf32>, vector<128x128xf32>, vector<400x128xf32> -> vector<400x128xf32>
    %add3A_44 = arith.addf %add3A_33, %dot_general3A_43 : vector<400x128xf32>
    %get3A_45 = arith.constant 0 : index
    %get3A_46 = arith.constant 0 : index
    %get3A_47 = vector.load %arg5[%get3A_45, %get3A_46] : memref<400x128xf32, #tpu.memory_space<vmem>>, vector<400x128xf32>
    %get3A_48 = arith.constant 4 : index
    %get3A_49 = arith.constant 0 : index
    %get3A_50 = arith.constant 0 : index
    %get3A_51 = vector.load %arg10[%get3A_48, %get3A_49, %get3A_50] : memref<9x128x128xf32, #tpu.memory_space<vmem>>, vector<1x128x128xf32>
    %get3A_52 = vector.shape_cast %get3A_51 : vector<1x128x128xf32> to vector<128x128xf32>
    %dot_general3A_53 = arith.constant dense<0.000000e+00> : vector<400x128xf32>
    %dot_general3A_54 = tpu.matmul %get3A_47, %get3A_52, %dot_general3A_53 {dimension_numbers = #tpu.dot_dimension_numbers<[1], [0], [0], [1], [0, 0, 1, 1], [], []>, transpose_lhs_hint = false} : vector<400x128xf32>, vector<128x128xf32>, vector<400x128xf32> -> vector<400x128xf32>
    %add3A_55 = arith.addf %add3A_44, %dot_general3A_54 : vector<400x128xf32>
    %get3A_56 = arith.constant 0 : index
    %get3A_57 = arith.constant 0 : index
    %get3A_58 = vector.load %arg6[%get3A_56, %get3A_57] : memref<400x128xf32, #tpu.memory_space<vmem>>, vector<400x128xf32>
    %get3A_59 = arith.constant 5 : index
    %get3A_60 = arith.constant 0 : index
    %get3A_61 = arith.constant 0 : index
    %get3A_62 = vector.load %arg10[%get3A_59, %get3A_60, %get3A_61] : memref<9x128x128xf32, #tpu.memory_space<vmem>>, vector<1x128x128xf32>
    %get3A_63 = vector.shape_cast %get3A_62 : vector<1x128x128xf32> to vector<128x128xf32>
    %dot_general3A_64 = arith.constant dense<0.000000e+00> : vector<400x128xf32>
    %dot_general3A_65 = tpu.matmul %get3A_58, %get3A_63, %dot_general3A_64 {dimension_numbers = #tpu.dot_dimension_numbers<[1], [0], [0], [1], [0, 0, 1, 1], [], []>, transpose_lhs_hint = false} : vector<400x128xf32>, vector<128x128xf32>, vector<400x128xf32> -> vector<400x128xf32>
    %add3A_66 = arith.addf %add3A_55, %dot_general3A_65 : vector<400x128xf32>
    %get3A_67 = arith.constant 0 : index
    %get3A_68 = arith.constant 0 : index
    %get3A_69 = vector.load %arg7[%get3A_67, %get3A_68] : memref<400x128xf32, #tpu.memory_space<vmem>>, vector<400x128xf32>
    %get3A_70 = arith.constant 6 : index
    %get3A_71 = arith.constant 0 : index
    %get3A_72 = arith.constant 0 : index
    %get3A_73 = vector.load %arg10[%get3A_70, %get3A_71, %get3A_72] : memref<9x128x128xf32, #tpu.memory_space<vmem>>, vector<1x128x128xf32>
    %get3A_74 = vector.shape_cast %get3A_73 : vector<1x128x128xf32> to vector<128x128xf32>
    %dot_general3A_75 = arith.constant dense<0.000000e+00> : vector<400x128xf32>
    %dot_general3A_76 = tpu.matmul %get3A_69, %get3A_74, %dot_general3A_75 {dimension_numbers = #tpu.dot_dimension_numbers<[1], [0], [0], [1], [0, 0, 1, 1], [], []>, transpose_lhs_hint = false} : vector<400x128xf32>, vector<128x128xf32>, vector<400x128xf32> -> vector<400x128xf32>
    %add3A_77 = arith.addf %add3A_66, %dot_general3A_76 : vector<400x128xf32>
    %get3A_78 = arith.constant 0 : index
    %get3A_79 = arith.constant 0 : index
    %get3A_80 = vector.load %arg8[%get3A_78, %get3A_79] : memref<400x128xf32, #tpu.memory_space<vmem>>, vector<400x128xf32>
    %get3A_81 = arith.constant 7 : index
    %get3A_82 = arith.constant 0 : index
    %get3A_83 = arith.constant 0 : index
    %get3A_84 = vector.load %arg10[%get3A_81, %get3A_82, %get3A_83] : memref<9x128x128xf32, #tpu.memory_space<vmem>>, vector<1x128x128xf32>
    %get3A_85 = vector.shape_cast %get3A_84 : vector<1x128x128xf32> to vector<128x128xf32>
    %dot_general3A_86 = arith.constant dense<0.000000e+00> : vector<400x128xf32>
    %dot_general3A_87 = tpu.matmul %get3A_80, %get3A_85, %dot_general3A_86 {dimension_numbers = #tpu.dot_dimension_numbers<[1], [0], [0], [1], [0, 0, 1, 1], [], []>, transpose_lhs_hint = false} : vector<400x128xf32>, vector<128x128xf32>, vector<400x128xf32> -> vector<400x128xf32>
    %add3A_88 = arith.addf %add3A_77, %dot_general3A_87 : vector<400x128xf32>
    %get3A_89 = arith.constant 0 : index
    %get3A_90 = arith.constant 0 : index
    %get3A_91 = vector.load %arg9[%get3A_89, %get3A_90] : memref<400x128xf32, #tpu.memory_space<vmem>>, vector<400x128xf32>
    %get3A_92 = arith.constant 8 : index
    %get3A_93 = arith.constant 0 : index
    %get3A_94 = arith.constant 0 : index
    %get3A_95 = vector.load %arg10[%get3A_92, %get3A_93, %get3A_94] : memref<9x128x128xf32, #tpu.memory_space<vmem>>, vector<1x128x128xf32>
    %get3A_96 = vector.shape_cast %get3A_95 : vector<1x128x128xf32> to vector<128x128xf32>
    %dot_general3A_97 = arith.constant dense<0.000000e+00> : vector<400x128xf32>
    %dot_general3A_98 = tpu.matmul %get3A_91, %get3A_96, %dot_general3A_97 {dimension_numbers = #tpu.dot_dimension_numbers<[1], [0], [0], [1], [0, 0, 1, 1], [], []>, transpose_lhs_hint = false} : vector<400x128xf32>, vector<128x128xf32>, vector<400x128xf32> -> vector<400x128xf32>
    %add3A_99 = arith.addf %add3A_88, %dot_general3A_98 : vector<400x128xf32>
    %swap3A = arith.constant 0 : index
    %swap3A_100 = arith.constant 0 : index
    %swap3A_101 = vector.load %arg13[%swap3A, %swap3A_100] : memref<400x128xf32, #tpu.memory_space<vmem>>, vector<400x128xf32>
    tpu.vector_store %arg13[%swap3A, %swap3A_100], %add3A_99 {strides = array<i32>} : memref<400x128xf32, #tpu.memory_space<vmem>>, vector<400x128xf32>,
    return
  }
  func.func @transform_0(%arg0: i32) -> (i32, i32) {
    %add3A = arith.constant 0 : i32
    %add3A_0 = arith.addi %add3A, %arg0 : i32
    %c0_i32 = arith.constant 0 : i32
    %c0_i32_1 = arith.constant 0 : i32
    return %add3A_0, %c0_i32 : i32, i32
  }
  func.func @transform_1(%arg0: i32) -> (i32, i32) {
    %add3A = arith.constant 25 : i32
    %add3A_0 = arith.addi %add3A, %arg0 : i32
    %c0_i32 = arith.constant 0 : i32
    %c0_i32_1 = arith.constant 0 : i32
    return %add3A_0, %c0_i32 : i32, i32
  }
  func.func @transform_2(%arg0: i32) -> (i32, i32) {
    %add3A = arith.constant 50 : i32
    %add3A_0 = arith.addi %add3A, %arg0 : i32
    %c0_i32 = arith.constant 0 : i32
    %c0_i32_1 = arith.constant 0 : i32
    return %add3A_0, %c0_i32 : i32, i32
  }
  func.func @transform_3(%arg0: i32) -> (i32, i32) {
    %add3A = arith.constant 75 : i32
    %add3A_0 = arith.addi %add3A, %arg0 : i32
    %c0_i32 = arith.constant 0 : i32
    %c0_i32_1 = arith.constant 0 : i32
    return %add3A_0, %c0_i32 : i32, i32
  }
  func.func @transform_4(%arg0: i32) -> (i32, i32) {
    %add3A = arith.constant 100 : i32
    %add3A_0 = arith.addi %add3A, %arg0 : i32
    %c0_i32 = arith.constant 0 : i32
    %c0_i32_1 = arith.constant 0 : i32
    return %add3A_0, %c0_i32 : i32, i32
  }
  func.func @transform_5(%arg0: i32) -> (i32, i32) {
    %add3A = arith.constant 125 : i32
    %add3A_0 = arith.addi %add3A, %arg0 : i32
    %c0_i32 = arith.constant 0 : i32
    %c0_i32_1 = arith.constant 0 : i32
    return %add3A_0, %c0_i32 : i32, i32
  }
  func.func @transform_6(%arg0: i32) -> (i32, i32) {
    %add3A = arith.constant 150 : i32
    %add3A_0 = arith.addi %add3A, %arg0 : i32
    %c0_i32 = arith.constant 0 : i32
    %c0_i32_1 = arith.constant 0 : i32
    return %add3A_0, %c0_i32 : i32, i32
  }
  func.func @transform_7(%arg0: i32) -> (i32, i32) {
    %add3A = arith.constant 175 : i32
    %add3A_0 = arith.addi %add3A, %arg0 : i32
    %c0_i32 = arith.constant 0 : i32
    %c0_i32_1 = arith.constant 0 : i32
    return %add3A_0, %c0_i32 : i32, i32
  }
  func.func @transform_8(%arg0: i32) -> (i32, i32) {
    %add3A = arith.constant 200 : i32
    %add3A_0 = arith.addi %add3A, %arg0 : i32
    %c0_i32 = arith.constant 0 : i32
    %c0_i32_1 = arith.constant 0 : i32
    return %add3A_0, %c0_i32 : i32, i32
  }
  func.func @transform_9(%arg0: i32) -> (i32, i32, i32) {
    %c0_i32 = arith.constant 0 : i32
    %c0_i32_0 = arith.constant 0 : i32
    %c0_i32_1 = arith.constant 0 : i32
    %c0_i32_2 = arith.constant 0 : i32
    return %c0_i32, %c0_i32_0, %c0_i32_1 : i32, i32, i32
  }
  func.func @transform_10(%arg0: i32) -> (i32, i32) {
    %c0_i32 = arith.constant 0 : i32
    %c0_i32_0 = arith.constant 0 : i32
    %c0_i32_1 = arith.constant 0 : i32
    return %c0_i32, %c0_i32_0 : i32, i32
  }
  func.func @transform_12(%arg0: i32) -> (i32, i32) {
    %add3A = arith.constant 50 : i32
    %add3A_0 = arith.addi %add3A, %arg0 : i32
    %c0_i32 = arith.constant 0 : i32
    %c0_i32_1 = arith.constant 0 : i32
    return %add3A_0, %c0_i32 : i32, i32
  }
}

module attributes {stable_mosaic.version = 14 : i64} {
  func.func @_mm_body(%arg0: i32, %arg1: memref<400x128xf32, #tpu.memory_space<vmem>>, %arg2: memref<400x128xf32, #tpu.memory_space<vmem>>, %arg3: memref<400x128xf32, #tpu.memory_space<vmem>>, %arg4: memref<400x128xf32, #tpu.memory_space<vmem>>, %arg5: memref<400x128xf32, #tpu.memory_space<vmem>>, %arg6: memref<400x128xf32, #tpu.memory_space<vmem>>, %arg7: memref<400x128xf32, #tpu.memory_space<vmem>>, %arg8: memref<400x128xf32, #tpu.memory_space<vmem>>, %arg9: memref<400x128xf32, #tpu.memory_space<vmem>>, %arg10: memref<9x128x128xf32, #tpu.memory_space<vmem>>, %arg11: memref<1x128xf32, #tpu.memory_space<vmem>>, %arg12: memref<50000x128xf32, #tpu.memory_space<any>>, %arg13: memref<400x128xf32, #tpu.memory_space<vmem>>) attributes {dimension_semantics = [#tpu.dimension_semantics<arbitrary>], iteration_bounds = array<i64: 25>, scalar_prefetch = 0 : i64, scratch_operands = 0 : i64, tpu.core_type = #tpu.core_type<tc>, window_params = [{transform_indices = @transform_0, window_bounds = array<i64: 400, 128>}, {transform_indices = @transform_1, window_bounds = array<i64: 400, 128>}, {transform_indices = @transform_2, window_bounds = array<i64: 400, 128>}, {transform_indices = @transform_3, window_bounds = array<i64: 400, 128>}, {transform_indices = @transform_4, window_bounds = array<i64: 400, 128>}, {transform_indices = @transform_5, window_bounds = array<i64: 400, 128>}, {transform_indices = @transform_6, window_bounds = array<i64: 400, 128>}, {transform_indices = @transform_7, window_bounds = array<i64: 400, 128>}, {transform_indices = @transform_8, window_bounds = array<i64: 400, 128>}, {pipeline_mode = #tpu.pipeline_mode<synchronous>, transform_indices = @transform_9, window_bounds = array<i64: 9, 128, 128>}, {pipeline_mode = #tpu.pipeline_mode<synchronous>, transform_indices = @transform_10, window_bounds = array<i64: 1, 128>}, {}, {transform_indices = @transform_12, window_bounds = array<i64: 400, 128>}]} {
    %get3A = arith.constant 0 : index
    %get3A_0 = arith.constant 0 : index
    %get3A_1 = vector.load %arg11[%get3A, %get3A_0] : memref<1x128xf32, #tpu.memory_space<vmem>>, vector<1x128xf32>
    %broadcast_in_dim3A = vector.shape_cast %get3A_1 : vector<1x128xf32> to vector<1x128xf32>
    %broadcast_in_dim3A_2 = vector.broadcast %broadcast_in_dim3A : vector<1x128xf32> to vector<400x128xf32>
    %get3A_3 = arith.constant 0 : index
    %get3A_4 = arith.constant 0 : index
    %get3A_5 = vector.load %arg1[%get3A_3, %get3A_4] : memref<400x128xf32, #tpu.memory_space<vmem>>, vector<400x128xf32>
    %get3A_6 = arith.constant 0 : index
    %get3A_7 = arith.constant 0 : index
    %get3A_8 = arith.constant 0 : index
    %get3A_9 = vector.load %arg10[%get3A_6, %get3A_7, %get3A_8] : memref<9x128x128xf32, #tpu.memory_space<vmem>>, vector<1x128x128xf32>
    %get3A_10 = vector.shape_cast %get3A_9 : vector<1x128x128xf32> to vector<128x128xf32>
    %dot_general3A = arith.constant dense<0.000000e+00> : vector<400x128xf32>
    %dot_general3A_11 = tpu.matmul %get3A_5, %get3A_10, %dot_general3A {dimension_numbers = #tpu.dot_dimension_numbers<[1], [0], [0], [1], [0, 0, 1, 1], [], []>, transpose_lhs_hint = false} : vector<400x128xf32>, vector<128x128xf32>, vector<400x128xf32> -> vector<400x128xf32>
    %add3A = arith.addf %broadcast_in_dim3A_2, %dot_general3A_11 : vector<400x128xf32>
    %get3A_12 = arith.constant 0 : index
    %get3A_13 = arith.constant 0 : index
    %get3A_14 = vector.load %arg2[%get3A_12, %get3A_13] : memref<400x128xf32, #tpu.memory_space<vmem>>, vector<400x128xf32>
    %get3A_15 = arith.constant 1 : index
    %get3A_16 = arith.constant 0 : index
    %get3A_17 = arith.constant 0 : index
    %get3A_18 = vector.load %arg10[%get3A_15, %get3A_16, %get3A_17] : memref<9x128x128xf32, #tpu.memory_space<vmem>>, vector<1x128x128xf32>
    %get3A_19 = vector.shape_cast %get3A_18 : vector<1x128x128xf32> to vector<128x128xf32>
    %dot_general3A_20 = arith.constant dense<0.000000e+00> : vector<400x128xf32>
    %dot_general3A_21 = tpu.matmul %get3A_14, %get3A_19, %dot_general3A_20 {dimension_numbers = #tpu.dot_dimension_numbers<[1], [0], [0], [1], [0, 0, 1, 1], [], []>, transpose_lhs_hint = false} : vector<400x128xf32>, vector<128x128xf32>, vector<400x128xf32> -> vector<400x128xf32>
    %add3A_22 = arith.addf %add3A, %dot_general3A_21 : vector<400x128xf32>
    %get3A_23 = arith.constant 0 : index
    %get3A_24 = arith.constant 0 : index
    %get3A_25 = vector.load %arg3[%get3A_23, %get3A_24] : memref<400x128xf32, #tpu.memory_space<vmem>>, vector<400x128xf32>
    %get3A_26 = arith.constant 2 : index
    %get3A_27 = arith.constant 0 : index
    %get3A_28 = arith.constant 0 : index
    %get3A_29 = vector.load %arg10[%get3A_26, %get3A_27, %get3A_28] : memref<9x128x128xf32, #tpu.memory_space<vmem>>, vector<1x128x128xf32>
    %get3A_30 = vector.shape_cast %get3A_29 : vector<1x128x128xf32> to vector<128x128xf32>
    %dot_general3A_31 = arith.constant dense<0.000000e+00> : vector<400x128xf32>
    %dot_general3A_32 = tpu.matmul %get3A_25, %get3A_30, %dot_general3A_31 {dimension_numbers = #tpu.dot_dimension_numbers<[1], [0], [0], [1], [0, 0, 1, 1], [], []>, transpose_lhs_hint = false} : vector<400x128xf32>, vector<128x128xf32>, vector<400x128xf32> -> vector<400x128xf32>
    %add3A_33 = arith.addf %add3A_22, %dot_general3A_32 : vector<400x128xf32>
    %get3A_34 = arith.constant 0 : index
    %get3A_35 = arith.constant 0 : index
    %get3A_36 = vector.load %arg4[%get3A_34, %get3A_35] : memref<400x128xf32, #tpu.memory_space<vmem>>, vector<400x128xf32>
    %get3A_37 = arith.constant 3 : index
    %get3A_38 = arith.constant 0 : index
    %get3A_39 = arith.constant 0 : index
    %get3A_40 = vector.load %arg10[%get3A_37, %get3A_38, %get3A_39] : memref<9x128x128xf32, #tpu.memory_space<vmem>>, vector<1x128x128xf32>
    %get3A_41 = vector.shape_cast %get3A_40 : vector<1x128x128xf32> to vector<128x128xf32>
    %dot_general3A_42 = arith.constant dense<0.000000e+00> : vector<400x128xf32>
    %dot_general3A_43 = tpu.matmul %get3A_36, %get3A_41, %dot_general3A_42 {dimension_numbers = #tpu.dot_dimension_numbers<[1], [0], [0], [1], [0, 0, 1, 1], [], []>, transpose_lhs_hint = false} : vector<400x128xf32>, vector<128x128xf32>, vector<400x128xf32> -> vector<400x128xf32>
    %add3A_44 = arith.addf %add3A_33, %dot_general3A_43 : vector<400x128xf32>
    %get3A_45 = arith.constant 0 : index
    %get3A_46 = arith.constant 0 : index
    %get3A_47 = vector.load %arg5[%get3A_45, %get3A_46] : memref<400x128xf32, #tpu.memory_space<vmem>>, vector<400x128xf32>
    %get3A_48 = arith.constant 4 : index
    %get3A_49 = arith.constant 0 : index
    %get3A_50 = arith.constant 0 : index
    %get3A_51 = vector.load %arg10[%get3A_48, %get3A_49, %get3A_50] : memref<9x128x128xf32, #tpu.memory_space<vmem>>, vector<1x128x128xf32>
    %get3A_52 = vector.shape_cast %get3A_51 : vector<1x128x128xf32> to vector<128x128xf32>
    %dot_general3A_53 = arith.constant dense<0.000000e+00> : vector<400x128xf32>
    %dot_general3A_54 = tpu.matmul %get3A_47, %get3A_52, %dot_general3A_53 {dimension_numbers = #tpu.dot_dimension_numbers<[1], [0], [0], [1], [0, 0, 1, 1], [], []>, transpose_lhs_hint = false} : vector<400x128xf32>, vector<128x128xf32>, vector<400x128xf32> -> vector<400x128xf32>
    %add3A_55 = arith.addf %add3A_44, %dot_general3A_54 : vector<400x128xf32>
    %get3A_56 = arith.constant 0 : index
    %get3A_57 = arith.constant 0 : index
    %get3A_58 = vector.load %arg6[%get3A_56, %get3A_57] : memref<400x128xf32, #tpu.memory_space<vmem>>, vector<400x128xf32>
    %get3A_59 = arith.constant 5 : index
    %get3A_60 = arith.constant 0 : index
    %get3A_61 = arith.constant 0 : index
    %get3A_62 = vector.load %arg10[%get3A_59, %get3A_60, %get3A_61] : memref<9x128x128xf32, #tpu.memory_space<vmem>>, vector<1x128x128xf32>
    %get3A_63 = vector.shape_cast %get3A_62 : vector<1x128x128xf32> to vector<128x128xf32>
    %dot_general3A_64 = arith.constant dense<0.000000e+00> : vector<400x128xf32>
    %dot_general3A_65 = tpu.matmul %get3A_58, %get3A_63, %dot_general3A_64 {dimension_numbers = #tpu.dot_dimension_numbers<[1], [0], [0], [1], [0, 0, 1, 1], [], []>, transpose_lhs_hint = false} : vector<400x128xf32>, vector<128x128xf32>, vector<400x128xf32> -> vector<400x128xf32>
    %add3A_66 = arith.addf %add3A_55, %dot_general3A_65 : vector<400x128xf32>
    %get3A_67 = arith.constant 0 : index
    %get3A_68 = arith.constant 0 : index
    %get3A_69 = vector.load %arg7[%get3A_67, %get3A_68] : memref<400x128xf32, #tpu.memory_space<vmem>>, vector<400x128xf32>
    %get3A_70 = arith.constant 6 : index
    %get3A_71 = arith.constant 0 : index
    %get3A_72 = arith.constant 0 : index
    %get3A_73 = vector.load %arg10[%get3A_70, %get3A_71, %get3A_72] : memref<9x128x128xf32, #tpu.memory_space<vmem>>, vector<1x128x128xf32>
    %get3A_74 = vector.shape_cast %get3A_73 : vector<1x128x128xf32> to vector<128x128xf32>
    %dot_general3A_75 = arith.constant dense<0.000000e+00> : vector<400x128xf32>
    %dot_general3A_76 = tpu.matmul %get3A_69, %get3A_74, %dot_general3A_75 {dimension_numbers = #tpu.dot_dimension_numbers<[1], [0], [0], [1], [0, 0, 1, 1], [], []>, transpose_lhs_hint = false} : vector<400x128xf32>, vector<128x128xf32>, vector<400x128xf32> -> vector<400x128xf32>
    %add3A_77 = arith.addf %add3A_66, %dot_general3A_76 : vector<400x128xf32>
    %get3A_78 = arith.constant 0 : index
    %get3A_79 = arith.constant 0 : index
    %get3A_80 = vector.load %arg8[%get3A_78, %get3A_79] : memref<400x128xf32, #tpu.memory_space<vmem>>, vector<400x128xf32>
    %get3A_81 = arith.constant 7 : index
    %get3A_82 = arith.constant 0 : index
    %get3A_83 = arith.constant 0 : index
    %get3A_84 = vector.load %arg10[%get3A_81, %get3A_82, %get3A_83] : memref<9x128x128xf32, #tpu.memory_space<vmem>>, vector<1x128x128xf32>
    %get3A_85 = vector.shape_cast %get3A_84 : vector<1x128x128xf32> to vector<128x128xf32>
    %dot_general3A_86 = arith.constant dense<0.000000e+00> : vector<400x128xf32>
    %dot_general3A_87 = tpu.matmul %get3A_80, %get3A_85, %dot_general3A_86 {dimension_numbers = #tpu.dot_dimension_numbers<[1], [0], [0], [1], [0, 0, 1, 1], [], []>, transpose_lhs_hint = false} : vector<400x128xf32>, vector<128x128xf32>, vector<400x128xf32> -> vector<400x128xf32>
    %add3A_88 = arith.addf %add3A_77, %dot_general3A_87 : vector<400x128xf32>
    %get3A_89 = arith.constant 0 : index
    %get3A_90 = arith.constant 0 : index
    %get3A_91 = vector.load %arg9[%get3A_89, %get3A_90] : memref<400x128xf32, #tpu.memory_space<vmem>>, vector<400x128xf32>
    %get3A_92 = arith.constant 8 : index
    %get3A_93 = arith.constant 0 : index
    %get3A_94 = arith.constant 0 : index
    %get3A_95 = vector.load %arg10[%get3A_92, %get3A_93, %get3A_94] : memref<9x128x128xf32, #tpu.memory_space<vmem>>, vector<1x128x128xf32>
    %get3A_96 = vector.shape_cast %get3A_95 : vector<1x128x128xf32> to vector<128x128xf32>
    %dot_general3A_97 = arith.constant dense<0.000000e+00> : vector<400x128xf32>
    %dot_general3A_98 = tpu.matmul %get3A_91, %get3A_96, %dot_general3A_97 {dimension_numbers = #tpu.dot_dimension_numbers<[1], [0], [0], [1], [0, 0, 1, 1], [], []>, transpose_lhs_hint = false} : vector<400x128xf32>, vector<128x128xf32>, vector<400x128xf32> -> vector<400x128xf32>
    %add3A_99 = arith.addf %add3A_88, %dot_general3A_98 : vector<400x128xf32>
    %swap3A = arith.constant 0 : index
    %swap3A_100 = arith.constant 0 : index
    %swap3A_101 = vector.load %arg13[%swap3A, %swap3A_100] : memref<400x128xf32, #tpu.memory_space<vmem>>, vector<400x128xf32>
    tpu.vector_store %arg13[%swap3A, %swap3A_100], %add3A_99 {strides = array<i32>} : memref<400x128xf32, #tpu.memory_space<vmem>>, vector<400x128xf32>,
    return
  }
  func.func @transform_0(%arg0: i32) -> (i32, i32) {
    %add3A = arith.constant 0 : i32
    %add3A_0 = arith.addi %add3A, %arg0 : i32
    %c0_i32 = arith.constant 0 : i32
    %c0_i32_1 = arith.constant 0 : i32
    return %add3A_0, %c0_i32 : i32, i32
  }
  func.func @transform_1(%arg0: i32) -> (i32, i32) {
    %add3A = arith.constant 25 : i32
    %add3A_0 = arith.addi %add3A, %arg0 : i32
    %c0_i32 = arith.constant 0 : i32
    %c0_i32_1 = arith.constant 0 : i32
    return %add3A_0, %c0_i32 : i32, i32
  }
  func.func @transform_2(%arg0: i32) -> (i32, i32) {
    %add3A = arith.constant 50 : i32
    %add3A_0 = arith.addi %add3A, %arg0 : i32
    %c0_i32 = arith.constant 0 : i32
    %c0_i32_1 = arith.constant 0 : i32
    return %add3A_0, %c0_i32 : i32, i32
  }
  func.func @transform_3(%arg0: i32) -> (i32, i32) {
    %add3A = arith.constant 75 : i32
    %add3A_0 = arith.addi %add3A, %arg0 : i32
    %c0_i32 = arith.constant 0 : i32
    %c0_i32_1 = arith.constant 0 : i32
    return %add3A_0, %c0_i32 : i32, i32
  }
  func.func @transform_4(%arg0: i32) -> (i32, i32) {
    %add3A = arith.constant 100 : i32
    %add3A_0 = arith.addi %add3A, %arg0 : i32
    %c0_i32 = arith.constant 0 : i32
    %c0_i32_1 = arith.constant 0 : i32
    return %add3A_0, %c0_i32 : i32, i32
  }
  func.func @transform_5(%arg0: i32) -> (i32, i32) {
    %add3A = arith.constant 125 : i32
    %add3A_0 = arith.addi %add3A, %arg0 : i32
    %c0_i32 = arith.constant 0 : i32
    %c0_i32_1 = arith.constant 0 : i32
    return %add3A_0, %c0_i32 : i32, i32
  }
  func.func @transform_6(%arg0: i32) -> (i32, i32) {
    %add3A = arith.constant 150 : i32
    %add3A_0 = arith.addi %add3A, %arg0 : i32
    %c0_i32 = arith.constant 0 : i32
    %c0_i32_1 = arith.constant 0 : i32
    return %add3A_0, %c0_i32 : i32, i32
  }
  func.func @transform_7(%arg0: i32) -> (i32, i32) {
    %add3A = arith.constant 175 : i32
    %add3A_0 = arith.addi %add3A, %arg0 : i32
    %c0_i32 = arith.constant 0 : i32
    %c0_i32_1 = arith.constant 0 : i32
    return %add3A_0, %c0_i32 : i32, i32
  }
  func.func @transform_8(%arg0: i32) -> (i32, i32) {
    %add3A = arith.constant 200 : i32
    %add3A_0 = arith.addi %add3A, %arg0 : i32
    %c0_i32 = arith.constant 0 : i32
    %c0_i32_1 = arith.constant 0 : i32
    return %add3A_0, %c0_i32 : i32, i32
  }
  func.func @transform_9(%arg0: i32) -> (i32, i32, i32) {
    %c0_i32 = arith.constant 0 : i32
    %c0_i32_0 = arith.constant 0 : i32
    %c0_i32_1 = arith.constant 0 : i32
    %c0_i32_2 = arith.constant 0 : i32
    return %c0_i32, %c0_i32_0, %c0_i32_1 : i32, i32, i32
  }
  func.func @transform_10(%arg0: i32) -> (i32, i32) {
    %c0_i32 = arith.constant 0 : i32
    %c0_i32_0 = arith.constant 0 : i32
    %c0_i32_1 = arith.constant 0 : i32
    return %c0_i32, %c0_i32_0 : i32, i32
  }
  func.func @transform_12(%arg0: i32) -> (i32, i32) {
    %add3A = arith.constant 75 : i32
    %add3A_0 = arith.addi %add3A, %arg0 : i32
    %c0_i32 = arith.constant 0 : i32
    %c0_i32_1 = arith.constant 0 : i32
    return %add3A_0, %c0_i32 : i32, i32
  }
}

module attributes {stable_mosaic.version = 14 : i64} {
  func.func @_mm_body(%arg0: i32, %arg1: memref<400x128xf32, #tpu.memory_space<vmem>>, %arg2: memref<400x128xf32, #tpu.memory_space<vmem>>, %arg3: memref<400x128xf32, #tpu.memory_space<vmem>>, %arg4: memref<400x128xf32, #tpu.memory_space<vmem>>, %arg5: memref<400x128xf32, #tpu.memory_space<vmem>>, %arg6: memref<400x128xf32, #tpu.memory_space<vmem>>, %arg7: memref<400x128xf32, #tpu.memory_space<vmem>>, %arg8: memref<400x128xf32, #tpu.memory_space<vmem>>, %arg9: memref<400x128xf32, #tpu.memory_space<vmem>>, %arg10: memref<9x128x128xf32, #tpu.memory_space<vmem>>, %arg11: memref<1x128xf32, #tpu.memory_space<vmem>>, %arg12: memref<50000x128xf32, #tpu.memory_space<any>>, %arg13: memref<400x128xf32, #tpu.memory_space<vmem>>) attributes {dimension_semantics = [#tpu.dimension_semantics<arbitrary>], iteration_bounds = array<i64: 25>, scalar_prefetch = 0 : i64, scratch_operands = 0 : i64, tpu.core_type = #tpu.core_type<tc>, window_params = [{transform_indices = @transform_0, window_bounds = array<i64: 400, 128>}, {transform_indices = @transform_1, window_bounds = array<i64: 400, 128>}, {transform_indices = @transform_2, window_bounds = array<i64: 400, 128>}, {transform_indices = @transform_3, window_bounds = array<i64: 400, 128>}, {transform_indices = @transform_4, window_bounds = array<i64: 400, 128>}, {transform_indices = @transform_5, window_bounds = array<i64: 400, 128>}, {transform_indices = @transform_6, window_bounds = array<i64: 400, 128>}, {transform_indices = @transform_7, window_bounds = array<i64: 400, 128>}, {transform_indices = @transform_8, window_bounds = array<i64: 400, 128>}, {pipeline_mode = #tpu.pipeline_mode<synchronous>, transform_indices = @transform_9, window_bounds = array<i64: 9, 128, 128>}, {pipeline_mode = #tpu.pipeline_mode<synchronous>, transform_indices = @transform_10, window_bounds = array<i64: 1, 128>}, {}, {transform_indices = @transform_12, window_bounds = array<i64: 400, 128>}]} {
    %get3A = arith.constant 0 : index
    %get3A_0 = arith.constant 0 : index
    %get3A_1 = vector.load %arg11[%get3A, %get3A_0] : memref<1x128xf32, #tpu.memory_space<vmem>>, vector<1x128xf32>
    %broadcast_in_dim3A = vector.shape_cast %get3A_1 : vector<1x128xf32> to vector<1x128xf32>
    %broadcast_in_dim3A_2 = vector.broadcast %broadcast_in_dim3A : vector<1x128xf32> to vector<400x128xf32>
    %get3A_3 = arith.constant 0 : index
    %get3A_4 = arith.constant 0 : index
    %get3A_5 = vector.load %arg1[%get3A_3, %get3A_4] : memref<400x128xf32, #tpu.memory_space<vmem>>, vector<400x128xf32>
    %get3A_6 = arith.constant 0 : index
    %get3A_7 = arith.constant 0 : index
    %get3A_8 = arith.constant 0 : index
    %get3A_9 = vector.load %arg10[%get3A_6, %get3A_7, %get3A_8] : memref<9x128x128xf32, #tpu.memory_space<vmem>>, vector<1x128x128xf32>
    %get3A_10 = vector.shape_cast %get3A_9 : vector<1x128x128xf32> to vector<128x128xf32>
    %dot_general3A = arith.constant dense<0.000000e+00> : vector<400x128xf32>
    %dot_general3A_11 = tpu.matmul %get3A_5, %get3A_10, %dot_general3A {dimension_numbers = #tpu.dot_dimension_numbers<[1], [0], [0], [1], [0, 0, 1, 1], [], []>, transpose_lhs_hint = false} : vector<400x128xf32>, vector<128x128xf32>, vector<400x128xf32> -> vector<400x128xf32>
    %add3A = arith.addf %broadcast_in_dim3A_2, %dot_general3A_11 : vector<400x128xf32>
    %get3A_12 = arith.constant 0 : index
    %get3A_13 = arith.constant 0 : index
    %get3A_14 = vector.load %arg2[%get3A_12, %get3A_13] : memref<400x128xf32, #tpu.memory_space<vmem>>, vector<400x128xf32>
    %get3A_15 = arith.constant 1 : index
    %get3A_16 = arith.constant 0 : index
    %get3A_17 = arith.constant 0 : index
    %get3A_18 = vector.load %arg10[%get3A_15, %get3A_16, %get3A_17] : memref<9x128x128xf32, #tpu.memory_space<vmem>>, vector<1x128x128xf32>
    %get3A_19 = vector.shape_cast %get3A_18 : vector<1x128x128xf32> to vector<128x128xf32>
    %dot_general3A_20 = arith.constant dense<0.000000e+00> : vector<400x128xf32>
    %dot_general3A_21 = tpu.matmul %get3A_14, %get3A_19, %dot_general3A_20 {dimension_numbers = #tpu.dot_dimension_numbers<[1], [0], [0], [1], [0, 0, 1, 1], [], []>, transpose_lhs_hint = false} : vector<400x128xf32>, vector<128x128xf32>, vector<400x128xf32> -> vector<400x128xf32>
    %add3A_22 = arith.addf %add3A, %dot_general3A_21 : vector<400x128xf32>
    %get3A_23 = arith.constant 0 : index
    %get3A_24 = arith.constant 0 : index
    %get3A_25 = vector.load %arg3[%get3A_23, %get3A_24] : memref<400x128xf32, #tpu.memory_space<vmem>>, vector<400x128xf32>
    %get3A_26 = arith.constant 2 : index
    %get3A_27 = arith.constant 0 : index
    %get3A_28 = arith.constant 0 : index
    %get3A_29 = vector.load %arg10[%get3A_26, %get3A_27, %get3A_28] : memref<9x128x128xf32, #tpu.memory_space<vmem>>, vector<1x128x128xf32>
    %get3A_30 = vector.shape_cast %get3A_29 : vector<1x128x128xf32> to vector<128x128xf32>
    %dot_general3A_31 = arith.constant dense<0.000000e+00> : vector<400x128xf32>
    %dot_general3A_32 = tpu.matmul %get3A_25, %get3A_30, %dot_general3A_31 {dimension_numbers = #tpu.dot_dimension_numbers<[1], [0], [0], [1], [0, 0, 1, 1], [], []>, transpose_lhs_hint = false} : vector<400x128xf32>, vector<128x128xf32>, vector<400x128xf32> -> vector<400x128xf32>
    %add3A_33 = arith.addf %add3A_22, %dot_general3A_32 : vector<400x128xf32>
    %get3A_34 = arith.constant 0 : index
    %get3A_35 = arith.constant 0 : index
    %get3A_36 = vector.load %arg4[%get3A_34, %get3A_35] : memref<400x128xf32, #tpu.memory_space<vmem>>, vector<400x128xf32>
    %get3A_37 = arith.constant 3 : index
    %get3A_38 = arith.constant 0 : index
    %get3A_39 = arith.constant 0 : index
    %get3A_40 = vector.load %arg10[%get3A_37, %get3A_38, %get3A_39] : memref<9x128x128xf32, #tpu.memory_space<vmem>>, vector<1x128x128xf32>
    %get3A_41 = vector.shape_cast %get3A_40 : vector<1x128x128xf32> to vector<128x128xf32>
    %dot_general3A_42 = arith.constant dense<0.000000e+00> : vector<400x128xf32>
    %dot_general3A_43 = tpu.matmul %get3A_36, %get3A_41, %dot_general3A_42 {dimension_numbers = #tpu.dot_dimension_numbers<[1], [0], [0], [1], [0, 0, 1, 1], [], []>, transpose_lhs_hint = false} : vector<400x128xf32>, vector<128x128xf32>, vector<400x128xf32> -> vector<400x128xf32>
    %add3A_44 = arith.addf %add3A_33, %dot_general3A_43 : vector<400x128xf32>
    %get3A_45 = arith.constant 0 : index
    %get3A_46 = arith.constant 0 : index
    %get3A_47 = vector.load %arg5[%get3A_45, %get3A_46] : memref<400x128xf32, #tpu.memory_space<vmem>>, vector<400x128xf32>
    %get3A_48 = arith.constant 4 : index
    %get3A_49 = arith.constant 0 : index
    %get3A_50 = arith.constant 0 : index
    %get3A_51 = vector.load %arg10[%get3A_48, %get3A_49, %get3A_50] : memref<9x128x128xf32, #tpu.memory_space<vmem>>, vector<1x128x128xf32>
    %get3A_52 = vector.shape_cast %get3A_51 : vector<1x128x128xf32> to vector<128x128xf32>
    %dot_general3A_53 = arith.constant dense<0.000000e+00> : vector<400x128xf32>
    %dot_general3A_54 = tpu.matmul %get3A_47, %get3A_52, %dot_general3A_53 {dimension_numbers = #tpu.dot_dimension_numbers<[1], [0], [0], [1], [0, 0, 1, 1], [], []>, transpose_lhs_hint = false} : vector<400x128xf32>, vector<128x128xf32>, vector<400x128xf32> -> vector<400x128xf32>
    %add3A_55 = arith.addf %add3A_44, %dot_general3A_54 : vector<400x128xf32>
    %get3A_56 = arith.constant 0 : index
    %get3A_57 = arith.constant 0 : index
    %get3A_58 = vector.load %arg6[%get3A_56, %get3A_57] : memref<400x128xf32, #tpu.memory_space<vmem>>, vector<400x128xf32>
    %get3A_59 = arith.constant 5 : index
    %get3A_60 = arith.constant 0 : index
    %get3A_61 = arith.constant 0 : index
    %get3A_62 = vector.load %arg10[%get3A_59, %get3A_60, %get3A_61] : memref<9x128x128xf32, #tpu.memory_space<vmem>>, vector<1x128x128xf32>
    %get3A_63 = vector.shape_cast %get3A_62 : vector<1x128x128xf32> to vector<128x128xf32>
    %dot_general3A_64 = arith.constant dense<0.000000e+00> : vector<400x128xf32>
    %dot_general3A_65 = tpu.matmul %get3A_58, %get3A_63, %dot_general3A_64 {dimension_numbers = #tpu.dot_dimension_numbers<[1], [0], [0], [1], [0, 0, 1, 1], [], []>, transpose_lhs_hint = false} : vector<400x128xf32>, vector<128x128xf32>, vector<400x128xf32> -> vector<400x128xf32>
    %add3A_66 = arith.addf %add3A_55, %dot_general3A_65 : vector<400x128xf32>
    %get3A_67 = arith.constant 0 : index
    %get3A_68 = arith.constant 0 : index
    %get3A_69 = vector.load %arg7[%get3A_67, %get3A_68] : memref<400x128xf32, #tpu.memory_space<vmem>>, vector<400x128xf32>
    %get3A_70 = arith.constant 6 : index
    %get3A_71 = arith.constant 0 : index
    %get3A_72 = arith.constant 0 : index
    %get3A_73 = vector.load %arg10[%get3A_70, %get3A_71, %get3A_72] : memref<9x128x128xf32, #tpu.memory_space<vmem>>, vector<1x128x128xf32>
    %get3A_74 = vector.shape_cast %get3A_73 : vector<1x128x128xf32> to vector<128x128xf32>
    %dot_general3A_75 = arith.constant dense<0.000000e+00> : vector<400x128xf32>
    %dot_general3A_76 = tpu.matmul %get3A_69, %get3A_74, %dot_general3A_75 {dimension_numbers = #tpu.dot_dimension_numbers<[1], [0], [0], [1], [0, 0, 1, 1], [], []>, transpose_lhs_hint = false} : vector<400x128xf32>, vector<128x128xf32>, vector<400x128xf32> -> vector<400x128xf32>
    %add3A_77 = arith.addf %add3A_66, %dot_general3A_76 : vector<400x128xf32>
    %get3A_78 = arith.constant 0 : index
    %get3A_79 = arith.constant 0 : index
    %get3A_80 = vector.load %arg8[%get3A_78, %get3A_79] : memref<400x128xf32, #tpu.memory_space<vmem>>, vector<400x128xf32>
    %get3A_81 = arith.constant 7 : index
    %get3A_82 = arith.constant 0 : index
    %get3A_83 = arith.constant 0 : index
    %get3A_84 = vector.load %arg10[%get3A_81, %get3A_82, %get3A_83] : memref<9x128x128xf32, #tpu.memory_space<vmem>>, vector<1x128x128xf32>
    %get3A_85 = vector.shape_cast %get3A_84 : vector<1x128x128xf32> to vector<128x128xf32>
    %dot_general3A_86 = arith.constant dense<0.000000e+00> : vector<400x128xf32>
    %dot_general3A_87 = tpu.matmul %get3A_80, %get3A_85, %dot_general3A_86 {dimension_numbers = #tpu.dot_dimension_numbers<[1], [0], [0], [1], [0, 0, 1, 1], [], []>, transpose_lhs_hint = false} : vector<400x128xf32>, vector<128x128xf32>, vector<400x128xf32> -> vector<400x128xf32>
    %add3A_88 = arith.addf %add3A_77, %dot_general3A_87 : vector<400x128xf32>
    %get3A_89 = arith.constant 0 : index
    %get3A_90 = arith.constant 0 : index
    %get3A_91 = vector.load %arg9[%get3A_89, %get3A_90] : memref<400x128xf32, #tpu.memory_space<vmem>>, vector<400x128xf32>
    %get3A_92 = arith.constant 8 : index
    %get3A_93 = arith.constant 0 : index
    %get3A_94 = arith.constant 0 : index
    %get3A_95 = vector.load %arg10[%get3A_92, %get3A_93, %get3A_94] : memref<9x128x128xf32, #tpu.memory_space<vmem>>, vector<1x128x128xf32>
    %get3A_96 = vector.shape_cast %get3A_95 : vector<1x128x128xf32> to vector<128x128xf32>
    %dot_general3A_97 = arith.constant dense<0.000000e+00> : vector<400x128xf32>
    %dot_general3A_98 = tpu.matmul %get3A_91, %get3A_96, %dot_general3A_97 {dimension_numbers = #tpu.dot_dimension_numbers<[1], [0], [0], [1], [0, 0, 1, 1], [], []>, transpose_lhs_hint = false} : vector<400x128xf32>, vector<128x128xf32>, vector<400x128xf32> -> vector<400x128xf32>
    %add3A_99 = arith.addf %add3A_88, %dot_general3A_98 : vector<400x128xf32>
    %swap3A = arith.constant 0 : index
    %swap3A_100 = arith.constant 0 : index
    %swap3A_101 = vector.load %arg13[%swap3A, %swap3A_100] : memref<400x128xf32, #tpu.memory_space<vmem>>, vector<400x128xf32>
    tpu.vector_store %arg13[%swap3A, %swap3A_100], %add3A_99 {strides = array<i32>} : memref<400x128xf32, #tpu.memory_space<vmem>>, vector<400x128xf32>,
    return
  }
  func.func @transform_0(%arg0: i32) -> (i32, i32) {
    %add3A = arith.constant 0 : i32
    %add3A_0 = arith.addi %add3A, %arg0 : i32
    %c0_i32 = arith.constant 0 : i32
    %c0_i32_1 = arith.constant 0 : i32
    return %add3A_0, %c0_i32 : i32, i32
  }
  func.func @transform_1(%arg0: i32) -> (i32, i32) {
    %add3A = arith.constant 25 : i32
    %add3A_0 = arith.addi %add3A, %arg0 : i32
    %c0_i32 = arith.constant 0 : i32
    %c0_i32_1 = arith.constant 0 : i32
    return %add3A_0, %c0_i32 : i32, i32
  }
  func.func @transform_2(%arg0: i32) -> (i32, i32) {
    %add3A = arith.constant 50 : i32
    %add3A_0 = arith.addi %add3A, %arg0 : i32
    %c0_i32 = arith.constant 0 : i32
    %c0_i32_1 = arith.constant 0 : i32
    return %add3A_0, %c0_i32 : i32, i32
  }
  func.func @transform_3(%arg0: i32) -> (i32, i32) {
    %add3A = arith.constant 75 : i32
    %add3A_0 = arith.addi %add3A, %arg0 : i32
    %c0_i32 = arith.constant 0 : i32
    %c0_i32_1 = arith.constant 0 : i32
    return %add3A_0, %c0_i32 : i32, i32
  }
  func.func @transform_4(%arg0: i32) -> (i32, i32) {
    %add3A = arith.constant 100 : i32
    %add3A_0 = arith.addi %add3A, %arg0 : i32
    %c0_i32 = arith.constant 0 : i32
    %c0_i32_1 = arith.constant 0 : i32
    return %add3A_0, %c0_i32 : i32, i32
  }
  func.func @transform_5(%arg0: i32) -> (i32, i32) {
    %add3A = arith.constant 125 : i32
    %add3A_0 = arith.addi %add3A, %arg0 : i32
    %c0_i32 = arith.constant 0 : i32
    %c0_i32_1 = arith.constant 0 : i32
    return %add3A_0, %c0_i32 : i32, i32
  }
  func.func @transform_6(%arg0: i32) -> (i32, i32) {
    %add3A = arith.constant 150 : i32
    %add3A_0 = arith.addi %add3A, %arg0 : i32
    %c0_i32 = arith.constant 0 : i32
    %c0_i32_1 = arith.constant 0 : i32
    return %add3A_0, %c0_i32 : i32, i32
  }
  func.func @transform_7(%arg0: i32) -> (i32, i32) {
    %add3A = arith.constant 175 : i32
    %add3A_0 = arith.addi %add3A, %arg0 : i32
    %c0_i32 = arith.constant 0 : i32
    %c0_i32_1 = arith.constant 0 : i32
    return %add3A_0, %c0_i32 : i32, i32
  }
  func.func @transform_8(%arg0: i32) -> (i32, i32) {
    %add3A = arith.constant 200 : i32
    %add3A_0 = arith.addi %add3A, %arg0 : i32
    %c0_i32 = arith.constant 0 : i32
    %c0_i32_1 = arith.constant 0 : i32
    return %add3A_0, %c0_i32 : i32, i32
  }
  func.func @transform_9(%arg0: i32) -> (i32, i32, i32) {
    %c0_i32 = arith.constant 0 : i32
    %c0_i32_0 = arith.constant 0 : i32
    %c0_i32_1 = arith.constant 0 : i32
    %c0_i32_2 = arith.constant 0 : i32
    return %c0_i32, %c0_i32_0, %c0_i32_1 : i32, i32, i32
  }
  func.func @transform_10(%arg0: i32) -> (i32, i32) {
    %c0_i32 = arith.constant 0 : i32
    %c0_i32_0 = arith.constant 0 : i32
    %c0_i32_1 = arith.constant 0 : i32
    return %c0_i32, %c0_i32_0 : i32, i32
  }
  func.func @transform_12(%arg0: i32) -> (i32, i32) {
    %add3A = arith.constant 100 : i32
    %add3A_0 = arith.addi %add3A, %arg0 : i32
    %c0_i32 = arith.constant 0 : i32
    %c0_i32_1 = arith.constant 0 : i32
    return %add3A_0, %c0_i32 : i32, i32
  }
}

</mosaic_0001>

<sc_bundles>
// kernel: kernel.12.cloned.1.call-start
scs
__scs_entry_jumppad:
0x0: {  	(pc) =	sbr.rel $0x88, $3  }
0x1: {  	(tag) =	ssettag $0x0;
	lr =	simm.s32 $0x1  }
0x2: {  	[smem:$0x3F9D] =	sst lr;
	_ =	strace $0xD0000000  }
0x3: {  	_ = 	snop  }
0x4: {  	_ = 	snop  }
0x5: {  	_ = 	snop  }
0x6: {  	_ = 	snop  }
0x7: {  	_ = 	snop  }
__scs_overlays_trampoline_lowered:
0x8: {  	[smem:$0x3FAC] =	sst s0  }
0x9: {  	[smem:$0x3FAD] =	sst s1  }
0xa: {  	[smem:$0x3FAE] =	sst s2  }
0xb: {  	[smem:$0x3FAF] =	sst s3  }
0xc: {  	[smem:$0x3FB0] =	sst s4  }
0xd: {  	[smem:$0x3FB1] =	sst s5  }
0xe: {  	[smem:$0x3FB2] =	sst s6  }
0xf: {  	[smem:$0x3FB3] =	sst s7  }
0x10: {  	[smem:$0x3FB4] =	sst s8  }
0x11: {  	[smem:$0x3FB5] =	sst s9;
	s0 =	simm.s32 @!p0 $0x0  }
0x12: {  	s1 =	sld [smem:$0x3F9B];
	s0 =	simm.s32 @p0 $0x1  }
0x13: {  	[smem:$0x3FB6] =	sst s0;
	s0 =	simm.s32 @!p1 $0x0  }
0x14: {  	s2 =	sld [smem:$0x3F9A];
	s0 =	simm.s32 @p1 $0x1  }
0x15: {  	[smem:$0x3FB7] =	sst s0;
	s0 =	simm.s32 @!p2 $0x0  }
0x16: {  	s3 =	sld [smem:$0x3FDB];
	s0 =	simm.s32 @p2 $0x1  }
0x17: {  	s4 =	simm.s32 $0x1BF5;
	[smem:$0x3FB9] =	sst s0  }
0x18: {  	s0 =	sld [smem:$0x3F9C];
	_ =	swait.ge [sflag:s4], $0x0  }
0x19: {  	s7 =	sld [smem:$0x3F9D]  }
0x1a: {  	s8 =	sadd.s32 $0xFFFFE003, lr  }
0x1b: {  	s9 =	sadd.s32 $0xFFFFFEF7, lr;
	s5 =	simm.s32 $0xFFFFFFFF;
	p2 =	slt.u32 s8, $0xFFFFF086  }
0x1c: {  	p1 =	slt.u32 s9, $0xF7A;
	s5 =	simm.s32 @!p2 $0x0  }
0x1d: {  	s5 =	simm.s32 @p1 $0x1;
	p0 =	seq.s32 s7, s2  }
0x1e: {  	s7 =	smul.u32 @!p0 $0xF7A, s2;
	p2 =	seq.s32 @!p0 s5, $0x0  }
0x1f: {  	s9 =	smul.u32 $0xF7A, s1;
	s8 =	simm.s32 @!p0 $0x1BF5;
	p2 =	por !p2, p0  }
0x20: {  	[sflag:s8] =	ssyncset.s32 @!p0 $0xFFFFF086;
	s6 =	sadd.s32 @!p0 s3, s7;
	s7 =	simm.s32 @!p0 $0x108  }
0x21: {  	s3 =	sadd.s32 s3, s9;
	s6 =	sadd.s32 @!p0 $0x88, s6;
	s7 =	simm.s32 @p2 $0x1082  }
0x22: {  	[simem:s7], [sflag:s8] =	dma.local @!p0 [hbm:s6], $0xF7A  }
0x23: {  	s9 =	sor.u32 $0xD0000000, s2;
	s6 =	simm.s32 $0x108;
	_ =	swait.ge @!p0 [sflag:s8], $0x0  }
0x24: {  	s3 =	sadd.s32 $0x88, s3;
	s6 =	simm.s32 @!p1 $0x1082;
	[sflag:s4] =	ssyncset.s32 $0xFFFFF086  }
0x25: {  	[simem:s6], [sflag:s4] =	dma.local [hbm:s3], $0xF7A  }
0x26: {  	[smem:$0x3F9D] =	sst s1;
	(tag) =	ssettag s2;
	_ =	strace s9  }
0x27: {  	s1 =	sld [smem:$0x3FAD]  }
0x28: {  	s2 =	sld [smem:$0x3FAE]  }
0x29: {  	s4 =	sld [smem:$0x3FB0]  }
0x2a: {  	p0 =	seq.s32 s5, $0x0;
	s5 =	sld [smem:$0x3FB1]  }
0x2b: {  	s6 =	sld [smem:$0x3FB2]  }
0x2c: {  	s7 =	sld [smem:$0x3FB3]  }
0x2d: {  	s3 =	simm.s32 $0x108;
	s8 =	sld [smem:$0x3FB4]  }
0x2e: {  	s3 =	simm.s32 @!p0 $0x1082;
	s9 =	sld [smem:$0x3FB5]  }
0x2f: {  	lr =	sadd.s32 s0, s3;
	s0 =	sld [smem:$0x3FAC]  }
0x30: {  	s3 =	sld [smem:$0x3FAF]  }
0x31: {  	[smem:$0x3FB8] =	sst s10  }
0x32: {  	s10 =	sld [smem:$0x3FB6];
	_ =	sdelay $0x3  }
0x33: {  	p0 =	seq.s32 s10, $0x1;
	s10 =	sld [smem:$0x3FB8];
	_ =	sdelay $0x3  }
0x34: {  	[smem:$0x3FB8] =	sst s10  }
0x35: {  	s10 =	sld [smem:$0x3FB7];
	_ =	sdelay $0x3  }
0x36: {  	p1 =	seq.s32 s10, $0x1;
	s10 =	sld [smem:$0x3FB8];
	_ =	sdelay $0x3  }
0x37: {  	[smem:$0x3FB8] =	sst s10  }
0x38: {  	s10 =	sld [smem:$0x3FB9]  }
0x39: {  	_ = 	snop;
	(pc) =	sbr.ind lr, $3  }
0x3a: {  	_ = 	snop  }
0x3b: {  	_ = 	snop  }
0x3c: {  	p2 =	seq.s32 s10, $0x1;
	s10 =	sld [smem:$0x3FB8]  }
0x3d: {  	_ =	shalt  }
0x3e: {  	_ =	shalt  }
0x3f: {  	_ =	shalt  }
0x40: {  	_ =	shalt  }
0x41: {  	_ =	shalt  }
0x42: {  	_ =	shalt  }
0x43: {  	_ =	shalt  }
0x44: {  	_ =	shalt  }
0x45: {  	_ =	shalt  }
0x46: {  	_ =	shalt  }
0x47: {  	_ =	shalt  }
0x48: {  	_ =	shalt  }
0x49: {  	_ =	shalt  }
0x4a: {  	_ =	shalt  }
0x4b: {  	_ =	shalt  }
0x4c: {  	_ =	shalt  }
0x4d: {  	_ =	shalt  }
0x4e: {  	_ =	shalt  }
0x4f: {  	_ =	shalt  }
0x50: {  	_ =	shalt  }
0x51: {  	_ =	shalt  }
0x52: {  	_ =	shalt  }
0x53: {  	_ =	shalt  }
0x54: {  	_ =	shalt  }
0x55: {  	_ =	shalt  }
0x56: {  	_ =	shalt  }
0x57: {  	_ =	shalt  }
0x58: {  	_ =	shalt  }
0x59: {  	_ =	shalt  }
0x5a: {  	_ =	shalt  }
0x5b: {  	_ =	shalt  }
0x5c: {  	_ =	shalt  }
0x5d: {  	_ =	shalt  }
0x5e: {  	_ =	shalt  }
0x5f: {  	_ =	shalt  }
0x60: {  	_ =	shalt  }
0x61: {  	_ =	shalt  }
0x62: {  	_ =	shalt  }
0x63: {  	_ =	shalt  }
0x64: {  	_ =	shalt  }
0x65: {  	_ =	shalt  }
0x66: {  	_ =	shalt  }
0x67: {  	_ =	shalt  }
0x68: {  	_ =	shalt  }
0x69: {  	_ =	shalt  }
0x6a: {  	_ =	shalt  }
0x6b: {  	_ =	shalt  }
0x6c: {  	_ =	shalt  }
0x6d: {  	_ =	shalt  }
0x6e: {  	_ =	shalt  }
0x6f: {  	_ =	shalt  }
0x70: {  	_ =	shalt  }
0x71: {  	_ =	shalt  }
0x72: {  	_ =	shalt  }
0x73: {  	_ =	shalt  }
0x74: {  	_ =	shalt  }
0x75: {  	_ =	shalt  }
0x76: {  	_ =	shalt  }
0x77: {  	_ =	shalt  }
0x78: {  	_ =	shalt  }
0x79: {  	_ =	shalt  }
0x7a: {  	_ =	shalt  }
0x7b: {  	_ =	shalt  }
0x7c: {  	_ =	shalt  }
0x7d: {  	_ =	shalt  }
0x7e: {  	_ =	shalt  }
0x7f: {  	_ =	shalt  }
0x80: {  	_ =	shalt  }
0x81: {  	_ =	shalt  }
0x82: {  	_ =	shalt  }
0x83: {  	_ =	shalt  }
0x84: {  	_ =	shalt  }
0x85: {  	_ =	shalt  }
0x86: {  	_ =	shalt  }
0x87: {  	_ =	shalt  }
.Lfunc_end0:
.L_simem_size_0:
called_computation_lowered:
.L_overlay_start_0:
0x88: {  	s2 =	sld [smem:$0x3FD9]  }
0x89: {  	s3 =	sld [smem:$0x3FFE];
	_ =	sdelay $0x1  }
0x8a: {  	s1 =	srdreg.scid  }
0x8b: {  	s0 =	sand.u32 $0x1, s1  }
0x8c: {  	s17 =	sshll.u32 s0, $0xA;
	s2 =	sadd.s32 s3, s2  }
0x8d: {  	s2 =	sadd.s32 s2, s17  }
0x8e: {  	[smem:$0x3FC4] =	sst s2  }
0x8f: {  	_ = 	snop  }
0x90: {  	s2 =	sld [smem:$0x3FC9];
	(tm) =	ssettm $0x1  }
0x91: {  	s18 =	sld [smem:$0x3FFB];
	_ =	sdelay $0x3  }
0x92: {  	_ =	strace s18  }
0x93: {  	s3 =	sld [smem:$0x3FFC];
	_ =	sdelay $0x3  }
0x94: {  	_ =	strace s3  }
0x95: {  	s3 =	sld [smem:$0x3FFD];
	_ =	sdelay $0x3  }
0x96: {  	_ =	strace s3  }
0x97: {  	_ =	strace $0x8FFFFFFF  }
0x98: {  	s19 =	sld [smem:$0x3FDB];
	_ =	sdelay $0x1  }
0x99: {  	s4 =	simm.s32 $_scs_section_size  }
0x9a: {  	s5 =	simm.s32 $_size__tile_overlayer_lowered;
	s6 =	simm.s32 $_tile_overlayer_lowered  }
0x9b: {  	s22 =	simm.s32 $0x1BFF;
	s21 =	sshll.u32 s6, $0x1;
	s3 =	sadd.s32 s4, s19  }
0x9c: {  	s7 =	simm.s32 $0x0;
	s20 =	sshll.u32 s5, $0x1;
	s5 =	sadd.s32 s21, s3  }
0x9d: {  	[timem:s7], [sflag:s22] =	dma.local [hbm:s5], s20  }
0x9e: {  	_ =	swait.ge [sflag:s22], s20  }
0x9f: {  	s4 =	ssub.s32 $0x0, s20;
	[sflag:s22] =	ssyncset.done $0x0  }
0xa0: {  	[sflag:s22] =	ssyncadd.s32 s4;
	_ =	sdelay $0x1  }
0xa1: {  	s23 =	simm.s32 $0x1B8B  }
0xa2: {  	_ =	swait.ge [sflag:s23], $0x1  }
0xa3: {  	[sflag:s23] =	ssyncset.done $0x0  }
0xa4: {  	s25 =	simm.s32 $0x1B8E;
	s24 =	sld [smem:$0x3FFE];
	[sflag:s23] =	ssyncadd.s32 $0xFFFFFFFF  }
0xa5: {  	s26 =	simm.s32 $execute0_lowered;
	[smem:$0x3FD2] =	sst s25  }
0xa6: {  	s5 =	sshll.u32 s26, $0x1;
	_ =	strace $0x80000046;
	[dreg:$0x1] =	wrdreg $0xFFFFFFFF  }
0xa7: {  	s28 =	simm.s32 $_size_execute0_lowered;
	s3 =	sadd.s32 s3, s5;
	[dreg:$0x0] =	wrdreg $0x0  }
0xa8: {  	s5 =	sshll.u32 s28, $0x1;
	[dreg:$0x2] =	wrdreg s3  }
0xa9: {  	[dreg:$0x3] =	wrdreg s5  }
0xaa: {  	[dreg:$0x4] =	wrdreg $0xC0  }
0xab: {  	_ =	task [dreg:s7], $0x5FFFF  }
0xac: {  	[dreg:$0x1] =	wrdreg $0xFFFFFFFF  }
0xad: {  	[dreg:$0x0] =	wrdreg $0x60  }
0xae: {  	[dreg:$0x2] =	wrdreg s2  }
0xaf: {  	[dreg:$0x3] =	wrdreg s24  }
0xb0: {  	[dreg:$0x4] =	wrdreg $0x9  }
0xb1: {  	_ =	task.clear_ibuf [dreg:s7], $0x5FFFF;
	_ =	strace $0x90000046  }
0xb2: {  	s29 =	simm.s32 $0x9;
	_ =	strace $0x80000048  }
0xb3: {  	_ =	swait.ge [sflag:s29], $0x1  }
0xb4: {  	[sflag:s29] =	ssyncadd.s32 $0xFFFFFFFF  }
0xb5: {  	_ =	strace $0x90000048  }
0xb6: {  	_ =	sfence  }
0xb7: {  	s30 =	sld [smem:$0x0];
	_ =	sdelay $0x2  }
0xb8: {  	s31 =	sshll.u32 s1, $0xD;
	s1 =	sshrl.u32 s1, $0x2  }
0xb9: {  	s3 =	sand.u32 $0x4000, s31;
	s1 =	sadd.s32 s1, s30  }
0xba: {  	s0 =	sor.u32 s3, s0;
	s1 =	sshll.u32 s1, $0x11  }
0xbb: {  	s0 =	sor.u32 s1, s0  }
0xbc: {  	s0 =	sadd.s32 $0x8F2B, s0  }
0xbd: {  	[sflag:s0] =	ssyncadd.remote.s32 $0x1  }
0xbe: {  	_ =	sfence.sel $0xFFFF  }
0xbf: {  	[dreg:$0x0] =	wrdreg $0xFFFFFFFF;
	(pc) =	sbr.abs _section_cstart, $3  }
0xc0: {  	[dreg:$0x1] =	wrdreg $0xFFFFFFFF  }
0xc1: {  	_ =	task.clear_ibuf [dreg:s7], $0x2FFFF;
	_ =	strace $0x9FFFFFFF  }
0xc2: {  	(tm) =	ssettm $0x7FFFFFFF  }
0xc3: {  	_ =	shalt  }
tec
execute0_lowered:
.L_overlay_start_1:
0x0: {  	(tag) =	ssettag $0x1  }
0x1: {  	s0 =	srdreg.scid  }
0x2: {  	s8 =	stileid.u32;
	s2 =	rddreg [dreg:$0x0]  }
0x3: {  	s4 =	rddreg [dreg:$0x1];
	s3 =	simm.s32 $0x0;
	s16 =	simm.s32 $0x9  }
0x4: {  	s17 =	simm.s32 $0x80;
	s18 =	simm.s32 $0xC00;
	s19 =	simm.s32 $0x4C00  }
0x5: {  	s21 =	simm.s32 $0x8C00;
	s28 =	simm.s32 $0x3;
	s29 =	simm.s32 $0x6  }
0x6: {  	s0 =	sand.u32 $0x1, s0;
	s1 =	sshll.u32 s8, $0x1;
	s8 =	smul.u32 $0x2C, s8  }
0x7: {  	s1 =	sor.u32 s0, s1;
	s7 =	ssub.s32 $0x2, s0;
	s0 =	smul.u32 $0x16, s0  }
0x8: {  	s30 =	simm.s32 $0x4;
	s31 =	simm.s32 $0x7;
	s5 =	smul.u32 $0x180, s1  }
0x9: {  	s22 =	simm.s32 $0x0;
	[smem:$0x7FF] =	sst s3;
	s6 =	smul.u32 $0xB000, s1  }
0xa: {  	_ =	strace $0x80000047;
	s1 =	smul.u32 $0x58000, s1;
	s9 =	sshrl.u32 s7, $0x1  }
0xb: {  	s7 =	ssub.s32 s7, s9;
	s0 =	sadd.s32 s0, s8;
	s5 =	sadd.s32 s5, s4  }
0xc: {  	s4 =	sadd.s32 $0x9E00, s4;
	s1 =	sshrl.u32 s1, $0x3;
	s0 =	sshll.u32 s0, $0xB  }
0xd: {  	s11 =	smax.u32 s7, $0x1;
	s5 =	sadd.s32 $0x6E00, s5;
	s1 =	sadd.s32 s4, s1  }
0xe: {  	s23 =	sadd.s32 s4, s6;
	s0 =	sadd.s32 s0, s4;
	[dreg:$0x3] =	wrdreg s5  }
0xf: {  	[dreg:$0x4] =	wrdreg s23;
	s24 =	sadd.s32 $0x8800, s1;
	s25 =	sadd.s32 $0x9000, s1  }
0x10: {  	s26 =	sadd.s32 $0x9800, s1;
	s9 =	sadd.s32 $0xA000, s1;
	s10 =	sadd.s32 $0xA800, s1  }
0x11: {  	s12 =	sadd.s32 $0x1800, s0;
	s13 =	sadd.s32 $0x1000, s0;
	[dreg:$0x5] =	wrdreg s24  }
0x12: {  	s14 =	sadd.s32 $0x800, s0;
	s15 =	sadd.s32 $0x2000, s0;
	[dreg:$0x6] =	wrdreg s25  }
0x13: {  	s23 =	simm.s32 $0xCC00;
	s1 =	simm.s32 $0x8;
	[dreg:$0x7] =	wrdreg s26  }
0x14: {  	s24 =	simm.s32 $0x1;
	s25 =	simm.s32 $0x2;
	s26 =	simm.s32 $0x5  }
.LBB2_1:
0x15: {  	s0 =	rddreg [dreg:$0x3]  }
0x16: {  	[tilespmem:s3], [sflag:$0x9] =	stream.linear.gather [hbm4b:s0+s3], $0xB00, $0x38;
	[tilespmem:$0x10C00] =	vst v63  }
0x17: {  	_ =	swait.ge [sflag:s16], $0xB00  }
0x18: {  	[sflag:s16] =	ssyncset.done $0x0  }
0x19: {  	[sflag:s16] =	ssyncadd.s32 $0xFFFFF500  }
0x1a: {  	[tilespmem:s18], [sflag:$0x1] =	stream.indirect.gather [hbm4b:s2+s17], $0x80, s3, s17, $0xb8;
	[tilespmem:$0x10C00] =	vst v63  }
0x1b: {  	_ = 	snop  }
0x1c: {  	[tilespmem:s19], [sflag:$0x2] =	stream.indirect.gather [hbm4b:s2+s17], $0x80, s17, s17, $0xb8;
	[tilespmem:$0x10C00] =	vst v63  }
0x1d: {  	s4 =	simm.s32 $0x100  }
0x1e: {  	[tilespmem:s21], [sflag:$0x3] =	stream.indirect.gather [hbm4b:s2+s17], $0x80, s4, s17, $0xb8;
	[tilespmem:$0x10C00] =	vst v63  }
0x1f: {  	s5 =	simm.s32 $0x180  }
0x20: {  	[tilespmem:s23], [sflag:$0x4] =	stream.indirect.gather [hbm4b:s2+s17], $0x80, s5, s17, $0xb8;
	[tilespmem:$0x10C00] =	vst v63  }
0x21: {  	_ =	swait.ge [sflag:s24], $0x4000  }
0x22: {  	[sflag:s24] =	ssyncset.done $0x0  }
0x23: {  	s6 =	rddreg [dreg:$0x4];
	[sflag:s24] =	ssyncadd.s32 $0xFFFFC000  }
0x24: {  	[hbm4b:s6+s3] =	stream.linear.scatter [tilespmem:s18], [sflag:$0x5], $0x4000, $0x38;
	[tilespmem:$0x10C00] =	vst v63  }
0x25: {  	_ =	swait.ge [sflag:s25], $0x4000  }
0x26: {  	[sflag:s25] =	ssyncset.done $0x0  }
0x27: {  	[sflag:s25] =	ssyncadd.s32 $0xFFFFC000  }
0x28: {  	[hbm4b:s14+s3] =	stream.linear.scatter [tilespmem:s19], [sflag:$0x6], $0x4000, $0x38;
	[tilespmem:$0x10C00] =	vst v63  }
0x29: {  	_ =	swait.ge [sflag:s26], $0x4000  }
0x2a: {  	[sflag:s26] =	ssyncset.done $0x0  }
0x2b: {  	s7 =	simm.s32 $0x200;
	[sflag:s26] =	ssyncadd.s32 $0xFFFFC000  }
0x2c: {  	[tilespmem:s18], [sflag:$0x1] =	stream.indirect.gather [hbm4b:s2+s17], $0x80, s7, s17, $0xb8;
	[tilespmem:$0x10C00] =	vst v63  }
0x2d: {  	_ =	swait.ge [sflag:s28], $0x4000  }
0x2e: {  	[sflag:s28] =	ssyncset.done $0x0  }
0x2f: {  	[sflag:s28] =	ssyncadd.s32 $0xFFFFC000  }
0x30: {  	[hbm4b:s13+s3] =	stream.linear.scatter [tilespmem:s21], [sflag:$0x7], $0x4000, $0x38;
	[tilespmem:$0x10C00] =	vst v63  }
0x31: {  	_ =	swait.ge [sflag:s29], $0x4000  }
0x32: {  	[sflag:s29] =	ssyncset.done $0x0  }
0x33: {  	s8 =	simm.s32 $0x280;
	[sflag:s29] =	ssyncadd.s32 $0xFFFFC000  }
0x34: {  	[tilespmem:s19], [sflag:$0x2] =	stream.indirect.gather [hbm4b:s2+s17], $0x80, s8, s17, $0xb8;
	[tilespmem:$0x10C00] =	vst v63  }
0x35: {  	_ =	swait.ge [sflag:s30], $0x4000  }
0x36: {  	[sflag:s30] =	ssyncset.done $0x0  }
0x37: {  	[sflag:s30] =	ssyncadd.s32 $0xFFFFC000  }
0x38: {  	[hbm4b:s12+s3] =	stream.linear.scatter [tilespmem:s23], [sflag:$0x8], $0x4000, $0x38;
	[tilespmem:$0x10C00] =	vst v63  }
0x39: {  	_ =	swait.ge [sflag:s31], $0x4000  }
0x3a: {  	[sflag:s31] =	ssyncset.done $0x0  }
0x3b: {  	s20 =	simm.s32 $0x300;
	[sflag:s31] =	ssyncadd.s32 $0xFFFFC000  }
0x3c: {  	[tilespmem:s21], [sflag:$0x3] =	stream.indirect.gather [hbm4b:s2+s17], $0x80, s20, s17, $0xb8;
	[tilespmem:$0x10C00] =	vst v63  }
0x3d: {  	_ =	swait.ge [sflag:s24], $0x4000  }
0x3e: {  	[sflag:s24] =	ssyncset.done $0x0  }
0x3f: {  	[sflag:s24] =	ssyncadd.s32 $0xFFFFC000  }
0x40: {  	[hbm4b:s15+s3] =	stream.linear.scatter [tilespmem:s18], [sflag:$0x5], $0x4000, $0x38;
	[tilespmem:$0x10C00] =	vst v63  }
0x41: {  	s0 =	simm.s32 $0x800;
	s4 =	sadd.s32 $0x2000, s13;
	_ =	swait.ge [sflag:s1], $0x4000  }
0x42: {  	s5 =	sadd.s32 $0x2000, s14;
	s6 =	sadd.s32 $0x2000, s12;
	[sflag:s1] =	ssyncset.done $0x0  }
0x43: {  	s7 =	simm.s32 $0x380;
	s20 =	sadd.s32 $0x2000, s15;
	[sflag:s1] =	ssyncadd.s32 $0xFFFFC000  }
.LBB2_2:
0x44: {  	[tilespmem:s23], [sflag:$0x4] =	stream.indirect.gather [hbm4b:s2+s17], $0x80, s7, s17, $0xb8;
	[tilespmem:$0x10C00] =	vst v63  }
0x45: {  	s7 =	smov.u32 s0  }
0x46: {  	p0 =	sne.s32 s0, $0x1800;
	s0 =	sadd.s32 $0x800, s0;
	_ =	swait.ge [sflag:s25], $0x4000  }
0x47: {  	[sflag:s25] =	ssyncset.done $0x0  }
0x48: {  	[sflag:s25] =	ssyncadd.s32 $0xFFFFC000  }
0x49: {  	[hbm4b:s5+s3] =	stream.linear.scatter [tilespmem:s19], [sflag:$0x6], $0x4000, $0x38;
	[tilespmem:$0x10C00] =	vst v63  }
0x4a: {  	_ =	swait.ge [sflag:s26], $0x4000  }
0x4b: {  	s7 =	sshra.s32 s7, $0x2;
	[sflag:s26] =	ssyncset.done $0x0  }
0x4c: {  	s8 =	sadd.s32 $0x200, s7;
	[sflag:s26] =	ssyncadd.s32 $0xFFFFC000  }
0x4d: {  	[tilespmem:s18], [sflag:$0x1] =	stream.indirect.gather [hbm4b:s2+s17], $0x80, s8, s17, $0xb8;
	[tilespmem:$0x10C00] =	vst v63  }
0x4e: {  	_ =	swait.ge [sflag:s28], $0x4000  }
0x4f: {  	[sflag:s28] =	ssyncset.done $0x0  }
0x50: {  	[sflag:s28] =	ssyncadd.s32 $0xFFFFC000  }
0x51: {  	[hbm4b:s4+s3] =	stream.linear.scatter [tilespmem:s21], [sflag:$0x7], $0x4000, $0x38;
	[tilespmem:$0x10C00] =	vst v63  }
0x52: {  	_ =	swait.ge [sflag:s29], $0x4000  }
0x53: {  	[sflag:s29] =	ssyncset.done $0x0  }
0x54: {  	s8 =	sadd.s32 $0x280, s7;
	[sflag:s29] =	ssyncadd.s32 $0xFFFFC000  }
0x55: {  	[tilespmem:s19], [sflag:$0x2] =	stream.indirect.gather [hbm4b:s2+s17], $0x80, s8, s17, $0xb8;
	[tilespmem:$0x10C00] =	vst v63  }
0x56: {  	_ =	swait.ge [sflag:s30], $0x4000  }
0x57: {  	[sflag:s30] =	ssyncset.done $0x0  }
0x58: {  	[sflag:s30] =	ssyncadd.s32 $0xFFFFC000  }
0x59: {  	[hbm4b:s6+s3] =	stream.linear.scatter [tilespmem:s23], [sflag:$0x8], $0x4000, $0x38;
	[tilespmem:$0x10C00] =	vst v63  }
0x5a: {  	_ =	swait.ge [sflag:s31], $0x4000  }
0x5b: {  	[sflag:s31] =	ssyncset.done $0x0  }
0x5c: {  	s8 =	sadd.s32 $0x300, s7;
	[sflag:s31] =	ssyncadd.s32 $0xFFFFC000  }
0x5d: {  	[tilespmem:s21], [sflag:$0x3] =	stream.indirect.gather [hbm4b:s2+s17], $0x80, s8, s17, $0xb8;
	[tilespmem:$0x10C00] =	vst v63  }
0x5e: {  	_ =	swait.ge [sflag:s24], $0x4000  }
0x5f: {  	[sflag:s24] =	ssyncset.done $0x0  }
.Ltmp0:
0x60: {  	[sflag:s24] =	ssyncadd.s32 $0xFFFFC000;
	(pc) =	sbr.rel @p0 .LBB2_2-.Ltmp0, $4  }
0x61: {  	[hbm4b:s20+s3] =	stream.linear.scatter [tilespmem:s18], [sflag:$0x5], $0x4000, $0x38;
	[tilespmem:$0x10C00] =	vst v63  }
0x62: {  	s20 =	sadd.s32 $0x2000, s20;
	_ =	swait.ge [sflag:s1], $0x4000  }
0x63: {  	s5 =	sadd.s32 $0x2000, s5;
	s4 =	sadd.s32 $0x2000, s4;
	[sflag:s1] =	ssyncset.done $0x0  }
0x64: {  	s7 =	sadd.s32 $0x380, s7;
	s6 =	sadd.s32 $0x2000, s6;
	[sflag:s1] =	ssyncadd.s32 $0xFFFFC000  }
0x65: {  	[tilespmem:s23], [sflag:$0x4] =	stream.indirect.gather [hbm4b:s2+s17], $0x80, s7, s17, $0xb8;
	[tilespmem:$0x10C00] =	vst v63  }
0x66: {  	_ =	swait.ge [sflag:s25], $0x4000  }
0x67: {  	[sflag:s25] =	ssyncset.done $0x0  }
0x68: {  	s0 =	rddreg [dreg:$0x5];
	[sflag:s25] =	ssyncadd.s32 $0xFFFFC000  }
0x69: {  	[hbm4b:s0+s3] =	stream.linear.scatter [tilespmem:s19], [sflag:$0x6], $0x4000, $0x38;
	[tilespmem:$0x10C00] =	vst v63  }
0x6a: {  	_ =	swait.ge [sflag:s26], $0x4000  }
0x6b: {  	[sflag:s26] =	ssyncset.done $0x0  }
0x6c: {  	s6 =	simm.s32 $0xA00;
	[sflag:s26] =	ssyncadd.s32 $0xFFFFC000  }
0x6d: {  	[tilespmem:s18], [sflag:$0x1] =	stream.indirect.gather [hbm4b:s2+s17], $0x80, s6, s17, $0xb8;
	[tilespmem:$0x10C00] =	vst v63  }
0x6e: {  	_ =	swait.ge [sflag:s28], $0x4000  }
0x6f: {  	[sflag:s28] =	ssyncset.done $0x0  }
0x70: {  	s7 =	rddreg [dreg:$0x6];
	[sflag:s28] =	ssyncadd.s32 $0xFFFFC000  }
0x71: {  	[hbm4b:s7+s3] =	stream.linear.scatter [tilespmem:s21], [sflag:$0x7], $0x4000, $0x38;
	[tilespmem:$0x10C00] =	vst v63  }
0x72: {  	_ =	swait.ge [sflag:s29], $0x4000  }
0x73: {  	[sflag:s29] =	ssyncset.done $0x0  }
0x74: {  	s8 =	simm.s32 $0xA80;
	[sflag:s29] =	ssyncadd.s32 $0xFFFFC000  }
0x75: {  	[tilespmem:s19], [sflag:$0x2] =	stream.indirect.gather [hbm4b:s2+s17], $0x80, s8, s17, $0xb8;
	[tilespmem:$0x10C00] =	vst v63  }
0x76: {  	_ =	swait.ge [sflag:s30], $0x4000  }
0x77: {  	[sflag:s30] =	ssyncset.done $0x0  }
0x78: {  	s20 =	rddreg [dreg:$0x7];
	[sflag:s30] =	ssyncadd.s32 $0xFFFFC000  }
0x79: {  	[hbm4b:s20+s3] =	stream.linear.scatter [tilespmem:s23], [sflag:$0x8], $0x4000, $0x38;
	[tilespmem:$0x10C00] =	vst v63  }
0x7a: {  	_ =	swait.ge [sflag:s31], $0x4000  }
0x7b: {  	[sflag:s31] =	ssyncset.done $0x0  }
0x7c: {  	[sflag:s31] =	ssyncadd.s32 $0xFFFFC000  }
0x7d: {  	_ =	swait.ge [sflag:s24], $0x4000  }
0x7e: {  	[sflag:s24] =	ssyncset.done $0x0  }
0x7f: {  	[sflag:s24] =	ssyncadd.s32 $0xFFFFC000  }
0x80: {  	[hbm4b:s9+s3] =	stream.linear.scatter [tilespmem:s18], [sflag:$0x5], $0x4000, $0x38;
	[tilespmem:$0x10C00] =	vst v63  }
0x81: {  	_ =	swait.ge [sflag:s1], $0x4000  }
0x82: {  	[sflag:s1] =	ssyncset.done $0x0  }
0x83: {  	[sflag:s1] =	ssyncadd.s32 $0xFFFFC000  }
0x84: {  	_ =	swait.ge [sflag:s25], $0x4000  }
0x85: {  	[sflag:s25] =	ssyncset.done $0x0  }
0x86: {  	s22 =	sadd.s32 $0x1, s22;
	[sflag:s25] =	ssyncadd.s32 $0xFFFFC000  }
0x87: {  	[hbm4b:s10+s3] =	stream.linear.scatter [tilespmem:s19], [sflag:$0x6], $0x4000, $0x38;
	[tilespmem:$0x10C00] =	vst v63  }
0x88: {  	p0 =	sne.s32 s22, s11;
	_ =	swait.ge [sflag:s26], $0x4000  }
.Ltmp1:
0x89: {  	[sflag:s26] =	ssyncset.done $0x0;
	(pc) =	sbr.rel @p0 .LBB2_1-.Ltmp1, $4  }
0x8a: {  	[sflag:s26] =	ssyncadd.s32 $0xFFFFC000  }
0x8b: {  	_ =	swait.ge [sflag:s29], $0x4000  }
0x8c: {  	[sflag:s29] =	ssyncset.done $0x0  }
0x8d: {  	[sflag:s29] =	ssyncadd.s32 $0xFFFFC000  }
0x8e: {  	_ =	sfence.sel $0x180000  }
0x8f: {  	[bflag:$0x0] =	sbarrier.arrive $0xFFFF  }
0x90: {  	_ =	strace $0x90000047  }
0x91: {  	s0 =	stileid.u32;
	[bflag:$0x2] =	sbarrier.arrive $0xFFFF  }
0x92: {  	p0 =	sne.s32 s0, $0x0;
	s0 =	rddreg [dreg:$0x2]  }
0x93: {  	s0 =	sadd.s32 @!p0 $0x100000, s0  }
0x94: {  	[sflag:s0] =	ssyncadd.tile.s32 @!p0 $0x1;
	_ =	shalt  }
.Lfunc_end2:
_tile_overlayer_lowered:
.L_overlay_start_2:
0x95: {  	(tag) =	ssettag $0x2  }
0x96: {  	s0 =	rddreg [dreg:$0x0];
	s2 =	stileid.u32  }
0x97: {  	s1 =	rddreg [dreg:$0x1];
	p0 =	sne.s32 s2, $0x0  }
0x98: {  	s3 =	rddreg [dreg:$0x2];
	[bflag:$0x3] =	sbarrier.arrive $0xFFFF;
	s2 =	simm.s32 @!p0 $0x1C09  }
0x99: {  	[timem:s3], [sflag:s2] =	dma.local @!p0 [hbm:s0], s1  }
0x9a: {  	s0 =	simm.s32 @!p0 $0x9  }
0x9b: {  	_ =	swait.ge @!p0 [sflag:s0], s1  }
0x9c: {  	s1 =	ssub.s32 @!p0 $0x0, s1;
	[sflag:s0] =	ssyncset.done @!p0 $0x0  }
0x9d: {  	[sflag:s0] =	ssyncadd.s32 @!p0 s1  }
0x9e: {  	[bflag:$0x3] =	sbarrier.arrive $0xFFFF  }
0x9f: {  	_ =	shalt  }

// kernel: kernel.15.cloned.1.call-start
scs
__scs_entry_jumppad:
0x0: {  	(pc) =	sbr.rel $0x88, $3  }
0x1: {  	(tag) =	ssettag $0x0;
	lr =	simm.s32 $0x1  }
0x2: {  	[smem:$0x3F9D] =	sst lr;
	_ =	strace $0xD0000000  }
0x3: {  	_ = 	snop  }
0x4: {  	_ = 	snop  }
0x5: {  	_ = 	snop  }
0x6: {  	_ = 	snop  }
0x7: {  	_ = 	snop  }
__scs_overlays_trampoline_lowered:
0x8: {  	[smem:$0x3FAC] =	sst s0  }
0x9: {  	[smem:$0x3FAD] =	sst s1  }
0xa: {  	[smem:$0x3FAE] =	sst s2  }
0xb: {  	[smem:$0x3FAF] =	sst s3  }
0xc: {  	[smem:$0x3FB0] =	sst s4  }
0xd: {  	[smem:$0x3FB1] =	sst s5  }
0xe: {  	[smem:$0x3FB2] =	sst s6  }
0xf: {  	[smem:$0x3FB3] =	sst s7  }
0x10: {  	[smem:$0x3FB4] =	sst s8  }
0x11: {  	[smem:$0x3FB5] =	sst s9;
	s0 =	simm.s32 @!p0 $0x0  }
0x12: {  	s1 =	sld [smem:$0x3F9B];
	s0 =	simm.s32 @p0 $0x1  }
0x13: {  	[smem:$0x3FB6] =	sst s0;
	s0 =	simm.s32 @!p1 $0x0  }
0x14: {  	s2 =	sld [smem:$0x3F9A];
	s0 =	simm.s32 @p1 $0x1  }
0x15: {  	[smem:$0x3FB7] =	sst s0;
	s0 =	simm.s32 @!p2 $0x0  }
0x16: {  	s3 =	sld [smem:$0x3FDB];
	s0 =	simm.s32 @p2 $0x1  }
0x17: {  	s4 =	simm.s32 $0x1BF5;
	[smem:$0x3FB9] =	sst s0  }
0x18: {  	s0 =	sld [smem:$0x3F9C];
	_ =	swait.ge [sflag:s4], $0x0  }
0x19: {  	s7 =	sld [smem:$0x3F9D]  }
0x1a: {  	s8 =	sadd.s32 $0xFFFFE003, lr  }
0x1b: {  	s9 =	sadd.s32 $0xFFFFFEF7, lr;
	s5 =	simm.s32 $0xFFFFFFFF;
	p2 =	slt.u32 s8, $0xFFFFF086  }
0x1c: {  	p1 =	slt.u32 s9, $0xF7A;
	s5 =	simm.s32 @!p2 $0x0  }
0x1d: {  	s5 =	simm.s32 @p1 $0x1;
	p0 =	seq.s32 s7, s2  }
0x1e: {  	s7 =	smul.u32 @!p0 $0xF7A, s2;
	p2 =	seq.s32 @!p0 s5, $0x0  }
0x1f: {  	s9 =	smul.u32 $0xF7A, s1;
	s8 =	simm.s32 @!p0 $0x1BF5;
	p2 =	por !p2, p0  }
0x20: {  	[sflag:s8] =	ssyncset.s32 @!p0 $0xFFFFF086;
	s6 =	sadd.s32 @!p0 s3, s7;
	s7 =	simm.s32 @!p0 $0x108  }
0x21: {  	s3 =	sadd.s32 s3, s9;
	s6 =	sadd.s32 @!p0 $0x88, s6;
	s7 =	simm.s32 @p2 $0x1082  }
0x22: {  	[simem:s7], [sflag:s8] =	dma.local @!p0 [hbm:s6], $0xF7A  }
0x23: {  	s9 =	sor.u32 $0xD0000000, s2;
	s6 =	simm.s32 $0x108;
	_ =	swait.ge @!p0 [sflag:s8], $0x0  }
0x24: {  	s3 =	sadd.s32 $0x88, s3;
	s6 =	simm.s32 @!p1 $0x1082;
	[sflag:s4] =	ssyncset.s32 $0xFFFFF086  }
0x25: {  	[simem:s6], [sflag:s4] =	dma.local [hbm:s3], $0xF7A  }
0x26: {  	[smem:$0x3F9D] =	sst s1;
	(tag) =	ssettag s2;
	_ =	strace s9  }
0x27: {  	s1 =	sld [smem:$0x3FAD]  }
0x28: {  	s2 =	sld [smem:$0x3FAE]  }
0x29: {  	s4 =	sld [smem:$0x3FB0]  }
0x2a: {  	p0 =	seq.s32 s5, $0x0;
	s5 =	sld [smem:$0x3FB1]  }
0x2b: {  	s6 =	sld [smem:$0x3FB2]  }
0x2c: {  	s7 =	sld [smem:$0x3FB3]  }
0x2d: {  	s3 =	simm.s32 $0x108;
	s8 =	sld [smem:$0x3FB4]  }
0x2e: {  	s3 =	simm.s32 @!p0 $0x1082;
	s9 =	sld [smem:$0x3FB5]  }
0x2f: {  	lr =	sadd.s32 s0, s3;
	s0 =	sld [smem:$0x3FAC]  }
0x30: {  	s3 =	sld [smem:$0x3FAF]  }
0x31: {  	[smem:$0x3FB8] =	sst s10  }
0x32: {  	s10 =	sld [smem:$0x3FB6];
	_ =	sdelay $0x3  }
0x33: {  	p0 =	seq.s32 s10, $0x1;
	s10 =	sld [smem:$0x3FB8];
	_ =	sdelay $0x3  }
0x34: {  	[smem:$0x3FB8] =	sst s10  }
0x35: {  	s10 =	sld [smem:$0x3FB7];
	_ =	sdelay $0x3  }
0x36: {  	p1 =	seq.s32 s10, $0x1;
	s10 =	sld [smem:$0x3FB8];
	_ =	sdelay $0x3  }
0x37: {  	[smem:$0x3FB8] =	sst s10  }
0x38: {  	s10 =	sld [smem:$0x3FB9]  }
0x39: {  	_ = 	snop;
	(pc) =	sbr.ind lr, $3  }
0x3a: {  	_ = 	snop  }
0x3b: {  	_ = 	snop  }
0x3c: {  	p2 =	seq.s32 s10, $0x1;
	s10 =	sld [smem:$0x3FB8]  }
0x3d: {  	_ =	shalt  }
0x3e: {  	_ =	shalt  }
0x3f: {  	_ =	shalt  }
0x40: {  	_ =	shalt  }
0x41: {  	_ =	shalt  }
0x42: {  	_ =	shalt  }
0x43: {  	_ =	shalt  }
0x44: {  	_ =	shalt  }
0x45: {  	_ =	shalt  }
0x46: {  	_ =	shalt  }
0x47: {  	_ =	shalt  }
0x48: {  	_ =	shalt  }
0x49: {  	_ =	shalt  }
0x4a: {  	_ =	shalt  }
0x4b: {  	_ =	shalt  }
0x4c: {  	_ =	shalt  }
0x4d: {  	_ =	shalt  }
0x4e: {  	_ =	shalt  }
0x4f: {  	_ =	shalt  }
0x50: {  	_ =	shalt  }
0x51: {  	_ =	shalt  }
0x52: {  	_ =	shalt  }
0x53: {  	_ =	shalt  }
0x54: {  	_ =	shalt  }
0x55: {  	_ =	shalt  }
0x56: {  	_ =	shalt  }
0x57: {  	_ =	shalt  }
0x58: {  	_ =	shalt  }
0x59: {  	_ =	shalt  }
0x5a: {  	_ =	shalt  }
0x5b: {  	_ =	shalt  }
0x5c: {  	_ =	shalt  }
0x5d: {  	_ =	shalt  }
0x5e: {  	_ =	shalt  }
0x5f: {  	_ =	shalt  }
0x60: {  	_ =	shalt  }
0x61: {  	_ =	shalt  }
0x62: {  	_ =	shalt  }
0x63: {  	_ =	shalt  }
0x64: {  	_ =	shalt  }
0x65: {  	_ =	shalt  }
0x66: {  	_ =	shalt  }
0x67: {  	_ =	shalt  }
0x68: {  	_ =	shalt  }
0x69: {  	_ =	shalt  }
0x6a: {  	_ =	shalt  }
0x6b: {  	_ =	shalt  }
0x6c: {  	_ =	shalt  }
0x6d: {  	_ =	shalt  }
0x6e: {  	_ =	shalt  }
0x6f: {  	_ =	shalt  }
0x70: {  	_ =	shalt  }
0x71: {  	_ =	shalt  }
0x72: {  	_ =	shalt  }
0x73: {  	_ =	shalt  }
0x74: {  	_ =	shalt  }
0x75: {  	_ =	shalt  }
0x76: {  	_ =	shalt  }
0x77: {  	_ =	shalt  }
0x78: {  	_ =	shalt  }
0x79: {  	_ =	shalt  }
0x7a: {  	_ =	shalt  }
0x7b: {  	_ =	shalt  }
0x7c: {  	_ =	shalt  }
0x7d: {  	_ =	shalt  }
0x7e: {  	_ =	shalt  }
0x7f: {  	_ =	shalt  }
0x80: {  	_ =	shalt  }
0x81: {  	_ =	shalt  }
0x82: {  	_ =	shalt  }
0x83: {  	_ =	shalt  }
0x84: {  	_ =	shalt  }
0x85: {  	_ =	shalt  }
0x86: {  	_ =	shalt  }
0x87: {  	_ =	shalt  }
.Lfunc_end0:
.L_simem_size_0:
called_computation.1_lowered:
.L_overlay_start_0:
0x88: {  	s2 =	sld [smem:$0x3FD9]  }
0x89: {  	s3 =	sld [smem:$0x3FFE];
	_ =	sdelay $0x1  }
0x8a: {  	s1 =	srdreg.scid  }
0x8b: {  	s0 =	sand.u32 $0x1, s1  }
0x8c: {  	s17 =	sshll.u32 s0, $0xA;
	s2 =	sadd.s32 s3, s2  }
0x8d: {  	s2 =	sadd.s32 s2, s17  }
0x8e: {  	[smem:$0x3FC4] =	sst s2  }
0x8f: {  	_ = 	snop  }
0x90: {  	s18 =	sld [smem:$0x3FC9];
	(tm) =	ssettm $0x1  }
0x91: {  	s19 =	sld [smem:$0x3FFB];
	_ =	sdelay $0x3  }
0x92: {  	_ =	strace s19  }
0x93: {  	s2 =	sld [smem:$0x3FFC];
	_ =	sdelay $0x3  }
0x94: {  	_ =	strace s2  }
0x95: {  	s2 =	sld [smem:$0x3FFD];
	_ =	sdelay $0x3  }
0x96: {  	_ =	strace s2  }
0x97: {  	_ =	strace $0x8FFFFFFF  }
0x98: {  	s20 =	sld [smem:$0x3FDB];
	_ =	sdelay $0x1  }
0x99: {  	s4 =	simm.s32 $_scs_section_size  }
0x9a: {  	s5 =	simm.s32 $_size__tile_overlayer_lowered;
	s6 =	simm.s32 $_tile_overlayer_lowered  }
0x9b: {  	s7 =	simm.s32 $0x1BFF;
	s21 =	sshll.u32 s6, $0x1;
	s4 =	sadd.s32 s4, s20  }
0x9c: {  	s22 =	simm.s32 $0x0;
	s5 =	sshll.u32 s5, $0x1;
	s6 =	sadd.s32 s21, s4  }
0x9d: {  	[timem:s22], [sflag:s7] =	dma.local [hbm:s6], s5  }
0x9e: {  	_ =	swait.ge [sflag:s7], s5  }
0x9f: {  	s5 =	ssub.s32 $0x0, s5;
	[sflag:s7] =	ssyncset.done $0x0  }
0xa0: {  	[sflag:s7] =	ssyncadd.s32 s5;
	_ =	sdelay $0x1  }
0xa1: {  	s23 =	simm.s32 $0x1B8B  }
0xa2: {  	_ =	swait.ge [sflag:s23], $0x1  }
0xa3: {  	[sflag:s23] =	ssyncset.done $0x0  }
0xa4: {  	[sflag:s23] =	ssyncadd.s32 $0xFFFFFFFF  }
0xa5: {  	s5 =	sld [smem:$0x0]  }
0xa6: {  	s6 =	sand.u32 $0xFFFFFFFE, s1  }
0xa7: {  	p0 =	sne.s32 s1, s6  }
0xa8: {  	s6 =	sshll.u32 @p0 s6, $0xE  }
0xa9: {  	s6 =	sadd.s32 @p0 $0x11B8D, s6;
	s7 =	sshll.u32 @p0 s5, $0x11  }
0xaa: {  	s6 =	sor.u32 @p0 s7, s6  }
0xab: {  	[sflag:s6] =	ssyncadd.remote.s32 @p0 $0x1;
	_ =	sdelay $0x1  }
0xac: {  	s6 =	simm.s32 @p0 $0x1B8D  }
0xad: {  	_ =	swait.eq @p0 [sflag:s6], $0x1  }
0xae: {  	[sflag:s6] =	ssyncadd.s32 @p0 $0xFFFFFFFF  }
0xaf: {  	s7 =	sshll.u32 @!p0 s1, $0xE  }
0xb0: {  	s7 =	sor.u32 @!p0 $0x4000, s7;
	s6 =	simm.s32 @!p0 $0x1B8D  }
0xb1: {  	s5 =	sshll.u32 @!p0 s5, $0x11;
	s7 =	sadd.s32 @!p0 $0x11B8D, s7;
	_ =	swait.eq @!p0 [sflag:s6], $0x1  }
0xb2: {  	s5 =	sor.u32 @!p0 s5, s7;
	[sflag:s6] =	ssyncadd.s32 @!p0 $0xFFFFFFFF  }
0xb3: {  	s25 =	simm.s32 $0x1B8E;
	s24 =	sld [smem:$0x3FFE];
	[sflag:s5] =	ssyncadd.remote.s32 @!p0 $0x1  }
0xb4: {  	s26 =	simm.s32 $execute0_lowered;
	[smem:$0x3FD2] =	sst s25  }
0xb5: {  	s6 =	sshll.u32 s26, $0x1;
	_ =	strace $0x80000049;
	[dreg:$0x1] =	wrdreg $0xFFFFFFFF  }
0xb6: {  	s28 =	simm.s32 $_size_execute0_lowered;
	s4 =	sadd.s32 s4, s6;
	[dreg:$0x0] =	wrdreg $0x0  }
0xb7: {  	s6 =	sshll.u32 s28, $0x1;
	[dreg:$0x2] =	wrdreg s4  }
0xb8: {  	[dreg:$0x3] =	wrdreg s6  }
0xb9: {  	[dreg:$0x4] =	wrdreg $0xC0  }
0xba: {  	_ =	task [dreg:s22], $0x5FFFF  }
0xbb: {  	[dreg:$0x1] =	wrdreg $0xFFFFFFFF  }
0xbc: {  	[dreg:$0x0] =	wrdreg $0x60  }
0xbd: {  	[dreg:$0x2] =	wrdreg s18  }
0xbe: {  	[dreg:$0x3] =	wrdreg s24  }
0xbf: {  	[dreg:$0x4] =	wrdreg $0xA  }
0xc0: {  	_ =	task.clear_ibuf [dreg:s22], $0x5FFFF;
	_ =	strace $0x90000049  }
0xc1: {  	s29 =	simm.s32 $0xA;
	_ =	strace $0x8000004B  }
0xc2: {  	_ =	swait.ge [sflag:s29], $0x1  }
0xc3: {  	[sflag:s29] =	ssyncadd.s32 $0xFFFFFFFF  }
0xc4: {  	_ =	strace $0x9000004B  }
0xc5: {  	_ =	sfence  }
0xc6: {  	s30 =	sld [smem:$0x0];
	_ =	sdelay $0x2  }
0xc7: {  	s31 =	sshll.u32 s1, $0xD;
	s1 =	sshrl.u32 s1, $0x2  }
0xc8: {  	s4 =	sand.u32 $0x4000, s31;
	s1 =	sadd.s32 s1, s30  }
0xc9: {  	s0 =	sor.u32 s4, s0;
	s1 =	sshll.u32 s1, $0x11  }
0xca: {  	s0 =	sor.u32 s1, s0  }
0xcb: {  	s0 =	sadd.s32 $0x8F2B, s0  }
0xcc: {  	[sflag:s0] =	ssyncadd.remote.s32 $0x1  }
0xcd: {  	_ =	sfence.sel $0xFFFF  }
0xce: {  	[dreg:$0x0] =	wrdreg $0xFFFFFFFF;
	(pc) =	sbr.abs _section_cstart, $3  }
0xcf: {  	[dreg:$0x1] =	wrdreg $0xFFFFFFFF  }
0xd0: {  	_ =	task.clear_ibuf [dreg:s22], $0x2FFFF;
	_ =	strace $0x9FFFFFFF  }
0xd1: {  	(tm) =	ssettm $0x7FFFFFFF  }
tec
execute0_lowered:
.L_overlay_start_1:
0x0: {  	(tag) =	ssettag $0x1  }
0x1: {  	s0 =	srdreg.scid  }
0x2: {  	s8 =	stileid.u32;
	s2 =	rddreg [dreg:$0x0]  }
0x3: {  	s4 =	rddreg [dreg:$0x1];
	s3 =	simm.s32 $0x0;
	s16 =	simm.s32 $0x9  }
0x4: {  	s17 =	simm.s32 $0x80;
	s18 =	simm.s32 $0xC00;
	s19 =	simm.s32 $0x4C00  }
0x5: {  	s21 =	simm.s32 $0x8C00;
	s28 =	simm.s32 $0x3;
	s29 =	simm.s32 $0x6  }
0x6: {  	s0 =	sand.u32 $0x1, s0;
	s1 =	sshll.u32 s8, $0x1;
	s8 =	smul.u32 $0x2C, s8  }
0x7: {  	s1 =	sor.u32 s0, s1;
	s7 =	ssub.s32 $0x2, s0;
	s0 =	smul.u32 $0x16, s0  }
0x8: {  	s30 =	simm.s32 $0x4;
	s31 =	simm.s32 $0x7;
	s5 =	smul.u32 $0x180, s1  }
0x9: {  	s22 =	simm.s32 $0x0;
	[smem:$0x7FF] =	sst s3;
	s6 =	smul.u32 $0xB000, s1  }
0xa: {  	_ =	strace $0x8000004A;
	s1 =	smul.u32 $0x58000, s1;
	s9 =	sshrl.u32 s7, $0x1  }
0xb: {  	s7 =	ssub.s32 s7, s9;
	s0 =	sadd.s32 s0, s8;
	s5 =	sadd.s32 s5, s4  }
0xc: {  	s4 =	sadd.s32 $0x16CE00, s4;
	s1 =	sshrl.u32 s1, $0x3;
	s0 =	sshll.u32 s0, $0xB  }
0xd: {  	s11 =	smax.u32 s7, $0x1;
	s5 =	sadd.s32 $0x169E00, s5;
	s1 =	sadd.s32 s4, s1  }
0xe: {  	s23 =	sadd.s32 s4, s6;
	s0 =	sadd.s32 s0, s4;
	[dreg:$0x3] =	wrdreg s5  }
0xf: {  	[dreg:$0x4] =	wrdreg s23;
	s24 =	sadd.s32 $0x8800, s1;
	s25 =	sadd.s32 $0x9000, s1  }
0x10: {  	s26 =	sadd.s32 $0x9800, s1;
	s9 =	sadd.s32 $0xA000, s1;
	s10 =	sadd.s32 $0xA800, s1  }
0x11: {  	s12 =	sadd.s32 $0x1800, s0;
	s13 =	sadd.s32 $0x1000, s0;
	[dreg:$0x5] =	wrdreg s24  }
0x12: {  	s14 =	sadd.s32 $0x800, s0;
	s15 =	sadd.s32 $0x2000, s0;
	[dreg:$0x6] =	wrdreg s25  }
0x13: {  	s23 =	simm.s32 $0xCC00;
	s1 =	simm.s32 $0x8;
	[dreg:$0x7] =	wrdreg s26  }
0x14: {  	s24 =	simm.s32 $0x1;
	s25 =	simm.s32 $0x2;
	s26 =	simm.s32 $0x5  }
.LBB2_1:
0x15: {  	s0 =	rddreg [dreg:$0x3]  }
0x16: {  	[tilespmem:s3], [sflag:$0x9] =	stream.linear.gather [hbm4b:s0+s3], $0xB00, $0x38;
	[tilespmem:$0x10C00] =	vst v63  }
0x17: {  	_ =	swait.ge [sflag:s16], $0xB00  }
0x18: {  	[sflag:s16] =	ssyncset.done $0x0  }
0x19: {  	[sflag:s16] =	ssyncadd.s32 $0xFFFFF500  }
0x1a: {  	[tilespmem:s18], [sflag:$0x1] =	stream.indirect.gather [hbm4b:s2+s17], $0x80, s3, s17, $0xb8;
	[tilespmem:$0x10C00] =	vst v63  }
0x1b: {  	_ = 	snop  }
0x1c: {  	[tilespmem:s19], [sflag:$0x2] =	stream.indirect.gather [hbm4b:s2+s17], $0x80, s17, s17, $0xb8;
	[tilespmem:$0x10C00] =	vst v63  }
0x1d: {  	s4 =	simm.s32 $0x100  }
0x1e: {  	[tilespmem:s21], [sflag:$0x3] =	stream.indirect.gather [hbm4b:s2+s17], $0x80, s4, s17, $0xb8;
	[tilespmem:$0x10C00] =	vst v63  }
0x1f: {  	s5 =	simm.s32 $0x180  }
0x20: {  	[tilespmem:s23], [sflag:$0x4] =	stream.indirect.gather [hbm4b:s2+s17], $0x80, s5, s17, $0xb8;
	[tilespmem:$0x10C00] =	vst v63  }
0x21: {  	_ =	swait.ge [sflag:s24], $0x4000  }
0x22: {  	[sflag:s24] =	ssyncset.done $0x0  }
0x23: {  	s6 =	rddreg [dreg:$0x4];
	[sflag:s24] =	ssyncadd.s32 $0xFFFFC000  }
0x24: {  	[hbm4b:s6+s3] =	stream.linear.scatter [tilespmem:s18], [sflag:$0x5], $0x4000, $0x38;
	[tilespmem:$0x10C00] =	vst v63  }
0x25: {  	_ =	swait.ge [sflag:s25], $0x4000  }
0x26: {  	[sflag:s25] =	ssyncset.done $0x0  }
0x27: {  	[sflag:s25] =	ssyncadd.s32 $0xFFFFC000  }
0x28: {  	[hbm4b:s14+s3] =	stream.linear.scatter [tilespmem:s19], [sflag:$0x6], $0x4000, $0x38;
	[tilespmem:$0x10C00] =	vst v63  }
0x29: {  	_ =	swait.ge [sflag:s26], $0x4000  }
0x2a: {  	[sflag:s26] =	ssyncset.done $0x0  }
0x2b: {  	s7 =	simm.s32 $0x200;
	[sflag:s26] =	ssyncadd.s32 $0xFFFFC000  }
0x2c: {  	[tilespmem:s18], [sflag:$0x1] =	stream.indirect.gather [hbm4b:s2+s17], $0x80, s7, s17, $0xb8;
	[tilespmem:$0x10C00] =	vst v63  }
0x2d: {  	_ =	swait.ge [sflag:s28], $0x4000  }
0x2e: {  	[sflag:s28] =	ssyncset.done $0x0  }
0x2f: {  	[sflag:s28] =	ssyncadd.s32 $0xFFFFC000  }
0x30: {  	[hbm4b:s13+s3] =	stream.linear.scatter [tilespmem:s21], [sflag:$0x7], $0x4000, $0x38;
	[tilespmem:$0x10C00] =	vst v63  }
0x31: {  	_ =	swait.ge [sflag:s29], $0x4000  }
0x32: {  	[sflag:s29] =	ssyncset.done $0x0  }
0x33: {  	s8 =	simm.s32 $0x280;
	[sflag:s29] =	ssyncadd.s32 $0xFFFFC000  }
0x34: {  	[tilespmem:s19], [sflag:$0x2] =	stream.indirect.gather [hbm4b:s2+s17], $0x80, s8, s17, $0xb8;
	[tilespmem:$0x10C00] =	vst v63  }
0x35: {  	_ =	swait.ge [sflag:s30], $0x4000  }
0x36: {  	[sflag:s30] =	ssyncset.done $0x0  }
0x37: {  	[sflag:s30] =	ssyncadd.s32 $0xFFFFC000  }
0x38: {  	[hbm4b:s12+s3] =	stream.linear.scatter [tilespmem:s23], [sflag:$0x8], $0x4000, $0x38;
	[tilespmem:$0x10C00] =	vst v63  }
0x39: {  	_ =	swait.ge [sflag:s31], $0x4000  }
0x3a: {  	[sflag:s31] =	ssyncset.done $0x0  }
0x3b: {  	s20 =	simm.s32 $0x300;
	[sflag:s31] =	ssyncadd.s32 $0xFFFFC000  }
0x3c: {  	[tilespmem:s21], [sflag:$0x3] =	stream.indirect.gather [hbm4b:s2+s17], $0x80, s20, s17, $0xb8;
	[tilespmem:$0x10C00] =	vst v63  }
0x3d: {  	_ =	swait.ge [sflag:s24], $0x4000  }
0x3e: {  	[sflag:s24] =	ssyncset.done $0x0  }
0x3f: {  	[sflag:s24] =	ssyncadd.s32 $0xFFFFC000  }
0x40: {  	[hbm4b:s15+s3] =	stream.linear.scatter [tilespmem:s18], [sflag:$0x5], $0x4000, $0x38;
	[tilespmem:$0x10C00] =	vst v63  }
0x41: {  	s0 =	simm.s32 $0x800;
	s4 =	sadd.s32 $0x2000, s13;
	_ =	swait.ge [sflag:s1], $0x4000  }
0x42: {  	s5 =	sadd.s32 $0x2000, s14;
	s6 =	sadd.s32 $0x2000, s12;
	[sflag:s1] =	ssyncset.done $0x0  }
0x43: {  	s7 =	simm.s32 $0x380;
	s20 =	sadd.s32 $0x2000, s15;
	[sflag:s1] =	ssyncadd.s32 $0xFFFFC000  }
.LBB2_2:
0x44: {  	[tilespmem:s23], [sflag:$0x4] =	stream.indirect.gather [hbm4b:s2+s17], $0x80, s7, s17, $0xb8;
	[tilespmem:$0x10C00] =	vst v63  }
0x45: {  	s7 =	smov.u32 s0  }
0x46: {  	p0 =	sne.s32 s0, $0x1800;
	s0 =	sadd.s32 $0x800, s0;
	_ =	swait.ge [sflag:s25], $0x4000  }
0x47: {  	[sflag:s25] =	ssyncset.done $0x0  }
0x48: {  	[sflag:s25] =	ssyncadd.s32 $0xFFFFC000  }
0x49: {  	[hbm4b:s5+s3] =	stream.linear.scatter [tilespmem:s19], [sflag:$0x6], $0x4000, $0x38;
	[tilespmem:$0x10C00] =	vst v63  }
0x4a: {  	_ =	swait.ge [sflag:s26], $0x4000  }
0x4b: {  	s7 =	sshra.s32 s7, $0x2;
	[sflag:s26] =	ssyncset.done $0x0  }
0x4c: {  	s8 =	sadd.s32 $0x200, s7;
	[sflag:s26] =	ssyncadd.s32 $0xFFFFC000  }
0x4d: {  	[tilespmem:s18], [sflag:$0x1] =	stream.indirect.gather [hbm4b:s2+s17], $0x80, s8, s17, $0xb8;
	[tilespmem:$0x10C00] =	vst v63  }
0x4e: {  	_ =	swait.ge [sflag:s28], $0x4000  }
0x4f: {  	[sflag:s28] =	ssyncset.done $0x0  }
0x50: {  	[sflag:s28] =	ssyncadd.s32 $0xFFFFC000  }
0x51: {  	[hbm4b:s4+s3] =	stream.linear.scatter [tilespmem:s21], [sflag:$0x7], $0x4000, $0x38;
	[tilespmem:$0x10C00] =	vst v63  }
0x52: {  	_ =	swait.ge [sflag:s29], $0x4000  }
0x53: {  	[sflag:s29] =	ssyncset.done $0x0  }
0x54: {  	s8 =	sadd.s32 $0x280, s7;
	[sflag:s29] =	ssyncadd.s32 $0xFFFFC000  }
0x55: {  	[tilespmem:s19], [sflag:$0x2] =	stream.indirect.gather [hbm4b:s2+s17], $0x80, s8, s17, $0xb8;
	[tilespmem:$0x10C00] =	vst v63  }
0x56: {  	_ =	swait.ge [sflag:s30], $0x4000  }
0x57: {  	[sflag:s30] =	ssyncset.done $0x0  }
0x58: {  	[sflag:s30] =	ssyncadd.s32 $0xFFFFC000  }
0x59: {  	[hbm4b:s6+s3] =	stream.linear.scatter [tilespmem:s23], [sflag:$0x8], $0x4000, $0x38;
	[tilespmem:$0x10C00] =	vst v63  }
0x5a: {  	_ =	swait.ge [sflag:s31], $0x4000  }
0x5b: {  	[sflag:s31] =	ssyncset.done $0x0  }
0x5c: {  	s8 =	sadd.s32 $0x300, s7;
	[sflag:s31] =	ssyncadd.s32 $0xFFFFC000  }
0x5d: {  	[tilespmem:s21], [sflag:$0x3] =	stream.indirect.gather [hbm4b:s2+s17], $0x80, s8, s17, $0xb8;
	[tilespmem:$0x10C00] =	vst v63  }
0x5e: {  	_ =	swait.ge [sflag:s24], $0x4000  }
0x5f: {  	[sflag:s24] =	ssyncset.done $0x0  }
.Ltmp0:
0x60: {  	[sflag:s24] =	ssyncadd.s32 $0xFFFFC000;
	(pc) =	sbr.rel @p0 .LBB2_2-.Ltmp0, $4  }
0x61: {  	[hbm4b:s20+s3] =	stream.linear.scatter [tilespmem:s18], [sflag:$0x5], $0x4000, $0x38;
	[tilespmem:$0x10C00] =	vst v63  }
0x62: {  	s20 =	sadd.s32 $0x2000, s20;
	_ =	swait.ge [sflag:s1], $0x4000  }
0x63: {  	s5 =	sadd.s32 $0x2000, s5;
	s4 =	sadd.s32 $0x2000, s4;
	[sflag:s1] =	ssyncset.done $0x0  }
0x64: {  	s7 =	sadd.s32 $0x380, s7;
	s6 =	sadd.s32 $0x2000, s6;
	[sflag:s1] =	ssyncadd.s32 $0xFFFFC000  }
0x65: {  	[tilespmem:s23], [sflag:$0x4] =	stream.indirect.gather [hbm4b:s2+s17], $0x80, s7, s17, $0xb8;
	[tilespmem:$0x10C00] =	vst v63  }
0x66: {  	_ =	swait.ge [sflag:s25], $0x4000  }
0x67: {  	[sflag:s25] =	ssyncset.done $0x0  }
0x68: {  	s0 =	rddreg [dreg:$0x5];
	[sflag:s25] =	ssyncadd.s32 $0xFFFFC000  }
0x69: {  	[hbm4b:s0+s3] =	stream.linear.scatter [tilespmem:s19], [sflag:$0x6], $0x4000, $0x38;
	[tilespmem:$0x10C00] =	vst v63  }
0x6a: {  	_ =	swait.ge [sflag:s26], $0x4000  }
0x6b: {  	[sflag:s26] =	ssyncset.done $0x0  }
0x6c: {  	s6 =	simm.s32 $0xA00;
	[sflag:s26] =	ssyncadd.s32 $0xFFFFC000  }
0x6d: {  	[tilespmem:s18], [sflag:$0x1] =	stream.indirect.gather [hbm4b:s2+s17], $0x80, s6, s17, $0xb8;
	[tilespmem:$0x10C00] =	vst v63  }
0x6e: {  	_ =	swait.ge [sflag:s28], $0x4000  }
0x6f: {  	[sflag:s28] =	ssyncset.done $0x0  }
0x70: {  	s7 =	rddreg [dreg:$0x6];
	[sflag:s28] =	ssyncadd.s32 $0xFFFFC000  }
0x71: {  	[hbm4b:s7+s3] =	stream.linear.scatter [tilespmem:s21], [sflag:$0x7], $0x4000, $0x38;
	[tilespmem:$0x10C00] =	vst v63  }
0x72: {  	_ =	swait.ge [sflag:s29], $0x4000  }
0x73: {  	[sflag:s29] =	ssyncset.done $0x0  }
0x74: {  	s8 =	simm.s32 $0xA80;
	[sflag:s29] =	ssyncadd.s32 $0xFFFFC000  }
0x75: {  	[tilespmem:s19], [sflag:$0x2] =	stream.indirect.gather [hbm4b:s2+s17], $0x80, s8, s17, $0xb8;
	[tilespmem:$0x10C00] =	vst v63  }
0x76: {  	_ =	swait.ge [sflag:s30], $0x4000  }
0x77: {  	[sflag:s30] =	ssyncset.done $0x0  }
0x78: {  	s20 =	rddreg [dreg:$0x7];
	[sflag:s30] =	ssyncadd.s32 $0xFFFFC000  }
0x79: {  	[hbm4b:s20+s3] =	stream.linear.scatter [tilespmem:s23], [sflag:$0x8], $0x4000, $0x38;
	[tilespmem:$0x10C00] =	vst v63  }
0x7a: {  	_ =	swait.ge [sflag:s31], $0x4000  }
0x7b: {  	[sflag:s31] =	ssyncset.done $0x0  }
0x7c: {  	[sflag:s31] =	ssyncadd.s32 $0xFFFFC000  }
0x7d: {  	_ =	swait.ge [sflag:s24], $0x4000  }
0x7e: {  	[sflag:s24] =	ssyncset.done $0x0  }
0x7f: {  	[sflag:s24] =	ssyncadd.s32 $0xFFFFC000  }
0x80: {  	[hbm4b:s9+s3] =	stream.linear.scatter [tilespmem:s18], [sflag:$0x5], $0x4000, $0x38;
	[tilespmem:$0x10C00] =	vst v63  }
0x81: {  	_ =	swait.ge [sflag:s1], $0x4000  }
0x82: {  	[sflag:s1] =	ssyncset.done $0x0  }
0x83: {  	[sflag:s1] =	ssyncadd.s32 $0xFFFFC000  }
0x84: {  	_ =	swait.ge [sflag:s25], $0x4000  }
0x85: {  	[sflag:s25] =	ssyncset.done $0x0  }
0x86: {  	s22 =	sadd.s32 $0x1, s22;
	[sflag:s25] =	ssyncadd.s32 $0xFFFFC000  }
0x87: {  	[hbm4b:s10+s3] =	stream.linear.scatter [tilespmem:s19], [sflag:$0x6], $0x4000, $0x38;
	[tilespmem:$0x10C00] =	vst v63  }
0x88: {  	p0 =	sne.s32 s22, s11;
	_ =	swait.ge [sflag:s26], $0x4000  }
.Ltmp1:
0x89: {  	[sflag:s26] =	ssyncset.done $0x0;
	(pc) =	sbr.rel @p0 .LBB2_1-.Ltmp1, $4  }
0x8a: {  	[sflag:s26] =	ssyncadd.s32 $0xFFFFC000  }
0x8b: {  	_ =	swait.ge [sflag:s29], $0x4000  }
0x8c: {  	[sflag:s29] =	ssyncset.done $0x0  }
0x8d: {  	[sflag:s29] =	ssyncadd.s32 $0xFFFFC000  }
0x8e: {  	_ =	sfence.sel $0x180000  }
0x8f: {  	[bflag:$0x0] =	sbarrier.arrive $0xFFFF  }
0x90: {  	_ =	strace $0x9000004A  }
0x91: {  	s0 =	stileid.u32;
	[bflag:$0x2] =	sbarrier.arrive $0xFFFF  }
0x92: {  	p0 =	sne.s32 s0, $0x0;
	s0 =	rddreg [dreg:$0x2]  }
0x93: {  	s0 =	sadd.s32 @!p0 $0x100000, s0  }
0x94: {  	[sflag:s0] =	ssyncadd.tile.s32 @!p0 $0x1;
	_ =	shalt  }
.Lfunc_end2:
_tile_overlayer_lowered:
.L_overlay_start_2:
0x95: {  	(tag) =	ssettag $0x2  }
0x96: {  	s0 =	rddreg [dreg:$0x0];
	s2 =	stileid.u32  }
0x97: {  	s1 =	rddreg [dreg:$0x1];
	p0 =	sne.s32 s2, $0x0  }
0x98: {  	s3 =	rddreg [dreg:$0x2];
	[bflag:$0x3] =	sbarrier.arrive $0xFFFF;
	s2 =	simm.s32 @!p0 $0x1C09  }
0x99: {  	[timem:s3], [sflag:s2] =	dma.local @!p0 [hbm:s0], s1  }
0x9a: {  	s0 =	simm.s32 @!p0 $0x9  }
0x9b: {  	_ =	swait.ge @!p0 [sflag:s0], s1  }
0x9c: {  	s1 =	ssub.s32 @!p0 $0x0, s1;
	[sflag:s0] =	ssyncset.done @!p0 $0x0  }
0x9d: {  	[sflag:s0] =	ssyncadd.s32 @!p0 s1  }
0x9e: {  	[bflag:$0x3] =	sbarrier.arrive $0xFFFF  }
0x9f: {  	_ =	shalt  }

// kernel: kernel.18.cloned.1.call-start
scs
__scs_entry_jumppad:
0x0: {  	(pc) =	sbr.rel $0x88, $3  }
0x1: {  	(tag) =	ssettag $0x0;
	lr =	simm.s32 $0x1  }
0x2: {  	[smem:$0x3F9D] =	sst lr;
	_ =	strace $0xD0000000  }
0x3: {  	_ = 	snop  }
0x4: {  	_ = 	snop  }
0x5: {  	_ = 	snop  }
0x6: {  	_ = 	snop  }
0x7: {  	_ = 	snop  }
__scs_overlays_trampoline_lowered:
0x8: {  	[smem:$0x3FAC] =	sst s0  }
0x9: {  	[smem:$0x3FAD] =	sst s1  }
0xa: {  	[smem:$0x3FAE] =	sst s2  }
0xb: {  	[smem:$0x3FAF] =	sst s3  }
0xc: {  	[smem:$0x3FB0] =	sst s4  }
0xd: {  	[smem:$0x3FB1] =	sst s5  }
0xe: {  	[smem:$0x3FB2] =	sst s6  }
0xf: {  	[smem:$0x3FB3] =	sst s7  }
0x10: {  	[smem:$0x3FB4] =	sst s8  }
0x11: {  	[smem:$0x3FB5] =	sst s9;
	s0 =	simm.s32 @!p0 $0x0  }
0x12: {  	s1 =	sld [smem:$0x3F9B];
	s0 =	simm.s32 @p0 $0x1  }
0x13: {  	[smem:$0x3FB6] =	sst s0;
	s0 =	simm.s32 @!p1 $0x0  }
0x14: {  	s2 =	sld [smem:$0x3F9A];
	s0 =	simm.s32 @p1 $0x1  }
0x15: {  	[smem:$0x3FB7] =	sst s0;
	s0 =	simm.s32 @!p2 $0x0  }
0x16: {  	s3 =	sld [smem:$0x3FDB];
	s0 =	simm.s32 @p2 $0x1  }
0x17: {  	s4 =	simm.s32 $0x1BF5;
	[smem:$0x3FB9] =	sst s0  }
0x18: {  	s0 =	sld [smem:$0x3F9C];
	_ =	swait.ge [sflag:s4], $0x0  }
0x19: {  	s7 =	sld [smem:$0x3F9D]  }
0x1a: {  	s8 =	sadd.s32 $0xFFFFE003, lr  }
0x1b: {  	s9 =	sadd.s32 $0xFFFFFEF7, lr;
	s5 =	simm.s32 $0xFFFFFFFF;
	p2 =	slt.u32 s8, $0xFFFFF086  }
0x1c: {  	p1 =	slt.u32 s9, $0xF7A;
	s5 =	simm.s32 @!p2 $0x0  }
0x1d: {  	s5 =	simm.s32 @p1 $0x1;
	p0 =	seq.s32 s7, s2  }
0x1e: {  	s7 =	smul.u32 @!p0 $0xF7A, s2;
	p2 =	seq.s32 @!p0 s5, $0x0  }
0x1f: {  	s9 =	smul.u32 $0xF7A, s1;
	s8 =	simm.s32 @!p0 $0x1BF5;
	p2 =	por !p2, p0  }
0x20: {  	[sflag:s8] =	ssyncset.s32 @!p0 $0xFFFFF086;
	s6 =	sadd.s32 @!p0 s3, s7;
	s7 =	simm.s32 @!p0 $0x108  }
0x21: {  	s3 =	sadd.s32 s3, s9;
	s6 =	sadd.s32 @!p0 $0x88, s6;
	s7 =	simm.s32 @p2 $0x1082  }
0x22: {  	[simem:s7], [sflag:s8] =	dma.local @!p0 [hbm:s6], $0xF7A  }
0x23: {  	s9 =	sor.u32 $0xD0000000, s2;
	s6 =	simm.s32 $0x108;
	_ =	swait.ge @!p0 [sflag:s8], $0x0  }
0x24: {  	s3 =	sadd.s32 $0x88, s3;
	s6 =	simm.s32 @!p1 $0x1082;
	[sflag:s4] =	ssyncset.s32 $0xFFFFF086  }
0x25: {  	[simem:s6], [sflag:s4] =	dma.local [hbm:s3], $0xF7A  }
0x26: {  	[smem:$0x3F9D] =	sst s1;
	(tag) =	ssettag s2;
	_ =	strace s9  }
0x27: {  	s1 =	sld [smem:$0x3FAD]  }
0x28: {  	s2 =	sld [smem:$0x3FAE]  }
0x29: {  	s4 =	sld [smem:$0x3FB0]  }
0x2a: {  	p0 =	seq.s32 s5, $0x0;
	s5 =	sld [smem:$0x3FB1]  }
0x2b: {  	s6 =	sld [smem:$0x3FB2]  }
0x2c: {  	s7 =	sld [smem:$0x3FB3]  }
0x2d: {  	s3 =	simm.s32 $0x108;
	s8 =	sld [smem:$0x3FB4]  }
0x2e: {  	s3 =	simm.s32 @!p0 $0x1082;
	s9 =	sld [smem:$0x3FB5]  }
0x2f: {  	lr =	sadd.s32 s0, s3;
	s0 =	sld [smem:$0x3FAC]  }
0x30: {  	s3 =	sld [smem:$0x3FAF]  }
0x31: {  	[smem:$0x3FB8] =	sst s10  }
0x32: {  	s10 =	sld [smem:$0x3FB6];
	_ =	sdelay $0x3  }
0x33: {  	p0 =	seq.s32 s10, $0x1;
	s10 =	sld [smem:$0x3FB8];
	_ =	sdelay $0x3  }
0x34: {  	[smem:$0x3FB8] =	sst s10  }
0x35: {  	s10 =	sld [smem:$0x3FB7];
	_ =	sdelay $0x3  }
0x36: {  	p1 =	seq.s32 s10, $0x1;
	s10 =	sld [smem:$0x3FB8];
	_ =	sdelay $0x3  }
0x37: {  	[smem:$0x3FB8] =	sst s10  }
0x38: {  	s10 =	sld [smem:$0x3FB9]  }
0x39: {  	_ = 	snop;
	(pc) =	sbr.ind lr, $3  }
0x3a: {  	_ = 	snop  }
0x3b: {  	_ = 	snop  }
0x3c: {  	p2 =	seq.s32 s10, $0x1;
	s10 =	sld [smem:$0x3FB8]  }
0x3d: {  	_ =	shalt  }
0x3e: {  	_ =	shalt  }
0x3f: {  	_ =	shalt  }
0x40: {  	_ =	shalt  }
0x41: {  	_ =	shalt  }
0x42: {  	_ =	shalt  }
0x43: {  	_ =	shalt  }
0x44: {  	_ =	shalt  }
0x45: {  	_ =	shalt  }
0x46: {  	_ =	shalt  }
0x47: {  	_ =	shalt  }
0x48: {  	_ =	shalt  }
0x49: {  	_ =	shalt  }
0x4a: {  	_ =	shalt  }
0x4b: {  	_ =	shalt  }
0x4c: {  	_ =	shalt  }
0x4d: {  	_ =	shalt  }
0x4e: {  	_ =	shalt  }
0x4f: {  	_ =	shalt  }
0x50: {  	_ =	shalt  }
0x51: {  	_ =	shalt  }
0x52: {  	_ =	shalt  }
0x53: {  	_ =	shalt  }
0x54: {  	_ =	shalt  }
0x55: {  	_ =	shalt  }
0x56: {  	_ =	shalt  }
0x57: {  	_ =	shalt  }
0x58: {  	_ =	shalt  }
0x59: {  	_ =	shalt  }
0x5a: {  	_ =	shalt  }
0x5b: {  	_ =	shalt  }
0x5c: {  	_ =	shalt  }
0x5d: {  	_ =	shalt  }
0x5e: {  	_ =	shalt  }
0x5f: {  	_ =	shalt  }
0x60: {  	_ =	shalt  }
0x61: {  	_ =	shalt  }
0x62: {  	_ =	shalt  }
0x63: {  	_ =	shalt  }
0x64: {  	_ =	shalt  }
0x65: {  	_ =	shalt  }
0x66: {  	_ =	shalt  }
0x67: {  	_ =	shalt  }
0x68: {  	_ =	shalt  }
0x69: {  	_ =	shalt  }
0x6a: {  	_ =	shalt  }
0x6b: {  	_ =	shalt  }
0x6c: {  	_ =	shalt  }
0x6d: {  	_ =	shalt  }
0x6e: {  	_ =	shalt  }
0x6f: {  	_ =	shalt  }
0x70: {  	_ =	shalt  }
0x71: {  	_ =	shalt  }
0x72: {  	_ =	shalt  }
0x73: {  	_ =	shalt  }
0x74: {  	_ =	shalt  }
0x75: {  	_ =	shalt  }
0x76: {  	_ =	shalt  }
0x77: {  	_ =	shalt  }
0x78: {  	_ =	shalt  }
0x79: {  	_ =	shalt  }
0x7a: {  	_ =	shalt  }
0x7b: {  	_ =	shalt  }
0x7c: {  	_ =	shalt  }
0x7d: {  	_ =	shalt  }
0x7e: {  	_ =	shalt  }
0x7f: {  	_ =	shalt  }
0x80: {  	_ =	shalt  }
0x81: {  	_ =	shalt  }
0x82: {  	_ =	shalt  }
0x83: {  	_ =	shalt  }
0x84: {  	_ =	shalt  }
0x85: {  	_ =	shalt  }
0x86: {  	_ =	shalt  }
0x87: {  	_ =	shalt  }
.Lfunc_end0:
.L_simem_size_0:
called_computation.2_lowered:
.L_overlay_start_0:
0x88: {  	s2 =	sld [smem:$0x3FD9]  }
0x89: {  	s3 =	sld [smem:$0x3FFE];
	_ =	sdelay $0x1  }
0x8a: {  	s1 =	srdreg.scid  }
0x8b: {  	s0 =	sand.u32 $0x1, s1  }
0x8c: {  	s17 =	sshll.u32 s0, $0xA;
	s2 =	sadd.s32 s3, s2  }
0x8d: {  	s2 =	sadd.s32 s2, s17  }
0x8e: {  	[smem:$0x3FC4] =	sst s2  }
0x8f: {  	_ = 	snop  }
0x90: {  	s18 =	sld [smem:$0x3FC9];
	(tm) =	ssettm $0x1  }
0x91: {  	s19 =	sld [smem:$0x3FFB];
	_ =	sdelay $0x3  }
0x92: {  	_ =	strace s19  }
0x93: {  	s2 =	sld [smem:$0x3FFC];
	_ =	sdelay $0x3  }
0x94: {  	_ =	strace s2  }
0x95: {  	s2 =	sld [smem:$0x3FFD];
	_ =	sdelay $0x3  }
0x96: {  	_ =	strace s2  }
0x97: {  	_ =	strace $0x8FFFFFFF  }
0x98: {  	s20 =	sld [smem:$0x3FDB];
	_ =	sdelay $0x1  }
0x99: {  	s4 =	simm.s32 $_scs_section_size  }
0x9a: {  	s5 =	simm.s32 $_size__tile_overlayer_lowered;
	s6 =	simm.s32 $_tile_overlayer_lowered  }
0x9b: {  	s7 =	simm.s32 $0x1BFF;
	s21 =	sshll.u32 s6, $0x1;
	s4 =	sadd.s32 s4, s20  }
0x9c: {  	s22 =	simm.s32 $0x0;
	s5 =	sshll.u32 s5, $0x1;
	s6 =	sadd.s32 s21, s4  }
0x9d: {  	[timem:s22], [sflag:s7] =	dma.local [hbm:s6], s5  }
0x9e: {  	_ =	swait.ge [sflag:s7], s5  }
0x9f: {  	s5 =	ssub.s32 $0x0, s5;
	[sflag:s7] =	ssyncset.done $0x0  }
0xa0: {  	[sflag:s7] =	ssyncadd.s32 s5;
	_ =	sdelay $0x1  }
0xa1: {  	s23 =	simm.s32 $0x1B8B  }
0xa2: {  	_ =	swait.ge [sflag:s23], $0x1  }
0xa3: {  	[sflag:s23] =	ssyncset.done $0x0  }
0xa4: {  	[sflag:s23] =	ssyncadd.s32 $0xFFFFFFFF  }
0xa5: {  	s5 =	sld [smem:$0x0]  }
0xa6: {  	s6 =	sand.u32 $0xFFFFFFFE, s1  }
0xa7: {  	p0 =	sne.s32 s1, s6  }
0xa8: {  	s6 =	sshll.u32 @p0 s6, $0xE  }
0xa9: {  	s6 =	sadd.s32 @p0 $0x11B8D, s6;
	s7 =	sshll.u32 @p0 s5, $0x11  }
0xaa: {  	s6 =	sor.u32 @p0 s7, s6  }
0xab: {  	[sflag:s6] =	ssyncadd.remote.s32 @p0 $0x1;
	_ =	sdelay $0x1  }
0xac: {  	s6 =	simm.s32 @p0 $0x1B8D  }
0xad: {  	_ =	swait.eq @p0 [sflag:s6], $0x1  }
0xae: {  	[sflag:s6] =	ssyncadd.s32 @p0 $0xFFFFFFFF  }
0xaf: {  	s7 =	sshll.u32 @!p0 s1, $0xE  }
0xb0: {  	s7 =	sor.u32 @!p0 $0x4000, s7;
	s6 =	simm.s32 @!p0 $0x1B8D  }
0xb1: {  	s5 =	sshll.u32 @!p0 s5, $0x11;
	s7 =	sadd.s32 @!p0 $0x11B8D, s7;
	_ =	swait.eq @!p0 [sflag:s6], $0x1  }
0xb2: {  	s5 =	sor.u32 @!p0 s5, s7;
	[sflag:s6] =	ssyncadd.s32 @!p0 $0xFFFFFFFF  }
0xb3: {  	s25 =	simm.s32 $0x1B8E;
	s24 =	sld [smem:$0x3FFE];
	[sflag:s5] =	ssyncadd.remote.s32 @!p0 $0x1  }
0xb4: {  	s26 =	simm.s32 $execute0_lowered;
	[smem:$0x3FD2] =	sst s25  }
0xb5: {  	s6 =	sshll.u32 s26, $0x1;
	_ =	strace $0x8000004C;
	[dreg:$0x1] =	wrdreg $0xFFFFFFFF  }
0xb6: {  	s28 =	simm.s32 $_size_execute0_lowered;
	s4 =	sadd.s32 s4, s6;
	[dreg:$0x0] =	wrdreg $0x0  }
0xb7: {  	s6 =	sshll.u32 s28, $0x1;
	[dreg:$0x2] =	wrdreg s4  }
0xb8: {  	[dreg:$0x3] =	wrdreg s6  }
0xb9: {  	[dreg:$0x4] =	wrdreg $0xC0  }
0xba: {  	_ =	task [dreg:s22], $0x5FFFF  }
0xbb: {  	[dreg:$0x1] =	wrdreg $0xFFFFFFFF  }
0xbc: {  	[dreg:$0x0] =	wrdreg $0x60  }
0xbd: {  	[dreg:$0x2] =	wrdreg s18  }
0xbe: {  	[dreg:$0x3] =	wrdreg s24  }
0xbf: {  	[dreg:$0x4] =	wrdreg $0xB  }
0xc0: {  	_ =	task.clear_ibuf [dreg:s22], $0x5FFFF;
	_ =	strace $0x9000004C  }
0xc1: {  	s29 =	simm.s32 $0xB;
	_ =	strace $0x8000004E  }
0xc2: {  	_ =	swait.ge [sflag:s29], $0x1  }
0xc3: {  	[sflag:s29] =	ssyncadd.s32 $0xFFFFFFFF  }
0xc4: {  	_ =	strace $0x9000004E  }
0xc5: {  	_ =	sfence  }
0xc6: {  	s30 =	sld [smem:$0x0];
	_ =	sdelay $0x2  }
0xc7: {  	s31 =	sshll.u32 s1, $0xD;
	s1 =	sshrl.u32 s1, $0x2  }
0xc8: {  	s4 =	sand.u32 $0x4000, s31;
	s1 =	sadd.s32 s1, s30  }
0xc9: {  	s0 =	sor.u32 s4, s0;
	s1 =	sshll.u32 s1, $0x11  }
0xca: {  	s0 =	sor.u32 s1, s0  }
0xcb: {  	s0 =	sadd.s32 $0x8F2B, s0  }
0xcc: {  	[sflag:s0] =	ssyncadd.remote.s32 $0x1  }
0xcd: {  	_ =	sfence.sel $0xFFFF  }
0xce: {  	[dreg:$0x0] =	wrdreg $0xFFFFFFFF;
	(pc) =	sbr.abs _section_cstart, $3  }
0xcf: {  	[dreg:$0x1] =	wrdreg $0xFFFFFFFF  }
0xd0: {  	_ =	task.clear_ibuf [dreg:s22], $0x2FFFF;
	_ =	strace $0x9FFFFFFF  }
0xd1: {  	(tm) =	ssettm $0x7FFFFFFF  }
tec
execute0_lowered:
.L_overlay_start_1:
0x0: {  	(tag) =	ssettag $0x1  }
0x1: {  	s0 =	srdreg.scid  }
0x2: {  	s8 =	stileid.u32;
	s2 =	rddreg [dreg:$0x0]  }
0x3: {  	s4 =	rddreg [dreg:$0x1];
	s3 =	simm.s32 $0x0;
	s16 =	simm.s32 $0x9  }
0x4: {  	s17 =	simm.s32 $0x80;
	s18 =	simm.s32 $0xC00;
	s19 =	simm.s32 $0x4C00  }
0x5: {  	s21 =	simm.s32 $0x8C00;
	s28 =	simm.s32 $0x3;
	s29 =	simm.s32 $0x6  }
0x6: {  	s0 =	sand.u32 $0x1, s0;
	s1 =	sshll.u32 s8, $0x1;
	s8 =	smul.u32 $0x2C, s8  }
0x7: {  	s1 =	sor.u32 s0, s1;
	s7 =	ssub.s32 $0x2, s0;
	s0 =	smul.u32 $0x16, s0  }
0x8: {  	s30 =	simm.s32 $0x4;
	s31 =	simm.s32 $0x7;
	s5 =	smul.u32 $0x180, s1  }
0x9: {  	s22 =	simm.s32 $0x0;
	[smem:$0x7FF] =	sst s3;
	s6 =	smul.u32 $0xB000, s1  }
0xa: {  	_ =	strace $0x8000004D;
	s1 =	smul.u32 $0x58000, s1;
	s9 =	sshrl.u32 s7, $0x1  }
0xb: {  	s7 =	ssub.s32 s7, s9;
	s0 =	sadd.s32 s0, s8;
	s5 =	sadd.s32 s5, s4  }
0xc: {  	s4 =	sadd.s32 $0x2CFE00, s4;
	s1 =	sshrl.u32 s1, $0x3;
	s0 =	sshll.u32 s0, $0xB  }
0xd: {  	s11 =	smax.u32 s7, $0x1;
	s5 =	sadd.s32 $0x2CCE00, s5;
	s1 =	sadd.s32 s4, s1  }
0xe: {  	s23 =	sadd.s32 s4, s6;
	s0 =	sadd.s32 s0, s4;
	[dreg:$0x3] =	wrdreg s5  }
0xf: {  	[dreg:$0x4] =	wrdreg s23;
	s24 =	sadd.s32 $0x8800, s1;
	s25 =	sadd.s32 $0x9000, s1  }
0x10: {  	s26 =	sadd.s32 $0x9800, s1;
	s9 =	sadd.s32 $0xA000, s1;
	s10 =	sadd.s32 $0xA800, s1  }
0x11: {  	s12 =	sadd.s32 $0x1800, s0;
	s13 =	sadd.s32 $0x1000, s0;
	[dreg:$0x5] =	wrdreg s24  }
0x12: {  	s14 =	sadd.s32 $0x800, s0;
	s15 =	sadd.s32 $0x2000, s0;
	[dreg:$0x6] =	wrdreg s25  }
0x13: {  	s23 =	simm.s32 $0xCC00;
	s1 =	simm.s32 $0x8;
	[dreg:$0x7] =	wrdreg s26  }
0x14: {  	s24 =	simm.s32 $0x1;
	s25 =	simm.s32 $0x2;
	s26 =	simm.s32 $0x5  }
.LBB2_1:
0x15: {  	s0 =	rddreg [dreg:$0x3]  }
0x16: {  	[tilespmem:s3], [sflag:$0x9] =	stream.linear.gather [hbm4b:s0+s3], $0xB00, $0x38;
	[tilespmem:$0x10C00] =	vst v63  }
0x17: {  	_ =	swait.ge [sflag:s16], $0xB00  }
0x18: {  	[sflag:s16] =	ssyncset.done $0x0  }
0x19: {  	[sflag:s16] =	ssyncadd.s32 $0xFFFFF500  }
0x1a: {  	[tilespmem:s18], [sflag:$0x1] =	stream.indirect.gather [hbm4b:s2+s17], $0x80, s3, s17, $0xb8;
	[tilespmem:$0x10C00] =	vst v63  }
0x1b: {  	_ = 	snop  }
0x1c: {  	[tilespmem:s19], [sflag:$0x2] =	stream.indirect.gather [hbm4b:s2+s17], $0x80, s17, s17, $0xb8;
	[tilespmem:$0x10C00] =	vst v63  }
0x1d: {  	s4 =	simm.s32 $0x100  }
0x1e: {  	[tilespmem:s21], [sflag:$0x3] =	stream.indirect.gather [hbm4b:s2+s17], $0x80, s4, s17, $0xb8;
	[tilespmem:$0x10C00] =	vst v63  }
0x1f: {  	s5 =	simm.s32 $0x180  }
0x20: {  	[tilespmem:s23], [sflag:$0x4] =	stream.indirect.gather [hbm4b:s2+s17], $0x80, s5, s17, $0xb8;
	[tilespmem:$0x10C00] =	vst v63  }
0x21: {  	_ =	swait.ge [sflag:s24], $0x4000  }
0x22: {  	[sflag:s24] =	ssyncset.done $0x0  }
0x23: {  	s6 =	rddreg [dreg:$0x4];
	[sflag:s24] =	ssyncadd.s32 $0xFFFFC000  }
0x24: {  	[hbm4b:s6+s3] =	stream.linear.scatter [tilespmem:s18], [sflag:$0x5], $0x4000, $0x38;
	[tilespmem:$0x10C00] =	vst v63  }
0x25: {  	_ =	swait.ge [sflag:s25], $0x4000  }
0x26: {  	[sflag:s25] =	ssyncset.done $0x0  }
0x27: {  	[sflag:s25] =	ssyncadd.s32 $0xFFFFC000  }
0x28: {  	[hbm4b:s14+s3] =	stream.linear.scatter [tilespmem:s19], [sflag:$0x6], $0x4000, $0x38;
	[tilespmem:$0x10C00] =	vst v63  }
0x29: {  	_ =	swait.ge [sflag:s26], $0x4000  }
0x2a: {  	[sflag:s26] =	ssyncset.done $0x0  }
0x2b: {  	s7 =	simm.s32 $0x200;
	[sflag:s26] =	ssyncadd.s32 $0xFFFFC000  }
0x2c: {  	[tilespmem:s18], [sflag:$0x1] =	stream.indirect.gather [hbm4b:s2+s17], $0x80, s7, s17, $0xb8;
	[tilespmem:$0x10C00] =	vst v63  }
0x2d: {  	_ =	swait.ge [sflag:s28], $0x4000  }
0x2e: {  	[sflag:s28] =	ssyncset.done $0x0  }
0x2f: {  	[sflag:s28] =	ssyncadd.s32 $0xFFFFC000  }
0x30: {  	[hbm4b:s13+s3] =	stream.linear.scatter [tilespmem:s21], [sflag:$0x7], $0x4000, $0x38;
	[tilespmem:$0x10C00] =	vst v63  }
0x31: {  	_ =	swait.ge [sflag:s29], $0x4000  }
0x32: {  	[sflag:s29] =	ssyncset.done $0x0  }
0x33: {  	s8 =	simm.s32 $0x280;
	[sflag:s29] =	ssyncadd.s32 $0xFFFFC000  }
0x34: {  	[tilespmem:s19], [sflag:$0x2] =	stream.indirect.gather [hbm4b:s2+s17], $0x80, s8, s17, $0xb8;
	[tilespmem:$0x10C00] =	vst v63  }
0x35: {  	_ =	swait.ge [sflag:s30], $0x4000  }
0x36: {  	[sflag:s30] =	ssyncset.done $0x0  }
0x37: {  	[sflag:s30] =	ssyncadd.s32 $0xFFFFC000  }
0x38: {  	[hbm4b:s12+s3] =	stream.linear.scatter [tilespmem:s23], [sflag:$0x8], $0x4000, $0x38;
	[tilespmem:$0x10C00] =	vst v63  }
0x39: {  	_ =	swait.ge [sflag:s31], $0x4000  }
0x3a: {  	[sflag:s31] =	ssyncset.done $0x0  }
0x3b: {  	s20 =	simm.s32 $0x300;
	[sflag:s31] =	ssyncadd.s32 $0xFFFFC000  }
0x3c: {  	[tilespmem:s21], [sflag:$0x3] =	stream.indirect.gather [hbm4b:s2+s17], $0x80, s20, s17, $0xb8;
	[tilespmem:$0x10C00] =	vst v63  }
0x3d: {  	_ =	swait.ge [sflag:s24], $0x4000  }
0x3e: {  	[sflag:s24] =	ssyncset.done $0x0  }
0x3f: {  	[sflag:s24] =	ssyncadd.s32 $0xFFFFC000  }
0x40: {  	[hbm4b:s15+s3] =	stream.linear.scatter [tilespmem:s18], [sflag:$0x5], $0x4000, $0x38;
	[tilespmem:$0x10C00] =	vst v63  }
0x41: {  	s0 =	simm.s32 $0x800;
	s4 =	sadd.s32 $0x2000, s13;
	_ =	swait.ge [sflag:s1], $0x4000  }
0x42: {  	s5 =	sadd.s32 $0x2000, s14;
	s6 =	sadd.s32 $0x2000, s12;
	[sflag:s1] =	ssyncset.done $0x0  }
0x43: {  	s7 =	simm.s32 $0x380;
	s20 =	sadd.s32 $0x2000, s15;
	[sflag:s1] =	ssyncadd.s32 $0xFFFFC000  }
.LBB2_2:
0x44: {  	[tilespmem:s23], [sflag:$0x4] =	stream.indirect.gather [hbm4b:s2+s17], $0x80, s7, s17, $0xb8;
	[tilespmem:$0x10C00] =	vst v63  }
0x45: {  	s7 =	smov.u32 s0  }
0x46: {  	p0 =	sne.s32 s0, $0x1800;
	s0 =	sadd.s32 $0x800, s0;
	_ =	swait.ge [sflag:s25], $0x4000  }
0x47: {  	[sflag:s25] =	ssyncset.done $0x0  }
0x48: {  	[sflag:s25] =	ssyncadd.s32 $0xFFFFC000  }
0x49: {  	[hbm4b:s5+s3] =	stream.linear.scatter [tilespmem:s19], [sflag:$0x6], $0x4000, $0x38;
	[tilespmem:$0x10C00] =	vst v63  }
0x4a: {  	_ =	swait.ge [sflag:s26], $0x4000  }
0x4b: {  	s7 =	sshra.s32 s7, $0x2;
	[sflag:s26] =	ssyncset.done $0x0  }
0x4c: {  	s8 =	sadd.s32 $0x200, s7;
	[sflag:s26] =	ssyncadd.s32 $0xFFFFC000  }
0x4d: {  	[tilespmem:s18], [sflag:$0x1] =	stream.indirect.gather [hbm4b:s2+s17], $0x80, s8, s17, $0xb8;
	[tilespmem:$0x10C00] =	vst v63  }
0x4e: {  	_ =	swait.ge [sflag:s28], $0x4000  }
0x4f: {  	[sflag:s28] =	ssyncset.done $0x0  }
0x50: {  	[sflag:s28] =	ssyncadd.s32 $0xFFFFC000  }
0x51: {  	[hbm4b:s4+s3] =	stream.linear.scatter [tilespmem:s21], [sflag:$0x7], $0x4000, $0x38;
	[tilespmem:$0x10C00] =	vst v63  }
0x52: {  	_ =	swait.ge [sflag:s29], $0x4000  }
0x53: {  	[sflag:s29] =	ssyncset.done $0x0  }
0x54: {  	s8 =	sadd.s32 $0x280, s7;
	[sflag:s29] =	ssyncadd.s32 $0xFFFFC000  }
0x55: {  	[tilespmem:s19], [sflag:$0x2] =	stream.indirect.gather [hbm4b:s2+s17], $0x80, s8, s17, $0xb8;
	[tilespmem:$0x10C00] =	vst v63  }
0x56: {  	_ =	swait.ge [sflag:s30], $0x4000  }
0x57: {  	[sflag:s30] =	ssyncset.done $0x0  }
0x58: {  	[sflag:s30] =	ssyncadd.s32 $0xFFFFC000  }
0x59: {  	[hbm4b:s6+s3] =	stream.linear.scatter [tilespmem:s23], [sflag:$0x8], $0x4000, $0x38;
	[tilespmem:$0x10C00] =	vst v63  }
0x5a: {  	_ =	swait.ge [sflag:s31], $0x4000  }
0x5b: {  	[sflag:s31] =	ssyncset.done $0x0  }
0x5c: {  	s8 =	sadd.s32 $0x300, s7;
	[sflag:s31] =	ssyncadd.s32 $0xFFFFC000  }
0x5d: {  	[tilespmem:s21], [sflag:$0x3] =	stream.indirect.gather [hbm4b:s2+s17], $0x80, s8, s17, $0xb8;
	[tilespmem:$0x10C00] =	vst v63  }
0x5e: {  	_ =	swait.ge [sflag:s24], $0x4000  }
0x5f: {  	[sflag:s24] =	ssyncset.done $0x0  }
.Ltmp0:
0x60: {  	[sflag:s24] =	ssyncadd.s32 $0xFFFFC000;
	(pc) =	sbr.rel @p0 .LBB2_2-.Ltmp0, $4  }
0x61: {  	[hbm4b:s20+s3] =	stream.linear.scatter [tilespmem:s18], [sflag:$0x5], $0x4000, $0x38;
	[tilespmem:$0x10C00] =	vst v63  }
0x62: {  	s20 =	sadd.s32 $0x2000, s20;
	_ =	swait.ge [sflag:s1], $0x4000  }
0x63: {  	s5 =	sadd.s32 $0x2000, s5;
	s4 =	sadd.s32 $0x2000, s4;
	[sflag:s1] =	ssyncset.done $0x0  }
0x64: {  	s7 =	sadd.s32 $0x380, s7;
	s6 =	sadd.s32 $0x2000, s6;
	[sflag:s1] =	ssyncadd.s32 $0xFFFFC000  }
0x65: {  	[tilespmem:s23], [sflag:$0x4] =	stream.indirect.gather [hbm4b:s2+s17], $0x80, s7, s17, $0xb8;
	[tilespmem:$0x10C00] =	vst v63  }
0x66: {  	_ =	swait.ge [sflag:s25], $0x4000  }
0x67: {  	[sflag:s25] =	ssyncset.done $0x0  }
0x68: {  	s0 =	rddreg [dreg:$0x5];
	[sflag:s25] =	ssyncadd.s32 $0xFFFFC000  }
0x69: {  	[hbm4b:s0+s3] =	stream.linear.scatter [tilespmem:s19], [sflag:$0x6], $0x4000, $0x38;
	[tilespmem:$0x10C00] =	vst v63  }
0x6a: {  	_ =	swait.ge [sflag:s26], $0x4000  }
0x6b: {  	[sflag:s26] =	ssyncset.done $0x0  }
0x6c: {  	s6 =	simm.s32 $0xA00;
	[sflag:s26] =	ssyncadd.s32 $0xFFFFC000  }
0x6d: {  	[tilespmem:s18], [sflag:$0x1] =	stream.indirect.gather [hbm4b:s2+s17], $0x80, s6, s17, $0xb8;
	[tilespmem:$0x10C00] =	vst v63  }
0x6e: {  	_ =	swait.ge [sflag:s28], $0x4000  }
0x6f: {  	[sflag:s28] =	ssyncset.done $0x0  }
0x70: {  	s7 =	rddreg [dreg:$0x6];
	[sflag:s28] =	ssyncadd.s32 $0xFFFFC000  }
0x71: {  	[hbm4b:s7+s3] =	stream.linear.scatter [tilespmem:s21], [sflag:$0x7], $0x4000, $0x38;
	[tilespmem:$0x10C00] =	vst v63  }
0x72: {  	_ =	swait.ge [sflag:s29], $0x4000  }
0x73: {  	[sflag:s29] =	ssyncset.done $0x0  }
0x74: {  	s8 =	simm.s32 $0xA80;
	[sflag:s29] =	ssyncadd.s32 $0xFFFFC000  }
0x75: {  	[tilespmem:s19], [sflag:$0x2] =	stream.indirect.gather [hbm4b:s2+s17], $0x80, s8, s17, $0xb8;
	[tilespmem:$0x10C00] =	vst v63  }
0x76: {  	_ =	swait.ge [sflag:s30], $0x4000  }
0x77: {  	[sflag:s30] =	ssyncset.done $0x0  }
0x78: {  	s20 =	rddreg [dreg:$0x7];
	[sflag:s30] =	ssyncadd.s32 $0xFFFFC000  }
0x79: {  	[hbm4b:s20+s3] =	stream.linear.scatter [tilespmem:s23], [sflag:$0x8], $0x4000, $0x38;
	[tilespmem:$0x10C00] =	vst v63  }
0x7a: {  	_ =	swait.ge [sflag:s31], $0x4000  }
0x7b: {  	[sflag:s31] =	ssyncset.done $0x0  }
0x7c: {  	[sflag:s31] =	ssyncadd.s32 $0xFFFFC000  }
0x7d: {  	_ =	swait.ge [sflag:s24], $0x4000  }
0x7e: {  	[sflag:s24] =	ssyncset.done $0x0  }
0x7f: {  	[sflag:s24] =	ssyncadd.s32 $0xFFFFC000  }
0x80: {  	[hbm4b:s9+s3] =	stream.linear.scatter [tilespmem:s18], [sflag:$0x5], $0x4000, $0x38;
	[tilespmem:$0x10C00] =	vst v63  }
0x81: {  	_ =	swait.ge [sflag:s1], $0x4000  }
0x82: {  	[sflag:s1] =	ssyncset.done $0x0  }
0x83: {  	[sflag:s1] =	ssyncadd.s32 $0xFFFFC000  }
0x84: {  	_ =	swait.ge [sflag:s25], $0x4000  }
0x85: {  	[sflag:s25] =	ssyncset.done $0x0  }
0x86: {  	s22 =	sadd.s32 $0x1, s22;
	[sflag:s25] =	ssyncadd.s32 $0xFFFFC000  }
0x87: {  	[hbm4b:s10+s3] =	stream.linear.scatter [tilespmem:s19], [sflag:$0x6], $0x4000, $0x38;
	[tilespmem:$0x10C00] =	vst v63  }
0x88: {  	p0 =	sne.s32 s22, s11;
	_ =	swait.ge [sflag:s26], $0x4000  }
.Ltmp1:
0x89: {  	[sflag:s26] =	ssyncset.done $0x0;
	(pc) =	sbr.rel @p0 .LBB2_1-.Ltmp1, $4  }
0x8a: {  	[sflag:s26] =	ssyncadd.s32 $0xFFFFC000  }
0x8b: {  	_ =	swait.ge [sflag:s29], $0x4000  }
0x8c: {  	[sflag:s29] =	ssyncset.done $0x0  }
0x8d: {  	[sflag:s29] =	ssyncadd.s32 $0xFFFFC000  }
0x8e: {  	_ =	sfence.sel $0x180000  }
0x8f: {  	[bflag:$0x0] =	sbarrier.arrive $0xFFFF  }
0x90: {  	_ =	strace $0x9000004D  }
0x91: {  	s0 =	stileid.u32;
	[bflag:$0x2] =	sbarrier.arrive $0xFFFF  }
0x92: {  	p0 =	sne.s32 s0, $0x0;
	s0 =	rddreg [dreg:$0x2]  }
0x93: {  	s0 =	sadd.s32 @!p0 $0x100000, s0  }
0x94: {  	[sflag:s0] =	ssyncadd.tile.s32 @!p0 $0x1;
	_ =	shalt  }
.Lfunc_end2:
_tile_overlayer_lowered:
.L_overlay_start_2:
0x95: {  	(tag) =	ssettag $0x2  }
0x96: {  	s0 =	rddreg [dreg:$0x0];
	s2 =	stileid.u32  }
0x97: {  	s1 =	rddreg [dreg:$0x1];
	p0 =	sne.s32 s2, $0x0  }
0x98: {  	s3 =	rddreg [dreg:$0x2];
	[bflag:$0x3] =	sbarrier.arrive $0xFFFF;
	s2 =	simm.s32 @!p0 $0x1C09  }
0x99: {  	[timem:s3], [sflag:s2] =	dma.local @!p0 [hbm:s0], s1  }
0x9a: {  	s0 =	simm.s32 @!p0 $0x9  }
0x9b: {  	_ =	swait.ge @!p0 [sflag:s0], s1  }
0x9c: {  	s1 =	ssub.s32 @!p0 $0x0, s1;
	[sflag:s0] =	ssyncset.done @!p0 $0x0  }
0x9d: {  	[sflag:s0] =	ssyncadd.s32 @!p0 s1  }
0x9e: {  	[bflag:$0x3] =	sbarrier.arrive $0xFFFF  }
0x9f: {  	_ =	shalt  }

// kernel: kernel.21.cloned.1.call-start
scs
__scs_entry_jumppad:
0x0: {  	(pc) =	sbr.rel $0x88, $3  }
0x1: {  	(tag) =	ssettag $0x0;
	lr =	simm.s32 $0x1  }
0x2: {  	[smem:$0x3F9D] =	sst lr;
	_ =	strace $0xD0000000  }
0x3: {  	_ = 	snop  }
0x4: {  	_ = 	snop  }
0x5: {  	_ = 	snop  }
0x6: {  	_ = 	snop  }
0x7: {  	_ = 	snop  }
__scs_overlays_trampoline_lowered:
0x8: {  	[smem:$0x3FAC] =	sst s0  }
0x9: {  	[smem:$0x3FAD] =	sst s1  }
0xa: {  	[smem:$0x3FAE] =	sst s2  }
0xb: {  	[smem:$0x3FAF] =	sst s3  }
0xc: {  	[smem:$0x3FB0] =	sst s4  }
0xd: {  	[smem:$0x3FB1] =	sst s5  }
0xe: {  	[smem:$0x3FB2] =	sst s6  }
0xf: {  	[smem:$0x3FB3] =	sst s7  }
0x10: {  	[smem:$0x3FB4] =	sst s8  }
0x11: {  	[smem:$0x3FB5] =	sst s9;
	s0 =	simm.s32 @!p0 $0x0  }
0x12: {  	s1 =	sld [smem:$0x3F9B];
	s0 =	simm.s32 @p0 $0x1  }
0x13: {  	[smem:$0x3FB6] =	sst s0;
	s0 =	simm.s32 @!p1 $0x0  }
0x14: {  	s2 =	sld [smem:$0x3F9A];
	s0 =	simm.s32 @p1 $0x1  }
0x15: {  	[smem:$0x3FB7] =	sst s0;
	s0 =	simm.s32 @!p2 $0x0  }
0x16: {  	s3 =	sld [smem:$0x3FDB];
	s0 =	simm.s32 @p2 $0x1  }
0x17: {  	s4 =	simm.s32 $0x1BF5;
	[smem:$0x3FB9] =	sst s0  }
0x18: {  	s0 =	sld [smem:$0x3F9C];
	_ =	swait.ge [sflag:s4], $0x0  }
0x19: {  	s7 =	sld [smem:$0x3F9D]  }
0x1a: {  	s8 =	sadd.s32 $0xFFFFE003, lr  }
0x1b: {  	s9 =	sadd.s32 $0xFFFFFEF7, lr;
	s5 =	simm.s32 $0xFFFFFFFF;
	p2 =	slt.u32 s8, $0xFFFFF086  }
0x1c: {  	p1 =	slt.u32 s9, $0xF7A;
	s5 =	simm.s32 @!p2 $0x0  }
0x1d: {  	s5 =	simm.s32 @p1 $0x1;
	p0 =	seq.s32 s7, s2  }
0x1e: {  	s7 =	smul.u32 @!p0 $0xF7A, s2;
	p2 =	seq.s32 @!p0 s5, $0x0  }
0x1f: {  	s9 =	smul.u32 $0xF7A, s1;
	s8 =	simm.s32 @!p0 $0x1BF5;
	p2 =	por !p2, p0  }
0x20: {  	[sflag:s8] =	ssyncset.s32 @!p0 $0xFFFFF086;
	s6 =	sadd.s32 @!p0 s3, s7;
	s7 =	simm.s32 @!p0 $0x108  }
0x21: {  	s3 =	sadd.s32 s3, s9;
	s6 =	sadd.s32 @!p0 $0x88, s6;
	s7 =	simm.s32 @p2 $0x1082  }
0x22: {  	[simem:s7], [sflag:s8] =	dma.local @!p0 [hbm:s6], $0xF7A  }
0x23: {  	s9 =	sor.u32 $0xD0000000, s2;
	s6 =	simm.s32 $0x108;
	_ =	swait.ge @!p0 [sflag:s8], $0x0  }
0x24: {  	s3 =	sadd.s32 $0x88, s3;
	s6 =	simm.s32 @!p1 $0x1082;
	[sflag:s4] =	ssyncset.s32 $0xFFFFF086  }
0x25: {  	[simem:s6], [sflag:s4] =	dma.local [hbm:s3], $0xF7A  }
0x26: {  	[smem:$0x3F9D] =	sst s1;
	(tag) =	ssettag s2;
	_ =	strace s9  }
0x27: {  	s1 =	sld [smem:$0x3FAD]  }
0x28: {  	s2 =	sld [smem:$0x3FAE]  }
0x29: {  	s4 =	sld [smem:$0x3FB0]  }
0x2a: {  	p0 =	seq.s32 s5, $0x0;
	s5 =	sld [smem:$0x3FB1]  }
0x2b: {  	s6 =	sld [smem:$0x3FB2]  }
0x2c: {  	s7 =	sld [smem:$0x3FB3]  }
0x2d: {  	s3 =	simm.s32 $0x108;
	s8 =	sld [smem:$0x3FB4]  }
0x2e: {  	s3 =	simm.s32 @!p0 $0x1082;
	s9 =	sld [smem:$0x3FB5]  }
0x2f: {  	lr =	sadd.s32 s0, s3;
	s0 =	sld [smem:$0x3FAC]  }
0x30: {  	s3 =	sld [smem:$0x3FAF]  }
0x31: {  	[smem:$0x3FB8] =	sst s10  }
0x32: {  	s10 =	sld [smem:$0x3FB6];
	_ =	sdelay $0x3  }
0x33: {  	p0 =	seq.s32 s10, $0x1;
	s10 =	sld [smem:$0x3FB8];
	_ =	sdelay $0x3  }
0x34: {  	[smem:$0x3FB8] =	sst s10  }
0x35: {  	s10 =	sld [smem:$0x3FB7];
	_ =	sdelay $0x3  }
0x36: {  	p1 =	seq.s32 s10, $0x1;
	s10 =	sld [smem:$0x3FB8];
	_ =	sdelay $0x3  }
0x37: {  	[smem:$0x3FB8] =	sst s10  }
0x38: {  	s10 =	sld [smem:$0x3FB9]  }
0x39: {  	_ = 	snop;
	(pc) =	sbr.ind lr, $3  }
0x3a: {  	_ = 	snop  }
0x3b: {  	_ = 	snop  }
0x3c: {  	p2 =	seq.s32 s10, $0x1;
	s10 =	sld [smem:$0x3FB8]  }
0x3d: {  	_ =	shalt  }
0x3e: {  	_ =	shalt  }
0x3f: {  	_ =	shalt  }
0x40: {  	_ =	shalt  }
0x41: {  	_ =	shalt  }
0x42: {  	_ =	shalt  }
0x43: {  	_ =	shalt  }
0x44: {  	_ =	shalt  }
0x45: {  	_ =	shalt  }
0x46: {  	_ =	shalt  }
0x47: {  	_ =	shalt  }
0x48: {  	_ =	shalt  }
0x49: {  	_ =	shalt  }
0x4a: {  	_ =	shalt  }
0x4b: {  	_ =	shalt  }
0x4c: {  	_ =	shalt  }
0x4d: {  	_ =	shalt  }
0x4e: {  	_ =	shalt  }
0x4f: {  	_ =	shalt  }
0x50: {  	_ =	shalt  }
0x51: {  	_ =	shalt  }
0x52: {  	_ =	shalt  }
0x53: {  	_ =	shalt  }
0x54: {  	_ =	shalt  }
0x55: {  	_ =	shalt  }
0x56: {  	_ =	shalt  }
0x57: {  	_ =	shalt  }
0x58: {  	_ =	shalt  }
0x59: {  	_ =	shalt  }
0x5a: {  	_ =	shalt  }
0x5b: {  	_ =	shalt  }
0x5c: {  	_ =	shalt  }
0x5d: {  	_ =	shalt  }
0x5e: {  	_ =	shalt  }
0x5f: {  	_ =	shalt  }
0x60: {  	_ =	shalt  }
0x61: {  	_ =	shalt  }
0x62: {  	_ =	shalt  }
0x63: {  	_ =	shalt  }
0x64: {  	_ =	shalt  }
0x65: {  	_ =	shalt  }
0x66: {  	_ =	shalt  }
0x67: {  	_ =	shalt  }
0x68: {  	_ =	shalt  }
0x69: {  	_ =	shalt  }
0x6a: {  	_ =	shalt  }
0x6b: {  	_ =	shalt  }
0x6c: {  	_ =	shalt  }
0x6d: {  	_ =	shalt  }
0x6e: {  	_ =	shalt  }
0x6f: {  	_ =	shalt  }
0x70: {  	_ =	shalt  }
0x71: {  	_ =	shalt  }
0x72: {  	_ =	shalt  }
0x73: {  	_ =	shalt  }
0x74: {  	_ =	shalt  }
0x75: {  	_ =	shalt  }
0x76: {  	_ =	shalt  }
0x77: {  	_ =	shalt  }
0x78: {  	_ =	shalt  }
0x79: {  	_ =	shalt  }
0x7a: {  	_ =	shalt  }
0x7b: {  	_ =	shalt  }
0x7c: {  	_ =	shalt  }
0x7d: {  	_ =	shalt  }
0x7e: {  	_ =	shalt  }
0x7f: {  	_ =	shalt  }
0x80: {  	_ =	shalt  }
0x81: {  	_ =	shalt  }
0x82: {  	_ =	shalt  }
0x83: {  	_ =	shalt  }
0x84: {  	_ =	shalt  }
0x85: {  	_ =	shalt  }
0x86: {  	_ =	shalt  }
0x87: {  	_ =	shalt  }
.Lfunc_end0:
.L_simem_size_0:
called_computation.3_lowered:
.L_overlay_start_0:
0x88: {  	s2 =	sld [smem:$0x3FD9]  }
0x89: {  	s3 =	sld [smem:$0x3FFE];
	_ =	sdelay $0x1  }
0x8a: {  	s1 =	srdreg.scid  }
0x8b: {  	s0 =	sand.u32 $0x1, s1  }
0x8c: {  	s17 =	sshll.u32 s0, $0xA;
	s2 =	sadd.s32 s3, s2  }
0x8d: {  	s2 =	sadd.s32 s2, s17  }
0x8e: {  	[smem:$0x3FC4] =	sst s2  }
0x8f: {  	_ = 	snop  }
0x90: {  	s18 =	sld [smem:$0x3FC9];
	(tm) =	ssettm $0x1  }
0x91: {  	s19 =	sld [smem:$0x3FFB];
	_ =	sdelay $0x3  }
0x92: {  	_ =	strace s19  }
0x93: {  	s2 =	sld [smem:$0x3FFC];
	_ =	sdelay $0x3  }
0x94: {  	_ =	strace s2  }
0x95: {  	s2 =	sld [smem:$0x3FFD];
	_ =	sdelay $0x3  }
0x96: {  	_ =	strace s2  }
0x97: {  	_ =	strace $0x8FFFFFFF  }
0x98: {  	s20 =	sld [smem:$0x3FDB];
	_ =	sdelay $0x1  }
0x99: {  	s4 =	simm.s32 $_scs_section_size  }
0x9a: {  	s5 =	simm.s32 $_size__tile_overlayer_lowered;
	s6 =	simm.s32 $_tile_overlayer_lowered  }
0x9b: {  	s7 =	simm.s32 $0x1BFF;
	s21 =	sshll.u32 s6, $0x1;
	s4 =	sadd.s32 s4, s20  }
0x9c: {  	s22 =	simm.s32 $0x0;
	s5 =	sshll.u32 s5, $0x1;
	s6 =	sadd.s32 s21, s4  }
0x9d: {  	[timem:s22], [sflag:s7] =	dma.local [hbm:s6], s5  }
0x9e: {  	_ =	swait.ge [sflag:s7], s5  }
0x9f: {  	s5 =	ssub.s32 $0x0, s5;
	[sflag:s7] =	ssyncset.done $0x0  }
0xa0: {  	[sflag:s7] =	ssyncadd.s32 s5;
	_ =	sdelay $0x1  }
0xa1: {  	s23 =	simm.s32 $0x1B8B  }
0xa2: {  	_ =	swait.ge [sflag:s23], $0x1  }
0xa3: {  	[sflag:s23] =	ssyncset.done $0x0  }
0xa4: {  	[sflag:s23] =	ssyncadd.s32 $0xFFFFFFFF  }
0xa5: {  	s5 =	sld [smem:$0x0]  }
0xa6: {  	s6 =	sand.u32 $0xFFFFFFFE, s1  }
0xa7: {  	p0 =	sne.s32 s1, s6  }
0xa8: {  	s6 =	sshll.u32 @p0 s6, $0xE  }
0xa9: {  	s6 =	sadd.s32 @p0 $0x11B8D, s6;
	s7 =	sshll.u32 @p0 s5, $0x11  }
0xaa: {  	s6 =	sor.u32 @p0 s7, s6  }
0xab: {  	[sflag:s6] =	ssyncadd.remote.s32 @p0 $0x1;
	_ =	sdelay $0x1  }
0xac: {  	s6 =	simm.s32 @p0 $0x1B8D  }
0xad: {  	_ =	swait.eq @p0 [sflag:s6], $0x1  }
0xae: {  	[sflag:s6] =	ssyncadd.s32 @p0 $0xFFFFFFFF  }
0xaf: {  	s7 =	sshll.u32 @!p0 s1, $0xE  }
0xb0: {  	s7 =	sor.u32 @!p0 $0x4000, s7;
	s6 =	simm.s32 @!p0 $0x1B8D  }
0xb1: {  	s5 =	sshll.u32 @!p0 s5, $0x11;
	s7 =	sadd.s32 @!p0 $0x11B8D, s7;
	_ =	swait.eq @!p0 [sflag:s6], $0x1  }
0xb2: {  	s5 =	sor.u32 @!p0 s5, s7;
	[sflag:s6] =	ssyncadd.s32 @!p0 $0xFFFFFFFF  }
0xb3: {  	s25 =	simm.s32 $0x1B8E;
	s24 =	sld [smem:$0x3FFE];
	[sflag:s5] =	ssyncadd.remote.s32 @!p0 $0x1  }
0xb4: {  	s26 =	simm.s32 $execute0_lowered;
	[smem:$0x3FD2] =	sst s25  }
0xb5: {  	s6 =	sshll.u32 s26, $0x1;
	_ =	strace $0x8000004F;
	[dreg:$0x1] =	wrdreg $0xFFFFFFFF  }
0xb6: {  	s28 =	simm.s32 $_size_execute0_lowered;
	s4 =	sadd.s32 s4, s6;
	[dreg:$0x0] =	wrdreg $0x0  }
0xb7: {  	s6 =	sshll.u32 s28, $0x1;
	[dreg:$0x2] =	wrdreg s4  }
0xb8: {  	[dreg:$0x3] =	wrdreg s6  }
0xb9: {  	[dreg:$0x4] =	wrdreg $0xC0  }
0xba: {  	_ =	task [dreg:s22], $0x5FFFF  }
0xbb: {  	[dreg:$0x1] =	wrdreg $0xFFFFFFFF  }
0xbc: {  	[dreg:$0x0] =	wrdreg $0x60  }
0xbd: {  	[dreg:$0x2] =	wrdreg s18  }
0xbe: {  	[dreg:$0x3] =	wrdreg s24  }
0xbf: {  	[dreg:$0x4] =	wrdreg $0xC  }
0xc0: {  	_ =	task.clear_ibuf [dreg:s22], $0x5FFFF;
	_ =	strace $0x9000004F  }
0xc1: {  	s29 =	simm.s32 $0xC;
	_ =	strace $0x80000051  }
0xc2: {  	_ =	swait.ge [sflag:s29], $0x1  }
0xc3: {  	[sflag:s29] =	ssyncadd.s32 $0xFFFFFFFF  }
0xc4: {  	_ =	strace $0x90000051  }
0xc5: {  	_ =	sfence  }
0xc6: {  	s30 =	sld [smem:$0x0];
	_ =	sdelay $0x2  }
0xc7: {  	s31 =	sshll.u32 s1, $0xD;
	s1 =	sshrl.u32 s1, $0x2  }
0xc8: {  	s4 =	sand.u32 $0x4000, s31;
	s1 =	sadd.s32 s1, s30  }
0xc9: {  	s0 =	sor.u32 s4, s0;
	s1 =	sshll.u32 s1, $0x11  }
0xca: {  	s0 =	sor.u32 s1, s0  }
0xcb: {  	s0 =	sadd.s32 $0x8F2B, s0  }
0xcc: {  	[sflag:s0] =	ssyncadd.remote.s32 $0x1  }
0xcd: {  	_ =	sfence.sel $0xFFFF  }
0xce: {  	[dreg:$0x0] =	wrdreg $0xFFFFFFFF;
	(pc) =	sbr.abs _section_cstart, $3  }
0xcf: {  	[dreg:$0x1] =	wrdreg $0xFFFFFFFF  }
0xd0: {  	_ =	task.clear_ibuf [dreg:s22], $0x2FFFF;
	_ =	strace $0x9FFFFFFF  }
0xd1: {  	(tm) =	ssettm $0x7FFFFFFF  }
tec
execute0_lowered:
.L_overlay_start_1:
0x0: {  	(tag) =	ssettag $0x1  }
0x1: {  	s0 =	srdreg.scid  }
0x2: {  	s8 =	stileid.u32;
	s2 =	rddreg [dreg:$0x0]  }
0x3: {  	s4 =	rddreg [dreg:$0x1];
	s3 =	simm.s32 $0x0;
	s16 =	simm.s32 $0x9  }
0x4: {  	s17 =	simm.s32 $0x80;
	s18 =	simm.s32 $0xC00;
	s19 =	simm.s32 $0x4C00  }
0x5: {  	s21 =	simm.s32 $0x8C00;
	s28 =	simm.s32 $0x3;
	s29 =	simm.s32 $0x6  }
0x6: {  	s0 =	sand.u32 $0x1, s0;
	s1 =	sshll.u32 s8, $0x1;
	s8 =	smul.u32 $0x2C, s8  }
0x7: {  	s1 =	sor.u32 s0, s1;
	s7 =	ssub.s32 $0x2, s0;
	s0 =	smul.u32 $0x16, s0  }
0x8: {  	s30 =	simm.s32 $0x4;
	s31 =	simm.s32 $0x7;
	s5 =	smul.u32 $0x180, s1  }
0x9: {  	s22 =	simm.s32 $0x0;
	[smem:$0x7FF] =	sst s3;
	s6 =	smul.u32 $0xB000, s1  }
0xa: {  	_ =	strace $0x80000050;
	s1 =	smul.u32 $0x58000, s1;
	s9 =	sshrl.u32 s7, $0x1  }
0xb: {  	s7 =	ssub.s32 s7, s9;
	s0 =	sadd.s32 s0, s8;
	s5 =	sadd.s32 s5, s4  }
0xc: {  	s4 =	sadd.s32 $0x432E00, s4;
	s1 =	sshrl.u32 s1, $0x3;
	s0 =	sshll.u32 s0, $0xB  }
0xd: {  	s11 =	smax.u32 s7, $0x1;
	s5 =	sadd.s32 $0x42FE00, s5;
	s1 =	sadd.s32 s4, s1  }
0xe: {  	s23 =	sadd.s32 s4, s6;
	s0 =	sadd.s32 s0, s4;
	[dreg:$0x3] =	wrdreg s5  }
0xf: {  	[dreg:$0x4] =	wrdreg s23;
	s24 =	sadd.s32 $0x8800, s1;
	s25 =	sadd.s32 $0x9000, s1  }
0x10: {  	s26 =	sadd.s32 $0x9800, s1;
	s9 =	sadd.s32 $0xA000, s1;
	s10 =	sadd.s32 $0xA800, s1  }
0x11: {  	s12 =	sadd.s32 $0x1800, s0;
	s13 =	sadd.s32 $0x1000, s0;
	[dreg:$0x5] =	wrdreg s24  }
0x12: {  	s14 =	sadd.s32 $0x800, s0;
	s15 =	sadd.s32 $0x2000, s0;
	[dreg:$0x6] =	wrdreg s25  }
0x13: {  	s23 =	simm.s32 $0xCC00;
	s1 =	simm.s32 $0x8;
	[dreg:$0x7] =	wrdreg s26  }
0x14: {  	s24 =	simm.s32 $0x1;
	s25 =	simm.s32 $0x2;
	s26 =	simm.s32 $0x5  }
.LBB2_1:
0x15: {  	s0 =	rddreg [dreg:$0x3]  }
0x16: {  	[tilespmem:s3], [sflag:$0x9] =	stream.linear.gather [hbm4b:s0+s3], $0xB00, $0x38;
	[tilespmem:$0x10C00] =	vst v63  }
0x17: {  	_ =	swait.ge [sflag:s16], $0xB00  }
0x18: {  	[sflag:s16] =	ssyncset.done $0x0  }
0x19: {  	[sflag:s16] =	ssyncadd.s32 $0xFFFFF500  }
0x1a: {  	[tilespmem:s18], [sflag:$0x1] =	stream.indirect.gather [hbm4b:s2+s17], $0x80, s3, s17, $0xb8;
	[tilespmem:$0x10C00] =	vst v63  }
0x1b: {  	_ = 	snop  }
0x1c: {  	[tilespmem:s19], [sflag:$0x2] =	stream.indirect.gather [hbm4b:s2+s17], $0x80, s17, s17, $0xb8;
	[tilespmem:$0x10C00] =	vst v63  }
0x1d: {  	s4 =	simm.s32 $0x100  }
0x1e: {  	[tilespmem:s21], [sflag:$0x3] =	stream.indirect.gather [hbm4b:s2+s17], $0x80, s4, s17, $0xb8;
	[tilespmem:$0x10C00] =	vst v63  }
0x1f: {  	s5 =	simm.s32 $0x180  }
0x20: {  	[tilespmem:s23], [sflag:$0x4] =	stream.indirect.gather [hbm4b:s2+s17], $0x80, s5, s17, $0xb8;
	[tilespmem:$0x10C00] =	vst v63  }
0x21: {  	_ =	swait.ge [sflag:s24], $0x4000  }
0x22: {  	[sflag:s24] =	ssyncset.done $0x0  }
0x23: {  	s6 =	rddreg [dreg:$0x4];
	[sflag:s24] =	ssyncadd.s32 $0xFFFFC000  }
0x24: {  	[hbm4b:s6+s3] =	stream.linear.scatter [tilespmem:s18], [sflag:$0x5], $0x4000, $0x38;
	[tilespmem:$0x10C00] =	vst v63  }
0x25: {  	_ =	swait.ge [sflag:s25], $0x4000  }
0x26: {  	[sflag:s25] =	ssyncset.done $0x0  }
0x27: {  	[sflag:s25] =	ssyncadd.s32 $0xFFFFC000  }
0x28: {  	[hbm4b:s14+s3] =	stream.linear.scatter [tilespmem:s19], [sflag:$0x6], $0x4000, $0x38;
	[tilespmem:$0x10C00] =	vst v63  }
0x29: {  	_ =	swait.ge [sflag:s26], $0x4000  }
0x2a: {  	[sflag:s26] =	ssyncset.done $0x0  }
0x2b: {  	s7 =	simm.s32 $0x200;
	[sflag:s26] =	ssyncadd.s32 $0xFFFFC000  }
0x2c: {  	[tilespmem:s18], [sflag:$0x1] =	stream.indirect.gather [hbm4b:s2+s17], $0x80, s7, s17, $0xb8;
	[tilespmem:$0x10C00] =	vst v63  }
0x2d: {  	_ =	swait.ge [sflag:s28], $0x4000  }
0x2e: {  	[sflag:s28] =	ssyncset.done $0x0  }
0x2f: {  	[sflag:s28] =	ssyncadd.s32 $0xFFFFC000  }
0x30: {  	[hbm4b:s13+s3] =	stream.linear.scatter [tilespmem:s21], [sflag:$0x7], $0x4000, $0x38;
	[tilespmem:$0x10C00] =	vst v63  }
0x31: {  	_ =	swait.ge [sflag:s29], $0x4000  }
0x32: {  	[sflag:s29] =	ssyncset.done $0x0  }
0x33: {  	s8 =	simm.s32 $0x280;
	[sflag:s29] =	ssyncadd.s32 $0xFFFFC000  }
0x34: {  	[tilespmem:s19], [sflag:$0x2] =	stream.indirect.gather [hbm4b:s2+s17], $0x80, s8, s17, $0xb8;
	[tilespmem:$0x10C00] =	vst v63  }
0x35: {  	_ =	swait.ge [sflag:s30], $0x4000  }
0x36: {  	[sflag:s30] =	ssyncset.done $0x0  }
0x37: {  	[sflag:s30] =	ssyncadd.s32 $0xFFFFC000  }
0x38: {  	[hbm4b:s12+s3] =	stream.linear.scatter [tilespmem:s23], [sflag:$0x8], $0x4000, $0x38;
	[tilespmem:$0x10C00] =	vst v63  }
0x39: {  	_ =	swait.ge [sflag:s31], $0x4000  }
0x3a: {  	[sflag:s31] =	ssyncset.done $0x0  }
0x3b: {  	s20 =	simm.s32 $0x300;
	[sflag:s31] =	ssyncadd.s32 $0xFFFFC000  }
0x3c: {  	[tilespmem:s21], [sflag:$0x3] =	stream.indirect.gather [hbm4b:s2+s17], $0x80, s20, s17, $0xb8;
	[tilespmem:$0x10C00] =	vst v63  }
0x3d: {  	_ =	swait.ge [sflag:s24], $0x4000  }
0x3e: {  	[sflag:s24] =	ssyncset.done $0x0  }
0x3f: {  	[sflag:s24] =	ssyncadd.s32 $0xFFFFC000  }
0x40: {  	[hbm4b:s15+s3] =	stream.linear.scatter [tilespmem:s18], [sflag:$0x5], $0x4000, $0x38;
	[tilespmem:$0x10C00] =	vst v63  }
0x41: {  	s0 =	simm.s32 $0x800;
	s4 =	sadd.s32 $0x2000, s13;
	_ =	swait.ge [sflag:s1], $0x4000  }
0x42: {  	s5 =	sadd.s32 $0x2000, s14;
	s6 =	sadd.s32 $0x2000, s12;
	[sflag:s1] =	ssyncset.done $0x0  }
0x43: {  	s7 =	simm.s32 $0x380;
	s20 =	sadd.s32 $0x2000, s15;
	[sflag:s1] =	ssyncadd.s32 $0xFFFFC000  }
.LBB2_2:
0x44: {  	[tilespmem:s23], [sflag:$0x4] =	stream.indirect.gather [hbm4b:s2+s17], $0x80, s7, s17, $0xb8;
	[tilespmem:$0x10C00] =	vst v63  }
0x45: {  	s7 =	smov.u32 s0  }
0x46: {  	p0 =	sne.s32 s0, $0x1800;
	s0 =	sadd.s32 $0x800, s0;
	_ =	swait.ge [sflag:s25], $0x4000  }
0x47: {  	[sflag:s25] =	ssyncset.done $0x0  }
0x48: {  	[sflag:s25] =	ssyncadd.s32 $0xFFFFC000  }
0x49: {  	[hbm4b:s5+s3] =	stream.linear.scatter [tilespmem:s19], [sflag:$0x6], $0x4000, $0x38;
	[tilespmem:$0x10C00] =	vst v63  }
0x4a: {  	_ =	swait.ge [sflag:s26], $0x4000  }
0x4b: {  	s7 =	sshra.s32 s7, $0x2;
	[sflag:s26] =	ssyncset.done $0x0  }
0x4c: {  	s8 =	sadd.s32 $0x200, s7;
	[sflag:s26] =	ssyncadd.s32 $0xFFFFC000  }
0x4d: {  	[tilespmem:s18], [sflag:$0x1] =	stream.indirect.gather [hbm4b:s2+s17], $0x80, s8, s17, $0xb8;
	[tilespmem:$0x10C00] =	vst v63  }
0x4e: {  	_ =	swait.ge [sflag:s28], $0x4000  }
0x4f: {  	[sflag:s28] =	ssyncset.done $0x0  }
0x50: {  	[sflag:s28] =	ssyncadd.s32 $0xFFFFC000  }
0x51: {  	[hbm4b:s4+s3] =	stream.linear.scatter [tilespmem:s21], [sflag:$0x7], $0x4000, $0x38;
	[tilespmem:$0x10C00] =	vst v63  }
0x52: {  	_ =	swait.ge [sflag:s29], $0x4000  }
0x53: {  	[sflag:s29] =	ssyncset.done $0x0  }
0x54: {  	s8 =	sadd.s32 $0x280, s7;
	[sflag:s29] =	ssyncadd.s32 $0xFFFFC000  }
0x55: {  	[tilespmem:s19], [sflag:$0x2] =	stream.indirect.gather [hbm4b:s2+s17], $0x80, s8, s17, $0xb8;
	[tilespmem:$0x10C00] =	vst v63  }
0x56: {  	_ =	swait.ge [sflag:s30], $0x4000  }
0x57: {  	[sflag:s30] =	ssyncset.done $0x0  }
0x58: {  	[sflag:s30] =	ssyncadd.s32 $0xFFFFC000  }
0x59: {  	[hbm4b:s6+s3] =	stream.linear.scatter [tilespmem:s23], [sflag:$0x8], $0x4000, $0x38;
	[tilespmem:$0x10C00] =	vst v63  }
0x5a: {  	_ =	swait.ge [sflag:s31], $0x4000  }
0x5b: {  	[sflag:s31] =	ssyncset.done $0x0  }
0x5c: {  	s8 =	sadd.s32 $0x300, s7;
	[sflag:s31] =	ssyncadd.s32 $0xFFFFC000  }
0x5d: {  	[tilespmem:s21], [sflag:$0x3] =	stream.indirect.gather [hbm4b:s2+s17], $0x80, s8, s17, $0xb8;
	[tilespmem:$0x10C00] =	vst v63  }
0x5e: {  	_ =	swait.ge [sflag:s24], $0x4000  }
0x5f: {  	[sflag:s24] =	ssyncset.done $0x0  }
.Ltmp0:
0x60: {  	[sflag:s24] =	ssyncadd.s32 $0xFFFFC000;
	(pc) =	sbr.rel @p0 .LBB2_2-.Ltmp0, $4  }
0x61: {  	[hbm4b:s20+s3] =	stream.linear.scatter [tilespmem:s18], [sflag:$0x5], $0x4000, $0x38;
	[tilespmem:$0x10C00] =	vst v63  }
0x62: {  	s20 =	sadd.s32 $0x2000, s20;
	_ =	swait.ge [sflag:s1], $0x4000  }
0x63: {  	s5 =	sadd.s32 $0x2000, s5;
	s4 =	sadd.s32 $0x2000, s4;
	[sflag:s1] =	ssyncset.done $0x0  }
0x64: {  	s7 =	sadd.s32 $0x380, s7;
	s6 =	sadd.s32 $0x2000, s6;
	[sflag:s1] =	ssyncadd.s32 $0xFFFFC000  }
0x65: {  	[tilespmem:s23], [sflag:$0x4] =	stream.indirect.gather [hbm4b:s2+s17], $0x80, s7, s17, $0xb8;
	[tilespmem:$0x10C00] =	vst v63  }
0x66: {  	_ =	swait.ge [sflag:s25], $0x4000  }
0x67: {  	[sflag:s25] =	ssyncset.done $0x0  }
0x68: {  	s0 =	rddreg [dreg:$0x5];
	[sflag:s25] =	ssyncadd.s32 $0xFFFFC000  }
0x69: {  	[hbm4b:s0+s3] =	stream.linear.scatter [tilespmem:s19], [sflag:$0x6], $0x4000, $0x38;
	[tilespmem:$0x10C00] =	vst v63  }
0x6a: {  	_ =	swait.ge [sflag:s26], $0x4000  }
0x6b: {  	[sflag:s26] =	ssyncset.done $0x0  }
0x6c: {  	s6 =	simm.s32 $0xA00;
	[sflag:s26] =	ssyncadd.s32 $0xFFFFC000  }
0x6d: {  	[tilespmem:s18], [sflag:$0x1] =	stream.indirect.gather [hbm4b:s2+s17], $0x80, s6, s17, $0xb8;
	[tilespmem:$0x10C00] =	vst v63  }
0x6e: {  	_ =	swait.ge [sflag:s28], $0x4000  }
0x6f: {  	[sflag:s28] =	ssyncset.done $0x0  }
0x70: {  	s7 =	rddreg [dreg:$0x6];
	[sflag:s28] =	ssyncadd.s32 $0xFFFFC000  }
0x71: {  	[hbm4b:s7+s3] =	stream.linear.scatter [tilespmem:s21], [sflag:$0x7], $0x4000, $0x38;
	[tilespmem:$0x10C00] =	vst v63  }
0x72: {  	_ =	swait.ge [sflag:s29], $0x4000  }
0x73: {  	[sflag:s29] =	ssyncset.done $0x0  }
0x74: {  	s8 =	simm.s32 $0xA80;
	[sflag:s29] =	ssyncadd.s32 $0xFFFFC000  }
0x75: {  	[tilespmem:s19], [sflag:$0x2] =	stream.indirect.gather [hbm4b:s2+s17], $0x80, s8, s17, $0xb8;
	[tilespmem:$0x10C00] =	vst v63  }
0x76: {  	_ =	swait.ge [sflag:s30], $0x4000  }
0x77: {  	[sflag:s30] =	ssyncset.done $0x0  }
0x78: {  	s20 =	rddreg [dreg:$0x7];
	[sflag:s30] =	ssyncadd.s32 $0xFFFFC000  }
0x79: {  	[hbm4b:s20+s3] =	stream.linear.scatter [tilespmem:s23], [sflag:$0x8], $0x4000, $0x38;
	[tilespmem:$0x10C00] =	vst v63  }
0x7a: {  	_ =	swait.ge [sflag:s31], $0x4000  }
0x7b: {  	[sflag:s31] =	ssyncset.done $0x0  }
0x7c: {  	[sflag:s31] =	ssyncadd.s32 $0xFFFFC000  }
0x7d: {  	_ =	swait.ge [sflag:s24], $0x4000  }
0x7e: {  	[sflag:s24] =	ssyncset.done $0x0  }
0x7f: {  	[sflag:s24] =	ssyncadd.s32 $0xFFFFC000  }
0x80: {  	[hbm4b:s9+s3] =	stream.linear.scatter [tilespmem:s18], [sflag:$0x5], $0x4000, $0x38;
	[tilespmem:$0x10C00] =	vst v63  }
0x81: {  	_ =	swait.ge [sflag:s1], $0x4000  }
0x82: {  	[sflag:s1] =	ssyncset.done $0x0  }
0x83: {  	[sflag:s1] =	ssyncadd.s32 $0xFFFFC000  }
0x84: {  	_ =	swait.ge [sflag:s25], $0x4000  }
0x85: {  	[sflag:s25] =	ssyncset.done $0x0  }
0x86: {  	s22 =	sadd.s32 $0x1, s22;
	[sflag:s25] =	ssyncadd.s32 $0xFFFFC000  }
0x87: {  	[hbm4b:s10+s3] =	stream.linear.scatter [tilespmem:s19], [sflag:$0x6], $0x4000, $0x38;
	[tilespmem:$0x10C00] =	vst v63  }
0x88: {  	p0 =	sne.s32 s22, s11;
	_ =	swait.ge [sflag:s26], $0x4000  }
.Ltmp1:
0x89: {  	[sflag:s26] =	ssyncset.done $0x0;
	(pc) =	sbr.rel @p0 .LBB2_1-.Ltmp1, $4  }
0x8a: {  	[sflag:s26] =	ssyncadd.s32 $0xFFFFC000  }
0x8b: {  	_ =	swait.ge [sflag:s29], $0x4000  }
0x8c: {  	[sflag:s29] =	ssyncset.done $0x0  }
0x8d: {  	[sflag:s29] =	ssyncadd.s32 $0xFFFFC000  }
0x8e: {  	_ =	sfence.sel $0x180000  }
0x8f: {  	[bflag:$0x0] =	sbarrier.arrive $0xFFFF  }
0x90: {  	_ =	strace $0x90000050  }
0x91: {  	s0 =	stileid.u32;
	[bflag:$0x2] =	sbarrier.arrive $0xFFFF  }
0x92: {  	p0 =	sne.s32 s0, $0x0;
	s0 =	rddreg [dreg:$0x2]  }
0x93: {  	s0 =	sadd.s32 @!p0 $0x100000, s0  }
0x94: {  	[sflag:s0] =	ssyncadd.tile.s32 @!p0 $0x1;
	_ =	shalt  }
.Lfunc_end2:
_tile_overlayer_lowered:
.L_overlay_start_2:
0x95: {  	(tag) =	ssettag $0x2  }
0x96: {  	s0 =	rddreg [dreg:$0x0];
	s2 =	stileid.u32  }
0x97: {  	s1 =	rddreg [dreg:$0x1];
	p0 =	sne.s32 s2, $0x0  }
0x98: {  	s3 =	rddreg [dreg:$0x2];
	[bflag:$0x3] =	sbarrier.arrive $0xFFFF;
	s2 =	simm.s32 @!p0 $0x1C09  }
0x99: {  	[timem:s3], [sflag:s2] =	dma.local @!p0 [hbm:s0], s1  }
0x9a: {  	s0 =	simm.s32 @!p0 $0x9  }
0x9b: {  	_ =	swait.ge @!p0 [sflag:s0], s1  }
0x9c: {  	s1 =	ssub.s32 @!p0 $0x0, s1;
	[sflag:s0] =	ssyncset.done @!p0 $0x0  }
0x9d: {  	[sflag:s0] =	ssyncadd.s32 @!p0 s1  }
0x9e: {  	[bflag:$0x3] =	sbarrier.arrive $0xFFFF  }
0x9f: {  	_ =	shalt  }

// kernel: kernel.24.cloned.1.call-start
scs
__scs_entry_jumppad:
0x0: {  	(pc) =	sbr.rel $0x88, $3  }
0x1: {  	(tag) =	ssettag $0x0;
	lr =	simm.s32 $0x1  }
0x2: {  	[smem:$0x3F9D] =	sst lr;
	_ =	strace $0xD0000000  }
0x3: {  	_ = 	snop  }
0x4: {  	_ = 	snop  }
0x5: {  	_ = 	snop  }
0x6: {  	_ = 	snop  }
0x7: {  	_ = 	snop  }
__scs_overlays_trampoline_lowered:
0x8: {  	[smem:$0x3FAC] =	sst s0  }
0x9: {  	[smem:$0x3FAD] =	sst s1  }
0xa: {  	[smem:$0x3FAE] =	sst s2  }
0xb: {  	[smem:$0x3FAF] =	sst s3  }
0xc: {  	[smem:$0x3FB0] =	sst s4  }
0xd: {  	[smem:$0x3FB1] =	sst s5  }
0xe: {  	[smem:$0x3FB2] =	sst s6  }
0xf: {  	[smem:$0x3FB3] =	sst s7  }
0x10: {  	[smem:$0x3FB4] =	sst s8  }
0x11: {  	[smem:$0x3FB5] =	sst s9;
	s0 =	simm.s32 @!p0 $0x0  }
0x12: {  	s1 =	sld [smem:$0x3F9B];
	s0 =	simm.s32 @p0 $0x1  }
0x13: {  	[smem:$0x3FB6] =	sst s0;
	s0 =	simm.s32 @!p1 $0x0  }
0x14: {  	s2 =	sld [smem:$0x3F9A];
	s0 =	simm.s32 @p1 $0x1  }
0x15: {  	[smem:$0x3FB7] =	sst s0;
	s0 =	simm.s32 @!p2 $0x0  }
0x16: {  	s3 =	sld [smem:$0x3FDB];
	s0 =	simm.s32 @p2 $0x1  }
0x17: {  	s4 =	simm.s32 $0x1BF5;
	[smem:$0x3FB9] =	sst s0  }
0x18: {  	s0 =	sld [smem:$0x3F9C];
	_ =	swait.ge [sflag:s4], $0x0  }
0x19: {  	s7 =	sld [smem:$0x3F9D]  }
0x1a: {  	s8 =	sadd.s32 $0xFFFFE003, lr  }
0x1b: {  	s9 =	sadd.s32 $0xFFFFFEF7, lr;
	s5 =	simm.s32 $0xFFFFFFFF;
	p2 =	slt.u32 s8, $0xFFFFF086  }
0x1c: {  	p1 =	slt.u32 s9, $0xF7A;
	s5 =	simm.s32 @!p2 $0x0  }
0x1d: {  	s5 =	simm.s32 @p1 $0x1;
	p0 =	seq.s32 s7, s2  }
0x1e: {  	s7 =	smul.u32 @!p0 $0xF7A, s2;
	p2 =	seq.s32 @!p0 s5, $0x0  }
0x1f: {  	s9 =	smul.u32 $0xF7A, s1;
	s8 =	simm.s32 @!p0 $0x1BF5;
	p2 =	por !p2, p0  }
0x20: {  	[sflag:s8] =	ssyncset.s32 @!p0 $0xFFFFF086;
	s6 =	sadd.s32 @!p0 s3, s7;
	s7 =	simm.s32 @!p0 $0x108  }
0x21: {  	s3 =	sadd.s32 s3, s9;
	s6 =	sadd.s32 @!p0 $0x88, s6;
	s7 =	simm.s32 @p2 $0x1082  }
0x22: {  	[simem:s7], [sflag:s8] =	dma.local @!p0 [hbm:s6], $0xF7A  }
0x23: {  	s9 =	sor.u32 $0xD0000000, s2;
	s6 =	simm.s32 $0x108;
	_ =	swait.ge @!p0 [sflag:s8], $0x0  }
0x24: {  	s3 =	sadd.s32 $0x88, s3;
	s6 =	simm.s32 @!p1 $0x1082;
	[sflag:s4] =	ssyncset.s32 $0xFFFFF086  }
0x25: {  	[simem:s6], [sflag:s4] =	dma.local [hbm:s3], $0xF7A  }
0x26: {  	[smem:$0x3F9D] =	sst s1;
	(tag) =	ssettag s2;
	_ =	strace s9  }
0x27: {  	s1 =	sld [smem:$0x3FAD]  }
0x28: {  	s2 =	sld [smem:$0x3FAE]  }
0x29: {  	s4 =	sld [smem:$0x3FB0]  }
0x2a: {  	p0 =	seq.s32 s5, $0x0;
	s5 =	sld [smem:$0x3FB1]  }
0x2b: {  	s6 =	sld [smem:$0x3FB2]  }
0x2c: {  	s7 =	sld [smem:$0x3FB3]  }
0x2d: {  	s3 =	simm.s32 $0x108;
	s8 =	sld [smem:$0x3FB4]  }
0x2e: {  	s3 =	simm.s32 @!p0 $0x1082;
	s9 =	sld [smem:$0x3FB5]  }
0x2f: {  	lr =	sadd.s32 s0, s3;
	s0 =	sld [smem:$0x3FAC]  }
0x30: {  	s3 =	sld [smem:$0x3FAF]  }
0x31: {  	[smem:$0x3FB8] =	sst s10  }
0x32: {  	s10 =	sld [smem:$0x3FB6];
	_ =	sdelay $0x3  }
0x33: {  	p0 =	seq.s32 s10, $0x1;
	s10 =	sld [smem:$0x3FB8];
	_ =	sdelay $0x3  }
0x34: {  	[smem:$0x3FB8] =	sst s10  }
0x35: {  	s10 =	sld [smem:$0x3FB7];
	_ =	sdelay $0x3  }
0x36: {  	p1 =	seq.s32 s10, $0x1;
	s10 =	sld [smem:$0x3FB8];
	_ =	sdelay $0x3  }
0x37: {  	[smem:$0x3FB8] =	sst s10  }
0x38: {  	s10 =	sld [smem:$0x3FB9]  }
0x39: {  	_ = 	snop;
	(pc) =	sbr.ind lr, $3  }
0x3a: {  	_ = 	snop  }
0x3b: {  	_ = 	snop  }
0x3c: {  	p2 =	seq.s32 s10, $0x1;
	s10 =	sld [smem:$0x3FB8]  }
0x3d: {  	_ =	shalt  }
0x3e: {  	_ =	shalt  }
0x3f: {  	_ =	shalt  }
0x40: {  	_ =	shalt  }
0x41: {  	_ =	shalt  }
0x42: {  	_ =	shalt  }
0x43: {  	_ =	shalt  }
0x44: {  	_ =	shalt  }
0x45: {  	_ =	shalt  }
0x46: {  	_ =	shalt  }
0x47: {  	_ =	shalt  }
0x48: {  	_ =	shalt  }
0x49: {  	_ =	shalt  }
0x4a: {  	_ =	shalt  }
0x4b: {  	_ =	shalt  }
0x4c: {  	_ =	shalt  }
0x4d: {  	_ =	shalt  }
0x4e: {  	_ =	shalt  }
0x4f: {  	_ =	shalt  }
0x50: {  	_ =	shalt  }
0x51: {  	_ =	shalt  }
0x52: {  	_ =	shalt  }
0x53: {  	_ =	shalt  }
0x54: {  	_ =	shalt  }
0x55: {  	_ =	shalt  }
0x56: {  	_ =	shalt  }
0x57: {  	_ =	shalt  }
0x58: {  	_ =	shalt  }
0x59: {  	_ =	shalt  }
0x5a: {  	_ =	shalt  }
0x5b: {  	_ =	shalt  }
0x5c: {  	_ =	shalt  }
0x5d: {  	_ =	shalt  }
0x5e: {  	_ =	shalt  }
0x5f: {  	_ =	shalt  }
0x60: {  	_ =	shalt  }
0x61: {  	_ =	shalt  }
0x62: {  	_ =	shalt  }
0x63: {  	_ =	shalt  }
0x64: {  	_ =	shalt  }
0x65: {  	_ =	shalt  }
0x66: {  	_ =	shalt  }
0x67: {  	_ =	shalt  }
0x68: {  	_ =	shalt  }
0x69: {  	_ =	shalt  }
0x6a: {  	_ =	shalt  }
0x6b: {  	_ =	shalt  }
0x6c: {  	_ =	shalt  }
0x6d: {  	_ =	shalt  }
0x6e: {  	_ =	shalt  }
0x6f: {  	_ =	shalt  }
0x70: {  	_ =	shalt  }
0x71: {  	_ =	shalt  }
0x72: {  	_ =	shalt  }
0x73: {  	_ =	shalt  }
0x74: {  	_ =	shalt  }
0x75: {  	_ =	shalt  }
0x76: {  	_ =	shalt  }
0x77: {  	_ =	shalt  }
0x78: {  	_ =	shalt  }
0x79: {  	_ =	shalt  }
0x7a: {  	_ =	shalt  }
0x7b: {  	_ =	shalt  }
0x7c: {  	_ =	shalt  }
0x7d: {  	_ =	shalt  }
0x7e: {  	_ =	shalt  }
0x7f: {  	_ =	shalt  }
0x80: {  	_ =	shalt  }
0x81: {  	_ =	shalt  }
0x82: {  	_ =	shalt  }
0x83: {  	_ =	shalt  }
0x84: {  	_ =	shalt  }
0x85: {  	_ =	shalt  }
0x86: {  	_ =	shalt  }
0x87: {  	_ =	shalt  }
.Lfunc_end0:
.L_simem_size_0:
called_computation.4_lowered:
.L_overlay_start_0:
0x88: {  	s2 =	sld [smem:$0x3FD9]  }
0x89: {  	s3 =	sld [smem:$0x3FFE];
	_ =	sdelay $0x1  }
0x8a: {  	s1 =	srdreg.scid  }
0x8b: {  	s0 =	sand.u32 $0x1, s1  }
0x8c: {  	s17 =	sshll.u32 s0, $0xA;
	s2 =	sadd.s32 s3, s2  }
0x8d: {  	s2 =	sadd.s32 s2, s17  }
0x8e: {  	[smem:$0x3FC4] =	sst s2  }
0x8f: {  	_ = 	snop  }
0x90: {  	s18 =	sld [smem:$0x3FC9];
	(tm) =	ssettm $0x1  }
0x91: {  	s19 =	sld [smem:$0x3FFB];
	_ =	sdelay $0x3  }
0x92: {  	_ =	strace s19  }
0x93: {  	s2 =	sld [smem:$0x3FFC];
	_ =	sdelay $0x3  }
0x94: {  	_ =	strace s2  }
0x95: {  	s2 =	sld [smem:$0x3FFD];
	_ =	sdelay $0x3  }
0x96: {  	_ =	strace s2  }
0x97: {  	_ =	strace $0x8FFFFFFF  }
0x98: {  	s20 =	sld [smem:$0x3FDB];
	_ =	sdelay $0x1  }
0x99: {  	s4 =	simm.s32 $_scs_section_size  }
0x9a: {  	s5 =	simm.s32 $_size__tile_overlayer_lowered;
	s6 =	simm.s32 $_tile_overlayer_lowered  }
0x9b: {  	s7 =	simm.s32 $0x1BFF;
	s21 =	sshll.u32 s6, $0x1;
	s4 =	sadd.s32 s4, s20  }
0x9c: {  	s22 =	simm.s32 $0x0;
	s5 =	sshll.u32 s5, $0x1;
	s6 =	sadd.s32 s21, s4  }
0x9d: {  	[timem:s22], [sflag:s7] =	dma.local [hbm:s6], s5  }
0x9e: {  	_ =	swait.ge [sflag:s7], s5  }
0x9f: {  	s5 =	ssub.s32 $0x0, s5;
	[sflag:s7] =	ssyncset.done $0x0  }
0xa0: {  	[sflag:s7] =	ssyncadd.s32 s5;
	_ =	sdelay $0x1  }
0xa1: {  	s23 =	simm.s32 $0x1B8B  }
0xa2: {  	_ =	swait.ge [sflag:s23], $0x1  }
0xa3: {  	[sflag:s23] =	ssyncset.done $0x0  }
0xa4: {  	[sflag:s23] =	ssyncadd.s32 $0xFFFFFFFF  }
0xa5: {  	s5 =	sld [smem:$0x0]  }
0xa6: {  	s6 =	sand.u32 $0xFFFFFFFE, s1  }
0xa7: {  	p0 =	sne.s32 s1, s6  }
0xa8: {  	s6 =	sshll.u32 @p0 s6, $0xE  }
0xa9: {  	s6 =	sadd.s32 @p0 $0x11B8D, s6;
	s7 =	sshll.u32 @p0 s5, $0x11  }
0xaa: {  	s6 =	sor.u32 @p0 s7, s6  }
0xab: {  	[sflag:s6] =	ssyncadd.remote.s32 @p0 $0x1;
	_ =	sdelay $0x1  }
0xac: {  	s6 =	simm.s32 @p0 $0x1B8D  }
0xad: {  	_ =	swait.eq @p0 [sflag:s6], $0x1  }
0xae: {  	[sflag:s6] =	ssyncadd.s32 @p0 $0xFFFFFFFF  }
0xaf: {  	s7 =	sshll.u32 @!p0 s1, $0xE  }
0xb0: {  	s7 =	sor.u32 @!p0 $0x4000, s7;
	s6 =	simm.s32 @!p0 $0x1B8D  }
0xb1: {  	s5 =	sshll.u32 @!p0 s5, $0x11;
	s7 =	sadd.s32 @!p0 $0x11B8D, s7;
	_ =	swait.eq @!p0 [sflag:s6], $0x1  }
0xb2: {  	s5 =	sor.u32 @!p0 s5, s7;
	[sflag:s6] =	ssyncadd.s32 @!p0 $0xFFFFFFFF  }
0xb3: {  	s25 =	simm.s32 $0x1B8E;
	s24 =	sld [smem:$0x3FFE];
	[sflag:s5] =	ssyncadd.remote.s32 @!p0 $0x1  }
0xb4: {  	s26 =	simm.s32 $execute0_lowered;
	[smem:$0x3FD2] =	sst s25  }
0xb5: {  	s6 =	sshll.u32 s26, $0x1;
	_ =	strace $0x80000052;
	[dreg:$0x1] =	wrdreg $0xFFFFFFFF  }
0xb6: {  	s28 =	simm.s32 $_size_execute0_lowered;
	s4 =	sadd.s32 s4, s6;
	[dreg:$0x0] =	wrdreg $0x0  }
0xb7: {  	s6 =	sshll.u32 s28, $0x1;
	[dreg:$0x2] =	wrdreg s4  }
0xb8: {  	[dreg:$0x3] =	wrdreg s6  }
0xb9: {  	[dreg:$0x4] =	wrdreg $0xC0  }
0xba: {  	_ =	task [dreg:s22], $0x5FFFF  }
0xbb: {  	[dreg:$0x1] =	wrdreg $0xFFFFFFFF  }
0xbc: {  	[dreg:$0x0] =	wrdreg $0x60  }
0xbd: {  	[dreg:$0x2] =	wrdreg s18  }
0xbe: {  	[dreg:$0x3] =	wrdreg s24  }
0xbf: {  	[dreg:$0x4] =	wrdreg $0xD  }
0xc0: {  	_ =	task.clear_ibuf [dreg:s22], $0x5FFFF;
	_ =	strace $0x90000052  }
0xc1: {  	s29 =	simm.s32 $0xD;
	_ =	strace $0x80000054  }
0xc2: {  	_ =	swait.ge [sflag:s29], $0x1  }
0xc3: {  	[sflag:s29] =	ssyncadd.s32 $0xFFFFFFFF  }
0xc4: {  	_ =	strace $0x90000054  }
0xc5: {  	_ =	sfence  }
0xc6: {  	s30 =	sld [smem:$0x0];
	_ =	sdelay $0x2  }
0xc7: {  	s31 =	sshll.u32 s1, $0xD;
	s1 =	sshrl.u32 s1, $0x2  }
0xc8: {  	s4 =	sand.u32 $0x4000, s31;
	s1 =	sadd.s32 s1, s30  }
0xc9: {  	s0 =	sor.u32 s4, s0;
	s1 =	sshll.u32 s1, $0x11  }
0xca: {  	s0 =	sor.u32 s1, s0  }
0xcb: {  	s0 =	sadd.s32 $0x8F2B, s0  }
0xcc: {  	[sflag:s0] =	ssyncadd.remote.s32 $0x1  }
0xcd: {  	_ =	sfence.sel $0xFFFF  }
0xce: {  	[dreg:$0x0] =	wrdreg $0xFFFFFFFF;
	(pc) =	sbr.abs _section_cstart, $3  }
0xcf: {  	[dreg:$0x1] =	wrdreg $0xFFFFFFFF  }
0xd0: {  	_ =	task.clear_ibuf [dreg:s22], $0x2FFFF;
	_ =	strace $0x9FFFFFFF  }
0xd1: {  	(tm) =	ssettm $0x7FFFFFFF  }
tec
execute0_lowered:
.L_overlay_start_1:
0x0: {  	(tag) =	ssettag $0x1  }
0x1: {  	s0 =	srdreg.scid  }
0x2: {  	s8 =	stileid.u32;
	s2 =	rddreg [dreg:$0x0]  }
0x3: {  	s4 =	rddreg [dreg:$0x1];
	s3 =	simm.s32 $0x0;
	s16 =	simm.s32 $0x9  }
0x4: {  	s17 =	simm.s32 $0x80;
	s18 =	simm.s32 $0xC00;
	s19 =	simm.s32 $0x4C00  }
0x5: {  	s21 =	simm.s32 $0x8C00;
	s28 =	simm.s32 $0x3;
	s29 =	simm.s32 $0x6  }
0x6: {  	s0 =	sand.u32 $0x1, s0;
	s1 =	sshll.u32 s8, $0x1;
	s8 =	smul.u32 $0x2C, s8  }
0x7: {  	s1 =	sor.u32 s0, s1;
	s7 =	ssub.s32 $0x2, s0;
	s0 =	smul.u32 $0x16, s0  }
0x8: {  	s30 =	simm.s32 $0x4;
	s31 =	simm.s32 $0x7;
	s5 =	smul.u32 $0x180, s1  }
0x9: {  	s22 =	simm.s32 $0x0;
	[smem:$0x7FF] =	sst s3;
	s6 =	smul.u32 $0xB000, s1  }
0xa: {  	_ =	strace $0x80000053;
	s1 =	smul.u32 $0x58000, s1;
	s9 =	sshrl.u32 s7, $0x1  }
0xb: {  	s7 =	ssub.s32 s7, s9;
	s0 =	sadd.s32 s0, s8;
	s5 =	sadd.s32 s5, s4  }
0xc: {  	s4 =	sadd.s32 $0x592E00, s4;
	s1 =	sshrl.u32 s1, $0x3;
	s0 =	sshll.u32 s0, $0xB  }
0xd: {  	s11 =	smax.u32 s7, $0x1;
	s5 =	sadd.s32 $0x1E00, s5;
	s1 =	sadd.s32 s4, s1  }
0xe: {  	s23 =	sadd.s32 s4, s6;
	s0 =	sadd.s32 s0, s4;
	[dreg:$0x3] =	wrdreg s5  }
0xf: {  	[dreg:$0x4] =	wrdreg s23;
	s24 =	sadd.s32 $0x8800, s1;
	s25 =	sadd.s32 $0x9000, s1  }
0x10: {  	s26 =	sadd.s32 $0x9800, s1;
	s9 =	sadd.s32 $0xA000, s1;
	s10 =	sadd.s32 $0xA800, s1  }
0x11: {  	s12 =	sadd.s32 $0x1800, s0;
	s13 =	sadd.s32 $0x1000, s0;
	[dreg:$0x5] =	wrdreg s24  }
0x12: {  	s14 =	sadd.s32 $0x800, s0;
	s15 =	sadd.s32 $0x2000, s0;
	[dreg:$0x6] =	wrdreg s25  }
0x13: {  	s23 =	simm.s32 $0xCC00;
	s1 =	simm.s32 $0x8;
	[dreg:$0x7] =	wrdreg s26  }
0x14: {  	s24 =	simm.s32 $0x1;
	s25 =	simm.s32 $0x2;
	s26 =	simm.s32 $0x5  }
.LBB2_1:
0x15: {  	s0 =	rddreg [dreg:$0x3]  }
0x16: {  	[tilespmem:s3], [sflag:$0x9] =	stream.linear.gather [hbm4b:s0+s3], $0xB00, $0x38;
	[tilespmem:$0x10C00] =	vst v63  }
0x17: {  	_ =	swait.ge [sflag:s16], $0xB00  }
0x18: {  	[sflag:s16] =	ssyncset.done $0x0  }
0x19: {  	[sflag:s16] =	ssyncadd.s32 $0xFFFFF500  }
0x1a: {  	[tilespmem:s18], [sflag:$0x1] =	stream.indirect.gather [hbm4b:s2+s17], $0x80, s3, s17, $0xb8;
	[tilespmem:$0x10C00] =	vst v63  }
0x1b: {  	_ = 	snop  }
0x1c: {  	[tilespmem:s19], [sflag:$0x2] =	stream.indirect.gather [hbm4b:s2+s17], $0x80, s17, s17, $0xb8;
	[tilespmem:$0x10C00] =	vst v63  }
0x1d: {  	s4 =	simm.s32 $0x100  }
0x1e: {  	[tilespmem:s21], [sflag:$0x3] =	stream.indirect.gather [hbm4b:s2+s17], $0x80, s4, s17, $0xb8;
	[tilespmem:$0x10C00] =	vst v63  }
0x1f: {  	s5 =	simm.s32 $0x180  }
0x20: {  	[tilespmem:s23], [sflag:$0x4] =	stream.indirect.gather [hbm4b:s2+s17], $0x80, s5, s17, $0xb8;
	[tilespmem:$0x10C00] =	vst v63  }
0x21: {  	_ =	swait.ge [sflag:s24], $0x4000  }
0x22: {  	[sflag:s24] =	ssyncset.done $0x0  }
0x23: {  	s6 =	rddreg [dreg:$0x4];
	[sflag:s24] =	ssyncadd.s32 $0xFFFFC000  }
0x24: {  	[hbm4b:s6+s3] =	stream.linear.scatter [tilespmem:s18], [sflag:$0x5], $0x4000, $0x38;
	[tilespmem:$0x10C00] =	vst v63  }
0x25: {  	_ =	swait.ge [sflag:s25], $0x4000  }
0x26: {  	[sflag:s25] =	ssyncset.done $0x0  }
0x27: {  	[sflag:s25] =	ssyncadd.s32 $0xFFFFC000  }
0x28: {  	[hbm4b:s14+s3] =	stream.linear.scatter [tilespmem:s19], [sflag:$0x6], $0x4000, $0x38;
	[tilespmem:$0x10C00] =	vst v63  }
0x29: {  	_ =	swait.ge [sflag:s26], $0x4000  }
0x2a: {  	[sflag:s26] =	ssyncset.done $0x0  }
0x2b: {  	s7 =	simm.s32 $0x200;
	[sflag:s26] =	ssyncadd.s32 $0xFFFFC000  }
0x2c: {  	[tilespmem:s18], [sflag:$0x1] =	stream.indirect.gather [hbm4b:s2+s17], $0x80, s7, s17, $0xb8;
	[tilespmem:$0x10C00] =	vst v63  }
0x2d: {  	_ =	swait.ge [sflag:s28], $0x4000  }
0x2e: {  	[sflag:s28] =	ssyncset.done $0x0  }
0x2f: {  	[sflag:s28] =	ssyncadd.s32 $0xFFFFC000  }
0x30: {  	[hbm4b:s13+s3] =	stream.linear.scatter [tilespmem:s21], [sflag:$0x7], $0x4000, $0x38;
	[tilespmem:$0x10C00] =	vst v63  }
0x31: {  	_ =	swait.ge [sflag:s29], $0x4000  }
0x32: {  	[sflag:s29] =	ssyncset.done $0x0  }
0x33: {  	s8 =	simm.s32 $0x280;
	[sflag:s29] =	ssyncadd.s32 $0xFFFFC000  }
0x34: {  	[tilespmem:s19], [sflag:$0x2] =	stream.indirect.gather [hbm4b:s2+s17], $0x80, s8, s17, $0xb8;
	[tilespmem:$0x10C00] =	vst v63  }
0x35: {  	_ =	swait.ge [sflag:s30], $0x4000  }
0x36: {  	[sflag:s30] =	ssyncset.done $0x0  }
0x37: {  	[sflag:s30] =	ssyncadd.s32 $0xFFFFC000  }
0x38: {  	[hbm4b:s12+s3] =	stream.linear.scatter [tilespmem:s23], [sflag:$0x8], $0x4000, $0x38;
	[tilespmem:$0x10C00] =	vst v63  }
0x39: {  	_ =	swait.ge [sflag:s31], $0x4000  }
0x3a: {  	[sflag:s31] =	ssyncset.done $0x0  }
0x3b: {  	s20 =	simm.s32 $0x300;
	[sflag:s31] =	ssyncadd.s32 $0xFFFFC000  }
0x3c: {  	[tilespmem:s21], [sflag:$0x3] =	stream.indirect.gather [hbm4b:s2+s17], $0x80, s20, s17, $0xb8;
	[tilespmem:$0x10C00] =	vst v63  }
0x3d: {  	_ =	swait.ge [sflag:s24], $0x4000  }
0x3e: {  	[sflag:s24] =	ssyncset.done $0x0  }
0x3f: {  	[sflag:s24] =	ssyncadd.s32 $0xFFFFC000  }
0x40: {  	[hbm4b:s15+s3] =	stream.linear.scatter [tilespmem:s18], [sflag:$0x5], $0x4000, $0x38;
	[tilespmem:$0x10C00] =	vst v63  }
0x41: {  	s0 =	simm.s32 $0x800;
	s4 =	sadd.s32 $0x2000, s13;
	_ =	swait.ge [sflag:s1], $0x4000  }
0x42: {  	s5 =	sadd.s32 $0x2000, s14;
	s6 =	sadd.s32 $0x2000, s12;
	[sflag:s1] =	ssyncset.done $0x0  }
0x43: {  	s7 =	simm.s32 $0x380;
	s20 =	sadd.s32 $0x2000, s15;
	[sflag:s1] =	ssyncadd.s32 $0xFFFFC000  }
.LBB2_2:
0x44: {  	[tilespmem:s23], [sflag:$0x4] =	stream.indirect.gather [hbm4b:s2+s17], $0x80, s7, s17, $0xb8;
	[tilespmem:$0x10C00] =	vst v63  }
0x45: {  	s7 =	smov.u32 s0  }
0x46: {  	p0 =	sne.s32 s0, $0x1800;
	s0 =	sadd.s32 $0x800, s0;
	_ =	swait.ge [sflag:s25], $0x4000  }
0x47: {  	[sflag:s25] =	ssyncset.done $0x0  }
0x48: {  	[sflag:s25] =	ssyncadd.s32 $0xFFFFC000  }
0x49: {  	[hbm4b:s5+s3] =	stream.linear.scatter [tilespmem:s19], [sflag:$0x6], $0x4000, $0x38;
	[tilespmem:$0x10C00] =	vst v63  }
0x4a: {  	_ =	swait.ge [sflag:s26], $0x4000  }
0x4b: {  	s7 =	sshra.s32 s7, $0x2;
	[sflag:s26] =	ssyncset.done $0x0  }
0x4c: {  	s8 =	sadd.s32 $0x200, s7;
	[sflag:s26] =	ssyncadd.s32 $0xFFFFC000  }
0x4d: {  	[tilespmem:s18], [sflag:$0x1] =	stream.indirect.gather [hbm4b:s2+s17], $0x80, s8, s17, $0xb8;
	[tilespmem:$0x10C00] =	vst v63  }
0x4e: {  	_ =	swait.ge [sflag:s28], $0x4000  }
0x4f: {  	[sflag:s28] =	ssyncset.done $0x0  }
0x50: {  	[sflag:s28] =	ssyncadd.s32 $0xFFFFC000  }
0x51: {  	[hbm4b:s4+s3] =	stream.linear.scatter [tilespmem:s21], [sflag:$0x7], $0x4000, $0x38;
	[tilespmem:$0x10C00] =	vst v63  }
0x52: {  	_ =	swait.ge [sflag:s29], $0x4000  }
0x53: {  	[sflag:s29] =	ssyncset.done $0x0  }
0x54: {  	s8 =	sadd.s32 $0x280, s7;
	[sflag:s29] =	ssyncadd.s32 $0xFFFFC000  }
0x55: {  	[tilespmem:s19], [sflag:$0x2] =	stream.indirect.gather [hbm4b:s2+s17], $0x80, s8, s17, $0xb8;
	[tilespmem:$0x10C00] =	vst v63  }
0x56: {  	_ =	swait.ge [sflag:s30], $0x4000  }
0x57: {  	[sflag:s30] =	ssyncset.done $0x0  }
0x58: {  	[sflag:s30] =	ssyncadd.s32 $0xFFFFC000  }
0x59: {  	[hbm4b:s6+s3] =	stream.linear.scatter [tilespmem:s23], [sflag:$0x8], $0x4000, $0x38;
	[tilespmem:$0x10C00] =	vst v63  }
0x5a: {  	_ =	swait.ge [sflag:s31], $0x4000  }
0x5b: {  	[sflag:s31] =	ssyncset.done $0x0  }
0x5c: {  	s8 =	sadd.s32 $0x300, s7;
	[sflag:s31] =	ssyncadd.s32 $0xFFFFC000  }
0x5d: {  	[tilespmem:s21], [sflag:$0x3] =	stream.indirect.gather [hbm4b:s2+s17], $0x80, s8, s17, $0xb8;
	[tilespmem:$0x10C00] =	vst v63  }
0x5e: {  	_ =	swait.ge [sflag:s24], $0x4000  }
0x5f: {  	[sflag:s24] =	ssyncset.done $0x0  }
.Ltmp0:
0x60: {  	[sflag:s24] =	ssyncadd.s32 $0xFFFFC000;
	(pc) =	sbr.rel @p0 .LBB2_2-.Ltmp0, $4  }
0x61: {  	[hbm4b:s20+s3] =	stream.linear.scatter [tilespmem:s18], [sflag:$0x5], $0x4000, $0x38;
	[tilespmem:$0x10C00] =	vst v63  }
0x62: {  	s20 =	sadd.s32 $0x2000, s20;
	_ =	swait.ge [sflag:s1], $0x4000  }
0x63: {  	s5 =	sadd.s32 $0x2000, s5;
	s4 =	sadd.s32 $0x2000, s4;
	[sflag:s1] =	ssyncset.done $0x0  }
0x64: {  	s7 =	sadd.s32 $0x380, s7;
	s6 =	sadd.s32 $0x2000, s6;
	[sflag:s1] =	ssyncadd.s32 $0xFFFFC000  }
0x65: {  	[tilespmem:s23], [sflag:$0x4] =	stream.indirect.gather [hbm4b:s2+s17], $0x80, s7, s17, $0xb8;
	[tilespmem:$0x10C00] =	vst v63  }
0x66: {  	_ =	swait.ge [sflag:s25], $0x4000  }
0x67: {  	[sflag:s25] =	ssyncset.done $0x0  }
0x68: {  	s0 =	rddreg [dreg:$0x5];
	[sflag:s25] =	ssyncadd.s32 $0xFFFFC000  }
0x69: {  	[hbm4b:s0+s3] =	stream.linear.scatter [tilespmem:s19], [sflag:$0x6], $0x4000, $0x38;
	[tilespmem:$0x10C00] =	vst v63  }
0x6a: {  	_ =	swait.ge [sflag:s26], $0x4000  }
0x6b: {  	[sflag:s26] =	ssyncset.done $0x0  }
0x6c: {  	s6 =	simm.s32 $0xA00;
	[sflag:s26] =	ssyncadd.s32 $0xFFFFC000  }
0x6d: {  	[tilespmem:s18], [sflag:$0x1] =	stream.indirect.gather [hbm4b:s2+s17], $0x80, s6, s17, $0xb8;
	[tilespmem:$0x10C00] =	vst v63  }
0x6e: {  	_ =	swait.ge [sflag:s28], $0x4000  }
0x6f: {  	[sflag:s28] =	ssyncset.done $0x0  }
0x70: {  	s7 =	rddreg [dreg:$0x6];
	[sflag:s28] =	ssyncadd.s32 $0xFFFFC000  }
0x71: {  	[hbm4b:s7+s3] =	stream.linear.scatter [tilespmem:s21], [sflag:$0x7], $0x4000, $0x38;
	[tilespmem:$0x10C00] =	vst v63  }
0x72: {  	_ =	swait.ge [sflag:s29], $0x4000  }
0x73: {  	[sflag:s29] =	ssyncset.done $0x0  }
0x74: {  	s8 =	simm.s32 $0xA80;
	[sflag:s29] =	ssyncadd.s32 $0xFFFFC000  }
0x75: {  	[tilespmem:s19], [sflag:$0x2] =	stream.indirect.gather [hbm4b:s2+s17], $0x80, s8, s17, $0xb8;
	[tilespmem:$0x10C00] =	vst v63  }
0x76: {  	_ =	swait.ge [sflag:s30], $0x4000  }
0x77: {  	[sflag:s30] =	ssyncset.done $0x0  }
0x78: {  	s20 =	rddreg [dreg:$0x7];
	[sflag:s30] =	ssyncadd.s32 $0xFFFFC000  }
0x79: {  	[hbm4b:s20+s3] =	stream.linear.scatter [tilespmem:s23], [sflag:$0x8], $0x4000, $0x38;
	[tilespmem:$0x10C00] =	vst v63  }
0x7a: {  	_ =	swait.ge [sflag:s31], $0x4000  }
0x7b: {  	[sflag:s31] =	ssyncset.done $0x0  }
0x7c: {  	[sflag:s31] =	ssyncadd.s32 $0xFFFFC000  }
0x7d: {  	_ =	swait.ge [sflag:s24], $0x4000  }
0x7e: {  	[sflag:s24] =	ssyncset.done $0x0  }
0x7f: {  	[sflag:s24] =	ssyncadd.s32 $0xFFFFC000  }
0x80: {  	[hbm4b:s9+s3] =	stream.linear.scatter [tilespmem:s18], [sflag:$0x5], $0x4000, $0x38;
	[tilespmem:$0x10C00] =	vst v63  }
0x81: {  	_ =	swait.ge [sflag:s1], $0x4000  }
0x82: {  	[sflag:s1] =	ssyncset.done $0x0  }
0x83: {  	[sflag:s1] =	ssyncadd.s32 $0xFFFFC000  }
0x84: {  	_ =	swait.ge [sflag:s25], $0x4000  }
0x85: {  	[sflag:s25] =	ssyncset.done $0x0  }
0x86: {  	s22 =	sadd.s32 $0x1, s22;
	[sflag:s25] =	ssyncadd.s32 $0xFFFFC000  }
0x87: {  	[hbm4b:s10+s3] =	stream.linear.scatter [tilespmem:s19], [sflag:$0x6], $0x4000, $0x38;
	[tilespmem:$0x10C00] =	vst v63  }
0x88: {  	p0 =	sne.s32 s22, s11;
	_ =	swait.ge [sflag:s26], $0x4000  }
.Ltmp1:
0x89: {  	[sflag:s26] =	ssyncset.done $0x0;
	(pc) =	sbr.rel @p0 .LBB2_1-.Ltmp1, $4  }
0x8a: {  	[sflag:s26] =	ssyncadd.s32 $0xFFFFC000  }
0x8b: {  	_ =	swait.ge [sflag:s29], $0x4000  }
0x8c: {  	[sflag:s29] =	ssyncset.done $0x0  }
0x8d: {  	[sflag:s29] =	ssyncadd.s32 $0xFFFFC000  }
0x8e: {  	_ =	sfence.sel $0x180000  }
0x8f: {  	[bflag:$0x0] =	sbarrier.arrive $0xFFFF  }
0x90: {  	_ =	strace $0x90000053  }
0x91: {  	s0 =	stileid.u32;
	[bflag:$0x2] =	sbarrier.arrive $0xFFFF  }
0x92: {  	p0 =	sne.s32 s0, $0x0;
	s0 =	rddreg [dreg:$0x2]  }
0x93: {  	s0 =	sadd.s32 @!p0 $0x100000, s0  }
0x94: {  	[sflag:s0] =	ssyncadd.tile.s32 @!p0 $0x1;
	_ =	shalt  }
.Lfunc_end2:
_tile_overlayer_lowered:
.L_overlay_start_2:
0x95: {  	(tag) =	ssettag $0x2  }
0x96: {  	s0 =	rddreg [dreg:$0x0];
	s2 =	stileid.u32  }
0x97: {  	s1 =	rddreg [dreg:$0x1];
	p0 =	sne.s32 s2, $0x0  }
0x98: {  	s3 =	rddreg [dreg:$0x2];
	[bflag:$0x3] =	sbarrier.arrive $0xFFFF;
	s2 =	simm.s32 @!p0 $0x1C09  }
0x99: {  	[timem:s3], [sflag:s2] =	dma.local @!p0 [hbm:s0], s1  }
0x9a: {  	s0 =	simm.s32 @!p0 $0x9  }
0x9b: {  	_ =	swait.ge @!p0 [sflag:s0], s1  }
0x9c: {  	s1 =	ssub.s32 @!p0 $0x0, s1;
	[sflag:s0] =	ssyncset.done @!p0 $0x0  }
0x9d: {  	[sflag:s0] =	ssyncadd.s32 @!p0 s1  }
0x9e: {  	[bflag:$0x3] =	sbarrier.arrive $0xFFFF  }
0x9f: {  	_ =	shalt  }

</sc_bundles>
